<compile_context>
chip_gen: v7x
topology: tpu7x:2x2x1
jax: 0.10.2.dev20260603
libtpu: 0.0.44.dev20260713+nightly
codegen_flags: <defaults>
</compile_context>

<pallas_src>
import functools

import jax
import jax.numpy as jnp
from jax import lax
from jax.experimental import pallas as pl
from jax.experimental.pallas import tpu as pltpu
from jax.experimental.pallas import tpu_sc as plsc

R = 20000
D = 1024
K = 117
KP = 128
TOPK = 100
THRESH = 0.05
BR = 2000

NW = 32
SHARD = R * KP // NW
WIN = 16000
NWIN = SHARD // WIN
NBINS = 576
BIN0 = 15692
BUFW = 32
NPRE = 256
CAND = NPRE + NW * BUFW
CROWS = CAND // 128
BIGI = 0x3FFFFFFF
SG = 40


def _score_body(x_ref, wt_ref, bias_ref, bs_ref, out_ref):
    logits = jnp.dot(x_ref[...], wt_ref[...],
                     preferred_element_type=jnp.float32)
    s = jax.nn.sigmoid(logits + bias_ref[...])
    v = s * jnp.transpose(bs_ref[0], (1, 0))
    out_ref[...] = jnp.where(v > THRESH, v, 0.0)


def _masked_scores(x, W, b, box_scores):
    wt = jnp.zeros((D, KP), jnp.float32).at[:, :K].set(W.T)
    bias = jnp.full((1, KP), -1e30, jnp.float32).at[0, :K].set(b)
    bs = box_scores.reshape(R // BR, 1, BR)
    return pl.pallas_call(
        _score_body,
        grid=(R // BR,),
        in_specs=[
            pl.BlockSpec((BR, D), lambda i: (i, 0)),
            pl.BlockSpec((D, KP), lambda i: (0, 0)),
            pl.BlockSpec((1, KP), lambda i: (0, 0)),
            pl.BlockSpec((1, 1, BR), lambda i: (i, 0, 0)),
        ],
        out_specs=pl.BlockSpec((BR, KP), lambda i: (i, 0)),
        out_shape=jax.ShapeDtypeStruct((R, KP), jnp.float32),
    )(x, wt, bias, bs)


def _worker_id():
    return lax.axis_index("s") * 2 + lax.axis_index("c")


def _bin_of(v):
    bits = lax.bitcast_convert_type(v, jnp.int32)
    return jnp.maximum(lax.shift_right_logical(bits, 16), BIN0) - BIN0


def _sc_hist(scores_flat):
    mesh = plsc.VectorSubcoreMesh(core_axis_name="c", subcore_axis_name="s")

    @functools.partial(
        pl.kernel, mesh=mesh,
        compiler_params=pltpu.CompilerParams(needs_layout_passes=False),
        out_type=jax.ShapeDtypeStruct((NW * NBINS,), jnp.int32),
        scratch_types=[
            pltpu.VMEM((WIN,), jnp.float32),
            pltpu.VMEM((WIN,), jnp.float32),
            pltpu.VMEM((16 * NBINS,), jnp.int32),
            pltpu.VMEM((NBINS,), jnp.int32),
            pltpu.SemaphoreType.DMA,
            pltpu.SemaphoreType.DMA,
        ],
    )
    def hist_kernel(sc_hbm, hist_hbm, buf0, buf1, lhist, hsum, sem0, sem1):
        wid = _worker_id()
        base = wid * SHARD
        lane = lax.iota(jnp.int32, 16)
        zeros16 = jnp.zeros((16,), jnp.int32)
        ones16 = jnp.ones((16,), jnp.int32)

        @plsc.parallel_loop(0, 16 * NBINS // 16, unroll=4)
        def _(i):
            lhist[pl.ds(i * 16, 16)] = zeros16

        bufs = (buf0, buf1)
        sems = (sem0, sem1)
        cps = [pltpu.async_copy(sc_hbm.at[pl.ds(base, WIN)], buf0, sem0)]

        def proc(buf):
            @plsc.parallel_loop(0, WIN // 16, unroll=8)
            def _(i):
                v = buf[pl.ds(i * 16, 16)]
                b = _bin_of(v)
                plsc.addupdate_scatter(lhist, [b * 16 + lane], ones16,
                                       mask=v > THRESH)

        for w in range(NWIN):
            if w + 1 < NWIN:
                cps.append(pltpu.async_copy(
                    sc_hbm.at[pl.ds(base + (w + 1) * WIN, WIN)],
                    bufs[(w + 1) % 2], sems[(w + 1) % 2]))
            cps[w].wait()
            proc(bufs[w % 2])

        @plsc.parallel_loop(0, NBINS // 16, unroll=2)
        def _(c):
            bin16 = (c * 16 + lane) * 16
            acc = zeros16
            for l in range(16):
                acc = acc + plsc.load_gather(lhist, [bin16 + ((lane + l) & 15)])
            hsum[pl.ds(c * 16, 16)] = acc
        pltpu.sync_copy(hsum, hist_hbm.at[pl.ds(wid * NBINS, NBINS)])

    return hist_kernel(scores_flat)


def _sc_compact(scores_flat, hists):
    mesh = plsc.VectorSubcoreMesh(core_axis_name="c", subcore_axis_name="s")

    @functools.partial(
        pl.kernel, mesh=mesh,
        compiler_params=pltpu.CompilerParams(needs_layout_passes=False),
        out_type=(jax.ShapeDtypeStruct((CAND,), jnp.float32),
                  jax.ShapeDtypeStruct((CAND,), jnp.int32)),
        scratch_types=[
            pltpu.VMEM((WIN,), jnp.float32),
            pltpu.VMEM((WIN,), jnp.float32),
            pltpu.VMEM((NW * NBINS,), jnp.int32),
            pltpu.VMEM((NBINS,), jnp.int32),
            pltpu.VMEM((BUFW,), jnp.float32),
            pltpu.VMEM((BUFW,), jnp.int32),
            pltpu.VMEM((NPRE,), jnp.float32),
            pltpu.VMEM((NPRE,), jnp.int32),
            pltpu.SemaphoreType.DMA,
            pltpu.SemaphoreType.DMA,
        ],
    )
    def compact_kernel(sc_hbm, hist_hbm, cval_hbm, cidx_hbm,
                       buf0, buf1, hrows, ghist, cval, cidx, pval, pidx,
                       sem0, sem1):
        wid = _worker_id()
        base = wid * SHARD
        lane = lax.iota(jnp.int32, 16)

        pltpu.sync_copy(hist_hbm, hrows)

        @plsc.parallel_loop(0, NBINS // 16, unroll=2)
        def _(c):
            acc = hrows[pl.ds(c * 16, 16)]
            for wk in range(1, NW):
                acc = acc + hrows[pl.ds(wk * NBINS + c * 16, 16)]
            ghist[pl.ds(c * 16, 16)] = acc

        def cut(c, carry):
            running, bstar = carry
            c2 = NBINS // 16 - 1 - c
            chunk = ghist[pl.ds(c2 * 16, 16)]
            rchunk = lax.rev(chunk, (0,))
            cs = plsc.cumsum(rchunk) + running
            bvals = c2 * 16 + 15 - lane
            bm = jnp.max(jnp.where(cs >= TOPK, bvals, -1))
            return running + jnp.sum(chunk), jnp.maximum(bstar, bm)
        _, bstar = lax.fori_loop(0, NBINS // 16, cut,
                                 (jnp.int32(0), jnp.int32(-1)))
        cutoff = lax.bitcast_convert_type(
            lax.shift_left(bstar + BIN0, jnp.int32(16)), jnp.float32)

        negs = jnp.full((16,), -1.0, jnp.float32)
        bigs = jnp.full((16,), BIGI, jnp.int32)

        def clr(i, _):
            cval[pl.ds(i * 16, 16)] = negs
            cidx[pl.ds(i * 16, 16)] = bigs
            return 0
        lax.fori_loop(0, BUFW // 16, clr, 0)

        @pl.when(wid == 0)
        def _():
            pltpu.async_copy(sc_hbm.at[pl.ds(0, NPRE)], pval, sem0).wait()
            def pre(i, _):
                e = i * 16 + lane
                r = lax.shift_right_logical(e, 7)
                kk = e & (KP - 1)
                pos = r * K + kk
                v = pval[pl.ds(i * 16, 16)]
                m = kk < K
                plsc.store_scatter(pidx, [jnp.where(m, pos, 0)], pos, mask=m)
                plsc.store_scatter(pval, [jnp.where(m, pos, 0)], v, mask=m)
                return 0
            lax.fori_loop(0, NPRE // 16, pre, 0)
            cv = pval[pl.ds(224, 16)]
            ci = pidx[pl.ds(224, 16)]
            pval[pl.ds(224, 16)] = jnp.where(lane < 10, cv, negs)
            pidx[pl.ds(224, 16)] = jnp.where(lane < 10, ci, bigs)
            pval[pl.ds(240, 16)] = negs
            pidx[pl.ds(240, 16)] = bigs
            pltpu.sync_copy(pval, cval_hbm.at[pl.ds(0, NPRE)])
            pltpu.sync_copy(pidx, cidx_hbm.at[pl.ds(0, NPRE)])

        bufs = (buf0, buf1)
        sems = (sem0, sem1)
        cp1 = pltpu.async_copy(sc_hbm.at[pl.ds(base, WIN)], buf1, sem1)
        cps = [cp1]

        def slow(i, cnt, buf, woff):
            v = buf[pl.ds(i * 16, 16)]
            e = base + woff + i * 16 + lane
            sel = (v >= cutoff) & (e >= NPRE)
            mi = jnp.where(sel, 1, 0).astype(jnp.int32)
            pos = cnt + plsc.cumsum(mi) - 1
            ok = sel & (pos < BUFW)
            safe = jnp.where(ok, pos, 0)
            r = lax.shift_right_logical(e, 7)
            kk = e & (KP - 1)
            plsc.store_scatter(cval, [safe], v, mask=ok)
            plsc.store_scatter(cidx, [safe], r * K + kk, mask=ok)
            return cnt + jnp.sum(mi)

        def proc(buf, woff, cnt0):
            @plsc.parallel_loop(0, WIN // (16 * SG), carry=cnt0)
            def cnt1(g, cnt):
                mxs = []
                for j in range(SG):
                    mxs.append(buf[pl.ds((g * SG + j) * 16, 16)])
                while len(mxs) > 1:
                    mxs = [jnp.maximum(mxs[2 * t], mxs[2 * t + 1])
                           for t in range(len(mxs) // 2)] + (
                              [mxs[-1]] if len(mxs) % 2 else [])
                hit = jnp.max(mxs[0]) >= cutoff

                def do_slow(c):
                    return lax.fori_loop(
                        g * SG, g * SG + SG,
                        functools.partial(slow, buf=buf, woff=woff), c)
                return lax.cond(hit, do_slow, lambda c: c, cnt)
            return cnt1

        cnt = jnp.int32(0)
        for w in range(NWIN):
            if w + 1 < NWIN:
                cps.append(pltpu.async_copy(
                    sc_hbm.at[pl.ds(base + (w + 1) * WIN, WIN)],
                    bufs[w % 2], sems[w % 2]))
            cps[w].wait()
            cnt = proc(bufs[(w + 1) % 2], w * WIN, cnt)

        pltpu.sync_copy(cval, cval_hbm.at[pl.ds(NPRE + wid * BUFW, BUFW)])
        pltpu.sync_copy(cidx, cidx_hbm.at[pl.ds(NPRE + wid * BUFW, BUFW)])

    return compact_kernel(scores_flat, hists)


def _tc_top100(cval, cidx):
    def body(vrow_ref, irow_ref, oval_ref, oidx_ref):
        vrows = vrow_ref[...]
        irows = irow_ref[...]
        vall = vrows.reshape(1, CAND)
        iall = irows.reshape(1, CAND)
        vcol = jnp.transpose(vrows, (1, 0))
        icol = jnp.transpose(irows, (1, 0))
        col = lax.broadcasted_iota(jnp.int32, (1, 128), 1)
        out_v = jnp.zeros((1, 128), jnp.float32)
        out_i = jnp.zeros((1, 128), jnp.int32)
        for ib in range(CROWS):
            vi = vcol[:, ib:ib + 1]
            ii = icol[:, ib:ib + 1]
            gt = (vall > vi) | ((vall == vi) & (iall < ii))
            rank = jnp.sum(gt.astype(jnp.int32), axis=1,
                           keepdims=True)
            onehot = rank == col
            out_v = out_v + jnp.sum(jnp.where(onehot, vi, 0.0),
                                    axis=0, keepdims=True)
            out_i = out_i + jnp.sum(jnp.where(onehot, ii, 0),
                                    axis=0, keepdims=True)
        oval_ref[...] = out_v
        oidx_ref[...] = out_i

    return pl.pallas_call(
        body,
        out_shape=(jax.ShapeDtypeStruct((1, 128), jnp.float32),
                   jax.ShapeDtypeStruct((1, 128), jnp.int32)),
    )(cval.reshape(CROWS, 128), cidx.reshape(CROWS, 128))


def _sc_gather(table, idx_pad):
    mesh = plsc.VectorSubcoreMesh(core_axis_name="c", subcore_axis_name="s")
    NB = idx_pad.shape[0]

    @functools.partial(
        pl.kernel, mesh=mesh,
        compiler_params=pltpu.CompilerParams(needs_layout_passes=False),
        out_type=jax.ShapeDtypeStruct((NB, 128), jnp.float32),
        scratch_types=[
            pltpu.VMEM((NB,), jnp.int32),
            pltpu.VMEM((NB, 128), jnp.float32),
            pltpu.SemaphoreType.DMA,
        ],
    )
    def gather_kernel(tbl_hbm, idx_hbm, out_hbm, idx_v, rows_v, sem):
        wid = _worker_id()

        @pl.when(wid == 0)
        def _():
            pltpu.sync_copy(idx_hbm, idx_v)
            pltpu.async_copy(tbl_hbm.at[idx_v], rows_v, sem).wait()
            pltpu.sync_copy(rows_v, out_hbm)

    return gather_kernel(table, idx_pad)


def kernel(x, person_boxes, object_boxes, person_box_scores,
           object_box_scores, object_box_classes, W, b):
    bs = person_box_scores * object_box_scores
    scores = _masked_scores(x, W, b, bs)
    scores_flat = scores.reshape(-1)
    hists = _sc_hist(scores_flat)
    cval, cidx = _sc_compact(scores_flat, hists)
    oval, oidx = _tc_top100(cval, cidx)
    top_scores = oval[0, :TOPK]
    top_idx = oidx[0, :TOPK]
    pair_idx = top_idx // K
    action_classes = top_idx % K

    clsf = object_box_classes.astype(jnp.float32).reshape(R, 1)
    table = jnp.pad(
        jnp.concatenate([person_boxes, object_boxes, clsf], axis=1),
        ((0, 0), (0, 119)))
    idx_pad = oidx[0] // K
    rows = _sc_gather(table, idx_pad)
    sel_person_boxes = rows[:TOPK, 0:4]
    sel_object_boxes = rows[:TOPK, 4:8]
    sel_object_classes = rows[:TOPK, 8].astype(object_box_classes.dtype)
    return (top_scores, sel_person_boxes, sel_object_boxes,
            sel_object_classes, action_classes)

# --- scband reference (transcript-rebuilt; emitter-appended) ---
"""Pipeline reference for scband-hoi-output-layers-20212116095223 (READ-ONLY COPY).

The authoritative reference and input builder live on the scoring server;
editing this copy changes nothing except your own understanding.
"""

import jax, jax.numpy as jnp
import numpy as np

R = 20000      # number of human-object pairs (boxes), nms_detection N=20000
D = 1024       # input feature dim (input_shape channels)
K = 117        # number of HOI action classes (HICO-DET)
TOPK = 100     # test_topk_per_image
THRESH = 0.05  # test_score_thresh


def setup_inputs(seed: int = 0) -> dict:
    key = jax.random.key(seed)
    ks = jax.random.split(key, 8)
    x = jax.random.normal(ks[0], (R, D), dtype=jnp.float32)
    person_boxes = jax.random.uniform(ks[1], (R, 4), dtype=jnp.float32)
    object_boxes = jax.random.uniform(ks[2], (R, 4), dtype=jnp.float32)
    person_box_scores = jax.random.uniform(ks[3], (R,), dtype=jnp.float32)
    object_box_scores = jax.random.uniform(ks[4], (R,), dtype=jnp.float32)
    object_box_classes = jax.random.randint(ks[5], (R,), 0, 80, dtype=jnp.int64)
    # learned parameters of the single action-classification linear layer
    W = jax.random.normal(ks[6], (K, D), dtype=jnp.float32) * 0.01
    b = jnp.zeros((K,), dtype=jnp.float32)
    return {
        'x': x,
        'person_boxes': person_boxes,
        'object_boxes': object_boxes,
        'person_box_scores': person_box_scores,
        'object_box_scores': object_box_scores,
        'object_box_classes': object_box_classes,
        'W': W,
        'b': b,
    }


def reference(x, person_boxes, object_boxes, person_box_scores,
              object_box_scores, object_box_classes, W, b):
    # HoiOutputLayers forward: linear action classifier over pair features
    logits = x @ W.T + b                      # (R, K)
    # HoiOutputs.predict_probs
    probs = jax.nn.sigmoid(logits)            # (R, K)
    # interaction_inference_single_image
    box_scores = person_box_scores * object_box_scores    # (R,)
    scores = probs * box_scores[:, None]                  # (R, K)
    # threshold filter (emulated with masking so shapes stay static),
    # then topk_per_image via argsort-on-score equivalent (lax.top_k)
    masked = jnp.where(scores > THRESH, scores, jnp.zeros_like(scores))
    flat = masked.reshape(-1)                              # (R*K,)
    top_scores, top_idx = jax.lax.top_k(flat, TOPK)        # (TOPK,)
    pair_idx = top_idx // K
    action_classes = top_idx % K
    sel_person_boxes = jnp.take(person_boxes, pair_idx, axis=0)
    sel_object_boxes = jnp.take(object_boxes, pair_idx, axis=0)
    sel_object_classes = jnp.take(object_box_classes, pair_idx, axis=0)
    return (top_scores, sel_person_boxes, sel_object_boxes,
            sel_object_classes, action_classes)

if __name__ == "__main__":
    import jax
    _d = setup_inputs()
    print(jax.jit(kernel)(*tuple(_d.values())))

</pallas_src>

<mosaic_0001>
#map = affine_map<(d0, d1) -> (0)>
module attributes {stable_mosaic.version = 14 : i64} {
  func.func @hist_kernel(%arg0: i32, %arg1: i32, %arg2: memref<2560000xf32, #tpu.memory_space<hbm>>, %arg3: memref<18432xi32, #tpu.memory_space<hbm>>, %arg4: memref<16000xf32, #tpu.memory_space<vmem>>, %arg5: memref<16000xf32, #tpu.memory_space<vmem>>, %arg6: memref<9216xi32, #tpu.memory_space<vmem>>, %arg7: memref<576xi32, #tpu.memory_space<vmem>>, %arg8: memref<!tpu.dma_semaphore, #tpu.memory_space<semaphore_mem>>, %arg9: memref<!tpu.dma_semaphore, #tpu.memory_space<semaphore_mem>>) attributes {dimension_semantics = [#tpu.dimension_semantics<core_parallel>, #tpu.dimension_semantics<subcore_parallel>], iteration_bounds = array<i64: 2, 16>, scalar_prefetch = 0 : i64, scratch_operands = 6 : i64, tpu.core_type = #tpu.core_type<sc_vector_subcore>, window_params = [{transform_indices = #map}, {transform_indices = #map}]} {
    %mul3A = arith.constant 2 : i32
    %mul3A_0 = arith.muli %arg1, %mul3A : i32
    %add3A = arith.addi %mul3A_0, %arg0 : i32
    %mul3A_1 = arith.constant 80000 : i32
    %mul3A_2 = arith.muli %add3A, %mul3A_1 : i32
    %iota3A = tpu.iota {dimensions = array<i32: 0>} : vector<16xi32>
    %broadcast_in_dim3A = arith.constant 0 : i32
    %broadcast_in_dim3A_3 = vector.broadcast %broadcast_in_dim3A : i32 to vector<16xi32>
    %broadcast_in_dim3A_4 = arith.constant 1 : i32
    %broadcast_in_dim3A_5 = vector.broadcast %broadcast_in_dim3A_4 : i32 to vector<16xi32>
    %parallel_loop3A = arith.constant 0 : i32
    %parallel_loop3A_6 = arith.constant 576 : i32
    %parallel_loop3A_7 = arith.constant 1 : i32
    scf.for %parallel_loop3A_54 = %parallel_loop3A to %parallel_loop3A_6 step %parallel_loop3A_7  : i32 {
      %parallel_loop3A_55 = arith.constant 16 : i32
      %parallel_loop3A_56 = arith.muli %parallel_loop3A_54, %parallel_loop3A_55 : i32
      %parallel_loop3A_57 = arith.index_cast %parallel_loop3A_56 : i32 to index
      %parallel_loop3A_58 = tpu.vector_load %arg6[%parallel_loop3A_57] {strides = array<i32>} : memref<9216xi32, #tpu.memory_space<vmem>>, vector<16xi32>,
      tpu.vector_store %arg6[%parallel_loop3A_57], %broadcast_in_dim3A_3 {strides = array<i32>} : memref<9216xi32, #tpu.memory_space<vmem>>, vector<16xi32>,
    } {sc.loop_unroll_factor = 4 : i64, sc.parallel_access}
    %dma_start3A = tpu.memref_slice %arg2[%mul3A_2] : memref<2560000xf32, #tpu.memory_space<hbm>> -> memref<16000xf32, #tpu.memory_space<hbm>>
    %dma_start3A_8 = tpu.memref_slice %arg2[%mul3A_2] : memref<2560000xf32, #tpu.memory_space<hbm>> -> memref<16000xf32, #tpu.memory_space<hbm>>
    tpu.enqueue_dma source(%dma_start3A_8 : memref<16000xf32, #tpu.memory_space<hbm>>) target(%arg4 : memref<16000xf32, #tpu.memory_space<vmem>>) target_semaphore(%arg8 : memref<!tpu.dma_semaphore, #tpu.memory_space<semaphore_mem>>)
    %add3A_9 = arith.constant 16000 : i32
    %add3A_10 = arith.addi %mul3A_2, %add3A_9 : i32
    %dma_start3A_11 = tpu.memref_slice %arg2[%add3A_10] : memref<2560000xf32, #tpu.memory_space<hbm>> -> memref<16000xf32, #tpu.memory_space<hbm>>
    %dma_start3A_12 = tpu.memref_slice %arg2[%add3A_10] : memref<2560000xf32, #tpu.memory_space<hbm>> -> memref<16000xf32, #tpu.memory_space<hbm>>
    tpu.enqueue_dma source(%dma_start3A_12 : memref<16000xf32, #tpu.memory_space<hbm>>) target(%arg5 : memref<16000xf32, #tpu.memory_space<vmem>>) target_semaphore(%arg9 : memref<!tpu.dma_semaphore, #tpu.memory_space<semaphore_mem>>)
    %dma_wait3A = tpu.memref_slice %arg2[%mul3A_2] : memref<2560000xf32, #tpu.memory_space<hbm>> -> memref<16000xf32, #tpu.memory_space<hbm>>
    %dma_wait3A_13 = tpu.memref_slice %arg2[%mul3A_2] : memref<2560000xf32, #tpu.memory_space<hbm>> -> memref<16000xf32, #tpu.memory_space<hbm>>
    tpu.wait_dma2 semaphore(%arg8 : memref<!tpu.dma_semaphore, #tpu.memory_space<semaphore_mem>>) src(%dma_wait3A_13 : memref<16000xf32, #tpu.memory_space<hbm>>) dst(%arg4 : memref<16000xf32, #tpu.memory_space<vmem>>)
    %parallel_loop3A_14 = arith.constant 0 : i32
    %parallel_loop3A_15 = arith.constant 1000 : i32
    %parallel_loop3A_16 = arith.constant 1 : i32
    scf.for %parallel_loop3A_54 = %parallel_loop3A_14 to %parallel_loop3A_15 step %parallel_loop3A_16  : i32 {
      %parallel_loop3A_55 = arith.constant 16 : i32
      %parallel_loop3A_56 = arith.muli %parallel_loop3A_54, %parallel_loop3A_55 : i32
      %parallel_loop3A_57 = arith.index_cast %parallel_loop3A_56 : i32 to index
      %parallel_loop3A_58 = tpu.vector_load %arg4[%parallel_loop3A_57] {strides = array<i32>} : memref<16000xf32, #tpu.memory_space<vmem>>, vector<16xf32>,
      %parallel_loop3A_59 = tpu.bitcast %parallel_loop3A_58 : vector<16xf32> -> vector<16xi32>
      %parallel_loop3A_60 = arith.constant 16 : i32
      %parallel_loop3A_61 = vector.broadcast %parallel_loop3A_60 : i32 to vector<16xi32>
      %parallel_loop3A_62 = arith.shrui %parallel_loop3A_59, %parallel_loop3A_61 : vector<16xi32>
      %parallel_loop3A_63 = arith.constant 15692 : i32
      %parallel_loop3A_64 = vector.broadcast %parallel_loop3A_63 : i32 to vector<16xi32>
      %parallel_loop3A_65 = arith.maxsi %parallel_loop3A_62, %parallel_loop3A_64 : vector<16xi32>
      %parallel_loop3A_66 = arith.constant 15692 : i32
      %parallel_loop3A_67 = vector.broadcast %parallel_loop3A_66 : i32 to vector<16xi32>
      %parallel_loop3A_68 = arith.subi %parallel_loop3A_65, %parallel_loop3A_67 : vector<16xi32>
      %parallel_loop3A_69 = arith.constant 16 : i32
      %parallel_loop3A_70 = vector.broadcast %parallel_loop3A_69 : i32 to vector<16xi32>
      %parallel_loop3A_71 = arith.muli %parallel_loop3A_68, %parallel_loop3A_70 : vector<16xi32>
      %parallel_loop3A_72 = arith.addi %parallel_loop3A_71, %iota3A : vector<16xi32>
      %parallel_loop3A_73 = arith.constant 5.000000e-02 : f32
      %parallel_loop3A_74 = vector.broadcast %parallel_loop3A_73 : f32 to vector<16xf32>
      %parallel_loop3A_75 = arith.cmpf ogt, %parallel_loop3A_58, %parallel_loop3A_74 : vector<16xf32>
      tpu.vector_store_idx %arg6[%parallel_loop3A_72], %broadcast_in_dim3A_5 masked %parallel_loop3A_75 {add = true} : memref<9216xi32, #tpu.memory_space<vmem>>[vector<16xi32>], vector<16xi32>, vector<16xi1>
    } {sc.loop_unroll_factor = 8 : i64, sc.parallel_access}
    %add3A_17 = arith.constant 32000 : i32
    %add3A_18 = arith.addi %mul3A_2, %add3A_17 : i32
    %dma_start3A_19 = tpu.memref_slice %arg2[%add3A_18] : memref<2560000xf32, #tpu.memory_space<hbm>> -> memref<16000xf32, #tpu.memory_space<hbm>>
    %dma_start3A_20 = tpu.memref_slice %arg2[%add3A_18] : memref<2560000xf32, #tpu.memory_space<hbm>> -> memref<16000xf32, #tpu.memory_space<hbm>>
    tpu.enqueue_dma source(%dma_start3A_20 : memref<16000xf32, #tpu.memory_space<hbm>>) target(%arg4 : memref<16000xf32, #tpu.memory_space<vmem>>) target_semaphore(%arg8 : memref<!tpu.dma_semaphore, #tpu.memory_space<semaphore_mem>>)
    %dma_wait3A_21 = tpu.memref_slice %arg2[%add3A_10] : memref<2560000xf32, #tpu.memory_space<hbm>> -> memref<16000xf32, #tpu.memory_space<hbm>>
    %dma_wait3A_22 = tpu.memref_slice %arg2[%add3A_10] : memref<2560000xf32, #tpu.memory_space<hbm>> -> memref<16000xf32, #tpu.memory_space<hbm>>
    tpu.wait_dma2 semaphore(%arg9 : memref<!tpu.dma_semaphore, #tpu.memory_space<semaphore_mem>>) src(%dma_wait3A_22 : memref<16000xf32, #tpu.memory_space<hbm>>) dst(%arg5 : memref<16000xf32, #tpu.memory_space<vmem>>)
    %parallel_loop3A_23 = arith.constant 0 : i32
    %parallel_loop3A_24 = arith.constant 1000 : i32
    %parallel_loop3A_25 = arith.constant 1 : i32
    scf.for %parallel_loop3A_54 = %parallel_loop3A_23 to %parallel_loop3A_24 step %parallel_loop3A_25  : i32 {
      %parallel_loop3A_55 = arith.constant 16 : i32
      %parallel_loop3A_56 = arith.muli %parallel_loop3A_54, %parallel_loop3A_55 : i32
      %parallel_loop3A_57 = arith.index_cast %parallel_loop3A_56 : i32 to index
      %parallel_loop3A_58 = tpu.vector_load %arg5[%parallel_loop3A_57] {strides = array<i32>} : memref<16000xf32, #tpu.memory_space<vmem>>, vector<16xf32>,
      %parallel_loop3A_59 = tpu.bitcast %parallel_loop3A_58 : vector<16xf32> -> vector<16xi32>
      %parallel_loop3A_60 = arith.constant 16 : i32
      %parallel_loop3A_61 = vector.broadcast %parallel_loop3A_60 : i32 to vector<16xi32>
      %parallel_loop3A_62 = arith.shrui %parallel_loop3A_59, %parallel_loop3A_61 : vector<16xi32>
      %parallel_loop3A_63 = arith.constant 15692 : i32
      %parallel_loop3A_64 = vector.broadcast %parallel_loop3A_63 : i32 to vector<16xi32>
      %parallel_loop3A_65 = arith.maxsi %parallel_loop3A_62, %parallel_loop3A_64 : vector<16xi32>
      %parallel_loop3A_66 = arith.constant 15692 : i32
      %parallel_loop3A_67 = vector.broadcast %parallel_loop3A_66 : i32 to vector<16xi32>
      %parallel_loop3A_68 = arith.subi %parallel_loop3A_65, %parallel_loop3A_67 : vector<16xi32>
      %parallel_loop3A_69 = arith.constant 16 : i32
      %parallel_loop3A_70 = vector.broadcast %parallel_loop3A_69 : i32 to vector<16xi32>
      %parallel_loop3A_71 = arith.muli %parallel_loop3A_68, %parallel_loop3A_70 : vector<16xi32>
      %parallel_loop3A_72 = arith.addi %parallel_loop3A_71, %iota3A : vector<16xi32>
      %parallel_loop3A_73 = arith.constant 5.000000e-02 : f32
      %parallel_loop3A_74 = vector.broadcast %parallel_loop3A_73 : f32 to vector<16xf32>
      %parallel_loop3A_75 = arith.cmpf ogt, %parallel_loop3A_58, %parallel_loop3A_74 : vector<16xf32>
      tpu.vector_store_idx %arg6[%parallel_loop3A_72], %broadcast_in_dim3A_5 masked %parallel_loop3A_75 {add = true} : memref<9216xi32, #tpu.memory_space<vmem>>[vector<16xi32>], vector<16xi32>, vector<16xi1>
    } {sc.loop_unroll_factor = 8 : i64, sc.parallel_access}
    %add3A_26 = arith.constant 48000 : i32
    %add3A_27 = arith.addi %mul3A_2, %add3A_26 : i32
    %dma_start3A_28 = tpu.memref_slice %arg2[%add3A_27] : memref<2560000xf32, #tpu.memory_space<hbm>> -> memref<16000xf32, #tpu.memory_space<hbm>>
    %dma_start3A_29 = tpu.memref_slice %arg2[%add3A_27] : memref<2560000xf32, #tpu.memory_space<hbm>> -> memref<16000xf32, #tpu.memory_space<hbm>>
    tpu.enqueue_dma source(%dma_start3A_29 : memref<16000xf32, #tpu.memory_space<hbm>>) target(%arg5 : memref<16000xf32, #tpu.memory_space<vmem>>) target_semaphore(%arg9 : memref<!tpu.dma_semaphore, #tpu.memory_space<semaphore_mem>>)
    %dma_wait3A_30 = tpu.memref_slice %arg2[%add3A_18] : memref<2560000xf32, #tpu.memory_space<hbm>> -> memref<16000xf32, #tpu.memory_space<hbm>>
    %dma_wait3A_31 = tpu.memref_slice %arg2[%add3A_18] : memref<2560000xf32, #tpu.memory_space<hbm>> -> memref<16000xf32, #tpu.memory_space<hbm>>
    tpu.wait_dma2 semaphore(%arg8 : memref<!tpu.dma_semaphore, #tpu.memory_space<semaphore_mem>>) src(%dma_wait3A_31 : memref<16000xf32, #tpu.memory_space<hbm>>) dst(%arg4 : memref<16000xf32, #tpu.memory_space<vmem>>)
    %parallel_loop3A_32 = arith.constant 0 : i32
    %parallel_loop3A_33 = arith.constant 1000 : i32
    %parallel_loop3A_34 = arith.constant 1 : i32
    scf.for %parallel_loop3A_54 = %parallel_loop3A_32 to %parallel_loop3A_33 step %parallel_loop3A_34  : i32 {
      %parallel_loop3A_55 = arith.constant 16 : i32
      %parallel_loop3A_56 = arith.muli %parallel_loop3A_54, %parallel_loop3A_55 : i32
      %parallel_loop3A_57 = arith.index_cast %parallel_loop3A_56 : i32 to index
      %parallel_loop3A_58 = tpu.vector_load %arg4[%parallel_loop3A_57] {strides = array<i32>} : memref<16000xf32, #tpu.memory_space<vmem>>, vector<16xf32>,
      %parallel_loop3A_59 = tpu.bitcast %parallel_loop3A_58 : vector<16xf32> -> vector<16xi32>
      %parallel_loop3A_60 = arith.constant 16 : i32
      %parallel_loop3A_61 = vector.broadcast %parallel_loop3A_60 : i32 to vector<16xi32>
      %parallel_loop3A_62 = arith.shrui %parallel_loop3A_59, %parallel_loop3A_61 : vector<16xi32>
      %parallel_loop3A_63 = arith.constant 15692 : i32
      %parallel_loop3A_64 = vector.broadcast %parallel_loop3A_63 : i32 to vector<16xi32>
      %parallel_loop3A_65 = arith.maxsi %parallel_loop3A_62, %parallel_loop3A_64 : vector<16xi32>
      %parallel_loop3A_66 = arith.constant 15692 : i32
      %parallel_loop3A_67 = vector.broadcast %parallel_loop3A_66 : i32 to vector<16xi32>
      %parallel_loop3A_68 = arith.subi %parallel_loop3A_65, %parallel_loop3A_67 : vector<16xi32>
      %parallel_loop3A_69 = arith.constant 16 : i32
      %parallel_loop3A_70 = vector.broadcast %parallel_loop3A_69 : i32 to vector<16xi32>
      %parallel_loop3A_71 = arith.muli %parallel_loop3A_68, %parallel_loop3A_70 : vector<16xi32>
      %parallel_loop3A_72 = arith.addi %parallel_loop3A_71, %iota3A : vector<16xi32>
      %parallel_loop3A_73 = arith.constant 5.000000e-02 : f32
      %parallel_loop3A_74 = vector.broadcast %parallel_loop3A_73 : f32 to vector<16xf32>
      %parallel_loop3A_75 = arith.cmpf ogt, %parallel_loop3A_58, %parallel_loop3A_74 : vector<16xf32>
      tpu.vector_store_idx %arg6[%parallel_loop3A_72], %broadcast_in_dim3A_5 masked %parallel_loop3A_75 {add = true} : memref<9216xi32, #tpu.memory_space<vmem>>[vector<16xi32>], vector<16xi32>, vector<16xi1>
    } {sc.loop_unroll_factor = 8 : i64, sc.parallel_access}
    %add3A_35 = arith.constant 64000 : i32
    %add3A_36 = arith.addi %mul3A_2, %add3A_35 : i32
    %dma_start3A_37 = tpu.memref_slice %arg2[%add3A_36] : memref<2560000xf32, #tpu.memory_space<hbm>> -> memref<16000xf32, #tpu.memory_space<hbm>>
    %dma_start3A_38 = tpu.memref_slice %arg2[%add3A_36] : memref<2560000xf32, #tpu.memory_space<hbm>> -> memref<16000xf32, #tpu.memory_space<hbm>>
    tpu.enqueue_dma source(%dma_start3A_38 : memref<16000xf32, #tpu.memory_space<hbm>>) target(%arg4 : memref<16000xf32, #tpu.memory_space<vmem>>) target_semaphore(%arg8 : memref<!tpu.dma_semaphore, #tpu.memory_space<semaphore_mem>>)
    %dma_wait3A_39 = tpu.memref_slice %arg2[%add3A_27] : memref<2560000xf32, #tpu.memory_space<hbm>> -> memref<16000xf32, #tpu.memory_space<hbm>>
    %dma_wait3A_40 = tpu.memref_slice %arg2[%add3A_27] : memref<2560000xf32, #tpu.memory_space<hbm>> -> memref<16000xf32, #tpu.memory_space<hbm>>
    tpu.wait_dma2 semaphore(%arg9 : memref<!tpu.dma_semaphore, #tpu.memory_space<semaphore_mem>>) src(%dma_wait3A_40 : memref<16000xf32, #tpu.memory_space<hbm>>) dst(%arg5 : memref<16000xf32, #tpu.memory_space<vmem>>)
    %parallel_loop3A_41 = arith.constant 0 : i32
    %parallel_loop3A_42 = arith.constant 1000 : i32
    %parallel_loop3A_43 = arith.constant 1 : i32
    scf.for %parallel_loop3A_54 = %parallel_loop3A_41 to %parallel_loop3A_42 step %parallel_loop3A_43  : i32 {
      %parallel_loop3A_55 = arith.constant 16 : i32
      %parallel_loop3A_56 = arith.muli %parallel_loop3A_54, %parallel_loop3A_55 : i32
      %parallel_loop3A_57 = arith.index_cast %parallel_loop3A_56 : i32 to index
      %parallel_loop3A_58 = tpu.vector_load %arg5[%parallel_loop3A_57] {strides = array<i32>} : memref<16000xf32, #tpu.memory_space<vmem>>, vector<16xf32>,
      %parallel_loop3A_59 = tpu.bitcast %parallel_loop3A_58 : vector<16xf32> -> vector<16xi32>
      %parallel_loop3A_60 = arith.constant 16 : i32
      %parallel_loop3A_61 = vector.broadcast %parallel_loop3A_60 : i32 to vector<16xi32>
      %parallel_loop3A_62 = arith.shrui %parallel_loop3A_59, %parallel_loop3A_61 : vector<16xi32>
      %parallel_loop3A_63 = arith.constant 15692 : i32
      %parallel_loop3A_64 = vector.broadcast %parallel_loop3A_63 : i32 to vector<16xi32>
      %parallel_loop3A_65 = arith.maxsi %parallel_loop3A_62, %parallel_loop3A_64 : vector<16xi32>
      %parallel_loop3A_66 = arith.constant 15692 : i32
      %parallel_loop3A_67 = vector.broadcast %parallel_loop3A_66 : i32 to vector<16xi32>
      %parallel_loop3A_68 = arith.subi %parallel_loop3A_65, %parallel_loop3A_67 : vector<16xi32>
      %parallel_loop3A_69 = arith.constant 16 : i32
      %parallel_loop3A_70 = vector.broadcast %parallel_loop3A_69 : i32 to vector<16xi32>
      %parallel_loop3A_71 = arith.muli %parallel_loop3A_68, %parallel_loop3A_70 : vector<16xi32>
      %parallel_loop3A_72 = arith.addi %parallel_loop3A_71, %iota3A : vector<16xi32>
      %parallel_loop3A_73 = arith.constant 5.000000e-02 : f32
      %parallel_loop3A_74 = vector.broadcast %parallel_loop3A_73 : f32 to vector<16xf32>
      %parallel_loop3A_75 = arith.cmpf ogt, %parallel_loop3A_58, %parallel_loop3A_74 : vector<16xf32>
      tpu.vector_store_idx %arg6[%parallel_loop3A_72], %broadcast_in_dim3A_5 masked %parallel_loop3A_75 {add = true} : memref<9216xi32, #tpu.memory_space<vmem>>[vector<16xi32>], vector<16xi32>, vector<16xi1>
    } {sc.loop_unroll_factor = 8 : i64, sc.parallel_access}
    %dma_wait3A_44 = tpu.memref_slice %arg2[%add3A_36] : memref<2560000xf32, #tpu.memory_space<hbm>> -> memref<16000xf32, #tpu.memory_space<hbm>>
    %dma_wait3A_45 = tpu.memref_slice %arg2[%add3A_36] : memref<2560000xf32, #tpu.memory_space<hbm>> -> memref<16000xf32, #tpu.memory_space<hbm>>
    tpu.wait_dma2 semaphore(%arg8 : memref<!tpu.dma_semaphore, #tpu.memory_space<semaphore_mem>>) src(%dma_wait3A_45 : memref<16000xf32, #tpu.memory_space<hbm>>) dst(%arg4 : memref<16000xf32, #tpu.memory_space<vmem>>)
    %parallel_loop3A_46 = arith.constant 0 : i32
    %parallel_loop3A_47 = arith.constant 1000 : i32
    %parallel_loop3A_48 = arith.constant 1 : i32
    scf.for %parallel_loop3A_54 = %parallel_loop3A_46 to %parallel_loop3A_47 step %parallel_loop3A_48  : i32 {
      %parallel_loop3A_55 = arith.constant 16 : i32
      %parallel_loop3A_56 = arith.muli %parallel_loop3A_54, %parallel_loop3A_55 : i32
      %parallel_loop3A_57 = arith.index_cast %parallel_loop3A_56 : i32 to index
      %parallel_loop3A_58 = tpu.vector_load %arg4[%parallel_loop3A_57] {strides = array<i32>} : memref<16000xf32, #tpu.memory_space<vmem>>, vector<16xf32>,
      %parallel_loop3A_59 = tpu.bitcast %parallel_loop3A_58 : vector<16xf32> -> vector<16xi32>
      %parallel_loop3A_60 = arith.constant 16 : i32
      %parallel_loop3A_61 = vector.broadcast %parallel_loop3A_60 : i32 to vector<16xi32>
      %parallel_loop3A_62 = arith.shrui %parallel_loop3A_59, %parallel_loop3A_61 : vector<16xi32>
      %parallel_loop3A_63 = arith.constant 15692 : i32
      %parallel_loop3A_64 = vector.broadcast %parallel_loop3A_63 : i32 to vector<16xi32>
      %parallel_loop3A_65 = arith.maxsi %parallel_loop3A_62, %parallel_loop3A_64 : vector<16xi32>
      %parallel_loop3A_66 = arith.constant 15692 : i32
      %parallel_loop3A_67 = vector.broadcast %parallel_loop3A_66 : i32 to vector<16xi32>
      %parallel_loop3A_68 = arith.subi %parallel_loop3A_65, %parallel_loop3A_67 : vector<16xi32>
      %parallel_loop3A_69 = arith.constant 16 : i32
      %parallel_loop3A_70 = vector.broadcast %parallel_loop3A_69 : i32 to vector<16xi32>
      %parallel_loop3A_71 = arith.muli %parallel_loop3A_68, %parallel_loop3A_70 : vector<16xi32>
      %parallel_loop3A_72 = arith.addi %parallel_loop3A_71, %iota3A : vector<16xi32>
      %parallel_loop3A_73 = arith.constant 5.000000e-02 : f32
      %parallel_loop3A_74 = vector.broadcast %parallel_loop3A_73 : f32 to vector<16xf32>
      %parallel_loop3A_75 = arith.cmpf ogt, %parallel_loop3A_58, %parallel_loop3A_74 : vector<16xf32>
      tpu.vector_store_idx %arg6[%parallel_loop3A_72], %broadcast_in_dim3A_5 masked %parallel_loop3A_75 {add = true} : memref<9216xi32, #tpu.memory_space<vmem>>[vector<16xi32>], vector<16xi32>, vector<16xi1>
    } {sc.loop_unroll_factor = 8 : i64, sc.parallel_access}
    %parallel_loop3A_49 = arith.constant 0 : i32
    %parallel_loop3A_50 = arith.constant 36 : i32
    %parallel_loop3A_51 = arith.constant 1 : i32
    scf.for %parallel_loop3A_54 = %parallel_loop3A_49 to %parallel_loop3A_50 step %parallel_loop3A_51  : i32 {
      %parallel_loop3A_55 = arith.constant 16 : i32
      %parallel_loop3A_56 = arith.muli %parallel_loop3A_54, %parallel_loop3A_55 : i32
      %parallel_loop3A_57 = vector.broadcast %parallel_loop3A_56 : i32 to vector<16xi32>
      %parallel_loop3A_58 = arith.addi %parallel_loop3A_57, %iota3A : vector<16xi32>
      %parallel_loop3A_59 = arith.constant 16 : i32
      %parallel_loop3A_60 = vector.broadcast %parallel_loop3A_59 : i32 to vector<16xi32>
      %parallel_loop3A_61 = arith.muli %parallel_loop3A_58, %parallel_loop3A_60 : vector<16xi32>
      %parallel_loop3A_62 = arith.constant 0 : i32
      %parallel_loop3A_63 = vector.broadcast %parallel_loop3A_62 : i32 to vector<16xi32>
      %parallel_loop3A_64 = arith.addi %iota3A, %parallel_loop3A_63 : vector<16xi32>
      %parallel_loop3A_65 = arith.constant 15 : i32
      %parallel_loop3A_66 = vector.broadcast %parallel_loop3A_65 : i32 to vector<16xi32>
      %parallel_loop3A_67 = arith.andi %parallel_loop3A_64, %parallel_loop3A_66 : vector<16xi32>
      %parallel_loop3A_68 = arith.addi %parallel_loop3A_61, %parallel_loop3A_67 : vector<16xi32>
      %parallel_loop3A_69 = tpu.vector_load_idx %arg6[%parallel_loop3A_68] : memref<9216xi32, #tpu.memory_space<vmem>>[vector<16xi32>], vector<16xi32>,
      %parallel_loop3A_70 = arith.addi %broadcast_in_dim3A_3, %parallel_loop3A_69 : vector<16xi32>
      %parallel_loop3A_71 = arith.constant 1 : i32
      %parallel_loop3A_72 = vector.broadcast %parallel_loop3A_71 : i32 to vector<16xi32>
      %parallel_loop3A_73 = arith.addi %iota3A, %parallel_loop3A_72 : vector<16xi32>
      %parallel_loop3A_74 = arith.constant 15 : i32
      %parallel_loop3A_75 = vector.broadcast %parallel_loop3A_74 : i32 to vector<16xi32>
      %parallel_loop3A_76 = arith.andi %parallel_loop3A_73, %parallel_loop3A_75 : vector<16xi32>
      %parallel_loop3A_77 = arith.addi %parallel_loop3A_61, %parallel_loop3A_76 : vector<16xi32>
      %parallel_loop3A_78 = tpu.vector_load_idx %arg6[%parallel_loop3A_77] : memref<9216xi32, #tpu.memory_space<vmem>>[vector<16xi32>], vector<16xi32>,
      %parallel_loop3A_79 = arith.addi %parallel_loop3A_70, %parallel_loop3A_78 : vector<16xi32>
      %parallel_loop3A_80 = arith.constant 2 : i32
      %parallel_loop3A_81 = vector.broadcast %parallel_loop3A_80 : i32 to vector<16xi32>
      %parallel_loop3A_82 = arith.addi %iota3A, %parallel_loop3A_81 : vector<16xi32>
      %parallel_loop3A_83 = arith.constant 15 : i32
      %parallel_loop3A_84 = vector.broadcast %parallel_loop3A_83 : i32 to vector<16xi32>
      %parallel_loop3A_85 = arith.andi %parallel_loop3A_82, %parallel_loop3A_84 : vector<16xi32>
      %parallel_loop3A_86 = arith.addi %parallel_loop3A_61, %parallel_loop3A_85 : vector<16xi32>
      %parallel_loop3A_87 = tpu.vector_load_idx %arg6[%parallel_loop3A_86] : memref<9216xi32, #tpu.memory_space<vmem>>[vector<16xi32>], vector<16xi32>,
      %parallel_loop3A_88 = arith.addi %parallel_loop3A_79, %parallel_loop3A_87 : vector<16xi32>
      %parallel_loop3A_89 = arith.constant 3 : i32
      %parallel_loop3A_90 = vector.broadcast %parallel_loop3A_89 : i32 to vector<16xi32>
      %parallel_loop3A_91 = arith.addi %iota3A, %parallel_loop3A_90 : vector<16xi32>
      %parallel_loop3A_92 = arith.constant 15 : i32
      %parallel_loop3A_93 = vector.broadcast %parallel_loop3A_92 : i32 to vector<16xi32>
      %parallel_loop3A_94 = arith.andi %parallel_loop3A_91, %parallel_loop3A_93 : vector<16xi32>
      %parallel_loop3A_95 = arith.addi %parallel_loop3A_61, %parallel_loop3A_94 : vector<16xi32>
      %parallel_loop3A_96 = tpu.vector_load_idx %arg6[%parallel_loop3A_95] : memref<9216xi32, #tpu.memory_space<vmem>>[vector<16xi32>], vector<16xi32>,
      %parallel_loop3A_97 = arith.addi %parallel_loop3A_88, %parallel_loop3A_96 : vector<16xi32>
      %parallel_loop3A_98 = arith.constant 4 : i32
      %parallel_loop3A_99 = vector.broadcast %parallel_loop3A_98 : i32 to vector<16xi32>
      %parallel_loop3A_100 = arith.addi %iota3A, %parallel_loop3A_99 : vector<16xi32>
      %parallel_loop3A_101 = arith.constant 15 : i32
      %parallel_loop3A_102 = vector.broadcast %parallel_loop3A_101 : i32 to vector<16xi32>
      %parallel_loop3A_103 = arith.andi %parallel_loop3A_100, %parallel_loop3A_102 : vector<16xi32>
      %parallel_loop3A_104 = arith.addi %parallel_loop3A_61, %parallel_loop3A_103 : vector<16xi32>
      %parallel_loop3A_105 = tpu.vector_load_idx %arg6[%parallel_loop3A_104] : memref<9216xi32, #tpu.memory_space<vmem>>[vector<16xi32>], vector<16xi32>,
      %parallel_loop3A_106 = arith.addi %parallel_loop3A_97, %parallel_loop3A_105 : vector<16xi32>
      %parallel_loop3A_107 = arith.constant 5 : i32
      %parallel_loop3A_108 = vector.broadcast %parallel_loop3A_107 : i32 to vector<16xi32>
      %parallel_loop3A_109 = arith.addi %iota3A, %parallel_loop3A_108 : vector<16xi32>
      %parallel_loop3A_110 = arith.constant 15 : i32
      %parallel_loop3A_111 = vector.broadcast %parallel_loop3A_110 : i32 to vector<16xi32>
      %parallel_loop3A_112 = arith.andi %parallel_loop3A_109, %parallel_loop3A_111 : vector<16xi32>
      %parallel_loop3A_113 = arith.addi %parallel_loop3A_61, %parallel_loop3A_112 : vector<16xi32>
      %parallel_loop3A_114 = tpu.vector_load_idx %arg6[%parallel_loop3A_113] : memref<9216xi32, #tpu.memory_space<vmem>>[vector<16xi32>], vector<16xi32>,
      %parallel_loop3A_115 = arith.addi %parallel_loop3A_106, %parallel_loop3A_114 : vector<16xi32>
      %parallel_loop3A_116 = arith.constant 6 : i32
      %parallel_loop3A_117 = vector.broadcast %parallel_loop3A_116 : i32 to vector<16xi32>
      %parallel_loop3A_118 = arith.addi %iota3A, %parallel_loop3A_117 : vector<16xi32>
      %parallel_loop3A_119 = arith.constant 15 : i32
      %parallel_loop3A_120 = vector.broadcast %parallel_loop3A_119 : i32 to vector<16xi32>
      %parallel_loop3A_121 = arith.andi %parallel_loop3A_118, %parallel_loop3A_120 : vector<16xi32>
      %parallel_loop3A_122 = arith.addi %parallel_loop3A_61, %parallel_loop3A_121 : vector<16xi32>
      %parallel_loop3A_123 = tpu.vector_load_idx %arg6[%parallel_loop3A_122] : memref<9216xi32, #tpu.memory_space<vmem>>[vector<16xi32>], vector<16xi32>,
      %parallel_loop3A_124 = arith.addi %parallel_loop3A_115, %parallel_loop3A_123 : vector<16xi32>
      %parallel_loop3A_125 = arith.constant 7 : i32
      %parallel_loop3A_126 = vector.broadcast %parallel_loop3A_125 : i32 to vector<16xi32>
      %parallel_loop3A_127 = arith.addi %iota3A, %parallel_loop3A_126 : vector<16xi32>
      %parallel_loop3A_128 = arith.constant 15 : i32
      %parallel_loop3A_129 = vector.broadcast %parallel_loop3A_128 : i32 to vector<16xi32>
      %parallel_loop3A_130 = arith.andi %parallel_loop3A_127, %parallel_loop3A_129 : vector<16xi32>
      %parallel_loop3A_131 = arith.addi %parallel_loop3A_61, %parallel_loop3A_130 : vector<16xi32>
      %parallel_loop3A_132 = tpu.vector_load_idx %arg6[%parallel_loop3A_131] : memref<9216xi32, #tpu.memory_space<vmem>>[vector<16xi32>], vector<16xi32>,
      %parallel_loop3A_133 = arith.addi %parallel_loop3A_124, %parallel_loop3A_132 : vector<16xi32>
      %parallel_loop3A_134 = arith.constant 8 : i32
      %parallel_loop3A_135 = vector.broadcast %parallel_loop3A_134 : i32 to vector<16xi32>
      %parallel_loop3A_136 = arith.addi %iota3A, %parallel_loop3A_135 : vector<16xi32>
      %parallel_loop3A_137 = arith.constant 15 : i32
      %parallel_loop3A_138 = vector.broadcast %parallel_loop3A_137 : i32 to vector<16xi32>
      %parallel_loop3A_139 = arith.andi %parallel_loop3A_136, %parallel_loop3A_138 : vector<16xi32>
      %parallel_loop3A_140 = arith.addi %parallel_loop3A_61, %parallel_loop3A_139 : vector<16xi32>
      %parallel_loop3A_141 = tpu.vector_load_idx %arg6[%parallel_loop3A_140] : memref<9216xi32, #tpu.memory_space<vmem>>[vector<16xi32>], vector<16xi32>,
      %parallel_loop3A_142 = arith.addi %parallel_loop3A_133, %parallel_loop3A_141 : vector<16xi32>
      %parallel_loop3A_143 = arith.constant 9 : i32
      %parallel_loop3A_144 = vector.broadcast %parallel_loop3A_143 : i32 to vector<16xi32>
      %parallel_loop3A_145 = arith.addi %iota3A, %parallel_loop3A_144 : vector<16xi32>
      %parallel_loop3A_146 = arith.constant 15 : i32
      %parallel_loop3A_147 = vector.broadcast %parallel_loop3A_146 : i32 to vector<16xi32>
      %parallel_loop3A_148 = arith.andi %parallel_loop3A_145, %parallel_loop3A_147 : vector<16xi32>
      %parallel_loop3A_149 = arith.addi %parallel_loop3A_61, %parallel_loop3A_148 : vector<16xi32>
      %parallel_loop3A_150 = tpu.vector_load_idx %arg6[%parallel_loop3A_149] : memref<9216xi32, #tpu.memory_space<vmem>>[vector<16xi32>], vector<16xi32>,
      %parallel_loop3A_151 = arith.addi %parallel_loop3A_142, %parallel_loop3A_150 : vector<16xi32>
      %parallel_loop3A_152 = arith.constant 10 : i32
      %parallel_loop3A_153 = vector.broadcast %parallel_loop3A_152 : i32 to vector<16xi32>
      %parallel_loop3A_154 = arith.addi %iota3A, %parallel_loop3A_153 : vector<16xi32>
      %parallel_loop3A_155 = arith.constant 15 : i32
      %parallel_loop3A_156 = vector.broadcast %parallel_loop3A_155 : i32 to vector<16xi32>
      %parallel_loop3A_157 = arith.andi %parallel_loop3A_154, %parallel_loop3A_156 : vector<16xi32>
      %parallel_loop3A_158 = arith.addi %parallel_loop3A_61, %parallel_loop3A_157 : vector<16xi32>
      %parallel_loop3A_159 = tpu.vector_load_idx %arg6[%parallel_loop3A_158] : memref<9216xi32, #tpu.memory_space<vmem>>[vector<16xi32>], vector<16xi32>,
      %parallel_loop3A_160 = arith.addi %parallel_loop3A_151, %parallel_loop3A_159 : vector<16xi32>
      %parallel_loop3A_161 = arith.constant 11 : i32
      %parallel_loop3A_162 = vector.broadcast %parallel_loop3A_161 : i32 to vector<16xi32>
      %parallel_loop3A_163 = arith.addi %iota3A, %parallel_loop3A_162 : vector<16xi32>
      %parallel_loop3A_164 = arith.constant 15 : i32
      %parallel_loop3A_165 = vector.broadcast %parallel_loop3A_164 : i32 to vector<16xi32>
      %parallel_loop3A_166 = arith.andi %parallel_loop3A_163, %parallel_loop3A_165 : vector<16xi32>
      %parallel_loop3A_167 = arith.addi %parallel_loop3A_61, %parallel_loop3A_166 : vector<16xi32>
      %parallel_loop3A_168 = tpu.vector_load_idx %arg6[%parallel_loop3A_167] : memref<9216xi32, #tpu.memory_space<vmem>>[vector<16xi32>], vector<16xi32>,
      %parallel_loop3A_169 = arith.addi %parallel_loop3A_160, %parallel_loop3A_168 : vector<16xi32>
      %parallel_loop3A_170 = arith.constant 12 : i32
      %parallel_loop3A_171 = vector.broadcast %parallel_loop3A_170 : i32 to vector<16xi32>
      %parallel_loop3A_172 = arith.addi %iota3A, %parallel_loop3A_171 : vector<16xi32>
      %parallel_loop3A_173 = arith.constant 15 : i32
      %parallel_loop3A_174 = vector.broadcast %parallel_loop3A_173 : i32 to vector<16xi32>
      %parallel_loop3A_175 = arith.andi %parallel_loop3A_172, %parallel_loop3A_174 : vector<16xi32>
      %parallel_loop3A_176 = arith.addi %parallel_loop3A_61, %parallel_loop3A_175 : vector<16xi32>
      %parallel_loop3A_177 = tpu.vector_load_idx %arg6[%parallel_loop3A_176] : memref<9216xi32, #tpu.memory_space<vmem>>[vector<16xi32>], vector<16xi32>,
      %parallel_loop3A_178 = arith.addi %parallel_loop3A_169, %parallel_loop3A_177 : vector<16xi32>
      %parallel_loop3A_179 = arith.constant 13 : i32
      %parallel_loop3A_180 = vector.broadcast %parallel_loop3A_179 : i32 to vector<16xi32>
      %parallel_loop3A_181 = arith.addi %iota3A, %parallel_loop3A_180 : vector<16xi32>
      %parallel_loop3A_182 = arith.constant 15 : i32
      %parallel_loop3A_183 = vector.broadcast %parallel_loop3A_182 : i32 to vector<16xi32>
      %parallel_loop3A_184 = arith.andi %parallel_loop3A_181, %parallel_loop3A_183 : vector<16xi32>
      %parallel_loop3A_185 = arith.addi %parallel_loop3A_61, %parallel_loop3A_184 : vector<16xi32>
      %parallel_loop3A_186 = tpu.vector_load_idx %arg6[%parallel_loop3A_185] : memref<9216xi32, #tpu.memory_space<vmem>>[vector<16xi32>], vector<16xi32>,
      %parallel_loop3A_187 = arith.addi %parallel_loop3A_178, %parallel_loop3A_186 : vector<16xi32>
      %parallel_loop3A_188 = arith.constant 14 : i32
      %parallel_loop3A_189 = vector.broadcast %parallel_loop3A_188 : i32 to vector<16xi32>
      %parallel_loop3A_190 = arith.addi %iota3A, %parallel_loop3A_189 : vector<16xi32>
      %parallel_loop3A_191 = arith.constant 15 : i32
      %parallel_loop3A_192 = vector.broadcast %parallel_loop3A_191 : i32 to vector<16xi32>
      %parallel_loop3A_193 = arith.andi %parallel_loop3A_190, %parallel_loop3A_192 : vector<16xi32>
      %parallel_loop3A_194 = arith.addi %parallel_loop3A_61, %parallel_loop3A_193 : vector<16xi32>
      %parallel_loop3A_195 = tpu.vector_load_idx %arg6[%parallel_loop3A_194] : memref<9216xi32, #tpu.memory_space<vmem>>[vector<16xi32>], vector<16xi32>,
      %parallel_loop3A_196 = arith.addi %parallel_loop3A_187, %parallel_loop3A_195 : vector<16xi32>
      %parallel_loop3A_197 = arith.constant 15 : i32
      %parallel_loop3A_198 = vector.broadcast %parallel_loop3A_197 : i32 to vector<16xi32>
      %parallel_loop3A_199 = arith.addi %iota3A, %parallel_loop3A_198 : vector<16xi32>
      %parallel_loop3A_200 = arith.constant 15 : i32
      %parallel_loop3A_201 = vector.broadcast %parallel_loop3A_200 : i32 to vector<16xi32>
      %parallel_loop3A_202 = arith.andi %parallel_loop3A_199, %parallel_loop3A_201 : vector<16xi32>
      %parallel_loop3A_203 = arith.addi %parallel_loop3A_61, %parallel_loop3A_202 : vector<16xi32>
      %parallel_loop3A_204 = tpu.vector_load_idx %arg6[%parallel_loop3A_203] : memref<9216xi32, #tpu.memory_space<vmem>>[vector<16xi32>], vector<16xi32>,
      %parallel_loop3A_205 = arith.addi %parallel_loop3A_196, %parallel_loop3A_204 : vector<16xi32>
      %parallel_loop3A_206 = arith.constant 16 : i32
      %parallel_loop3A_207 = arith.muli %parallel_loop3A_54, %parallel_loop3A_206 : i32
      %parallel_loop3A_208 = arith.index_cast %parallel_loop3A_207 : i32 to index
      %parallel_loop3A_209 = tpu.vector_load %arg7[%parallel_loop3A_208] {strides = array<i32>} : memref<576xi32, #tpu.memory_space<vmem>>, vector<16xi32>,
      tpu.vector_store %arg7[%parallel_loop3A_208], %parallel_loop3A_205 {strides = array<i32>} : memref<576xi32, #tpu.memory_space<vmem>>, vector<16xi32>,
    } {sc.loop_unroll_factor = 2 : i64, sc.parallel_access}
    %mul3A_52 = arith.constant 576 : i32
    %mul3A_53 = arith.muli %add3A, %mul3A_52 : i32
    "tpu.region"() ({
      %run_scoped3A = tpu.sem_alloc : memref<!tpu.dma_semaphore, #tpu.memory_space<semaphore_mem>>
      %dma_start3A_54 = tpu.memref_slice %arg3[%mul3A_53] : memref<18432xi32, #tpu.memory_space<hbm>> -> memref<576xi32, #tpu.memory_space<hbm>>
      %dma_start3A_55 = tpu.memref_slice %arg3[%mul3A_53] : memref<18432xi32, #tpu.memory_space<hbm>> -> memref<576xi32, #tpu.memory_space<hbm>>
      tpu.enqueue_dma source(%arg7 : memref<576xi32, #tpu.memory_space<vmem>>) target(%dma_start3A_55 : memref<576xi32, #tpu.memory_space<hbm>>) target_semaphore(%run_scoped3A : memref<!tpu.dma_semaphore, #tpu.memory_space<semaphore_mem>>)
      %dma_wait3A_56 = tpu.memref_slice %arg3[%mul3A_53] : memref<18432xi32, #tpu.memory_space<hbm>> -> memref<576xi32, #tpu.memory_space<hbm>>
      %dma_wait3A_57 = tpu.memref_slice %arg3[%mul3A_53] : memref<18432xi32, #tpu.memory_space<hbm>> -> memref<576xi32, #tpu.memory_space<hbm>>
      tpu.wait_dma2 semaphore(%run_scoped3A : memref<!tpu.dma_semaphore, #tpu.memory_space<semaphore_mem>>) src(%arg7 : memref<576xi32, #tpu.memory_space<vmem>>) dst(%dma_wait3A_57 : memref<576xi32, #tpu.memory_space<hbm>>)
      tpu.yield
    }) : () -> ()
    return
  }
}

#map = affine_map<(d0, d1) -> (0)>
module attributes {stable_mosaic.version = 14 : i64} {
  func.func @compact_kernel(%arg0: i32, %arg1: i32, %arg2: memref<2560000xf32, #tpu.memory_space<hbm>>, %arg3: memref<18432xi32, #tpu.memory_space<hbm>>, %arg4: memref<1280xf32, #tpu.memory_space<hbm>>, %arg5: memref<1280xi32, #tpu.memory_space<hbm>>, %arg6: memref<16000xf32, #tpu.memory_space<vmem>>, %arg7: memref<16000xf32, #tpu.memory_space<vmem>>, %arg8: memref<18432xi32, #tpu.memory_space<vmem>>, %arg9: memref<576xi32, #tpu.memory_space<vmem>>, %arg10: memref<32xf32, #tpu.memory_space<vmem>>, %arg11: memref<32xi32, #tpu.memory_space<vmem>>, %arg12: memref<256xf32, #tpu.memory_space<vmem>>, %arg13: memref<256xi32, #tpu.memory_space<vmem>>, %arg14: memref<!tpu.dma_semaphore, #tpu.memory_space<semaphore_mem>>, %arg15: memref<!tpu.dma_semaphore, #tpu.memory_space<semaphore_mem>>) attributes {dimension_semantics = [#tpu.dimension_semantics<core_parallel>, #tpu.dimension_semantics<subcore_parallel>], iteration_bounds = array<i64: 2, 16>, scalar_prefetch = 0 : i64, scratch_operands = 10 : i64, tpu.core_type = #tpu.core_type<sc_vector_subcore>, window_params = [{transform_indices = #map}, {transform_indices = #map}, {transform_indices = #map}, {transform_indices = #map}]} {
    %mul3A = arith.constant 2 : i32
    %mul3A_0 = arith.muli %arg1, %mul3A : i32
    %add3A = arith.addi %mul3A_0, %arg0 : i32
    %mul3A_1 = arith.constant 80000 : i32
    %mul3A_2 = arith.muli %add3A, %mul3A_1 : i32
    %iota3A = tpu.iota {dimensions = array<i32: 0>} : vector<16xi32>
    "tpu.region"() ({
      %run_scoped3A = tpu.sem_alloc : memref<!tpu.dma_semaphore, #tpu.memory_space<semaphore_mem>>
      tpu.enqueue_dma source(%arg3 : memref<18432xi32, #tpu.memory_space<hbm>>) target(%arg8 : memref<18432xi32, #tpu.memory_space<vmem>>) target_semaphore(%run_scoped3A : memref<!tpu.dma_semaphore, #tpu.memory_space<semaphore_mem>>)
      tpu.wait_dma2 semaphore(%run_scoped3A : memref<!tpu.dma_semaphore, #tpu.memory_space<semaphore_mem>>) src(%arg3 : memref<18432xi32, #tpu.memory_space<hbm>>) dst(%arg8 : memref<18432xi32, #tpu.memory_space<vmem>>)
      tpu.yield
    }) : () -> ()
    %parallel_loop3A = arith.constant 0 : i32
    %parallel_loop3A_3 = arith.constant 36 : i32
    %parallel_loop3A_4 = arith.constant 1 : i32
    scf.for %parallel_loop3A_82 = %parallel_loop3A to %parallel_loop3A_3 step %parallel_loop3A_4  : i32 {
      %parallel_loop3A_83 = arith.constant 16 : i32
      %parallel_loop3A_84 = arith.muli %parallel_loop3A_82, %parallel_loop3A_83 : i32
      %parallel_loop3A_85 = arith.index_cast %parallel_loop3A_84 : i32 to index
      %parallel_loop3A_86 = tpu.vector_load %arg8[%parallel_loop3A_85] {strides = array<i32>} : memref<18432xi32, #tpu.memory_space<vmem>>, vector<16xi32>,
      %parallel_loop3A_87 = arith.constant 16 : i32
      %parallel_loop3A_88 = arith.muli %parallel_loop3A_82, %parallel_loop3A_87 : i32
      %parallel_loop3A_89 = arith.constant 576 : i32
      %parallel_loop3A_90 = arith.addi %parallel_loop3A_89, %parallel_loop3A_88 : i32
      %parallel_loop3A_91 = arith.index_cast %parallel_loop3A_90 : i32 to index
      %parallel_loop3A_92 = tpu.vector_load %arg8[%parallel_loop3A_91] {strides = array<i32>} : memref<18432xi32, #tpu.memory_space<vmem>>, vector<16xi32>,
      %parallel_loop3A_93 = arith.addi %parallel_loop3A_86, %parallel_loop3A_92 : vector<16xi32>
      %parallel_loop3A_94 = arith.constant 16 : i32
      %parallel_loop3A_95 = arith.muli %parallel_loop3A_82, %parallel_loop3A_94 : i32
      %parallel_loop3A_96 = arith.constant 1152 : i32
      %parallel_loop3A_97 = arith.addi %parallel_loop3A_96, %parallel_loop3A_95 : i32
      %parallel_loop3A_98 = arith.index_cast %parallel_loop3A_97 : i32 to index
      %parallel_loop3A_99 = tpu.vector_load %arg8[%parallel_loop3A_98] {strides = array<i32>} : memref<18432xi32, #tpu.memory_space<vmem>>, vector<16xi32>,
      %parallel_loop3A_100 = arith.addi %parallel_loop3A_93, %parallel_loop3A_99 : vector<16xi32>
      %parallel_loop3A_101 = arith.constant 16 : i32
      %parallel_loop3A_102 = arith.muli %parallel_loop3A_82, %parallel_loop3A_101 : i32
      %parallel_loop3A_103 = arith.constant 1728 : i32
      %parallel_loop3A_104 = arith.addi %parallel_loop3A_103, %parallel_loop3A_102 : i32
      %parallel_loop3A_105 = arith.index_cast %parallel_loop3A_104 : i32 to index
      %parallel_loop3A_106 = tpu.vector_load %arg8[%parallel_loop3A_105] {strides = array<i32>} : memref<18432xi32, #tpu.memory_space<vmem>>, vector<16xi32>,
      %parallel_loop3A_107 = arith.addi %parallel_loop3A_100, %parallel_loop3A_106 : vector<16xi32>
      %parallel_loop3A_108 = arith.constant 16 : i32
      %parallel_loop3A_109 = arith.muli %parallel_loop3A_82, %parallel_loop3A_108 : i32
      %parallel_loop3A_110 = arith.constant 2304 : i32
      %parallel_loop3A_111 = arith.addi %parallel_loop3A_110, %parallel_loop3A_109 : i32
      %parallel_loop3A_112 = arith.index_cast %parallel_loop3A_111 : i32 to index
      %parallel_loop3A_113 = tpu.vector_load %arg8[%parallel_loop3A_112] {strides = array<i32>} : memref<18432xi32, #tpu.memory_space<vmem>>, vector<16xi32>,
      %parallel_loop3A_114 = arith.addi %parallel_loop3A_107, %parallel_loop3A_113 : vector<16xi32>
      %parallel_loop3A_115 = arith.constant 16 : i32
      %parallel_loop3A_116 = arith.muli %parallel_loop3A_82, %parallel_loop3A_115 : i32
      %parallel_loop3A_117 = arith.constant 2880 : i32
      %parallel_loop3A_118 = arith.addi %parallel_loop3A_117, %parallel_loop3A_116 : i32
      %parallel_loop3A_119 = arith.index_cast %parallel_loop3A_118 : i32 to index
      %parallel_loop3A_120 = tpu.vector_load %arg8[%parallel_loop3A_119] {strides = array<i32>} : memref<18432xi32, #tpu.memory_space<vmem>>, vector<16xi32>,
      %parallel_loop3A_121 = arith.addi %parallel_loop3A_114, %parallel_loop3A_120 : vector<16xi32>
      %parallel_loop3A_122 = arith.constant 16 : i32
      %parallel_loop3A_123 = arith.muli %parallel_loop3A_82, %parallel_loop3A_122 : i32
      %parallel_loop3A_124 = arith.constant 3456 : i32
      %parallel_loop3A_125 = arith.addi %parallel_loop3A_124, %parallel_loop3A_123 : i32
      %parallel_loop3A_126 = arith.index_cast %parallel_loop3A_125 : i32 to index
      %parallel_loop3A_127 = tpu.vector_load %arg8[%parallel_loop3A_126] {strides = array<i32>} : memref<18432xi32, #tpu.memory_space<vmem>>, vector<16xi32>,
      %parallel_loop3A_128 = arith.addi %parallel_loop3A_121, %parallel_loop3A_127 : vector<16xi32>
      %parallel_loop3A_129 = arith.constant 16 : i32
      %parallel_loop3A_130 = arith.muli %parallel_loop3A_82, %parallel_loop3A_129 : i32
      %parallel_loop3A_131 = arith.constant 4032 : i32
      %parallel_loop3A_132 = arith.addi %parallel_loop3A_131, %parallel_loop3A_130 : i32
      %parallel_loop3A_133 = arith.index_cast %parallel_loop3A_132 : i32 to index
      %parallel_loop3A_134 = tpu.vector_load %arg8[%parallel_loop3A_133] {strides = array<i32>} : memref<18432xi32, #tpu.memory_space<vmem>>, vector<16xi32>,
      %parallel_loop3A_135 = arith.addi %parallel_loop3A_128, %parallel_loop3A_134 : vector<16xi32>
      %parallel_loop3A_136 = arith.constant 16 : i32
      %parallel_loop3A_137 = arith.muli %parallel_loop3A_82, %parallel_loop3A_136 : i32
      %parallel_loop3A_138 = arith.constant 4608 : i32
      %parallel_loop3A_139 = arith.addi %parallel_loop3A_138, %parallel_loop3A_137 : i32
      %parallel_loop3A_140 = arith.index_cast %parallel_loop3A_139 : i32 to index
      %parallel_loop3A_141 = tpu.vector_load %arg8[%parallel_loop3A_140] {strides = array<i32>} : memref<18432xi32, #tpu.memory_space<vmem>>, vector<16xi32>,
      %parallel_loop3A_142 = arith.addi %parallel_loop3A_135, %parallel_loop3A_141 : vector<16xi32>
      %parallel_loop3A_143 = arith.constant 16 : i32
      %parallel_loop3A_144 = arith.muli %parallel_loop3A_82, %parallel_loop3A_143 : i32
      %parallel_loop3A_145 = arith.constant 5184 : i32
      %parallel_loop3A_146 = arith.addi %parallel_loop3A_145, %parallel_loop3A_144 : i32
      %parallel_loop3A_147 = arith.index_cast %parallel_loop3A_146 : i32 to index
      %parallel_loop3A_148 = tpu.vector_load %arg8[%parallel_loop3A_147] {strides = array<i32>} : memref<18432xi32, #tpu.memory_space<vmem>>, vector<16xi32>,
      %parallel_loop3A_149 = arith.addi %parallel_loop3A_142, %parallel_loop3A_148 : vector<16xi32>
      %parallel_loop3A_150 = arith.constant 16 : i32
      %parallel_loop3A_151 = arith.muli %parallel_loop3A_82, %parallel_loop3A_150 : i32
      %parallel_loop3A_152 = arith.constant 5760 : i32
      %parallel_loop3A_153 = arith.addi %parallel_loop3A_152, %parallel_loop3A_151 : i32
      %parallel_loop3A_154 = arith.index_cast %parallel_loop3A_153 : i32 to index
      %parallel_loop3A_155 = tpu.vector_load %arg8[%parallel_loop3A_154] {strides = array<i32>} : memref<18432xi32, #tpu.memory_space<vmem>>, vector<16xi32>,
      %parallel_loop3A_156 = arith.addi %parallel_loop3A_149, %parallel_loop3A_155 : vector<16xi32>
      %parallel_loop3A_157 = arith.constant 16 : i32
      %parallel_loop3A_158 = arith.muli %parallel_loop3A_82, %parallel_loop3A_157 : i32
      %parallel_loop3A_159 = arith.constant 6336 : i32
      %parallel_loop3A_160 = arith.addi %parallel_loop3A_159, %parallel_loop3A_158 : i32
      %parallel_loop3A_161 = arith.index_cast %parallel_loop3A_160 : i32 to index
      %parallel_loop3A_162 = tpu.vector_load %arg8[%parallel_loop3A_161] {strides = array<i32>} : memref<18432xi32, #tpu.memory_space<vmem>>, vector<16xi32>,
      %parallel_loop3A_163 = arith.addi %parallel_loop3A_156, %parallel_loop3A_162 : vector<16xi32>
      %parallel_loop3A_164 = arith.constant 16 : i32
      %parallel_loop3A_165 = arith.muli %parallel_loop3A_82, %parallel_loop3A_164 : i32
      %parallel_loop3A_166 = arith.constant 6912 : i32
      %parallel_loop3A_167 = arith.addi %parallel_loop3A_166, %parallel_loop3A_165 : i32
      %parallel_loop3A_168 = arith.index_cast %parallel_loop3A_167 : i32 to index
      %parallel_loop3A_169 = tpu.vector_load %arg8[%parallel_loop3A_168] {strides = array<i32>} : memref<18432xi32, #tpu.memory_space<vmem>>, vector<16xi32>,
      %parallel_loop3A_170 = arith.addi %parallel_loop3A_163, %parallel_loop3A_169 : vector<16xi32>
      %parallel_loop3A_171 = arith.constant 16 : i32
      %parallel_loop3A_172 = arith.muli %parallel_loop3A_82, %parallel_loop3A_171 : i32
      %parallel_loop3A_173 = arith.constant 7488 : i32
      %parallel_loop3A_174 = arith.addi %parallel_loop3A_173, %parallel_loop3A_172 : i32
      %parallel_loop3A_175 = arith.index_cast %parallel_loop3A_174 : i32 to index
      %parallel_loop3A_176 = tpu.vector_load %arg8[%parallel_loop3A_175] {strides = array<i32>} : memref<18432xi32, #tpu.memory_space<vmem>>, vector<16xi32>,
      %parallel_loop3A_177 = arith.addi %parallel_loop3A_170, %parallel_loop3A_176 : vector<16xi32>
      %parallel_loop3A_178 = arith.constant 16 : i32
      %parallel_loop3A_179 = arith.muli %parallel_loop3A_82, %parallel_loop3A_178 : i32
      %parallel_loop3A_180 = arith.constant 8064 : i32
      %parallel_loop3A_181 = arith.addi %parallel_loop3A_180, %parallel_loop3A_179 : i32
      %parallel_loop3A_182 = arith.index_cast %parallel_loop3A_181 : i32 to index
      %parallel_loop3A_183 = tpu.vector_load %arg8[%parallel_loop3A_182] {strides = array<i32>} : memref<18432xi32, #tpu.memory_space<vmem>>, vector<16xi32>,
      %parallel_loop3A_184 = arith.addi %parallel_loop3A_177, %parallel_loop3A_183 : vector<16xi32>
      %parallel_loop3A_185 = arith.constant 16 : i32
      %parallel_loop3A_186 = arith.muli %parallel_loop3A_82, %parallel_loop3A_185 : i32
      %parallel_loop3A_187 = arith.constant 8640 : i32
      %parallel_loop3A_188 = arith.addi %parallel_loop3A_187, %parallel_loop3A_186 : i32
      %parallel_loop3A_189 = arith.index_cast %parallel_loop3A_188 : i32 to index
      %parallel_loop3A_190 = tpu.vector_load %arg8[%parallel_loop3A_189] {strides = array<i32>} : memref<18432xi32, #tpu.memory_space<vmem>>, vector<16xi32>,
      %parallel_loop3A_191 = arith.addi %parallel_loop3A_184, %parallel_loop3A_190 : vector<16xi32>
      %parallel_loop3A_192 = arith.constant 16 : i32
      %parallel_loop3A_193 = arith.muli %parallel_loop3A_82, %parallel_loop3A_192 : i32
      %parallel_loop3A_194 = arith.constant 9216 : i32
      %parallel_loop3A_195 = arith.addi %parallel_loop3A_194, %parallel_loop3A_193 : i32
      %parallel_loop3A_196 = arith.index_cast %parallel_loop3A_195 : i32 to index
      %parallel_loop3A_197 = tpu.vector_load %arg8[%parallel_loop3A_196] {strides = array<i32>} : memref<18432xi32, #tpu.memory_space<vmem>>, vector<16xi32>,
      %parallel_loop3A_198 = arith.addi %parallel_loop3A_191, %parallel_loop3A_197 : vector<16xi32>
      %parallel_loop3A_199 = arith.constant 16 : i32
      %parallel_loop3A_200 = arith.muli %parallel_loop3A_82, %parallel_loop3A_199 : i32
      %parallel_loop3A_201 = arith.constant 9792 : i32
      %parallel_loop3A_202 = arith.addi %parallel_loop3A_201, %parallel_loop3A_200 : i32
      %parallel_loop3A_203 = arith.index_cast %parallel_loop3A_202 : i32 to index
      %parallel_loop3A_204 = tpu.vector_load %arg8[%parallel_loop3A_203] {strides = array<i32>} : memref<18432xi32, #tpu.memory_space<vmem>>, vector<16xi32>,
      %parallel_loop3A_205 = arith.addi %parallel_loop3A_198, %parallel_loop3A_204 : vector<16xi32>
      %parallel_loop3A_206 = arith.constant 16 : i32
      %parallel_loop3A_207 = arith.muli %parallel_loop3A_82, %parallel_loop3A_206 : i32
      %parallel_loop3A_208 = arith.constant 10368 : i32
      %parallel_loop3A_209 = arith.addi %parallel_loop3A_208, %parallel_loop3A_207 : i32
      %parallel_loop3A_210 = arith.index_cast %parallel_loop3A_209 : i32 to index
      %parallel_loop3A_211 = tpu.vector_load %arg8[%parallel_loop3A_210] {strides = array<i32>} : memref<18432xi32, #tpu.memory_space<vmem>>, vector<16xi32>,
      %parallel_loop3A_212 = arith.addi %parallel_loop3A_205, %parallel_loop3A_211 : vector<16xi32>
      %parallel_loop3A_213 = arith.constant 16 : i32
      %parallel_loop3A_214 = arith.muli %parallel_loop3A_82, %parallel_loop3A_213 : i32
      %parallel_loop3A_215 = arith.constant 10944 : i32
      %parallel_loop3A_216 = arith.addi %parallel_loop3A_215, %parallel_loop3A_214 : i32
      %parallel_loop3A_217 = arith.index_cast %parallel_loop3A_216 : i32 to index
      %parallel_loop3A_218 = tpu.vector_load %arg8[%parallel_loop3A_217] {strides = array<i32>} : memref<18432xi32, #tpu.memory_space<vmem>>, vector<16xi32>,
      %parallel_loop3A_219 = arith.addi %parallel_loop3A_212, %parallel_loop3A_218 : vector<16xi32>
      %parallel_loop3A_220 = arith.constant 16 : i32
      %parallel_loop3A_221 = arith.muli %parallel_loop3A_82, %parallel_loop3A_220 : i32
      %parallel_loop3A_222 = arith.constant 11520 : i32
      %parallel_loop3A_223 = arith.addi %parallel_loop3A_222, %parallel_loop3A_221 : i32
      %parallel_loop3A_224 = arith.index_cast %parallel_loop3A_223 : i32 to index
      %parallel_loop3A_225 = tpu.vector_load %arg8[%parallel_loop3A_224] {strides = array<i32>} : memref<18432xi32, #tpu.memory_space<vmem>>, vector<16xi32>,
      %parallel_loop3A_226 = arith.addi %parallel_loop3A_219, %parallel_loop3A_225 : vector<16xi32>
      %parallel_loop3A_227 = arith.constant 16 : i32
      %parallel_loop3A_228 = arith.muli %parallel_loop3A_82, %parallel_loop3A_227 : i32
      %parallel_loop3A_229 = arith.constant 12096 : i32
      %parallel_loop3A_230 = arith.addi %parallel_loop3A_229, %parallel_loop3A_228 : i32
      %parallel_loop3A_231 = arith.index_cast %parallel_loop3A_230 : i32 to index
      %parallel_loop3A_232 = tpu.vector_load %arg8[%parallel_loop3A_231] {strides = array<i32>} : memref<18432xi32, #tpu.memory_space<vmem>>, vector<16xi32>,
      %parallel_loop3A_233 = arith.addi %parallel_loop3A_226, %parallel_loop3A_232 : vector<16xi32>
      %parallel_loop3A_234 = arith.constant 16 : i32
      %parallel_loop3A_235 = arith.muli %parallel_loop3A_82, %parallel_loop3A_234 : i32
      %parallel_loop3A_236 = arith.constant 12672 : i32
      %parallel_loop3A_237 = arith.addi %parallel_loop3A_236, %parallel_loop3A_235 : i32
      %parallel_loop3A_238 = arith.index_cast %parallel_loop3A_237 : i32 to index
      %parallel_loop3A_239 = tpu.vector_load %arg8[%parallel_loop3A_238] {strides = array<i32>} : memref<18432xi32, #tpu.memory_space<vmem>>, vector<16xi32>,
      %parallel_loop3A_240 = arith.addi %parallel_loop3A_233, %parallel_loop3A_239 : vector<16xi32>
      %parallel_loop3A_241 = arith.constant 16 : i32
      %parallel_loop3A_242 = arith.muli %parallel_loop3A_82, %parallel_loop3A_241 : i32
      %parallel_loop3A_243 = arith.constant 13248 : i32
      %parallel_loop3A_244 = arith.addi %parallel_loop3A_243, %parallel_loop3A_242 : i32
      %parallel_loop3A_245 = arith.index_cast %parallel_loop3A_244 : i32 to index
      %parallel_loop3A_246 = tpu.vector_load %arg8[%parallel_loop3A_245] {strides = array<i32>} : memref<18432xi32, #tpu.memory_space<vmem>>, vector<16xi32>,
      %parallel_loop3A_247 = arith.addi %parallel_loop3A_240, %parallel_loop3A_246 : vector<16xi32>
      %parallel_loop3A_248 = arith.constant 16 : i32
      %parallel_loop3A_249 = arith.muli %parallel_loop3A_82, %parallel_loop3A_248 : i32
      %parallel_loop3A_250 = arith.constant 13824 : i32
      %parallel_loop3A_251 = arith.addi %parallel_loop3A_250, %parallel_loop3A_249 : i32
      %parallel_loop3A_252 = arith.index_cast %parallel_loop3A_251 : i32 to index
      %parallel_loop3A_253 = tpu.vector_load %arg8[%parallel_loop3A_252] {strides = array<i32>} : memref<18432xi32, #tpu.memory_space<vmem>>, vector<16xi32>,
      %parallel_loop3A_254 = arith.addi %parallel_loop3A_247, %parallel_loop3A_253 : vector<16xi32>
      %parallel_loop3A_255 = arith.constant 16 : i32
      %parallel_loop3A_256 = arith.muli %parallel_loop3A_82, %parallel_loop3A_255 : i32
      %parallel_loop3A_257 = arith.constant 14400 : i32
      %parallel_loop3A_258 = arith.addi %parallel_loop3A_257, %parallel_loop3A_256 : i32
      %parallel_loop3A_259 = arith.index_cast %parallel_loop3A_258 : i32 to index
      %parallel_loop3A_260 = tpu.vector_load %arg8[%parallel_loop3A_259] {strides = array<i32>} : memref<18432xi32, #tpu.memory_space<vmem>>, vector<16xi32>,
      %parallel_loop3A_261 = arith.addi %parallel_loop3A_254, %parallel_loop3A_260 : vector<16xi32>
      %parallel_loop3A_262 = arith.constant 16 : i32
      %parallel_loop3A_263 = arith.muli %parallel_loop3A_82, %parallel_loop3A_262 : i32
      %parallel_loop3A_264 = arith.constant 14976 : i32
      %parallel_loop3A_265 = arith.addi %parallel_loop3A_264, %parallel_loop3A_263 : i32
      %parallel_loop3A_266 = arith.index_cast %parallel_loop3A_265 : i32 to index
      %parallel_loop3A_267 = tpu.vector_load %arg8[%parallel_loop3A_266] {strides = array<i32>} : memref<18432xi32, #tpu.memory_space<vmem>>, vector<16xi32>,
      %parallel_loop3A_268 = arith.addi %parallel_loop3A_261, %parallel_loop3A_267 : vector<16xi32>
      %parallel_loop3A_269 = arith.constant 16 : i32
      %parallel_loop3A_270 = arith.muli %parallel_loop3A_82, %parallel_loop3A_269 : i32
      %parallel_loop3A_271 = arith.constant 15552 : i32
      %parallel_loop3A_272 = arith.addi %parallel_loop3A_271, %parallel_loop3A_270 : i32
      %parallel_loop3A_273 = arith.index_cast %parallel_loop3A_272 : i32 to index
      %parallel_loop3A_274 = tpu.vector_load %arg8[%parallel_loop3A_273] {strides = array<i32>} : memref<18432xi32, #tpu.memory_space<vmem>>, vector<16xi32>,
      %parallel_loop3A_275 = arith.addi %parallel_loop3A_268, %parallel_loop3A_274 : vector<16xi32>
      %parallel_loop3A_276 = arith.constant 16 : i32
      %parallel_loop3A_277 = arith.muli %parallel_loop3A_82, %parallel_loop3A_276 : i32
      %parallel_loop3A_278 = arith.constant 16128 : i32
      %parallel_loop3A_279 = arith.addi %parallel_loop3A_278, %parallel_loop3A_277 : i32
      %parallel_loop3A_280 = arith.index_cast %parallel_loop3A_279 : i32 to index
      %parallel_loop3A_281 = tpu.vector_load %arg8[%parallel_loop3A_280] {strides = array<i32>} : memref<18432xi32, #tpu.memory_space<vmem>>, vector<16xi32>,
      %parallel_loop3A_282 = arith.addi %parallel_loop3A_275, %parallel_loop3A_281 : vector<16xi32>
      %parallel_loop3A_283 = arith.constant 16 : i32
      %parallel_loop3A_284 = arith.muli %parallel_loop3A_82, %parallel_loop3A_283 : i32
      %parallel_loop3A_285 = arith.constant 16704 : i32
      %parallel_loop3A_286 = arith.addi %parallel_loop3A_285, %parallel_loop3A_284 : i32
      %parallel_loop3A_287 = arith.index_cast %parallel_loop3A_286 : i32 to index
      %parallel_loop3A_288 = tpu.vector_load %arg8[%parallel_loop3A_287] {strides = array<i32>} : memref<18432xi32, #tpu.memory_space<vmem>>, vector<16xi32>,
      %parallel_loop3A_289 = arith.addi %parallel_loop3A_282, %parallel_loop3A_288 : vector<16xi32>
      %parallel_loop3A_290 = arith.constant 16 : i32
      %parallel_loop3A_291 = arith.muli %parallel_loop3A_82, %parallel_loop3A_290 : i32
      %parallel_loop3A_292 = arith.constant 17280 : i32
      %parallel_loop3A_293 = arith.addi %parallel_loop3A_292, %parallel_loop3A_291 : i32
      %parallel_loop3A_294 = arith.index_cast %parallel_loop3A_293 : i32 to index
      %parallel_loop3A_295 = tpu.vector_load %arg8[%parallel_loop3A_294] {strides = array<i32>} : memref<18432xi32, #tpu.memory_space<vmem>>, vector<16xi32>,
      %parallel_loop3A_296 = arith.addi %parallel_loop3A_289, %parallel_loop3A_295 : vector<16xi32>
      %parallel_loop3A_297 = arith.constant 16 : i32
      %parallel_loop3A_298 = arith.muli %parallel_loop3A_82, %parallel_loop3A_297 : i32
      %parallel_loop3A_299 = arith.constant 17856 : i32
      %parallel_loop3A_300 = arith.addi %parallel_loop3A_299, %parallel_loop3A_298 : i32
      %parallel_loop3A_301 = arith.index_cast %parallel_loop3A_300 : i32 to index
      %parallel_loop3A_302 = tpu.vector_load %arg8[%parallel_loop3A_301] {strides = array<i32>} : memref<18432xi32, #tpu.memory_space<vmem>>, vector<16xi32>,
      %parallel_loop3A_303 = arith.addi %parallel_loop3A_296, %parallel_loop3A_302 : vector<16xi32>
      %parallel_loop3A_304 = arith.constant 16 : i32
      %parallel_loop3A_305 = arith.muli %parallel_loop3A_82, %parallel_loop3A_304 : i32
      %parallel_loop3A_306 = arith.index_cast %parallel_loop3A_305 : i32 to index
      %parallel_loop3A_307 = tpu.vector_load %arg9[%parallel_loop3A_306] {strides = array<i32>} : memref<576xi32, #tpu.memory_space<vmem>>, vector<16xi32>,
      tpu.vector_store %arg9[%parallel_loop3A_306], %parallel_loop3A_303 {strides = array<i32>} : memref<576xi32, #tpu.memory_space<vmem>>, vector<16xi32>,
    } {sc.loop_unroll_factor = 2 : i64, sc.parallel_access}
    %scan3A = arith.constant 0 : i32
    %scan3A_5 = arith.constant -1 : i32
    %scan3A_6 = arith.constant 0 : i32
    %scan3A_7 = arith.constant 36 : i32
    %scan3A_8 = arith.addi %scan3A_6, %scan3A_7 : i32
    %scan3A_9 = arith.constant 1 : i32
    %scan3A_10:2 = scf.for %scan3A_82 = %scan3A_6 to %scan3A_8 step %scan3A_9 iter_args(%scan3A_83 = %scan3A, %scan3A_84 = %scan3A_5) -> (i32, i32)  : i32 {
      %sub3A = arith.constant 35 : i32
      %sub3A_85 = arith.subi %sub3A, %scan3A_82 : i32
      %mul3A_86 = arith.constant 16 : i32
      %mul3A_87 = arith.muli %sub3A_85, %mul3A_86 : i32
      %get3A = arith.index_cast %mul3A_87 : i32 to index
      %get3A_88 = tpu.vector_load %arg9[%get3A] {strides = array<i32>} : memref<576xi32, #tpu.memory_space<vmem>>, vector<16xi32>,
      %rev3A = arith.constant 15 : i32
      %rev3A_89 = vector.broadcast %rev3A : i32 to vector<16xi32>
      %rev3A_90 = tpu.iota {dimensions = array<i32: 0>} : vector<16xi32>
      %rev3A_91 = arith.subi %rev3A_89, %rev3A_90 : vector<16xi32>
      %rev3A_92 = tpu.dynamic_gather %get3A_88[%rev3A_91] in [0] : vector<16xi32>, vector<16xi32> -> vector<16xi32>
      %broadcast_in_dim3A_93 = arith.constant true
      %broadcast_in_dim3A_94 = vector.broadcast %broadcast_in_dim3A_93 : i1 to vector<16xi1>
      %masked_cumsum3A = tpu.scan <sum>, %rev3A_92 masked %broadcast_in_dim3A_94 : vector<16xi32>, vector<16xi1> -> vector<16xi32>
      %add3A_95 = vector.broadcast %scan3A_83 : i32 to vector<16xi32>
      %add3A_96 = arith.addi %masked_cumsum3A, %add3A_95 : vector<16xi32>
      %mul3A_97 = arith.constant 16 : i32
      %mul3A_98 = arith.muli %sub3A_85, %mul3A_97 : i32
      %add3A_99 = arith.constant 15 : i32
      %add3A_100 = arith.addi %mul3A_98, %add3A_99 : i32
      %sub3A_101 = vector.broadcast %add3A_100 : i32 to vector<16xi32>
      %sub3A_102 = arith.subi %sub3A_101, %iota3A : vector<16xi32>
      %ge3A = arith.constant 100 : i32
      %ge3A_103 = vector.broadcast %ge3A : i32 to vector<16xi32>
      %ge3A_104 = arith.cmpi sge, %add3A_96, %ge3A_103 : vector<16xi32>
      %jit3A = arith.constant -1 : i32
      %broadcast_in_dim3A_105 = vector.broadcast %jit3A : i32 to vector<16xi32>
      %select_n3A = arith.select %ge3A_104, %sub3A_102, %broadcast_in_dim3A_105 : vector<16xi1>, vector<16xi32>
      %reduce_max3A = arith.constant true
      %reduce_max3A_106 = vector.broadcast %reduce_max3A : i1 to vector<16xi1>
      %reduce_max3A_107 = arith.constant -2147483648 : i32
      %reduce_max3A_108 = vector.broadcast %reduce_max3A_107 : i32 to vector<16xi32>
      %reduce_max3A_109 = arith.xori %select_n3A, %reduce_max3A_108 : vector<16xi32>
      %reduce_max3A_110 = tpu.scan <max>, %reduce_max3A_109 masked %reduce_max3A_106 : vector<16xi32>, vector<16xi1> -> vector<16xi32>
      %reduce_max3A_111 = arith.xori %reduce_max3A_110, %reduce_max3A_108 : vector<16xi32>
      %reduce_max3A_112 = vector.extract %reduce_max3A_111[15] : i32 from vector<16xi32>
      %reduce_sum3A = arith.constant true
      %reduce_sum3A_113 = vector.broadcast %reduce_sum3A : i1 to vector<16xi1>
      %reduce_sum3A_114 = tpu.scan <sum>, %get3A_88 masked %reduce_sum3A_113 : vector<16xi32>, vector<16xi1> -> vector<16xi32>
      %reduce_sum3A_115 = vector.extract %reduce_sum3A_114[15] : i32 from vector<16xi32>
      %add3A_116 = arith.addi %scan3A_83, %reduce_sum3A_115 : i32
      %max3A = arith.maxsi %scan3A_84, %reduce_max3A_112 : i32
      scf.yield %add3A_116, %max3A : i32, i32
    }
    %scan3A_11 = arith.constant 36 : i32
    %add3A_12 = arith.constant 15692 : i32
    %add3A_13 = arith.addi %scan3A_10#1, %add3A_12 : i32
    %shift_left3A = arith.constant 16 : i32
    %shift_left3A_14 = arith.shli %add3A_13, %shift_left3A : i32
    %bitcast_convert_type3A = arith.bitcast %shift_left3A_14 : i32 to f32
    %broadcast_in_dim3A = arith.constant -1.000000e+00 : f32
    %broadcast_in_dim3A_15 = vector.broadcast %broadcast_in_dim3A : f32 to vector<16xf32>
    %broadcast_in_dim3A_16 = arith.constant 1073741823 : i32
    %broadcast_in_dim3A_17 = vector.broadcast %broadcast_in_dim3A_16 : i32 to vector<16xi32>
    %scan3A_18 = arith.constant 0 : i32
    %scan3A_19 = arith.constant 0 : i32
    %scan3A_20 = arith.constant 2 : i32
    %scan3A_21 = arith.addi %scan3A_19, %scan3A_20 : i32
    %scan3A_22 = arith.constant 1 : i32
    %scan3A_23 = scf.for %scan3A_82 = %scan3A_19 to %scan3A_21 step %scan3A_22 iter_args(%scan3A_83 = %scan3A_18) -> (i32)  : i32 {
      %mul3A_84 = arith.constant 16 : i32
      %mul3A_85 = arith.muli %scan3A_82, %mul3A_84 : i32
      %swap3A = arith.index_cast %mul3A_85 : i32 to index
      %swap3A_86 = tpu.vector_load %arg10[%swap3A] {strides = array<i32>} : memref<32xf32, #tpu.memory_space<vmem>>, vector<16xf32>,
      tpu.vector_store %arg10[%swap3A], %broadcast_in_dim3A_15 {strides = array<i32>} : memref<32xf32, #tpu.memory_space<vmem>>, vector<16xf32>,
      %mul3A_87 = arith.constant 16 : i32
      %mul3A_88 = arith.muli %scan3A_82, %mul3A_87 : i32
      %swap3A_89 = arith.index_cast %mul3A_88 : i32 to index
      %swap3A_90 = tpu.vector_load %arg11[%swap3A_89] {strides = array<i32>} : memref<32xi32, #tpu.memory_space<vmem>>, vector<16xi32>,
      tpu.vector_store %arg11[%swap3A_89], %broadcast_in_dim3A_17 {strides = array<i32>} : memref<32xi32, #tpu.memory_space<vmem>>, vector<16xi32>,
      %scan3A_91 = arith.constant 0 : i32
      scf.yield %scan3A_91 : i32
    }
    %scan3A_24 = arith.constant 2 : i32
    %eq3A = arith.constant 0 : i32
    %eq3A_25 = arith.cmpi eq, %add3A, %eq3A : i32
    %convert_element_type3A = arith.extui %eq3A_25 : i1 to i32
    %cond3A = arith.constant 0 : i32
    %cond3A_26 = arith.cmpi ne, %convert_element_type3A, %cond3A : i32
    scf.if %cond3A_26 {
      %dma_start3A_82 = arith.constant 0 : i32
      %dma_start3A_83 = tpu.memref_slice %arg2[%dma_start3A_82] : memref<2560000xf32, #tpu.memory_space<hbm>> -> memref<256xf32, #tpu.memory_space<hbm>>
      %dma_start3A_84 = arith.constant 0 : i32
      %dma_start3A_85 = tpu.memref_slice %arg2[%dma_start3A_84] : memref<2560000xf32, #tpu.memory_space<hbm>> -> memref<256xf32, #tpu.memory_space<hbm>>
      tpu.enqueue_dma source(%dma_start3A_85 : memref<256xf32, #tpu.memory_space<hbm>>) target(%arg12 : memref<256xf32, #tpu.memory_space<vmem>>) target_semaphore(%arg14 : memref<!tpu.dma_semaphore, #tpu.memory_space<semaphore_mem>>)
      %dma_wait3A_86 = arith.constant 0 : i32
      %dma_wait3A_87 = tpu.memref_slice %arg2[%dma_wait3A_86] : memref<2560000xf32, #tpu.memory_space<hbm>> -> memref<256xf32, #tpu.memory_space<hbm>>
      %dma_wait3A_88 = arith.constant 0 : i32
      %dma_wait3A_89 = tpu.memref_slice %arg2[%dma_wait3A_88] : memref<2560000xf32, #tpu.memory_space<hbm>> -> memref<256xf32, #tpu.memory_space<hbm>>
      tpu.wait_dma2 semaphore(%arg14 : memref<!tpu.dma_semaphore, #tpu.memory_space<semaphore_mem>>) src(%dma_wait3A_89 : memref<256xf32, #tpu.memory_space<hbm>>) dst(%arg12 : memref<256xf32, #tpu.memory_space<vmem>>)
      %scan3A_90 = arith.constant 0 : i32
      %scan3A_91 = arith.constant 0 : i32
      %scan3A_92 = arith.constant 16 : i32
      %scan3A_93 = arith.addi %scan3A_91, %scan3A_92 : i32
      %scan3A_94 = arith.constant 1 : i32
      %scan3A_95 = scf.for %scan3A_113 = %scan3A_91 to %scan3A_93 step %scan3A_94 iter_args(%scan3A_114 = %scan3A_90) -> (i32)  : i32 {
        %mul3A_115 = arith.constant 16 : i32
        %mul3A_116 = arith.muli %scan3A_113, %mul3A_115 : i32
        %add3A_117 = vector.broadcast %mul3A_116 : i32 to vector<16xi32>
        %add3A_118 = arith.addi %add3A_117, %iota3A : vector<16xi32>
        %shift_right_logical3A = arith.constant 7 : i32
        %shift_right_logical3A_119 = vector.broadcast %shift_right_logical3A : i32 to vector<16xi32>
        %shift_right_logical3A_120 = arith.shrui %add3A_118, %shift_right_logical3A_119 : vector<16xi32>
        %and3A = arith.constant 127 : i32
        %and3A_121 = vector.broadcast %and3A : i32 to vector<16xi32>
        %and3A_122 = arith.andi %add3A_118, %and3A_121 : vector<16xi32>
        %mul3A_123 = arith.constant 117 : i32
        %mul3A_124 = vector.broadcast %mul3A_123 : i32 to vector<16xi32>
        %mul3A_125 = arith.muli %shift_right_logical3A_120, %mul3A_124 : vector<16xi32>
        %add3A_126 = arith.addi %mul3A_125, %and3A_122 : vector<16xi32>
        %mul3A_127 = arith.constant 16 : i32
        %mul3A_128 = arith.muli %scan3A_113, %mul3A_127 : i32
        %get3A_129 = arith.index_cast %mul3A_128 : i32 to index
        %get3A_130 = tpu.vector_load %arg12[%get3A_129] {strides = array<i32>} : memref<256xf32, #tpu.memory_space<vmem>>, vector<16xf32>,
        %lt3A_131 = arith.constant 117 : i32
        %lt3A_132 = vector.broadcast %lt3A_131 : i32 to vector<16xi32>
        %lt3A_133 = arith.cmpi slt, %and3A_122, %lt3A_132 : vector<16xi32>
        %jit3A = arith.constant 0 : i32
        %broadcast_in_dim3A_134 = vector.broadcast %jit3A : i32 to vector<16xi32>
        %select_n3A_135 = arith.select %lt3A_133, %add3A_126, %broadcast_in_dim3A_134 : vector<16xi1>, vector<16xi32>
        tpu.vector_store_idx %arg13[%select_n3A_135], %add3A_126 masked %lt3A_133 : memref<256xi32, #tpu.memory_space<vmem>>[vector<16xi32>], vector<16xi32>, vector<16xi1>
        %jit3A_136 = arith.constant 0 : i32
        %broadcast_in_dim3A_137 = vector.broadcast %jit3A_136 : i32 to vector<16xi32>
        %select_n3A_138 = arith.select %lt3A_133, %add3A_126, %broadcast_in_dim3A_137 : vector<16xi1>, vector<16xi32>
        tpu.vector_store_idx %arg12[%select_n3A_138], %get3A_130 masked %lt3A_133 : memref<256xf32, #tpu.memory_space<vmem>>[vector<16xi32>], vector<16xf32>, vector<16xi1>
        %scan3A_139 = arith.constant 0 : i32
        scf.yield %scan3A_139 : i32
      }
      %scan3A_96 = arith.constant 16 : i32
      %get3A = arith.constant 224 : index
      %get3A_97 = tpu.vector_load %arg12[%get3A] {strides = array<i32>} : memref<256xf32, #tpu.memory_space<vmem>>, vector<16xf32>,
      %get3A_98 = arith.constant 224 : index
      %get3A_99 = tpu.vector_load %arg13[%get3A_98] {strides = array<i32>} : memref<256xi32, #tpu.memory_space<vmem>>, vector<16xi32>,
      %lt3A = arith.constant 10 : i32
      %lt3A_100 = vector.broadcast %lt3A : i32 to vector<16xi32>
      %lt3A_101 = arith.cmpi slt, %iota3A, %lt3A_100 : vector<16xi32>
      %select_n3A = arith.select %lt3A_101, %get3A_97, %broadcast_in_dim3A_15 : vector<16xi1>, vector<16xf32>
      %swap3A = arith.constant 224 : index
      %swap3A_102 = tpu.vector_load %arg12[%swap3A] {strides = array<i32>} : memref<256xf32, #tpu.memory_space<vmem>>, vector<16xf32>,
      tpu.vector_store %arg12[%swap3A], %select_n3A {strides = array<i32>} : memref<256xf32, #tpu.memory_space<vmem>>, vector<16xf32>,
      %lt3A_103 = arith.constant 10 : i32
      %lt3A_104 = vector.broadcast %lt3A_103 : i32 to vector<16xi32>
      %lt3A_105 = arith.cmpi slt, %iota3A, %lt3A_104 : vector<16xi32>
      %select_n3A_106 = arith.select %lt3A_105, %get3A_99, %broadcast_in_dim3A_17 : vector<16xi1>, vector<16xi32>
      %swap3A_107 = arith.constant 224 : index
      %swap3A_108 = tpu.vector_load %arg13[%swap3A_107] {strides = array<i32>} : memref<256xi32, #tpu.memory_space<vmem>>, vector<16xi32>,
      tpu.vector_store %arg13[%swap3A_107], %select_n3A_106 {strides = array<i32>} : memref<256xi32, #tpu.memory_space<vmem>>, vector<16xi32>,
      %swap3A_109 = arith.constant 240 : index
      %swap3A_110 = tpu.vector_load %arg12[%swap3A_109] {strides = array<i32>} : memref<256xf32, #tpu.memory_space<vmem>>, vector<16xf32>,
      tpu.vector_store %arg12[%swap3A_109], %broadcast_in_dim3A_15 {strides = array<i32>} : memref<256xf32, #tpu.memory_space<vmem>>, vector<16xf32>,
      %swap3A_111 = arith.constant 240 : index
      %swap3A_112 = tpu.vector_load %arg13[%swap3A_111] {strides = array<i32>} : memref<256xi32, #tpu.memory_space<vmem>>, vector<16xi32>,
      tpu.vector_store %arg13[%swap3A_111], %broadcast_in_dim3A_17 {strides = array<i32>} : memref<256xi32, #tpu.memory_space<vmem>>, vector<16xi32>,
      "tpu.region"() ({
        %run_scoped3A = tpu.sem_alloc : memref<!tpu.dma_semaphore, #tpu.memory_space<semaphore_mem>>
        %dma_start3A_113 = arith.constant 0 : i32
        %dma_start3A_114 = tpu.memref_slice %arg4[%dma_start3A_113] : memref<1280xf32, #tpu.memory_space<hbm>> -> memref<256xf32, #tpu.memory_space<hbm>>
        %dma_start3A_115 = arith.constant 0 : i32
        %dma_start3A_116 = tpu.memref_slice %arg4[%dma_start3A_115] : memref<1280xf32, #tpu.memory_space<hbm>> -> memref<256xf32, #tpu.memory_space<hbm>>
        tpu.enqueue_dma source(%arg12 : memref<256xf32, #tpu.memory_space<vmem>>) target(%dma_start3A_116 : memref<256xf32, #tpu.memory_space<hbm>>) target_semaphore(%run_scoped3A : memref<!tpu.dma_semaphore, #tpu.memory_space<semaphore_mem>>)
        %dma_wait3A_117 = arith.constant 0 : i32
        %dma_wait3A_118 = tpu.memref_slice %arg4[%dma_wait3A_117] : memref<1280xf32, #tpu.memory_space<hbm>> -> memref<256xf32, #tpu.memory_space<hbm>>
        %dma_wait3A_119 = arith.constant 0 : i32
        %dma_wait3A_120 = tpu.memref_slice %arg4[%dma_wait3A_119] : memref<1280xf32, #tpu.memory_space<hbm>> -> memref<256xf32, #tpu.memory_space<hbm>>
        tpu.wait_dma2 semaphore(%run_scoped3A : memref<!tpu.dma_semaphore, #tpu.memory_space<semaphore_mem>>) src(%arg12 : memref<256xf32, #tpu.memory_space<vmem>>) dst(%dma_wait3A_120 : memref<256xf32, #tpu.memory_space<hbm>>)
        tpu.yield
      }) : () -> ()
      "tpu.region"() ({
        %run_scoped3A = tpu.sem_alloc : memref<!tpu.dma_semaphore, #tpu.memory_space<semaphore_mem>>
        %dma_start3A_113 = arith.constant 0 : i32
        %dma_start3A_114 = tpu.memref_slice %arg5[%dma_start3A_113] : memref<1280xi32, #tpu.memory_space<hbm>> -> memref<256xi32, #tpu.memory_space<hbm>>
        %dma_start3A_115 = arith.constant 0 : i32
        %dma_start3A_116 = tpu.memref_slice %arg5[%dma_start3A_115] : memref<1280xi32, #tpu.memory_space<hbm>> -> memref<256xi32, #tpu.memory_space<hbm>>
        tpu.enqueue_dma source(%arg13 : memref<256xi32, #tpu.memory_space<vmem>>) target(%dma_start3A_116 : memref<256xi32, #tpu.memory_space<hbm>>) target_semaphore(%run_scoped3A : memref<!tpu.dma_semaphore, #tpu.memory_space<semaphore_mem>>)
        %dma_wait3A_117 = arith.constant 0 : i32
        %dma_wait3A_118 = tpu.memref_slice %arg5[%dma_wait3A_117] : memref<1280xi32, #tpu.memory_space<hbm>> -> memref<256xi32, #tpu.memory_space<hbm>>
        %dma_wait3A_119 = arith.constant 0 : i32
        %dma_wait3A_120 = tpu.memref_slice %arg5[%dma_wait3A_119] : memref<1280xi32, #tpu.memory_space<hbm>> -> memref<256xi32, #tpu.memory_space<hbm>>
        tpu.wait_dma2 semaphore(%run_scoped3A : memref<!tpu.dma_semaphore, #tpu.memory_space<semaphore_mem>>) src(%arg13 : memref<256xi32, #tpu.memory_space<vmem>>) dst(%dma_wait3A_120 : memref<256xi32, #tpu.memory_space<hbm>>)
        tpu.yield
      }) : () -> ()
    } else {
    }
    %dma_start3A = tpu.memref_slice %arg2[%mul3A_2] : memref<2560000xf32, #tpu.memory_space<hbm>> -> memref<16000xf32, #tpu.memory_space<hbm>>
    %dma_start3A_27 = tpu.memref_slice %arg2[%mul3A_2] : memref<2560000xf32, #tpu.memory_space<hbm>> -> memref<16000xf32, #tpu.memory_space<hbm>>
    tpu.enqueue_dma source(%dma_start3A_27 : memref<16000xf32, #tpu.memory_space<hbm>>) target(%arg7 : memref<16000xf32, #tpu.memory_space<vmem>>) target_semaphore(%arg15 : memref<!tpu.dma_semaphore, #tpu.memory_space<semaphore_mem>>)
    %add3A_28 = arith.constant 16000 : i32
    %add3A_29 = arith.addi %mul3A_2, %add3A_28 : i32
    %dma_start3A_30 = tpu.memref_slice %arg2[%add3A_29] : memref<2560000xf32, #tpu.memory_space<hbm>> -> memref<16000xf32, #tpu.memory_space<hbm>>
    %dma_start3A_31 = tpu.memref_slice %arg2[%add3A_29] : memref<2560000xf32, #tpu.memory_space<hbm>> -> memref<16000xf32, #tpu.memory_space<hbm>>
    tpu.enqueue_dma source(%dma_start3A_31 : memref<16000xf32, #tpu.memory_space<hbm>>) target(%arg6 : memref<16000xf32, #tpu.memory_space<vmem>>) target_semaphore(%arg14 : memref<!tpu.dma_semaphore, #tpu.memory_space<semaphore_mem>>)
    %dma_wait3A = tpu.memref_slice %arg2[%mul3A_2] : memref<2560000xf32, #tpu.memory_space<hbm>> -> memref<16000xf32, #tpu.memory_space<hbm>>
    %dma_wait3A_32 = tpu.memref_slice %arg2[%mul3A_2] : memref<2560000xf32, #tpu.memory_space<hbm>> -> memref<16000xf32, #tpu.memory_space<hbm>>
    tpu.wait_dma2 semaphore(%arg15 : memref<!tpu.dma_semaphore, #tpu.memory_space<semaphore_mem>>) src(%dma_wait3A_32 : memref<16000xf32, #tpu.memory_space<hbm>>) dst(%arg7 : memref<16000xf32, #tpu.memory_space<vmem>>)
    %parallel_loop3A_33 = arith.constant 0 : i32
    %parallel_loop3A_34 = arith.constant 25 : i32
    %parallel_loop3A_35 = arith.constant 1 : i32
    %parallel_loop3A_36 = arith.constant 0 : i32
    %parallel_loop3A_37 = scf.for %parallel_loop3A_82 = %parallel_loop3A_33 to %parallel_loop3A_34 step %parallel_loop3A_35 iter_args(%parallel_loop3A_83 = %parallel_loop3A_36) -> (i32)  : i32 {
      %parallel_loop3A_84 = arith.constant 40 : i32
      %parallel_loop3A_85 = arith.muli %parallel_loop3A_82, %parallel_loop3A_84 : i32
      %parallel_loop3A_86 = arith.constant 0 : i32
      %parallel_loop3A_87 = arith.addi %parallel_loop3A_85, %parallel_loop3A_86 : i32
      %parallel_loop3A_88 = arith.constant 16 : i32
      %parallel_loop3A_89 = arith.muli %parallel_loop3A_87, %parallel_loop3A_88 : i32
      %parallel_loop3A_90 = arith.index_cast %parallel_loop3A_89 : i32 to index
      %parallel_loop3A_91 = tpu.vector_load %arg7[%parallel_loop3A_90] {strides = array<i32>} : memref<16000xf32, #tpu.memory_space<vmem>>, vector<16xf32>,
      %parallel_loop3A_92 = arith.constant 40 : i32
      %parallel_loop3A_93 = arith.muli %parallel_loop3A_82, %parallel_loop3A_92 : i32
      %parallel_loop3A_94 = arith.constant 1 : i32
      %parallel_loop3A_95 = arith.addi %parallel_loop3A_93, %parallel_loop3A_94 : i32
      %parallel_loop3A_96 = arith.constant 16 : i32
      %parallel_loop3A_97 = arith.muli %parallel_loop3A_95, %parallel_loop3A_96 : i32
      %parallel_loop3A_98 = arith.index_cast %parallel_loop3A_97 : i32 to index
      %parallel_loop3A_99 = tpu.vector_load %arg7[%parallel_loop3A_98] {strides = array<i32>} : memref<16000xf32, #tpu.memory_space<vmem>>, vector<16xf32>,
      %parallel_loop3A_100 = arith.constant 40 : i32
      %parallel_loop3A_101 = arith.muli %parallel_loop3A_82, %parallel_loop3A_100 : i32
      %parallel_loop3A_102 = arith.constant 2 : i32
      %parallel_loop3A_103 = arith.addi %parallel_loop3A_101, %parallel_loop3A_102 : i32
      %parallel_loop3A_104 = arith.constant 16 : i32
      %parallel_loop3A_105 = arith.muli %parallel_loop3A_103, %parallel_loop3A_104 : i32
      %parallel_loop3A_106 = arith.index_cast %parallel_loop3A_105 : i32 to index
      %parallel_loop3A_107 = tpu.vector_load %arg7[%parallel_loop3A_106] {strides = array<i32>} : memref<16000xf32, #tpu.memory_space<vmem>>, vector<16xf32>,
      %parallel_loop3A_108 = arith.constant 40 : i32
      %parallel_loop3A_109 = arith.muli %parallel_loop3A_82, %parallel_loop3A_108 : i32
      %parallel_loop3A_110 = arith.constant 3 : i32
      %parallel_loop3A_111 = arith.addi %parallel_loop3A_109, %parallel_loop3A_110 : i32
      %parallel_loop3A_112 = arith.constant 16 : i32
      %parallel_loop3A_113 = arith.muli %parallel_loop3A_111, %parallel_loop3A_112 : i32
      %parallel_loop3A_114 = arith.index_cast %parallel_loop3A_113 : i32 to index
      %parallel_loop3A_115 = tpu.vector_load %arg7[%parallel_loop3A_114] {strides = array<i32>} : memref<16000xf32, #tpu.memory_space<vmem>>, vector<16xf32>,
      %parallel_loop3A_116 = arith.constant 40 : i32
      %parallel_loop3A_117 = arith.muli %parallel_loop3A_82, %parallel_loop3A_116 : i32
      %parallel_loop3A_118 = arith.constant 4 : i32
      %parallel_loop3A_119 = arith.addi %parallel_loop3A_117, %parallel_loop3A_118 : i32
      %parallel_loop3A_120 = arith.constant 16 : i32
      %parallel_loop3A_121 = arith.muli %parallel_loop3A_119, %parallel_loop3A_120 : i32
      %parallel_loop3A_122 = arith.index_cast %parallel_loop3A_121 : i32 to index
      %parallel_loop3A_123 = tpu.vector_load %arg7[%parallel_loop3A_122] {strides = array<i32>} : memref<16000xf32, #tpu.memory_space<vmem>>, vector<16xf32>,
      %parallel_loop3A_124 = arith.constant 40 : i32
      %parallel_loop3A_125 = arith.muli %parallel_loop3A_82, %parallel_loop3A_124 : i32
      %parallel_loop3A_126 = arith.constant 5 : i32
      %parallel_loop3A_127 = arith.addi %parallel_loop3A_125, %parallel_loop3A_126 : i32
      %parallel_loop3A_128 = arith.constant 16 : i32
      %parallel_loop3A_129 = arith.muli %parallel_loop3A_127, %parallel_loop3A_128 : i32
      %parallel_loop3A_130 = arith.index_cast %parallel_loop3A_129 : i32 to index
      %parallel_loop3A_131 = tpu.vector_load %arg7[%parallel_loop3A_130] {strides = array<i32>} : memref<16000xf32, #tpu.memory_space<vmem>>, vector<16xf32>,
      %parallel_loop3A_132 = arith.constant 40 : i32
      %parallel_loop3A_133 = arith.muli %parallel_loop3A_82, %parallel_loop3A_132 : i32
      %parallel_loop3A_134 = arith.constant 6 : i32
      %parallel_loop3A_135 = arith.addi %parallel_loop3A_133, %parallel_loop3A_134 : i32
      %parallel_loop3A_136 = arith.constant 16 : i32
      %parallel_loop3A_137 = arith.muli %parallel_loop3A_135, %parallel_loop3A_136 : i32
      %parallel_loop3A_138 = arith.index_cast %parallel_loop3A_137 : i32 to index
      %parallel_loop3A_139 = tpu.vector_load %arg7[%parallel_loop3A_138] {strides = array<i32>} : memref<16000xf32, #tpu.memory_space<vmem>>, vector<16xf32>,
      %parallel_loop3A_140 = arith.constant 40 : i32
      %parallel_loop3A_141 = arith.muli %parallel_loop3A_82, %parallel_loop3A_140 : i32
      %parallel_loop3A_142 = arith.constant 7 : i32
      %parallel_loop3A_143 = arith.addi %parallel_loop3A_141, %parallel_loop3A_142 : i32
      %parallel_loop3A_144 = arith.constant 16 : i32
      %parallel_loop3A_145 = arith.muli %parallel_loop3A_143, %parallel_loop3A_144 : i32
      %parallel_loop3A_146 = arith.index_cast %parallel_loop3A_145 : i32 to index
      %parallel_loop3A_147 = tpu.vector_load %arg7[%parallel_loop3A_146] {strides = array<i32>} : memref<16000xf32, #tpu.memory_space<vmem>>, vector<16xf32>,
      %parallel_loop3A_148 = arith.constant 40 : i32
      %parallel_loop3A_149 = arith.muli %parallel_loop3A_82, %parallel_loop3A_148 : i32
      %parallel_loop3A_150 = arith.constant 8 : i32
      %parallel_loop3A_151 = arith.addi %parallel_loop3A_149, %parallel_loop3A_150 : i32
      %parallel_loop3A_152 = arith.constant 16 : i32
      %parallel_loop3A_153 = arith.muli %parallel_loop3A_151, %parallel_loop3A_152 : i32
      %parallel_loop3A_154 = arith.index_cast %parallel_loop3A_153 : i32 to index
      %parallel_loop3A_155 = tpu.vector_load %arg7[%parallel_loop3A_154] {strides = array<i32>} : memref<16000xf32, #tpu.memory_space<vmem>>, vector<16xf32>,
      %parallel_loop3A_156 = arith.constant 40 : i32
      %parallel_loop3A_157 = arith.muli %parallel_loop3A_82, %parallel_loop3A_156 : i32
      %parallel_loop3A_158 = arith.constant 9 : i32
      %parallel_loop3A_159 = arith.addi %parallel_loop3A_157, %parallel_loop3A_158 : i32
      %parallel_loop3A_160 = arith.constant 16 : i32
      %parallel_loop3A_161 = arith.muli %parallel_loop3A_159, %parallel_loop3A_160 : i32
      %parallel_loop3A_162 = arith.index_cast %parallel_loop3A_161 : i32 to index
      %parallel_loop3A_163 = tpu.vector_load %arg7[%parallel_loop3A_162] {strides = array<i32>} : memref<16000xf32, #tpu.memory_space<vmem>>, vector<16xf32>,
      %parallel_loop3A_164 = arith.constant 40 : i32
      %parallel_loop3A_165 = arith.muli %parallel_loop3A_82, %parallel_loop3A_164 : i32
      %parallel_loop3A_166 = arith.constant 10 : i32
      %parallel_loop3A_167 = arith.addi %parallel_loop3A_165, %parallel_loop3A_166 : i32
      %parallel_loop3A_168 = arith.constant 16 : i32
      %parallel_loop3A_169 = arith.muli %parallel_loop3A_167, %parallel_loop3A_168 : i32
      %parallel_loop3A_170 = arith.index_cast %parallel_loop3A_169 : i32 to index
      %parallel_loop3A_171 = tpu.vector_load %arg7[%parallel_loop3A_170] {strides = array<i32>} : memref<16000xf32, #tpu.memory_space<vmem>>, vector<16xf32>,
      %parallel_loop3A_172 = arith.constant 40 : i32
      %parallel_loop3A_173 = arith.muli %parallel_loop3A_82, %parallel_loop3A_172 : i32
      %parallel_loop3A_174 = arith.constant 11 : i32
      %parallel_loop3A_175 = arith.addi %parallel_loop3A_173, %parallel_loop3A_174 : i32
      %parallel_loop3A_176 = arith.constant 16 : i32
      %parallel_loop3A_177 = arith.muli %parallel_loop3A_175, %parallel_loop3A_176 : i32
      %parallel_loop3A_178 = arith.index_cast %parallel_loop3A_177 : i32 to index
      %parallel_loop3A_179 = tpu.vector_load %arg7[%parallel_loop3A_178] {strides = array<i32>} : memref<16000xf32, #tpu.memory_space<vmem>>, vector<16xf32>,
      %parallel_loop3A_180 = arith.constant 40 : i32
      %parallel_loop3A_181 = arith.muli %parallel_loop3A_82, %parallel_loop3A_180 : i32
      %parallel_loop3A_182 = arith.constant 12 : i32
      %parallel_loop3A_183 = arith.addi %parallel_loop3A_181, %parallel_loop3A_182 : i32
      %parallel_loop3A_184 = arith.constant 16 : i32
      %parallel_loop3A_185 = arith.muli %parallel_loop3A_183, %parallel_loop3A_184 : i32
      %parallel_loop3A_186 = arith.index_cast %parallel_loop3A_185 : i32 to index
      %parallel_loop3A_187 = tpu.vector_load %arg7[%parallel_loop3A_186] {strides = array<i32>} : memref<16000xf32, #tpu.memory_space<vmem>>, vector<16xf32>,
      %parallel_loop3A_188 = arith.constant 40 : i32
      %parallel_loop3A_189 = arith.muli %parallel_loop3A_82, %parallel_loop3A_188 : i32
      %parallel_loop3A_190 = arith.constant 13 : i32
      %parallel_loop3A_191 = arith.addi %parallel_loop3A_189, %parallel_loop3A_190 : i32
      %parallel_loop3A_192 = arith.constant 16 : i32
      %parallel_loop3A_193 = arith.muli %parallel_loop3A_191, %parallel_loop3A_192 : i32
      %parallel_loop3A_194 = arith.index_cast %parallel_loop3A_193 : i32 to index
      %parallel_loop3A_195 = tpu.vector_load %arg7[%parallel_loop3A_194] {strides = array<i32>} : memref<16000xf32, #tpu.memory_space<vmem>>, vector<16xf32>,
      %parallel_loop3A_196 = arith.constant 40 : i32
      %parallel_loop3A_197 = arith.muli %parallel_loop3A_82, %parallel_loop3A_196 : i32
      %parallel_loop3A_198 = arith.constant 14 : i32
      %parallel_loop3A_199 = arith.addi %parallel_loop3A_197, %parallel_loop3A_198 : i32
      %parallel_loop3A_200 = arith.constant 16 : i32
      %parallel_loop3A_201 = arith.muli %parallel_loop3A_199, %parallel_loop3A_200 : i32
      %parallel_loop3A_202 = arith.index_cast %parallel_loop3A_201 : i32 to index
      %parallel_loop3A_203 = tpu.vector_load %arg7[%parallel_loop3A_202] {strides = array<i32>} : memref<16000xf32, #tpu.memory_space<vmem>>, vector<16xf32>,
      %parallel_loop3A_204 = arith.constant 40 : i32
      %parallel_loop3A_205 = arith.muli %parallel_loop3A_82, %parallel_loop3A_204 : i32
      %parallel_loop3A_206 = arith.constant 15 : i32
      %parallel_loop3A_207 = arith.addi %parallel_loop3A_205, %parallel_loop3A_206 : i32
      %parallel_loop3A_208 = arith.constant 16 : i32
      %parallel_loop3A_209 = arith.muli %parallel_loop3A_207, %parallel_loop3A_208 : i32
      %parallel_loop3A_210 = arith.index_cast %parallel_loop3A_209 : i32 to index
      %parallel_loop3A_211 = tpu.vector_load %arg7[%parallel_loop3A_210] {strides = array<i32>} : memref<16000xf32, #tpu.memory_space<vmem>>, vector<16xf32>,
      %parallel_loop3A_212 = arith.constant 40 : i32
      %parallel_loop3A_213 = arith.muli %parallel_loop3A_82, %parallel_loop3A_212 : i32
      %parallel_loop3A_214 = arith.constant 16 : i32
      %parallel_loop3A_215 = arith.addi %parallel_loop3A_213, %parallel_loop3A_214 : i32
      %parallel_loop3A_216 = arith.constant 16 : i32
      %parallel_loop3A_217 = arith.muli %parallel_loop3A_215, %parallel_loop3A_216 : i32
      %parallel_loop3A_218 = arith.index_cast %parallel_loop3A_217 : i32 to index
      %parallel_loop3A_219 = tpu.vector_load %arg7[%parallel_loop3A_218] {strides = array<i32>} : memref<16000xf32, #tpu.memory_space<vmem>>, vector<16xf32>,
      %parallel_loop3A_220 = arith.constant 40 : i32
      %parallel_loop3A_221 = arith.muli %parallel_loop3A_82, %parallel_loop3A_220 : i32
      %parallel_loop3A_222 = arith.constant 17 : i32
      %parallel_loop3A_223 = arith.addi %parallel_loop3A_221, %parallel_loop3A_222 : i32
      %parallel_loop3A_224 = arith.constant 16 : i32
      %parallel_loop3A_225 = arith.muli %parallel_loop3A_223, %parallel_loop3A_224 : i32
      %parallel_loop3A_226 = arith.index_cast %parallel_loop3A_225 : i32 to index
      %parallel_loop3A_227 = tpu.vector_load %arg7[%parallel_loop3A_226] {strides = array<i32>} : memref<16000xf32, #tpu.memory_space<vmem>>, vector<16xf32>,
      %parallel_loop3A_228 = arith.constant 40 : i32
      %parallel_loop3A_229 = arith.muli %parallel_loop3A_82, %parallel_loop3A_228 : i32
      %parallel_loop3A_230 = arith.constant 18 : i32
      %parallel_loop3A_231 = arith.addi %parallel_loop3A_229, %parallel_loop3A_230 : i32
      %parallel_loop3A_232 = arith.constant 16 : i32
      %parallel_loop3A_233 = arith.muli %parallel_loop3A_231, %parallel_loop3A_232 : i32
      %parallel_loop3A_234 = arith.index_cast %parallel_loop3A_233 : i32 to index
      %parallel_loop3A_235 = tpu.vector_load %arg7[%parallel_loop3A_234] {strides = array<i32>} : memref<16000xf32, #tpu.memory_space<vmem>>, vector<16xf32>,
      %parallel_loop3A_236 = arith.constant 40 : i32
      %parallel_loop3A_237 = arith.muli %parallel_loop3A_82, %parallel_loop3A_236 : i32
      %parallel_loop3A_238 = arith.constant 19 : i32
      %parallel_loop3A_239 = arith.addi %parallel_loop3A_237, %parallel_loop3A_238 : i32
      %parallel_loop3A_240 = arith.constant 16 : i32
      %parallel_loop3A_241 = arith.muli %parallel_loop3A_239, %parallel_loop3A_240 : i32
      %parallel_loop3A_242 = arith.index_cast %parallel_loop3A_241 : i32 to index
      %parallel_loop3A_243 = tpu.vector_load %arg7[%parallel_loop3A_242] {strides = array<i32>} : memref<16000xf32, #tpu.memory_space<vmem>>, vector<16xf32>,
      %parallel_loop3A_244 = arith.constant 40 : i32
      %parallel_loop3A_245 = arith.muli %parallel_loop3A_82, %parallel_loop3A_244 : i32
      %parallel_loop3A_246 = arith.constant 20 : i32
      %parallel_loop3A_247 = arith.addi %parallel_loop3A_245, %parallel_loop3A_246 : i32
      %parallel_loop3A_248 = arith.constant 16 : i32
      %parallel_loop3A_249 = arith.muli %parallel_loop3A_247, %parallel_loop3A_248 : i32
      %parallel_loop3A_250 = arith.index_cast %parallel_loop3A_249 : i32 to index
      %parallel_loop3A_251 = tpu.vector_load %arg7[%parallel_loop3A_250] {strides = array<i32>} : memref<16000xf32, #tpu.memory_space<vmem>>, vector<16xf32>,
      %parallel_loop3A_252 = arith.constant 40 : i32
      %parallel_loop3A_253 = arith.muli %parallel_loop3A_82, %parallel_loop3A_252 : i32
      %parallel_loop3A_254 = arith.constant 21 : i32
      %parallel_loop3A_255 = arith.addi %parallel_loop3A_253, %parallel_loop3A_254 : i32
      %parallel_loop3A_256 = arith.constant 16 : i32
      %parallel_loop3A_257 = arith.muli %parallel_loop3A_255, %parallel_loop3A_256 : i32
      %parallel_loop3A_258 = arith.index_cast %parallel_loop3A_257 : i32 to index
      %parallel_loop3A_259 = tpu.vector_load %arg7[%parallel_loop3A_258] {strides = array<i32>} : memref<16000xf32, #tpu.memory_space<vmem>>, vector<16xf32>,
      %parallel_loop3A_260 = arith.constant 40 : i32
      %parallel_loop3A_261 = arith.muli %parallel_loop3A_82, %parallel_loop3A_260 : i32
      %parallel_loop3A_262 = arith.constant 22 : i32
      %parallel_loop3A_263 = arith.addi %parallel_loop3A_261, %parallel_loop3A_262 : i32
      %parallel_loop3A_264 = arith.constant 16 : i32
      %parallel_loop3A_265 = arith.muli %parallel_loop3A_263, %parallel_loop3A_264 : i32
      %parallel_loop3A_266 = arith.index_cast %parallel_loop3A_265 : i32 to index
      %parallel_loop3A_267 = tpu.vector_load %arg7[%parallel_loop3A_266] {strides = array<i32>} : memref<16000xf32, #tpu.memory_space<vmem>>, vector<16xf32>,
      %parallel_loop3A_268 = arith.constant 40 : i32
      %parallel_loop3A_269 = arith.muli %parallel_loop3A_82, %parallel_loop3A_268 : i32
      %parallel_loop3A_270 = arith.constant 23 : i32
      %parallel_loop3A_271 = arith.addi %parallel_loop3A_269, %parallel_loop3A_270 : i32
      %parallel_loop3A_272 = arith.constant 16 : i32
      %parallel_loop3A_273 = arith.muli %parallel_loop3A_271, %parallel_loop3A_272 : i32
      %parallel_loop3A_274 = arith.index_cast %parallel_loop3A_273 : i32 to index
      %parallel_loop3A_275 = tpu.vector_load %arg7[%parallel_loop3A_274] {strides = array<i32>} : memref<16000xf32, #tpu.memory_space<vmem>>, vector<16xf32>,
      %parallel_loop3A_276 = arith.constant 40 : i32
      %parallel_loop3A_277 = arith.muli %parallel_loop3A_82, %parallel_loop3A_276 : i32
      %parallel_loop3A_278 = arith.constant 24 : i32
      %parallel_loop3A_279 = arith.addi %parallel_loop3A_277, %parallel_loop3A_278 : i32
      %parallel_loop3A_280 = arith.constant 16 : i32
      %parallel_loop3A_281 = arith.muli %parallel_loop3A_279, %parallel_loop3A_280 : i32
      %parallel_loop3A_282 = arith.index_cast %parallel_loop3A_281 : i32 to index
      %parallel_loop3A_283 = tpu.vector_load %arg7[%parallel_loop3A_282] {strides = array<i32>} : memref<16000xf32, #tpu.memory_space<vmem>>, vector<16xf32>,
      %parallel_loop3A_284 = arith.constant 40 : i32
      %parallel_loop3A_285 = arith.muli %parallel_loop3A_82, %parallel_loop3A_284 : i32
      %parallel_loop3A_286 = arith.constant 25 : i32
      %parallel_loop3A_287 = arith.addi %parallel_loop3A_285, %parallel_loop3A_286 : i32
      %parallel_loop3A_288 = arith.constant 16 : i32
      %parallel_loop3A_289 = arith.muli %parallel_loop3A_287, %parallel_loop3A_288 : i32
      %parallel_loop3A_290 = arith.index_cast %parallel_loop3A_289 : i32 to index
      %parallel_loop3A_291 = tpu.vector_load %arg7[%parallel_loop3A_290] {strides = array<i32>} : memref<16000xf32, #tpu.memory_space<vmem>>, vector<16xf32>,
      %parallel_loop3A_292 = arith.constant 40 : i32
      %parallel_loop3A_293 = arith.muli %parallel_loop3A_82, %parallel_loop3A_292 : i32
      %parallel_loop3A_294 = arith.constant 26 : i32
      %parallel_loop3A_295 = arith.addi %parallel_loop3A_293, %parallel_loop3A_294 : i32
      %parallel_loop3A_296 = arith.constant 16 : i32
      %parallel_loop3A_297 = arith.muli %parallel_loop3A_295, %parallel_loop3A_296 : i32
      %parallel_loop3A_298 = arith.index_cast %parallel_loop3A_297 : i32 to index
      %parallel_loop3A_299 = tpu.vector_load %arg7[%parallel_loop3A_298] {strides = array<i32>} : memref<16000xf32, #tpu.memory_space<vmem>>, vector<16xf32>,
      %parallel_loop3A_300 = arith.constant 40 : i32
      %parallel_loop3A_301 = arith.muli %parallel_loop3A_82, %parallel_loop3A_300 : i32
      %parallel_loop3A_302 = arith.constant 27 : i32
      %parallel_loop3A_303 = arith.addi %parallel_loop3A_301, %parallel_loop3A_302 : i32
      %parallel_loop3A_304 = arith.constant 16 : i32
      %parallel_loop3A_305 = arith.muli %parallel_loop3A_303, %parallel_loop3A_304 : i32
      %parallel_loop3A_306 = arith.index_cast %parallel_loop3A_305 : i32 to index
      %parallel_loop3A_307 = tpu.vector_load %arg7[%parallel_loop3A_306] {strides = array<i32>} : memref<16000xf32, #tpu.memory_space<vmem>>, vector<16xf32>,
      %parallel_loop3A_308 = arith.constant 40 : i32
      %parallel_loop3A_309 = arith.muli %parallel_loop3A_82, %parallel_loop3A_308 : i32
      %parallel_loop3A_310 = arith.constant 28 : i32
      %parallel_loop3A_311 = arith.addi %parallel_loop3A_309, %parallel_loop3A_310 : i32
      %parallel_loop3A_312 = arith.constant 16 : i32
      %parallel_loop3A_313 = arith.muli %parallel_loop3A_311, %parallel_loop3A_312 : i32
      %parallel_loop3A_314 = arith.index_cast %parallel_loop3A_313 : i32 to index
      %parallel_loop3A_315 = tpu.vector_load %arg7[%parallel_loop3A_314] {strides = array<i32>} : memref<16000xf32, #tpu.memory_space<vmem>>, vector<16xf32>,
      %parallel_loop3A_316 = arith.constant 40 : i32
      %parallel_loop3A_317 = arith.muli %parallel_loop3A_82, %parallel_loop3A_316 : i32
      %parallel_loop3A_318 = arith.constant 29 : i32
      %parallel_loop3A_319 = arith.addi %parallel_loop3A_317, %parallel_loop3A_318 : i32
      %parallel_loop3A_320 = arith.constant 16 : i32
      %parallel_loop3A_321 = arith.muli %parallel_loop3A_319, %parallel_loop3A_320 : i32
      %parallel_loop3A_322 = arith.index_cast %parallel_loop3A_321 : i32 to index
      %parallel_loop3A_323 = tpu.vector_load %arg7[%parallel_loop3A_322] {strides = array<i32>} : memref<16000xf32, #tpu.memory_space<vmem>>, vector<16xf32>,
      %parallel_loop3A_324 = arith.constant 40 : i32
      %parallel_loop3A_325 = arith.muli %parallel_loop3A_82, %parallel_loop3A_324 : i32
      %parallel_loop3A_326 = arith.constant 30 : i32
      %parallel_loop3A_327 = arith.addi %parallel_loop3A_325, %parallel_loop3A_326 : i32
      %parallel_loop3A_328 = arith.constant 16 : i32
      %parallel_loop3A_329 = arith.muli %parallel_loop3A_327, %parallel_loop3A_328 : i32
      %parallel_loop3A_330 = arith.index_cast %parallel_loop3A_329 : i32 to index
      %parallel_loop3A_331 = tpu.vector_load %arg7[%parallel_loop3A_330] {strides = array<i32>} : memref<16000xf32, #tpu.memory_space<vmem>>, vector<16xf32>,
      %parallel_loop3A_332 = arith.constant 40 : i32
      %parallel_loop3A_333 = arith.muli %parallel_loop3A_82, %parallel_loop3A_332 : i32
      %parallel_loop3A_334 = arith.constant 31 : i32
      %parallel_loop3A_335 = arith.addi %parallel_loop3A_333, %parallel_loop3A_334 : i32
      %parallel_loop3A_336 = arith.constant 16 : i32
      %parallel_loop3A_337 = arith.muli %parallel_loop3A_335, %parallel_loop3A_336 : i32
      %parallel_loop3A_338 = arith.index_cast %parallel_loop3A_337 : i32 to index
      %parallel_loop3A_339 = tpu.vector_load %arg7[%parallel_loop3A_338] {strides = array<i32>} : memref<16000xf32, #tpu.memory_space<vmem>>, vector<16xf32>,
      %parallel_loop3A_340 = arith.constant 40 : i32
      %parallel_loop3A_341 = arith.muli %parallel_loop3A_82, %parallel_loop3A_340 : i32
      %parallel_loop3A_342 = arith.constant 32 : i32
      %parallel_loop3A_343 = arith.addi %parallel_loop3A_341, %parallel_loop3A_342 : i32
      %parallel_loop3A_344 = arith.constant 16 : i32
      %parallel_loop3A_345 = arith.muli %parallel_loop3A_343, %parallel_loop3A_344 : i32
      %parallel_loop3A_346 = arith.index_cast %parallel_loop3A_345 : i32 to index
      %parallel_loop3A_347 = tpu.vector_load %arg7[%parallel_loop3A_346] {strides = array<i32>} : memref<16000xf32, #tpu.memory_space<vmem>>, vector<16xf32>,
      %parallel_loop3A_348 = arith.constant 40 : i32
      %parallel_loop3A_349 = arith.muli %parallel_loop3A_82, %parallel_loop3A_348 : i32
      %parallel_loop3A_350 = arith.constant 33 : i32
      %parallel_loop3A_351 = arith.addi %parallel_loop3A_349, %parallel_loop3A_350 : i32
      %parallel_loop3A_352 = arith.constant 16 : i32
      %parallel_loop3A_353 = arith.muli %parallel_loop3A_351, %parallel_loop3A_352 : i32
      %parallel_loop3A_354 = arith.index_cast %parallel_loop3A_353 : i32 to index
      %parallel_loop3A_355 = tpu.vector_load %arg7[%parallel_loop3A_354] {strides = array<i32>} : memref<16000xf32, #tpu.memory_space<vmem>>, vector<16xf32>,
      %parallel_loop3A_356 = arith.constant 40 : i32
      %parallel_loop3A_357 = arith.muli %parallel_loop3A_82, %parallel_loop3A_356 : i32
      %parallel_loop3A_358 = arith.constant 34 : i32
      %parallel_loop3A_359 = arith.addi %parallel_loop3A_357, %parallel_loop3A_358 : i32
      %parallel_loop3A_360 = arith.constant 16 : i32
      %parallel_loop3A_361 = arith.muli %parallel_loop3A_359, %parallel_loop3A_360 : i32
      %parallel_loop3A_362 = arith.index_cast %parallel_loop3A_361 : i32 to index
      %parallel_loop3A_363 = tpu.vector_load %arg7[%parallel_loop3A_362] {strides = array<i32>} : memref<16000xf32, #tpu.memory_space<vmem>>, vector<16xf32>,
      %parallel_loop3A_364 = arith.constant 40 : i32
      %parallel_loop3A_365 = arith.muli %parallel_loop3A_82, %parallel_loop3A_364 : i32
      %parallel_loop3A_366 = arith.constant 35 : i32
      %parallel_loop3A_367 = arith.addi %parallel_loop3A_365, %parallel_loop3A_366 : i32
      %parallel_loop3A_368 = arith.constant 16 : i32
      %parallel_loop3A_369 = arith.muli %parallel_loop3A_367, %parallel_loop3A_368 : i32
      %parallel_loop3A_370 = arith.index_cast %parallel_loop3A_369 : i32 to index
      %parallel_loop3A_371 = tpu.vector_load %arg7[%parallel_loop3A_370] {strides = array<i32>} : memref<16000xf32, #tpu.memory_space<vmem>>, vector<16xf32>,
      %parallel_loop3A_372 = arith.constant 40 : i32
      %parallel_loop3A_373 = arith.muli %parallel_loop3A_82, %parallel_loop3A_372 : i32
      %parallel_loop3A_374 = arith.constant 36 : i32
      %parallel_loop3A_375 = arith.addi %parallel_loop3A_373, %parallel_loop3A_374 : i32
      %parallel_loop3A_376 = arith.constant 16 : i32
      %parallel_loop3A_377 = arith.muli %parallel_loop3A_375, %parallel_loop3A_376 : i32
      %parallel_loop3A_378 = arith.index_cast %parallel_loop3A_377 : i32 to index
      %parallel_loop3A_379 = tpu.vector_load %arg7[%parallel_loop3A_378] {strides = array<i32>} : memref<16000xf32, #tpu.memory_space<vmem>>, vector<16xf32>,
      %parallel_loop3A_380 = arith.constant 40 : i32
      %parallel_loop3A_381 = arith.muli %parallel_loop3A_82, %parallel_loop3A_380 : i32
      %parallel_loop3A_382 = arith.constant 37 : i32
      %parallel_loop3A_383 = arith.addi %parallel_loop3A_381, %parallel_loop3A_382 : i32
      %parallel_loop3A_384 = arith.constant 16 : i32
      %parallel_loop3A_385 = arith.muli %parallel_loop3A_383, %parallel_loop3A_384 : i32
      %parallel_loop3A_386 = arith.index_cast %parallel_loop3A_385 : i32 to index
      %parallel_loop3A_387 = tpu.vector_load %arg7[%parallel_loop3A_386] {strides = array<i32>} : memref<16000xf32, #tpu.memory_space<vmem>>, vector<16xf32>,
      %parallel_loop3A_388 = arith.constant 40 : i32
      %parallel_loop3A_389 = arith.muli %parallel_loop3A_82, %parallel_loop3A_388 : i32
      %parallel_loop3A_390 = arith.constant 38 : i32
      %parallel_loop3A_391 = arith.addi %parallel_loop3A_389, %parallel_loop3A_390 : i32
      %parallel_loop3A_392 = arith.constant 16 : i32
      %parallel_loop3A_393 = arith.muli %parallel_loop3A_391, %parallel_loop3A_392 : i32
      %parallel_loop3A_394 = arith.index_cast %parallel_loop3A_393 : i32 to index
      %parallel_loop3A_395 = tpu.vector_load %arg7[%parallel_loop3A_394] {strides = array<i32>} : memref<16000xf32, #tpu.memory_space<vmem>>, vector<16xf32>,
      %parallel_loop3A_396 = arith.constant 40 : i32
      %parallel_loop3A_397 = arith.muli %parallel_loop3A_82, %parallel_loop3A_396 : i32
      %parallel_loop3A_398 = arith.constant 39 : i32
      %parallel_loop3A_399 = arith.addi %parallel_loop3A_397, %parallel_loop3A_398 : i32
      %parallel_loop3A_400 = arith.constant 16 : i32
      %parallel_loop3A_401 = arith.muli %parallel_loop3A_399, %parallel_loop3A_400 : i32
      %parallel_loop3A_402 = arith.index_cast %parallel_loop3A_401 : i32 to index
      %parallel_loop3A_403 = tpu.vector_load %arg7[%parallel_loop3A_402] {strides = array<i32>} : memref<16000xf32, #tpu.memory_space<vmem>>, vector<16xf32>,
      %parallel_loop3A_404 = arith.maximumf %parallel_loop3A_91, %parallel_loop3A_99 : vector<16xf32>
      %parallel_loop3A_405 = arith.maximumf %parallel_loop3A_107, %parallel_loop3A_115 : vector<16xf32>
      %parallel_loop3A_406 = arith.maximumf %parallel_loop3A_123, %parallel_loop3A_131 : vector<16xf32>
      %parallel_loop3A_407 = arith.maximumf %parallel_loop3A_139, %parallel_loop3A_147 : vector<16xf32>
      %parallel_loop3A_408 = arith.maximumf %parallel_loop3A_155, %parallel_loop3A_163 : vector<16xf32>
      %parallel_loop3A_409 = arith.maximumf %parallel_loop3A_171, %parallel_loop3A_179 : vector<16xf32>
      %parallel_loop3A_410 = arith.maximumf %parallel_loop3A_187, %parallel_loop3A_195 : vector<16xf32>
      %parallel_loop3A_411 = arith.maximumf %parallel_loop3A_203, %parallel_loop3A_211 : vector<16xf32>
      %parallel_loop3A_412 = arith.maximumf %parallel_loop3A_219, %parallel_loop3A_227 : vector<16xf32>
      %parallel_loop3A_413 = arith.maximumf %parallel_loop3A_235, %parallel_loop3A_243 : vector<16xf32>
      %parallel_loop3A_414 = arith.maximumf %parallel_loop3A_251, %parallel_loop3A_259 : vector<16xf32>
      %parallel_loop3A_415 = arith.maximumf %parallel_loop3A_267, %parallel_loop3A_275 : vector<16xf32>
      %parallel_loop3A_416 = arith.maximumf %parallel_loop3A_283, %parallel_loop3A_291 : vector<16xf32>
      %parallel_loop3A_417 = arith.maximumf %parallel_loop3A_299, %parallel_loop3A_307 : vector<16xf32>
      %parallel_loop3A_418 = arith.maximumf %parallel_loop3A_315, %parallel_loop3A_323 : vector<16xf32>
      %parallel_loop3A_419 = arith.maximumf %parallel_loop3A_331, %parallel_loop3A_339 : vector<16xf32>
      %parallel_loop3A_420 = arith.maximumf %parallel_loop3A_347, %parallel_loop3A_355 : vector<16xf32>
      %parallel_loop3A_421 = arith.maximumf %parallel_loop3A_363, %parallel_loop3A_371 : vector<16xf32>
      %parallel_loop3A_422 = arith.maximumf %parallel_loop3A_379, %parallel_loop3A_387 : vector<16xf32>
      %parallel_loop3A_423 = arith.maximumf %parallel_loop3A_395, %parallel_loop3A_403 : vector<16xf32>
      %parallel_loop3A_424 = arith.maximumf %parallel_loop3A_404, %parallel_loop3A_405 : vector<16xf32>
      %parallel_loop3A_425 = arith.maximumf %parallel_loop3A_406, %parallel_loop3A_407 : vector<16xf32>
      %parallel_loop3A_426 = arith.maximumf %parallel_loop3A_408, %parallel_loop3A_409 : vector<16xf32>
      %parallel_loop3A_427 = arith.maximumf %parallel_loop3A_410, %parallel_loop3A_411 : vector<16xf32>
      %parallel_loop3A_428 = arith.maximumf %parallel_loop3A_412, %parallel_loop3A_413 : vector<16xf32>
      %parallel_loop3A_429 = arith.maximumf %parallel_loop3A_414, %parallel_loop3A_415 : vector<16xf32>
      %parallel_loop3A_430 = arith.maximumf %parallel_loop3A_416, %parallel_loop3A_417 : vector<16xf32>
      %parallel_loop3A_431 = arith.maximumf %parallel_loop3A_418, %parallel_loop3A_419 : vector<16xf32>
      %parallel_loop3A_432 = arith.maximumf %parallel_loop3A_420, %parallel_loop3A_421 : vector<16xf32>
      %parallel_loop3A_433 = arith.maximumf %parallel_loop3A_422, %parallel_loop3A_423 : vector<16xf32>
      %parallel_loop3A_434 = arith.maximumf %parallel_loop3A_424, %parallel_loop3A_425 : vector<16xf32>
      %parallel_loop3A_435 = arith.maximumf %parallel_loop3A_426, %parallel_loop3A_427 : vector<16xf32>
      %parallel_loop3A_436 = arith.maximumf %parallel_loop3A_428, %parallel_loop3A_429 : vector<16xf32>
      %parallel_loop3A_437 = arith.maximumf %parallel_loop3A_430, %parallel_loop3A_431 : vector<16xf32>
      %parallel_loop3A_438 = arith.maximumf %parallel_loop3A_432, %parallel_loop3A_433 : vector<16xf32>
      %parallel_loop3A_439 = arith.maximumf %parallel_loop3A_434, %parallel_loop3A_435 : vector<16xf32>
      %parallel_loop3A_440 = arith.maximumf %parallel_loop3A_436, %parallel_loop3A_437 : vector<16xf32>
      %parallel_loop3A_441 = arith.maximumf %parallel_loop3A_439, %parallel_loop3A_440 : vector<16xf32>
      %parallel_loop3A_442 = arith.maximumf %parallel_loop3A_441, %parallel_loop3A_438 : vector<16xf32>
      %parallel_loop3A_443 = arith.constant true
      %parallel_loop3A_444 = vector.broadcast %parallel_loop3A_443 : i1 to vector<16xi1>
      %parallel_loop3A_445 = tpu.scan <max>, %parallel_loop3A_442 masked %parallel_loop3A_444 : vector<16xf32>, vector<16xi1> -> vector<16xf32>
      %parallel_loop3A_446 = vector.extract %parallel_loop3A_445[15] : f32 from vector<16xf32>
      %parallel_loop3A_447 = arith.cmpf oge, %parallel_loop3A_446, %bitcast_convert_type3A : f32
      %parallel_loop3A_448 = arith.extui %parallel_loop3A_447 : i1 to i32
      %parallel_loop3A_449 = arith.constant 0 : i32
      %parallel_loop3A_450 = arith.cmpi ne, %parallel_loop3A_448, %parallel_loop3A_449 : i32
      %parallel_loop3A_451 = scf.if %parallel_loop3A_450 -> (i32) {
        %parallel_loop3A_452 = arith.constant 40 : i32
        %parallel_loop3A_453 = arith.muli %parallel_loop3A_82, %parallel_loop3A_452 : i32
        %parallel_loop3A_454 = arith.constant 40 : i32
        %parallel_loop3A_455 = arith.muli %parallel_loop3A_82, %parallel_loop3A_454 : i32
        %parallel_loop3A_456 = arith.constant 40 : i32
        %parallel_loop3A_457 = arith.addi %parallel_loop3A_455, %parallel_loop3A_456 : i32
        %parallel_loop3A_458 = arith.subi %parallel_loop3A_457, %parallel_loop3A_453 : i32
        %parallel_loop3A_459 = arith.addi %parallel_loop3A_453, %parallel_loop3A_458 : i32
        %parallel_loop3A_460 = arith.constant 1 : i32
        %parallel_loop3A_461 = arith.divsi %parallel_loop3A_458, %parallel_loop3A_460 : i32
        %parallel_loop3A_462 = arith.muli %parallel_loop3A_461, %parallel_loop3A_460 : i32
        %parallel_loop3A_463 = arith.addi %parallel_loop3A_453, %parallel_loop3A_462 : i32
        %parallel_loop3A_464 = arith.constant 1 : i32
        %parallel_loop3A_465 = scf.for %while3A = %parallel_loop3A_453 to %parallel_loop3A_463 step %parallel_loop3A_464 iter_args(%while3A_468 = %parallel_loop3A_83) -> (i32)  : i32 {
          %parallel_loop3A_469 = arith.constant 16 : i32
          %parallel_loop3A_470 = arith.muli %while3A, %parallel_loop3A_469 : i32
          %parallel_loop3A_471 = arith.index_cast %parallel_loop3A_470 : i32 to index
          %parallel_loop3A_472 = tpu.vector_load %arg7[%parallel_loop3A_471] {strides = array<i32>} : memref<16000xf32, #tpu.memory_space<vmem>>, vector<16xf32>,
          %parallel_loop3A_473 = arith.constant 0 : i32
          %parallel_loop3A_474 = arith.addi %mul3A_2, %parallel_loop3A_473 : i32
          %parallel_loop3A_475 = arith.constant 16 : i32
          %parallel_loop3A_476 = arith.muli %while3A, %parallel_loop3A_475 : i32
          %parallel_loop3A_477 = arith.addi %parallel_loop3A_474, %parallel_loop3A_476 : i32
          %parallel_loop3A_478 = vector.broadcast %parallel_loop3A_477 : i32 to vector<16xi32>
          %parallel_loop3A_479 = arith.addi %parallel_loop3A_478, %iota3A : vector<16xi32>
          %parallel_loop3A_480 = vector.broadcast %bitcast_convert_type3A : f32 to vector<16xf32>
          %parallel_loop3A_481 = arith.cmpf oge, %parallel_loop3A_472, %parallel_loop3A_480 : vector<16xf32>
          %parallel_loop3A_482 = arith.constant 256 : i32
          %parallel_loop3A_483 = vector.broadcast %parallel_loop3A_482 : i32 to vector<16xi32>
          %parallel_loop3A_484 = arith.cmpi sge, %parallel_loop3A_479, %parallel_loop3A_483 : vector<16xi32>
          %parallel_loop3A_485 = arith.andi %parallel_loop3A_481, %parallel_loop3A_484 : vector<16xi1>
          %parallel_loop3A_486 = arith.constant 1 : i32
          %parallel_loop3A_487 = arith.constant 0 : i32
          %parallel_loop3A_488 = vector.broadcast %parallel_loop3A_486 : i32 to vector<16xi32>
          %parallel_loop3A_489 = vector.broadcast %parallel_loop3A_487 : i32 to vector<16xi32>
          %parallel_loop3A_490 = arith.select %parallel_loop3A_485, %parallel_loop3A_488, %parallel_loop3A_489 : vector<16xi1>, vector<16xi32>
          %parallel_loop3A_491 = arith.constant true
          %parallel_loop3A_492 = vector.broadcast %parallel_loop3A_491 : i1 to vector<16xi1>
          %parallel_loop3A_493 = tpu.scan <sum>, %parallel_loop3A_490 masked %parallel_loop3A_492 : vector<16xi32>, vector<16xi1> -> vector<16xi32>
          %parallel_loop3A_494 = vector.broadcast %while3A_468 : i32 to vector<16xi32>
          %parallel_loop3A_495 = arith.addi %parallel_loop3A_494, %parallel_loop3A_493 : vector<16xi32>
          %parallel_loop3A_496 = arith.constant 1 : i32
          %parallel_loop3A_497 = vector.broadcast %parallel_loop3A_496 : i32 to vector<16xi32>
          %parallel_loop3A_498 = arith.subi %parallel_loop3A_495, %parallel_loop3A_497 : vector<16xi32>
          %parallel_loop3A_499 = arith.constant 32 : i32
          %parallel_loop3A_500 = vector.broadcast %parallel_loop3A_499 : i32 to vector<16xi32>
          %parallel_loop3A_501 = arith.cmpi slt, %parallel_loop3A_498, %parallel_loop3A_500 : vector<16xi32>
          %parallel_loop3A_502 = arith.andi %parallel_loop3A_485, %parallel_loop3A_501 : vector<16xi1>
          %parallel_loop3A_503 = arith.constant 0 : i32
          %parallel_loop3A_504 = vector.broadcast %parallel_loop3A_503 : i32 to vector<16xi32>
          %parallel_loop3A_505 = arith.select %parallel_loop3A_502, %parallel_loop3A_498, %parallel_loop3A_504 : vector<16xi1>, vector<16xi32>
          %parallel_loop3A_506 = arith.constant 7 : i32
          %parallel_loop3A_507 = vector.broadcast %parallel_loop3A_506 : i32 to vector<16xi32>
          %parallel_loop3A_508 = arith.shrui %parallel_loop3A_479, %parallel_loop3A_507 : vector<16xi32>
          %parallel_loop3A_509 = arith.constant 127 : i32
          %parallel_loop3A_510 = vector.broadcast %parallel_loop3A_509 : i32 to vector<16xi32>
          %parallel_loop3A_511 = arith.andi %parallel_loop3A_479, %parallel_loop3A_510 : vector<16xi32>
          tpu.vector_store_idx %arg10[%parallel_loop3A_505], %parallel_loop3A_472 masked %parallel_loop3A_502 : memref<32xf32, #tpu.memory_space<vmem>>[vector<16xi32>], vector<16xf32>, vector<16xi1>
          %parallel_loop3A_512 = arith.constant 117 : i32
          %parallel_loop3A_513 = vector.broadcast %parallel_loop3A_512 : i32 to vector<16xi32>
          %parallel_loop3A_514 = arith.muli %parallel_loop3A_508, %parallel_loop3A_513 : vector<16xi32>
          %parallel_loop3A_515 = arith.addi %parallel_loop3A_514, %parallel_loop3A_511 : vector<16xi32>
          tpu.vector_store_idx %arg11[%parallel_loop3A_505], %parallel_loop3A_515 masked %parallel_loop3A_502 : memref<32xi32, #tpu.memory_space<vmem>>[vector<16xi32>], vector<16xi32>, vector<16xi1>
          %parallel_loop3A_516 = arith.constant true
          %parallel_loop3A_517 = vector.broadcast %parallel_loop3A_516 : i1 to vector<16xi1>
          %parallel_loop3A_518 = tpu.scan <sum>, %parallel_loop3A_490 masked %parallel_loop3A_517 : vector<16xi32>, vector<16xi1> -> vector<16xi32>
          %parallel_loop3A_519 = vector.extract %parallel_loop3A_518[15] : i32 from vector<16xi32>
          %parallel_loop3A_520 = arith.addi %while3A_468, %parallel_loop3A_519 : i32
          scf.yield %parallel_loop3A_520 : i32
        }
        %parallel_loop3A_466 = arith.constant 1 : i32
        %parallel_loop3A_467 = scf.for %while3A = %parallel_loop3A_463 to %parallel_loop3A_459 step %parallel_loop3A_466 iter_args(%while3A_468 = %parallel_loop3A_465) -> (i32)  : i32 {
          %parallel_loop3A_469 = arith.constant 16 : i32
          %parallel_loop3A_470 = arith.muli %while3A, %parallel_loop3A_469 : i32
          %parallel_loop3A_471 = arith.index_cast %parallel_loop3A_470 : i32 to index
          %parallel_loop3A_472 = tpu.vector_load %arg7[%parallel_loop3A_471] {strides = array<i32>} : memref<16000xf32, #tpu.memory_space<vmem>>, vector<16xf32>,
          %parallel_loop3A_473 = arith.constant 0 : i32
          %parallel_loop3A_474 = arith.addi %mul3A_2, %parallel_loop3A_473 : i32
          %parallel_loop3A_475 = arith.constant 16 : i32
          %parallel_loop3A_476 = arith.muli %while3A, %parallel_loop3A_475 : i32
          %parallel_loop3A_477 = arith.addi %parallel_loop3A_474, %parallel_loop3A_476 : i32
          %parallel_loop3A_478 = vector.broadcast %parallel_loop3A_477 : i32 to vector<16xi32>
          %parallel_loop3A_479 = arith.addi %parallel_loop3A_478, %iota3A : vector<16xi32>
          %parallel_loop3A_480 = vector.broadcast %bitcast_convert_type3A : f32 to vector<16xf32>
          %parallel_loop3A_481 = arith.cmpf oge, %parallel_loop3A_472, %parallel_loop3A_480 : vector<16xf32>
          %parallel_loop3A_482 = arith.constant 256 : i32
          %parallel_loop3A_483 = vector.broadcast %parallel_loop3A_482 : i32 to vector<16xi32>
          %parallel_loop3A_484 = arith.cmpi sge, %parallel_loop3A_479, %parallel_loop3A_483 : vector<16xi32>
          %parallel_loop3A_485 = arith.andi %parallel_loop3A_481, %parallel_loop3A_484 : vector<16xi1>
          %parallel_loop3A_486 = arith.constant 1 : i32
          %parallel_loop3A_487 = arith.constant 0 : i32
          %parallel_loop3A_488 = vector.broadcast %parallel_loop3A_486 : i32 to vector<16xi32>
          %parallel_loop3A_489 = vector.broadcast %parallel_loop3A_487 : i32 to vector<16xi32>
          %parallel_loop3A_490 = arith.select %parallel_loop3A_485, %parallel_loop3A_488, %parallel_loop3A_489 : vector<16xi1>, vector<16xi32>
          %parallel_loop3A_491 = arith.constant true
          %parallel_loop3A_492 = vector.broadcast %parallel_loop3A_491 : i1 to vector<16xi1>
          %parallel_loop3A_493 = tpu.scan <sum>, %parallel_loop3A_490 masked %parallel_loop3A_492 : vector<16xi32>, vector<16xi1> -> vector<16xi32>
          %parallel_loop3A_494 = vector.broadcast %while3A_468 : i32 to vector<16xi32>
          %parallel_loop3A_495 = arith.addi %parallel_loop3A_494, %parallel_loop3A_493 : vector<16xi32>
          %parallel_loop3A_496 = arith.constant 1 : i32
          %parallel_loop3A_497 = vector.broadcast %parallel_loop3A_496 : i32 to vector<16xi32>
          %parallel_loop3A_498 = arith.subi %parallel_loop3A_495, %parallel_loop3A_497 : vector<16xi32>
          %parallel_loop3A_499 = arith.constant 32 : i32
          %parallel_loop3A_500 = vector.broadcast %parallel_loop3A_499 : i32 to vector<16xi32>
          %parallel_loop3A_501 = arith.cmpi slt, %parallel_loop3A_498, %parallel_loop3A_500 : vector<16xi32>
          %parallel_loop3A_502 = arith.andi %parallel_loop3A_485, %parallel_loop3A_501 : vector<16xi1>
          %parallel_loop3A_503 = arith.constant 0 : i32
          %parallel_loop3A_504 = vector.broadcast %parallel_loop3A_503 : i32 to vector<16xi32>
          %parallel_loop3A_505 = arith.select %parallel_loop3A_502, %parallel_loop3A_498, %parallel_loop3A_504 : vector<16xi1>, vector<16xi32>
          %parallel_loop3A_506 = arith.constant 7 : i32
          %parallel_loop3A_507 = vector.broadcast %parallel_loop3A_506 : i32 to vector<16xi32>
          %parallel_loop3A_508 = arith.shrui %parallel_loop3A_479, %parallel_loop3A_507 : vector<16xi32>
          %parallel_loop3A_509 = arith.constant 127 : i32
          %parallel_loop3A_510 = vector.broadcast %parallel_loop3A_509 : i32 to vector<16xi32>
          %parallel_loop3A_511 = arith.andi %parallel_loop3A_479, %parallel_loop3A_510 : vector<16xi32>
          tpu.vector_store_idx %arg10[%parallel_loop3A_505], %parallel_loop3A_472 masked %parallel_loop3A_502 : memref<32xf32, #tpu.memory_space<vmem>>[vector<16xi32>], vector<16xf32>, vector<16xi1>
          %parallel_loop3A_512 = arith.constant 117 : i32
          %parallel_loop3A_513 = vector.broadcast %parallel_loop3A_512 : i32 to vector<16xi32>
          %parallel_loop3A_514 = arith.muli %parallel_loop3A_508, %parallel_loop3A_513 : vector<16xi32>
          %parallel_loop3A_515 = arith.addi %parallel_loop3A_514, %parallel_loop3A_511 : vector<16xi32>
          tpu.vector_store_idx %arg11[%parallel_loop3A_505], %parallel_loop3A_515 masked %parallel_loop3A_502 : memref<32xi32, #tpu.memory_space<vmem>>[vector<16xi32>], vector<16xi32>, vector<16xi1>
          %parallel_loop3A_516 = arith.constant true
          %parallel_loop3A_517 = vector.broadcast %parallel_loop3A_516 : i1 to vector<16xi1>
          %parallel_loop3A_518 = tpu.scan <sum>, %parallel_loop3A_490 masked %parallel_loop3A_517 : vector<16xi32>, vector<16xi1> -> vector<16xi32>
          %parallel_loop3A_519 = vector.extract %parallel_loop3A_518[15] : i32 from vector<16xi32>
          %parallel_loop3A_520 = arith.addi %while3A_468, %parallel_loop3A_519 : i32
          scf.yield %parallel_loop3A_520 : i32
        }
        scf.yield %parallel_loop3A_467 : i32
      } else {
        scf.yield %parallel_loop3A_83 : i32
      }
      scf.yield %parallel_loop3A_451 : i32
    } {sc.loop_unroll_factor = 1 : i64, sc.parallel_access}
    %add3A_38 = arith.constant 32000 : i32
    %add3A_39 = arith.addi %mul3A_2, %add3A_38 : i32
    %dma_start3A_40 = tpu.memref_slice %arg2[%add3A_39] : memref<2560000xf32, #tpu.memory_space<hbm>> -> memref<16000xf32, #tpu.memory_space<hbm>>
    %dma_start3A_41 = tpu.memref_slice %arg2[%add3A_39] : memref<2560000xf32, #tpu.memory_space<hbm>> -> memref<16000xf32, #tpu.memory_space<hbm>>
    tpu.enqueue_dma source(%dma_start3A_41 : memref<16000xf32, #tpu.memory_space<hbm>>) target(%arg7 : memref<16000xf32, #tpu.memory_space<vmem>>) target_semaphore(%arg15 : memref<!tpu.dma_semaphore, #tpu.memory_space<semaphore_mem>>)
    %dma_wait3A_42 = tpu.memref_slice %arg2[%add3A_29] : memref<2560000xf32, #tpu.memory_space<hbm>> -> memref<16000xf32, #tpu.memory_space<hbm>>
    %dma_wait3A_43 = tpu.memref_slice %arg2[%add3A_29] : memref<2560000xf32, #tpu.memory_space<hbm>> -> memref<16000xf32, #tpu.memory_space<hbm>>
    tpu.wait_dma2 semaphore(%arg14 : memref<!tpu.dma_semaphore, #tpu.memory_space<semaphore_mem>>) src(%dma_wait3A_43 : memref<16000xf32, #tpu.memory_space<hbm>>) dst(%arg6 : memref<16000xf32, #tpu.memory_space<vmem>>)
    %parallel_loop3A_44 = arith.constant 0 : i32
    %parallel_loop3A_45 = arith.constant 25 : i32
    %parallel_loop3A_46 = arith.constant 1 : i32
    %parallel_loop3A_47 = scf.for %parallel_loop3A_82 = %parallel_loop3A_44 to %parallel_loop3A_45 step %parallel_loop3A_46 iter_args(%parallel_loop3A_83 = %parallel_loop3A_37) -> (i32)  : i32 {
      %parallel_loop3A_84 = arith.constant 40 : i32
      %parallel_loop3A_85 = arith.muli %parallel_loop3A_82, %parallel_loop3A_84 : i32
      %parallel_loop3A_86 = arith.constant 0 : i32
      %parallel_loop3A_87 = arith.addi %parallel_loop3A_85, %parallel_loop3A_86 : i32
      %parallel_loop3A_88 = arith.constant 16 : i32
      %parallel_loop3A_89 = arith.muli %parallel_loop3A_87, %parallel_loop3A_88 : i32
      %parallel_loop3A_90 = arith.index_cast %parallel_loop3A_89 : i32 to index
      %parallel_loop3A_91 = tpu.vector_load %arg6[%parallel_loop3A_90] {strides = array<i32>} : memref<16000xf32, #tpu.memory_space<vmem>>, vector<16xf32>,
      %parallel_loop3A_92 = arith.constant 40 : i32
      %parallel_loop3A_93 = arith.muli %parallel_loop3A_82, %parallel_loop3A_92 : i32
      %parallel_loop3A_94 = arith.constant 1 : i32
      %parallel_loop3A_95 = arith.addi %parallel_loop3A_93, %parallel_loop3A_94 : i32
      %parallel_loop3A_96 = arith.constant 16 : i32
      %parallel_loop3A_97 = arith.muli %parallel_loop3A_95, %parallel_loop3A_96 : i32
      %parallel_loop3A_98 = arith.index_cast %parallel_loop3A_97 : i32 to index
      %parallel_loop3A_99 = tpu.vector_load %arg6[%parallel_loop3A_98] {strides = array<i32>} : memref<16000xf32, #tpu.memory_space<vmem>>, vector<16xf32>,
      %parallel_loop3A_100 = arith.constant 40 : i32
      %parallel_loop3A_101 = arith.muli %parallel_loop3A_82, %parallel_loop3A_100 : i32
      %parallel_loop3A_102 = arith.constant 2 : i32
      %parallel_loop3A_103 = arith.addi %parallel_loop3A_101, %parallel_loop3A_102 : i32
      %parallel_loop3A_104 = arith.constant 16 : i32
      %parallel_loop3A_105 = arith.muli %parallel_loop3A_103, %parallel_loop3A_104 : i32
      %parallel_loop3A_106 = arith.index_cast %parallel_loop3A_105 : i32 to index
      %parallel_loop3A_107 = tpu.vector_load %arg6[%parallel_loop3A_106] {strides = array<i32>} : memref<16000xf32, #tpu.memory_space<vmem>>, vector<16xf32>,
      %parallel_loop3A_108 = arith.constant 40 : i32
      %parallel_loop3A_109 = arith.muli %parallel_loop3A_82, %parallel_loop3A_108 : i32
      %parallel_loop3A_110 = arith.constant 3 : i32
      %parallel_loop3A_111 = arith.addi %parallel_loop3A_109, %parallel_loop3A_110 : i32
      %parallel_loop3A_112 = arith.constant 16 : i32
      %parallel_loop3A_113 = arith.muli %parallel_loop3A_111, %parallel_loop3A_112 : i32
      %parallel_loop3A_114 = arith.index_cast %parallel_loop3A_113 : i32 to index
      %parallel_loop3A_115 = tpu.vector_load %arg6[%parallel_loop3A_114] {strides = array<i32>} : memref<16000xf32, #tpu.memory_space<vmem>>, vector<16xf32>,
      %parallel_loop3A_116 = arith.constant 40 : i32
      %parallel_loop3A_117 = arith.muli %parallel_loop3A_82, %parallel_loop3A_116 : i32
      %parallel_loop3A_118 = arith.constant 4 : i32
      %parallel_loop3A_119 = arith.addi %parallel_loop3A_117, %parallel_loop3A_118 : i32
      %parallel_loop3A_120 = arith.constant 16 : i32
      %parallel_loop3A_121 = arith.muli %parallel_loop3A_119, %parallel_loop3A_120 : i32
      %parallel_loop3A_122 = arith.index_cast %parallel_loop3A_121 : i32 to index
      %parallel_loop3A_123 = tpu.vector_load %arg6[%parallel_loop3A_122] {strides = array<i32>} : memref<16000xf32, #tpu.memory_space<vmem>>, vector<16xf32>,
      %parallel_loop3A_124 = arith.constant 40 : i32
      %parallel_loop3A_125 = arith.muli %parallel_loop3A_82, %parallel_loop3A_124 : i32
      %parallel_loop3A_126 = arith.constant 5 : i32
      %parallel_loop3A_127 = arith.addi %parallel_loop3A_125, %parallel_loop3A_126 : i32
      %parallel_loop3A_128 = arith.constant 16 : i32
      %parallel_loop3A_129 = arith.muli %parallel_loop3A_127, %parallel_loop3A_128 : i32
      %parallel_loop3A_130 = arith.index_cast %parallel_loop3A_129 : i32 to index
      %parallel_loop3A_131 = tpu.vector_load %arg6[%parallel_loop3A_130] {strides = array<i32>} : memref<16000xf32, #tpu.memory_space<vmem>>, vector<16xf32>,
      %parallel_loop3A_132 = arith.constant 40 : i32
      %parallel_loop3A_133 = arith.muli %parallel_loop3A_82, %parallel_loop3A_132 : i32
      %parallel_loop3A_134 = arith.constant 6 : i32
      %parallel_loop3A_135 = arith.addi %parallel_loop3A_133, %parallel_loop3A_134 : i32
      %parallel_loop3A_136 = arith.constant 16 : i32
      %parallel_loop3A_137 = arith.muli %parallel_loop3A_135, %parallel_loop3A_136 : i32
      %parallel_loop3A_138 = arith.index_cast %parallel_loop3A_137 : i32 to index
      %parallel_loop3A_139 = tpu.vector_load %arg6[%parallel_loop3A_138] {strides = array<i32>} : memref<16000xf32, #tpu.memory_space<vmem>>, vector<16xf32>,
      %parallel_loop3A_140 = arith.constant 40 : i32
      %parallel_loop3A_141 = arith.muli %parallel_loop3A_82, %parallel_loop3A_140 : i32
      %parallel_loop3A_142 = arith.constant 7 : i32
      %parallel_loop3A_143 = arith.addi %parallel_loop3A_141, %parallel_loop3A_142 : i32
      %parallel_loop3A_144 = arith.constant 16 : i32
      %parallel_loop3A_145 = arith.muli %parallel_loop3A_143, %parallel_loop3A_144 : i32
      %parallel_loop3A_146 = arith.index_cast %parallel_loop3A_145 : i32 to index
      %parallel_loop3A_147 = tpu.vector_load %arg6[%parallel_loop3A_146] {strides = array<i32>} : memref<16000xf32, #tpu.memory_space<vmem>>, vector<16xf32>,
      %parallel_loop3A_148 = arith.constant 40 : i32
      %parallel_loop3A_149 = arith.muli %parallel_loop3A_82, %parallel_loop3A_148 : i32
      %parallel_loop3A_150 = arith.constant 8 : i32
      %parallel_loop3A_151 = arith.addi %parallel_loop3A_149, %parallel_loop3A_150 : i32
      %parallel_loop3A_152 = arith.constant 16 : i32
      %parallel_loop3A_153 = arith.muli %parallel_loop3A_151, %parallel_loop3A_152 : i32
      %parallel_loop3A_154 = arith.index_cast %parallel_loop3A_153 : i32 to index
      %parallel_loop3A_155 = tpu.vector_load %arg6[%parallel_loop3A_154] {strides = array<i32>} : memref<16000xf32, #tpu.memory_space<vmem>>, vector<16xf32>,
      %parallel_loop3A_156 = arith.constant 40 : i32
      %parallel_loop3A_157 = arith.muli %parallel_loop3A_82, %parallel_loop3A_156 : i32
      %parallel_loop3A_158 = arith.constant 9 : i32
      %parallel_loop3A_159 = arith.addi %parallel_loop3A_157, %parallel_loop3A_158 : i32
      %parallel_loop3A_160 = arith.constant 16 : i32
      %parallel_loop3A_161 = arith.muli %parallel_loop3A_159, %parallel_loop3A_160 : i32
      %parallel_loop3A_162 = arith.index_cast %parallel_loop3A_161 : i32 to index
      %parallel_loop3A_163 = tpu.vector_load %arg6[%parallel_loop3A_162] {strides = array<i32>} : memref<16000xf32, #tpu.memory_space<vmem>>, vector<16xf32>,
      %parallel_loop3A_164 = arith.constant 40 : i32
      %parallel_loop3A_165 = arith.muli %parallel_loop3A_82, %parallel_loop3A_164 : i32
      %parallel_loop3A_166 = arith.constant 10 : i32
      %parallel_loop3A_167 = arith.addi %parallel_loop3A_165, %parallel_loop3A_166 : i32
      %parallel_loop3A_168 = arith.constant 16 : i32
      %parallel_loop3A_169 = arith.muli %parallel_loop3A_167, %parallel_loop3A_168 : i32
      %parallel_loop3A_170 = arith.index_cast %parallel_loop3A_169 : i32 to index
      %parallel_loop3A_171 = tpu.vector_load %arg6[%parallel_loop3A_170] {strides = array<i32>} : memref<16000xf32, #tpu.memory_space<vmem>>, vector<16xf32>,
      %parallel_loop3A_172 = arith.constant 40 : i32
      %parallel_loop3A_173 = arith.muli %parallel_loop3A_82, %parallel_loop3A_172 : i32
      %parallel_loop3A_174 = arith.constant 11 : i32
      %parallel_loop3A_175 = arith.addi %parallel_loop3A_173, %parallel_loop3A_174 : i32
      %parallel_loop3A_176 = arith.constant 16 : i32
      %parallel_loop3A_177 = arith.muli %parallel_loop3A_175, %parallel_loop3A_176 : i32
      %parallel_loop3A_178 = arith.index_cast %parallel_loop3A_177 : i32 to index
      %parallel_loop3A_179 = tpu.vector_load %arg6[%parallel_loop3A_178] {strides = array<i32>} : memref<16000xf32, #tpu.memory_space<vmem>>, vector<16xf32>,
      %parallel_loop3A_180 = arith.constant 40 : i32
      %parallel_loop3A_181 = arith.muli %parallel_loop3A_82, %parallel_loop3A_180 : i32
      %parallel_loop3A_182 = arith.constant 12 : i32
      %parallel_loop3A_183 = arith.addi %parallel_loop3A_181, %parallel_loop3A_182 : i32
      %parallel_loop3A_184 = arith.constant 16 : i32
      %parallel_loop3A_185 = arith.muli %parallel_loop3A_183, %parallel_loop3A_184 : i32
      %parallel_loop3A_186 = arith.index_cast %parallel_loop3A_185 : i32 to index
      %parallel_loop3A_187 = tpu.vector_load %arg6[%parallel_loop3A_186] {strides = array<i32>} : memref<16000xf32, #tpu.memory_space<vmem>>, vector<16xf32>,
      %parallel_loop3A_188 = arith.constant 40 : i32
      %parallel_loop3A_189 = arith.muli %parallel_loop3A_82, %parallel_loop3A_188 : i32
      %parallel_loop3A_190 = arith.constant 13 : i32
      %parallel_loop3A_191 = arith.addi %parallel_loop3A_189, %parallel_loop3A_190 : i32
      %parallel_loop3A_192 = arith.constant 16 : i32
      %parallel_loop3A_193 = arith.muli %parallel_loop3A_191, %parallel_loop3A_192 : i32
      %parallel_loop3A_194 = arith.index_cast %parallel_loop3A_193 : i32 to index
      %parallel_loop3A_195 = tpu.vector_load %arg6[%parallel_loop3A_194] {strides = array<i32>} : memref<16000xf32, #tpu.memory_space<vmem>>, vector<16xf32>,
      %parallel_loop3A_196 = arith.constant 40 : i32
      %parallel_loop3A_197 = arith.muli %parallel_loop3A_82, %parallel_loop3A_196 : i32
      %parallel_loop3A_198 = arith.constant 14 : i32
      %parallel_loop3A_199 = arith.addi %parallel_loop3A_197, %parallel_loop3A_198 : i32
      %parallel_loop3A_200 = arith.constant 16 : i32
      %parallel_loop3A_201 = arith.muli %parallel_loop3A_199, %parallel_loop3A_200 : i32
      %parallel_loop3A_202 = arith.index_cast %parallel_loop3A_201 : i32 to index
      %parallel_loop3A_203 = tpu.vector_load %arg6[%parallel_loop3A_202] {strides = array<i32>} : memref<16000xf32, #tpu.memory_space<vmem>>, vector<16xf32>,
      %parallel_loop3A_204 = arith.constant 40 : i32
      %parallel_loop3A_205 = arith.muli %parallel_loop3A_82, %parallel_loop3A_204 : i32
      %parallel_loop3A_206 = arith.constant 15 : i32
      %parallel_loop3A_207 = arith.addi %parallel_loop3A_205, %parallel_loop3A_206 : i32
      %parallel_loop3A_208 = arith.constant 16 : i32
      %parallel_loop3A_209 = arith.muli %parallel_loop3A_207, %parallel_loop3A_208 : i32
      %parallel_loop3A_210 = arith.index_cast %parallel_loop3A_209 : i32 to index
      %parallel_loop3A_211 = tpu.vector_load %arg6[%parallel_loop3A_210] {strides = array<i32>} : memref<16000xf32, #tpu.memory_space<vmem>>, vector<16xf32>,
      %parallel_loop3A_212 = arith.constant 40 : i32
      %parallel_loop3A_213 = arith.muli %parallel_loop3A_82, %parallel_loop3A_212 : i32
      %parallel_loop3A_214 = arith.constant 16 : i32
      %parallel_loop3A_215 = arith.addi %parallel_loop3A_213, %parallel_loop3A_214 : i32
      %parallel_loop3A_216 = arith.constant 16 : i32
      %parallel_loop3A_217 = arith.muli %parallel_loop3A_215, %parallel_loop3A_216 : i32
      %parallel_loop3A_218 = arith.index_cast %parallel_loop3A_217 : i32 to index
      %parallel_loop3A_219 = tpu.vector_load %arg6[%parallel_loop3A_218] {strides = array<i32>} : memref<16000xf32, #tpu.memory_space<vmem>>, vector<16xf32>,
      %parallel_loop3A_220 = arith.constant 40 : i32
      %parallel_loop3A_221 = arith.muli %parallel_loop3A_82, %parallel_loop3A_220 : i32
      %parallel_loop3A_222 = arith.constant 17 : i32
      %parallel_loop3A_223 = arith.addi %parallel_loop3A_221, %parallel_loop3A_222 : i32
      %parallel_loop3A_224 = arith.constant 16 : i32
      %parallel_loop3A_225 = arith.muli %parallel_loop3A_223, %parallel_loop3A_224 : i32
      %parallel_loop3A_226 = arith.index_cast %parallel_loop3A_225 : i32 to index
      %parallel_loop3A_227 = tpu.vector_load %arg6[%parallel_loop3A_226] {strides = array<i32>} : memref<16000xf32, #tpu.memory_space<vmem>>, vector<16xf32>,
      %parallel_loop3A_228 = arith.constant 40 : i32
      %parallel_loop3A_229 = arith.muli %parallel_loop3A_82, %parallel_loop3A_228 : i32
      %parallel_loop3A_230 = arith.constant 18 : i32
      %parallel_loop3A_231 = arith.addi %parallel_loop3A_229, %parallel_loop3A_230 : i32
      %parallel_loop3A_232 = arith.constant 16 : i32
      %parallel_loop3A_233 = arith.muli %parallel_loop3A_231, %parallel_loop3A_232 : i32
      %parallel_loop3A_234 = arith.index_cast %parallel_loop3A_233 : i32 to index
      %parallel_loop3A_235 = tpu.vector_load %arg6[%parallel_loop3A_234] {strides = array<i32>} : memref<16000xf32, #tpu.memory_space<vmem>>, vector<16xf32>,
      %parallel_loop3A_236 = arith.constant 40 : i32
      %parallel_loop3A_237 = arith.muli %parallel_loop3A_82, %parallel_loop3A_236 : i32
      %parallel_loop3A_238 = arith.constant 19 : i32
      %parallel_loop3A_239 = arith.addi %parallel_loop3A_237, %parallel_loop3A_238 : i32
      %parallel_loop3A_240 = arith.constant 16 : i32
      %parallel_loop3A_241 = arith.muli %parallel_loop3A_239, %parallel_loop3A_240 : i32
      %parallel_loop3A_242 = arith.index_cast %parallel_loop3A_241 : i32 to index
      %parallel_loop3A_243 = tpu.vector_load %arg6[%parallel_loop3A_242] {strides = array<i32>} : memref<16000xf32, #tpu.memory_space<vmem>>, vector<16xf32>,
      %parallel_loop3A_244 = arith.constant 40 : i32
      %parallel_loop3A_245 = arith.muli %parallel_loop3A_82, %parallel_loop3A_244 : i32
      %parallel_loop3A_246 = arith.constant 20 : i32
      %parallel_loop3A_247 = arith.addi %parallel_loop3A_245, %parallel_loop3A_246 : i32
      %parallel_loop3A_248 = arith.constant 16 : i32
      %parallel_loop3A_249 = arith.muli %parallel_loop3A_247, %parallel_loop3A_248 : i32
      %parallel_loop3A_250 = arith.index_cast %parallel_loop3A_249 : i32 to index
      %parallel_loop3A_251 = tpu.vector_load %arg6[%parallel_loop3A_250] {strides = array<i32>} : memref<16000xf32, #tpu.memory_space<vmem>>, vector<16xf32>,
      %parallel_loop3A_252 = arith.constant 40 : i32
      %parallel_loop3A_253 = arith.muli %parallel_loop3A_82, %parallel_loop3A_252 : i32
      %parallel_loop3A_254 = arith.constant 21 : i32
      %parallel_loop3A_255 = arith.addi %parallel_loop3A_253, %parallel_loop3A_254 : i32
      %parallel_loop3A_256 = arith.constant 16 : i32
      %parallel_loop3A_257 = arith.muli %parallel_loop3A_255, %parallel_loop3A_256 : i32
      %parallel_loop3A_258 = arith.index_cast %parallel_loop3A_257 : i32 to index
      %parallel_loop3A_259 = tpu.vector_load %arg6[%parallel_loop3A_258] {strides = array<i32>} : memref<16000xf32, #tpu.memory_space<vmem>>, vector<16xf32>,
      %parallel_loop3A_260 = arith.constant 40 : i32
      %parallel_loop3A_261 = arith.muli %parallel_loop3A_82, %parallel_loop3A_260 : i32
      %parallel_loop3A_262 = arith.constant 22 : i32
      %parallel_loop3A_263 = arith.addi %parallel_loop3A_261, %parallel_loop3A_262 : i32
      %parallel_loop3A_264 = arith.constant 16 : i32
      %parallel_loop3A_265 = arith.muli %parallel_loop3A_263, %parallel_loop3A_264 : i32
      %parallel_loop3A_266 = arith.index_cast %parallel_loop3A_265 : i32 to index
      %parallel_loop3A_267 = tpu.vector_load %arg6[%parallel_loop3A_266] {strides = array<i32>} : memref<16000xf32, #tpu.memory_space<vmem>>, vector<16xf32>,
      %parallel_loop3A_268 = arith.constant 40 : i32
      %parallel_loop3A_269 = arith.muli %parallel_loop3A_82, %parallel_loop3A_268 : i32
      %parallel_loop3A_270 = arith.constant 23 : i32
      %parallel_loop3A_271 = arith.addi %parallel_loop3A_269, %parallel_loop3A_270 : i32
      %parallel_loop3A_272 = arith.constant 16 : i32
      %parallel_loop3A_273 = arith.muli %parallel_loop3A_271, %parallel_loop3A_272 : i32
      %parallel_loop3A_274 = arith.index_cast %parallel_loop3A_273 : i32 to index
      %parallel_loop3A_275 = tpu.vector_load %arg6[%parallel_loop3A_274] {strides = array<i32>} : memref<16000xf32, #tpu.memory_space<vmem>>, vector<16xf32>,
      %parallel_loop3A_276 = arith.constant 40 : i32
      %parallel_loop3A_277 = arith.muli %parallel_loop3A_82, %parallel_loop3A_276 : i32
      %parallel_loop3A_278 = arith.constant 24 : i32
      %parallel_loop3A_279 = arith.addi %parallel_loop3A_277, %parallel_loop3A_278 : i32
      %parallel_loop3A_280 = arith.constant 16 : i32
      %parallel_loop3A_281 = arith.muli %parallel_loop3A_279, %parallel_loop3A_280 : i32
      %parallel_loop3A_282 = arith.index_cast %parallel_loop3A_281 : i32 to index
      %parallel_loop3A_283 = tpu.vector_load %arg6[%parallel_loop3A_282] {strides = array<i32>} : memref<16000xf32, #tpu.memory_space<vmem>>, vector<16xf32>,
      %parallel_loop3A_284 = arith.constant 40 : i32
      %parallel_loop3A_285 = arith.muli %parallel_loop3A_82, %parallel_loop3A_284 : i32
      %parallel_loop3A_286 = arith.constant 25 : i32
      %parallel_loop3A_287 = arith.addi %parallel_loop3A_285, %parallel_loop3A_286 : i32
      %parallel_loop3A_288 = arith.constant 16 : i32
      %parallel_loop3A_289 = arith.muli %parallel_loop3A_287, %parallel_loop3A_288 : i32
      %parallel_loop3A_290 = arith.index_cast %parallel_loop3A_289 : i32 to index
      %parallel_loop3A_291 = tpu.vector_load %arg6[%parallel_loop3A_290] {strides = array<i32>} : memref<16000xf32, #tpu.memory_space<vmem>>, vector<16xf32>,
      %parallel_loop3A_292 = arith.constant 40 : i32
      %parallel_loop3A_293 = arith.muli %parallel_loop3A_82, %parallel_loop3A_292 : i32
      %parallel_loop3A_294 = arith.constant 26 : i32
      %parallel_loop3A_295 = arith.addi %parallel_loop3A_293, %parallel_loop3A_294 : i32
      %parallel_loop3A_296 = arith.constant 16 : i32
      %parallel_loop3A_297 = arith.muli %parallel_loop3A_295, %parallel_loop3A_296 : i32
      %parallel_loop3A_298 = arith.index_cast %parallel_loop3A_297 : i32 to index
      %parallel_loop3A_299 = tpu.vector_load %arg6[%parallel_loop3A_298] {strides = array<i32>} : memref<16000xf32, #tpu.memory_space<vmem>>, vector<16xf32>,
      %parallel_loop3A_300 = arith.constant 40 : i32
      %parallel_loop3A_301 = arith.muli %parallel_loop3A_82, %parallel_loop3A_300 : i32
      %parallel_loop3A_302 = arith.constant 27 : i32
      %parallel_loop3A_303 = arith.addi %parallel_loop3A_301, %parallel_loop3A_302 : i32
      %parallel_loop3A_304 = arith.constant 16 : i32
      %parallel_loop3A_305 = arith.muli %parallel_loop3A_303, %parallel_loop3A_304 : i32
      %parallel_loop3A_306 = arith.index_cast %parallel_loop3A_305 : i32 to index
      %parallel_loop3A_307 = tpu.vector_load %arg6[%parallel_loop3A_306] {strides = array<i32>} : memref<16000xf32, #tpu.memory_space<vmem>>, vector<16xf32>,
      %parallel_loop3A_308 = arith.constant 40 : i32
      %parallel_loop3A_309 = arith.muli %parallel_loop3A_82, %parallel_loop3A_308 : i32
      %parallel_loop3A_310 = arith.constant 28 : i32
      %parallel_loop3A_311 = arith.addi %parallel_loop3A_309, %parallel_loop3A_310 : i32
      %parallel_loop3A_312 = arith.constant 16 : i32
      %parallel_loop3A_313 = arith.muli %parallel_loop3A_311, %parallel_loop3A_312 : i32
      %parallel_loop3A_314 = arith.index_cast %parallel_loop3A_313 : i32 to index
      %parallel_loop3A_315 = tpu.vector_load %arg6[%parallel_loop3A_314] {strides = array<i32>} : memref<16000xf32, #tpu.memory_space<vmem>>, vector<16xf32>,
      %parallel_loop3A_316 = arith.constant 40 : i32
      %parallel_loop3A_317 = arith.muli %parallel_loop3A_82, %parallel_loop3A_316 : i32
      %parallel_loop3A_318 = arith.constant 29 : i32
      %parallel_loop3A_319 = arith.addi %parallel_loop3A_317, %parallel_loop3A_318 : i32
      %parallel_loop3A_320 = arith.constant 16 : i32
      %parallel_loop3A_321 = arith.muli %parallel_loop3A_319, %parallel_loop3A_320 : i32
      %parallel_loop3A_322 = arith.index_cast %parallel_loop3A_321 : i32 to index
      %parallel_loop3A_323 = tpu.vector_load %arg6[%parallel_loop3A_322] {strides = array<i32>} : memref<16000xf32, #tpu.memory_space<vmem>>, vector<16xf32>,
      %parallel_loop3A_324 = arith.constant 40 : i32
      %parallel_loop3A_325 = arith.muli %parallel_loop3A_82, %parallel_loop3A_324 : i32
      %parallel_loop3A_326 = arith.constant 30 : i32
      %parallel_loop3A_327 = arith.addi %parallel_loop3A_325, %parallel_loop3A_326 : i32
      %parallel_loop3A_328 = arith.constant 16 : i32
      %parallel_loop3A_329 = arith.muli %parallel_loop3A_327, %parallel_loop3A_328 : i32
      %parallel_loop3A_330 = arith.index_cast %parallel_loop3A_329 : i32 to index
      %parallel_loop3A_331 = tpu.vector_load %arg6[%parallel_loop3A_330] {strides = array<i32>} : memref<16000xf32, #tpu.memory_space<vmem>>, vector<16xf32>,
      %parallel_loop3A_332 = arith.constant 40 : i32
      %parallel_loop3A_333 = arith.muli %parallel_loop3A_82, %parallel_loop3A_332 : i32
      %parallel_loop3A_334 = arith.constant 31 : i32
      %parallel_loop3A_335 = arith.addi %parallel_loop3A_333, %parallel_loop3A_334 : i32
      %parallel_loop3A_336 = arith.constant 16 : i32
      %parallel_loop3A_337 = arith.muli %parallel_loop3A_335, %parallel_loop3A_336 : i32
      %parallel_loop3A_338 = arith.index_cast %parallel_loop3A_337 : i32 to index
      %parallel_loop3A_339 = tpu.vector_load %arg6[%parallel_loop3A_338] {strides = array<i32>} : memref<16000xf32, #tpu.memory_space<vmem>>, vector<16xf32>,
      %parallel_loop3A_340 = arith.constant 40 : i32
      %parallel_loop3A_341 = arith.muli %parallel_loop3A_82, %parallel_loop3A_340 : i32
      %parallel_loop3A_342 = arith.constant 32 : i32
      %parallel_loop3A_343 = arith.addi %parallel_loop3A_341, %parallel_loop3A_342 : i32
      %parallel_loop3A_344 = arith.constant 16 : i32
      %parallel_loop3A_345 = arith.muli %parallel_loop3A_343, %parallel_loop3A_344 : i32
      %parallel_loop3A_346 = arith.index_cast %parallel_loop3A_345 : i32 to index
      %parallel_loop3A_347 = tpu.vector_load %arg6[%parallel_loop3A_346] {strides = array<i32>} : memref<16000xf32, #tpu.memory_space<vmem>>, vector<16xf32>,
      %parallel_loop3A_348 = arith.constant 40 : i32
      %parallel_loop3A_349 = arith.muli %parallel_loop3A_82, %parallel_loop3A_348 : i32
      %parallel_loop3A_350 = arith.constant 33 : i32
      %parallel_loop3A_351 = arith.addi %parallel_loop3A_349, %parallel_loop3A_350 : i32
      %parallel_loop3A_352 = arith.constant 16 : i32
      %parallel_loop3A_353 = arith.muli %parallel_loop3A_351, %parallel_loop3A_352 : i32
      %parallel_loop3A_354 = arith.index_cast %parallel_loop3A_353 : i32 to index
      %parallel_loop3A_355 = tpu.vector_load %arg6[%parallel_loop3A_354] {strides = array<i32>} : memref<16000xf32, #tpu.memory_space<vmem>>, vector<16xf32>,
      %parallel_loop3A_356 = arith.constant 40 : i32
      %parallel_loop3A_357 = arith.muli %parallel_loop3A_82, %parallel_loop3A_356 : i32
      %parallel_loop3A_358 = arith.constant 34 : i32
      %parallel_loop3A_359 = arith.addi %parallel_loop3A_357, %parallel_loop3A_358 : i32
      %parallel_loop3A_360 = arith.constant 16 : i32
      %parallel_loop3A_361 = arith.muli %parallel_loop3A_359, %parallel_loop3A_360 : i32
      %parallel_loop3A_362 = arith.index_cast %parallel_loop3A_361 : i32 to index
      %parallel_loop3A_363 = tpu.vector_load %arg6[%parallel_loop3A_362] {strides = array<i32>} : memref<16000xf32, #tpu.memory_space<vmem>>, vector<16xf32>,
      %parallel_loop3A_364 = arith.constant 40 : i32
      %parallel_loop3A_365 = arith.muli %parallel_loop3A_82, %parallel_loop3A_364 : i32
      %parallel_loop3A_366 = arith.constant 35 : i32
      %parallel_loop3A_367 = arith.addi %parallel_loop3A_365, %parallel_loop3A_366 : i32
      %parallel_loop3A_368 = arith.constant 16 : i32
      %parallel_loop3A_369 = arith.muli %parallel_loop3A_367, %parallel_loop3A_368 : i32
      %parallel_loop3A_370 = arith.index_cast %parallel_loop3A_369 : i32 to index
      %parallel_loop3A_371 = tpu.vector_load %arg6[%parallel_loop3A_370] {strides = array<i32>} : memref<16000xf32, #tpu.memory_space<vmem>>, vector<16xf32>,
      %parallel_loop3A_372 = arith.constant 40 : i32
      %parallel_loop3A_373 = arith.muli %parallel_loop3A_82, %parallel_loop3A_372 : i32
      %parallel_loop3A_374 = arith.constant 36 : i32
      %parallel_loop3A_375 = arith.addi %parallel_loop3A_373, %parallel_loop3A_374 : i32
      %parallel_loop3A_376 = arith.constant 16 : i32
      %parallel_loop3A_377 = arith.muli %parallel_loop3A_375, %parallel_loop3A_376 : i32
      %parallel_loop3A_378 = arith.index_cast %parallel_loop3A_377 : i32 to index
      %parallel_loop3A_379 = tpu.vector_load %arg6[%parallel_loop3A_378] {strides = array<i32>} : memref<16000xf32, #tpu.memory_space<vmem>>, vector<16xf32>,
      %parallel_loop3A_380 = arith.constant 40 : i32
      %parallel_loop3A_381 = arith.muli %parallel_loop3A_82, %parallel_loop3A_380 : i32
      %parallel_loop3A_382 = arith.constant 37 : i32
      %parallel_loop3A_383 = arith.addi %parallel_loop3A_381, %parallel_loop3A_382 : i32
      %parallel_loop3A_384 = arith.constant 16 : i32
      %parallel_loop3A_385 = arith.muli %parallel_loop3A_383, %parallel_loop3A_384 : i32
      %parallel_loop3A_386 = arith.index_cast %parallel_loop3A_385 : i32 to index
      %parallel_loop3A_387 = tpu.vector_load %arg6[%parallel_loop3A_386] {strides = array<i32>} : memref<16000xf32, #tpu.memory_space<vmem>>, vector<16xf32>,
      %parallel_loop3A_388 = arith.constant 40 : i32
      %parallel_loop3A_389 = arith.muli %parallel_loop3A_82, %parallel_loop3A_388 : i32
      %parallel_loop3A_390 = arith.constant 38 : i32
      %parallel_loop3A_391 = arith.addi %parallel_loop3A_389, %parallel_loop3A_390 : i32
      %parallel_loop3A_392 = arith.constant 16 : i32
      %parallel_loop3A_393 = arith.muli %parallel_loop3A_391, %parallel_loop3A_392 : i32
      %parallel_loop3A_394 = arith.index_cast %parallel_loop3A_393 : i32 to index
      %parallel_loop3A_395 = tpu.vector_load %arg6[%parallel_loop3A_394] {strides = array<i32>} : memref<16000xf32, #tpu.memory_space<vmem>>, vector<16xf32>,
      %parallel_loop3A_396 = arith.constant 40 : i32
      %parallel_loop3A_397 = arith.muli %parallel_loop3A_82, %parallel_loop3A_396 : i32
      %parallel_loop3A_398 = arith.constant 39 : i32
      %parallel_loop3A_399 = arith.addi %parallel_loop3A_397, %parallel_loop3A_398 : i32
      %parallel_loop3A_400 = arith.constant 16 : i32
      %parallel_loop3A_401 = arith.muli %parallel_loop3A_399, %parallel_loop3A_400 : i32
      %parallel_loop3A_402 = arith.index_cast %parallel_loop3A_401 : i32 to index
      %parallel_loop3A_403 = tpu.vector_load %arg6[%parallel_loop3A_402] {strides = array<i32>} : memref<16000xf32, #tpu.memory_space<vmem>>, vector<16xf32>,
      %parallel_loop3A_404 = arith.maximumf %parallel_loop3A_91, %parallel_loop3A_99 : vector<16xf32>
      %parallel_loop3A_405 = arith.maximumf %parallel_loop3A_107, %parallel_loop3A_115 : vector<16xf32>
      %parallel_loop3A_406 = arith.maximumf %parallel_loop3A_123, %parallel_loop3A_131 : vector<16xf32>
      %parallel_loop3A_407 = arith.maximumf %parallel_loop3A_139, %parallel_loop3A_147 : vector<16xf32>
      %parallel_loop3A_408 = arith.maximumf %parallel_loop3A_155, %parallel_loop3A_163 : vector<16xf32>
      %parallel_loop3A_409 = arith.maximumf %parallel_loop3A_171, %parallel_loop3A_179 : vector<16xf32>
      %parallel_loop3A_410 = arith.maximumf %parallel_loop3A_187, %parallel_loop3A_195 : vector<16xf32>
      %parallel_loop3A_411 = arith.maximumf %parallel_loop3A_203, %parallel_loop3A_211 : vector<16xf32>
      %parallel_loop3A_412 = arith.maximumf %parallel_loop3A_219, %parallel_loop3A_227 : vector<16xf32>
      %parallel_loop3A_413 = arith.maximumf %parallel_loop3A_235, %parallel_loop3A_243 : vector<16xf32>
      %parallel_loop3A_414 = arith.maximumf %parallel_loop3A_251, %parallel_loop3A_259 : vector<16xf32>
      %parallel_loop3A_415 = arith.maximumf %parallel_loop3A_267, %parallel_loop3A_275 : vector<16xf32>
      %parallel_loop3A_416 = arith.maximumf %parallel_loop3A_283, %parallel_loop3A_291 : vector<16xf32>
      %parallel_loop3A_417 = arith.maximumf %parallel_loop3A_299, %parallel_loop3A_307 : vector<16xf32>
      %parallel_loop3A_418 = arith.maximumf %parallel_loop3A_315, %parallel_loop3A_323 : vector<16xf32>
      %parallel_loop3A_419 = arith.maximumf %parallel_loop3A_331, %parallel_loop3A_339 : vector<16xf32>
      %parallel_loop3A_420 = arith.maximumf %parallel_loop3A_347, %parallel_loop3A_355 : vector<16xf32>
      %parallel_loop3A_421 = arith.maximumf %parallel_loop3A_363, %parallel_loop3A_371 : vector<16xf32>
      %parallel_loop3A_422 = arith.maximumf %parallel_loop3A_379, %parallel_loop3A_387 : vector<16xf32>
      %parallel_loop3A_423 = arith.maximumf %parallel_loop3A_395, %parallel_loop3A_403 : vector<16xf32>
      %parallel_loop3A_424 = arith.maximumf %parallel_loop3A_404, %parallel_loop3A_405 : vector<16xf32>
      %parallel_loop3A_425 = arith.maximumf %parallel_loop3A_406, %parallel_loop3A_407 : vector<16xf32>
      %parallel_loop3A_426 = arith.maximumf %parallel_loop3A_408, %parallel_loop3A_409 : vector<16xf32>
      %parallel_loop3A_427 = arith.maximumf %parallel_loop3A_410, %parallel_loop3A_411 : vector<16xf32>
      %parallel_loop3A_428 = arith.maximumf %parallel_loop3A_412, %parallel_loop3A_413 : vector<16xf32>
      %parallel_loop3A_429 = arith.maximumf %parallel_loop3A_414, %parallel_loop3A_415 : vector<16xf32>
      %parallel_loop3A_430 = arith.maximumf %parallel_loop3A_416, %parallel_loop3A_417 : vector<16xf32>
      %parallel_loop3A_431 = arith.maximumf %parallel_loop3A_418, %parallel_loop3A_419 : vector<16xf32>
      %parallel_loop3A_432 = arith.maximumf %parallel_loop3A_420, %parallel_loop3A_421 : vector<16xf32>
      %parallel_loop3A_433 = arith.maximumf %parallel_loop3A_422, %parallel_loop3A_423 : vector<16xf32>
      %parallel_loop3A_434 = arith.maximumf %parallel_loop3A_424, %parallel_loop3A_425 : vector<16xf32>
      %parallel_loop3A_435 = arith.maximumf %parallel_loop3A_426, %parallel_loop3A_427 : vector<16xf32>
      %parallel_loop3A_436 = arith.maximumf %parallel_loop3A_428, %parallel_loop3A_429 : vector<16xf32>
      %parallel_loop3A_437 = arith.maximumf %parallel_loop3A_430, %parallel_loop3A_431 : vector<16xf32>
      %parallel_loop3A_438 = arith.maximumf %parallel_loop3A_432, %parallel_loop3A_433 : vector<16xf32>
      %parallel_loop3A_439 = arith.maximumf %parallel_loop3A_434, %parallel_loop3A_435 : vector<16xf32>
      %parallel_loop3A_440 = arith.maximumf %parallel_loop3A_436, %parallel_loop3A_437 : vector<16xf32>
      %parallel_loop3A_441 = arith.maximumf %parallel_loop3A_439, %parallel_loop3A_440 : vector<16xf32>
      %parallel_loop3A_442 = arith.maximumf %parallel_loop3A_441, %parallel_loop3A_438 : vector<16xf32>
      %parallel_loop3A_443 = arith.constant true
      %parallel_loop3A_444 = vector.broadcast %parallel_loop3A_443 : i1 to vector<16xi1>
      %parallel_loop3A_445 = tpu.scan <max>, %parallel_loop3A_442 masked %parallel_loop3A_444 : vector<16xf32>, vector<16xi1> -> vector<16xf32>
      %parallel_loop3A_446 = vector.extract %parallel_loop3A_445[15] : f32 from vector<16xf32>
      %parallel_loop3A_447 = arith.cmpf oge, %parallel_loop3A_446, %bitcast_convert_type3A : f32
      %parallel_loop3A_448 = arith.extui %parallel_loop3A_447 : i1 to i32
      %parallel_loop3A_449 = arith.constant 0 : i32
      %parallel_loop3A_450 = arith.cmpi ne, %parallel_loop3A_448, %parallel_loop3A_449 : i32
      %parallel_loop3A_451 = scf.if %parallel_loop3A_450 -> (i32) {
        %parallel_loop3A_452 = arith.constant 40 : i32
        %parallel_loop3A_453 = arith.muli %parallel_loop3A_82, %parallel_loop3A_452 : i32
        %parallel_loop3A_454 = arith.constant 40 : i32
        %parallel_loop3A_455 = arith.muli %parallel_loop3A_82, %parallel_loop3A_454 : i32
        %parallel_loop3A_456 = arith.constant 40 : i32
        %parallel_loop3A_457 = arith.addi %parallel_loop3A_455, %parallel_loop3A_456 : i32
        %parallel_loop3A_458 = arith.subi %parallel_loop3A_457, %parallel_loop3A_453 : i32
        %parallel_loop3A_459 = arith.addi %parallel_loop3A_453, %parallel_loop3A_458 : i32
        %parallel_loop3A_460 = arith.constant 1 : i32
        %parallel_loop3A_461 = arith.divsi %parallel_loop3A_458, %parallel_loop3A_460 : i32
        %parallel_loop3A_462 = arith.muli %parallel_loop3A_461, %parallel_loop3A_460 : i32
        %parallel_loop3A_463 = arith.addi %parallel_loop3A_453, %parallel_loop3A_462 : i32
        %parallel_loop3A_464 = arith.constant 1 : i32
        %parallel_loop3A_465 = scf.for %while3A = %parallel_loop3A_453 to %parallel_loop3A_463 step %parallel_loop3A_464 iter_args(%while3A_468 = %parallel_loop3A_83) -> (i32)  : i32 {
          %parallel_loop3A_469 = arith.constant 16 : i32
          %parallel_loop3A_470 = arith.muli %while3A, %parallel_loop3A_469 : i32
          %parallel_loop3A_471 = arith.index_cast %parallel_loop3A_470 : i32 to index
          %parallel_loop3A_472 = tpu.vector_load %arg6[%parallel_loop3A_471] {strides = array<i32>} : memref<16000xf32, #tpu.memory_space<vmem>>, vector<16xf32>,
          %parallel_loop3A_473 = arith.constant 16000 : i32
          %parallel_loop3A_474 = arith.addi %mul3A_2, %parallel_loop3A_473 : i32
          %parallel_loop3A_475 = arith.constant 16 : i32
          %parallel_loop3A_476 = arith.muli %while3A, %parallel_loop3A_475 : i32
          %parallel_loop3A_477 = arith.addi %parallel_loop3A_474, %parallel_loop3A_476 : i32
          %parallel_loop3A_478 = vector.broadcast %parallel_loop3A_477 : i32 to vector<16xi32>
          %parallel_loop3A_479 = arith.addi %parallel_loop3A_478, %iota3A : vector<16xi32>
          %parallel_loop3A_480 = vector.broadcast %bitcast_convert_type3A : f32 to vector<16xf32>
          %parallel_loop3A_481 = arith.cmpf oge, %parallel_loop3A_472, %parallel_loop3A_480 : vector<16xf32>
          %parallel_loop3A_482 = arith.constant 256 : i32
          %parallel_loop3A_483 = vector.broadcast %parallel_loop3A_482 : i32 to vector<16xi32>
          %parallel_loop3A_484 = arith.cmpi sge, %parallel_loop3A_479, %parallel_loop3A_483 : vector<16xi32>
          %parallel_loop3A_485 = arith.andi %parallel_loop3A_481, %parallel_loop3A_484 : vector<16xi1>
          %parallel_loop3A_486 = arith.constant 1 : i32
          %parallel_loop3A_487 = arith.constant 0 : i32
          %parallel_loop3A_488 = vector.broadcast %parallel_loop3A_486 : i32 to vector<16xi32>
          %parallel_loop3A_489 = vector.broadcast %parallel_loop3A_487 : i32 to vector<16xi32>
          %parallel_loop3A_490 = arith.select %parallel_loop3A_485, %parallel_loop3A_488, %parallel_loop3A_489 : vector<16xi1>, vector<16xi32>
          %parallel_loop3A_491 = arith.constant true
          %parallel_loop3A_492 = vector.broadcast %parallel_loop3A_491 : i1 to vector<16xi1>
          %parallel_loop3A_493 = tpu.scan <sum>, %parallel_loop3A_490 masked %parallel_loop3A_492 : vector<16xi32>, vector<16xi1> -> vector<16xi32>
          %parallel_loop3A_494 = vector.broadcast %while3A_468 : i32 to vector<16xi32>
          %parallel_loop3A_495 = arith.addi %parallel_loop3A_494, %parallel_loop3A_493 : vector<16xi32>
          %parallel_loop3A_496 = arith.constant 1 : i32
          %parallel_loop3A_497 = vector.broadcast %parallel_loop3A_496 : i32 to vector<16xi32>
          %parallel_loop3A_498 = arith.subi %parallel_loop3A_495, %parallel_loop3A_497 : vector<16xi32>
          %parallel_loop3A_499 = arith.constant 32 : i32
          %parallel_loop3A_500 = vector.broadcast %parallel_loop3A_499 : i32 to vector<16xi32>
          %parallel_loop3A_501 = arith.cmpi slt, %parallel_loop3A_498, %parallel_loop3A_500 : vector<16xi32>
          %parallel_loop3A_502 = arith.andi %parallel_loop3A_485, %parallel_loop3A_501 : vector<16xi1>
          %parallel_loop3A_503 = arith.constant 0 : i32
          %parallel_loop3A_504 = vector.broadcast %parallel_loop3A_503 : i32 to vector<16xi32>
          %parallel_loop3A_505 = arith.select %parallel_loop3A_502, %parallel_loop3A_498, %parallel_loop3A_504 : vector<16xi1>, vector<16xi32>
          %parallel_loop3A_506 = arith.constant 7 : i32
          %parallel_loop3A_507 = vector.broadcast %parallel_loop3A_506 : i32 to vector<16xi32>
          %parallel_loop3A_508 = arith.shrui %parallel_loop3A_479, %parallel_loop3A_507 : vector<16xi32>
          %parallel_loop3A_509 = arith.constant 127 : i32
          %parallel_loop3A_510 = vector.broadcast %parallel_loop3A_509 : i32 to vector<16xi32>
          %parallel_loop3A_511 = arith.andi %parallel_loop3A_479, %parallel_loop3A_510 : vector<16xi32>
          tpu.vector_store_idx %arg10[%parallel_loop3A_505], %parallel_loop3A_472 masked %parallel_loop3A_502 : memref<32xf32, #tpu.memory_space<vmem>>[vector<16xi32>], vector<16xf32>, vector<16xi1>
          %parallel_loop3A_512 = arith.constant 117 : i32
          %parallel_loop3A_513 = vector.broadcast %parallel_loop3A_512 : i32 to vector<16xi32>
          %parallel_loop3A_514 = arith.muli %parallel_loop3A_508, %parallel_loop3A_513 : vector<16xi32>
          %parallel_loop3A_515 = arith.addi %parallel_loop3A_514, %parallel_loop3A_511 : vector<16xi32>
          tpu.vector_store_idx %arg11[%parallel_loop3A_505], %parallel_loop3A_515 masked %parallel_loop3A_502 : memref<32xi32, #tpu.memory_space<vmem>>[vector<16xi32>], vector<16xi32>, vector<16xi1>
          %parallel_loop3A_516 = arith.constant true
          %parallel_loop3A_517 = vector.broadcast %parallel_loop3A_516 : i1 to vector<16xi1>
          %parallel_loop3A_518 = tpu.scan <sum>, %parallel_loop3A_490 masked %parallel_loop3A_517 : vector<16xi32>, vector<16xi1> -> vector<16xi32>
          %parallel_loop3A_519 = vector.extract %parallel_loop3A_518[15] : i32 from vector<16xi32>
          %parallel_loop3A_520 = arith.addi %while3A_468, %parallel_loop3A_519 : i32
          scf.yield %parallel_loop3A_520 : i32
        }
        %parallel_loop3A_466 = arith.constant 1 : i32
        %parallel_loop3A_467 = scf.for %while3A = %parallel_loop3A_463 to %parallel_loop3A_459 step %parallel_loop3A_466 iter_args(%while3A_468 = %parallel_loop3A_465) -> (i32)  : i32 {
          %parallel_loop3A_469 = arith.constant 16 : i32
          %parallel_loop3A_470 = arith.muli %while3A, %parallel_loop3A_469 : i32
          %parallel_loop3A_471 = arith.index_cast %parallel_loop3A_470 : i32 to index
          %parallel_loop3A_472 = tpu.vector_load %arg6[%parallel_loop3A_471] {strides = array<i32>} : memref<16000xf32, #tpu.memory_space<vmem>>, vector<16xf32>,
          %parallel_loop3A_473 = arith.constant 16000 : i32
          %parallel_loop3A_474 = arith.addi %mul3A_2, %parallel_loop3A_473 : i32
          %parallel_loop3A_475 = arith.constant 16 : i32
          %parallel_loop3A_476 = arith.muli %while3A, %parallel_loop3A_475 : i32
          %parallel_loop3A_477 = arith.addi %parallel_loop3A_474, %parallel_loop3A_476 : i32
          %parallel_loop3A_478 = vector.broadcast %parallel_loop3A_477 : i32 to vector<16xi32>
          %parallel_loop3A_479 = arith.addi %parallel_loop3A_478, %iota3A : vector<16xi32>
          %parallel_loop3A_480 = vector.broadcast %bitcast_convert_type3A : f32 to vector<16xf32>
          %parallel_loop3A_481 = arith.cmpf oge, %parallel_loop3A_472, %parallel_loop3A_480 : vector<16xf32>
          %parallel_loop3A_482 = arith.constant 256 : i32
          %parallel_loop3A_483 = vector.broadcast %parallel_loop3A_482 : i32 to vector<16xi32>
          %parallel_loop3A_484 = arith.cmpi sge, %parallel_loop3A_479, %parallel_loop3A_483 : vector<16xi32>
          %parallel_loop3A_485 = arith.andi %parallel_loop3A_481, %parallel_loop3A_484 : vector<16xi1>
          %parallel_loop3A_486 = arith.constant 1 : i32
          %parallel_loop3A_487 = arith.constant 0 : i32
          %parallel_loop3A_488 = vector.broadcast %parallel_loop3A_486 : i32 to vector<16xi32>
          %parallel_loop3A_489 = vector.broadcast %parallel_loop3A_487 : i32 to vector<16xi32>
          %parallel_loop3A_490 = arith.select %parallel_loop3A_485, %parallel_loop3A_488, %parallel_loop3A_489 : vector<16xi1>, vector<16xi32>
          %parallel_loop3A_491 = arith.constant true
          %parallel_loop3A_492 = vector.broadcast %parallel_loop3A_491 : i1 to vector<16xi1>
          %parallel_loop3A_493 = tpu.scan <sum>, %parallel_loop3A_490 masked %parallel_loop3A_492 : vector<16xi32>, vector<16xi1> -> vector<16xi32>
          %parallel_loop3A_494 = vector.broadcast %while3A_468 : i32 to vector<16xi32>
          %parallel_loop3A_495 = arith.addi %parallel_loop3A_494, %parallel_loop3A_493 : vector<16xi32>
          %parallel_loop3A_496 = arith.constant 1 : i32
          %parallel_loop3A_497 = vector.broadcast %parallel_loop3A_496 : i32 to vector<16xi32>
          %parallel_loop3A_498 = arith.subi %parallel_loop3A_495, %parallel_loop3A_497 : vector<16xi32>
          %parallel_loop3A_499 = arith.constant 32 : i32
          %parallel_loop3A_500 = vector.broadcast %parallel_loop3A_499 : i32 to vector<16xi32>
          %parallel_loop3A_501 = arith.cmpi slt, %parallel_loop3A_498, %parallel_loop3A_500 : vector<16xi32>
          %parallel_loop3A_502 = arith.andi %parallel_loop3A_485, %parallel_loop3A_501 : vector<16xi1>
          %parallel_loop3A_503 = arith.constant 0 : i32
          %parallel_loop3A_504 = vector.broadcast %parallel_loop3A_503 : i32 to vector<16xi32>
          %parallel_loop3A_505 = arith.select %parallel_loop3A_502, %parallel_loop3A_498, %parallel_loop3A_504 : vector<16xi1>, vector<16xi32>
          %parallel_loop3A_506 = arith.constant 7 : i32
          %parallel_loop3A_507 = vector.broadcast %parallel_loop3A_506 : i32 to vector<16xi32>
          %parallel_loop3A_508 = arith.shrui %parallel_loop3A_479, %parallel_loop3A_507 : vector<16xi32>
          %parallel_loop3A_509 = arith.constant 127 : i32
          %parallel_loop3A_510 = vector.broadcast %parallel_loop3A_509 : i32 to vector<16xi32>
          %parallel_loop3A_511 = arith.andi %parallel_loop3A_479, %parallel_loop3A_510 : vector<16xi32>
          tpu.vector_store_idx %arg10[%parallel_loop3A_505], %parallel_loop3A_472 masked %parallel_loop3A_502 : memref<32xf32, #tpu.memory_space<vmem>>[vector<16xi32>], vector<16xf32>, vector<16xi1>
          %parallel_loop3A_512 = arith.constant 117 : i32
          %parallel_loop3A_513 = vector.broadcast %parallel_loop3A_512 : i32 to vector<16xi32>
          %parallel_loop3A_514 = arith.muli %parallel_loop3A_508, %parallel_loop3A_513 : vector<16xi32>
          %parallel_loop3A_515 = arith.addi %parallel_loop3A_514, %parallel_loop3A_511 : vector<16xi32>
          tpu.vector_store_idx %arg11[%parallel_loop3A_505], %parallel_loop3A_515 masked %parallel_loop3A_502 : memref<32xi32, #tpu.memory_space<vmem>>[vector<16xi32>], vector<16xi32>, vector<16xi1>
          %parallel_loop3A_516 = arith.constant true
          %parallel_loop3A_517 = vector.broadcast %parallel_loop3A_516 : i1 to vector<16xi1>
          %parallel_loop3A_518 = tpu.scan <sum>, %parallel_loop3A_490 masked %parallel_loop3A_517 : vector<16xi32>, vector<16xi1> -> vector<16xi32>
          %parallel_loop3A_519 = vector.extract %parallel_loop3A_518[15] : i32 from vector<16xi32>
          %parallel_loop3A_520 = arith.addi %while3A_468, %parallel_loop3A_519 : i32
          scf.yield %parallel_loop3A_520 : i32
        }
        scf.yield %parallel_loop3A_467 : i32
      } else {
        scf.yield %parallel_loop3A_83 : i32
      }
      scf.yield %parallel_loop3A_451 : i32
    } {sc.loop_unroll_factor = 1 : i64, sc.parallel_access}
    %add3A_48 = arith.constant 48000 : i32
    %add3A_49 = arith.addi %mul3A_2, %add3A_48 : i32
    %dma_start3A_50 = tpu.memref_slice %arg2[%add3A_49] : memref<2560000xf32, #tpu.memory_space<hbm>> -> memref<16000xf32, #tpu.memory_space<hbm>>
    %dma_start3A_51 = tpu.memref_slice %arg2[%add3A_49] : memref<2560000xf32, #tpu.memory_space<hbm>> -> memref<16000xf32, #tpu.memory_space<hbm>>
    tpu.enqueue_dma source(%dma_start3A_51 : memref<16000xf32, #tpu.memory_space<hbm>>) target(%arg6 : memref<16000xf32, #tpu.memory_space<vmem>>) target_semaphore(%arg14 : memref<!tpu.dma_semaphore, #tpu.memory_space<semaphore_mem>>)
    %dma_wait3A_52 = tpu.memref_slice %arg2[%add3A_39] : memref<2560000xf32, #tpu.memory_space<hbm>> -> memref<16000xf32, #tpu.memory_space<hbm>>
    %dma_wait3A_53 = tpu.memref_slice %arg2[%add3A_39] : memref<2560000xf32, #tpu.memory_space<hbm>> -> memref<16000xf32, #tpu.memory_space<hbm>>
    tpu.wait_dma2 semaphore(%arg15 : memref<!tpu.dma_semaphore, #tpu.memory_space<semaphore_mem>>) src(%dma_wait3A_53 : memref<16000xf32, #tpu.memory_space<hbm>>) dst(%arg7 : memref<16000xf32, #tpu.memory_space<vmem>>)
    %parallel_loop3A_54 = arith.constant 0 : i32
    %parallel_loop3A_55 = arith.constant 25 : i32
    %parallel_loop3A_56 = arith.constant 1 : i32
    %parallel_loop3A_57 = scf.for %parallel_loop3A_82 = %parallel_loop3A_54 to %parallel_loop3A_55 step %parallel_loop3A_56 iter_args(%parallel_loop3A_83 = %parallel_loop3A_47) -> (i32)  : i32 {
      %parallel_loop3A_84 = arith.constant 40 : i32
      %parallel_loop3A_85 = arith.muli %parallel_loop3A_82, %parallel_loop3A_84 : i32
      %parallel_loop3A_86 = arith.constant 0 : i32
      %parallel_loop3A_87 = arith.addi %parallel_loop3A_85, %parallel_loop3A_86 : i32
      %parallel_loop3A_88 = arith.constant 16 : i32
      %parallel_loop3A_89 = arith.muli %parallel_loop3A_87, %parallel_loop3A_88 : i32
      %parallel_loop3A_90 = arith.index_cast %parallel_loop3A_89 : i32 to index
      %parallel_loop3A_91 = tpu.vector_load %arg7[%parallel_loop3A_90] {strides = array<i32>} : memref<16000xf32, #tpu.memory_space<vmem>>, vector<16xf32>,
      %parallel_loop3A_92 = arith.constant 40 : i32
      %parallel_loop3A_93 = arith.muli %parallel_loop3A_82, %parallel_loop3A_92 : i32
      %parallel_loop3A_94 = arith.constant 1 : i32
      %parallel_loop3A_95 = arith.addi %parallel_loop3A_93, %parallel_loop3A_94 : i32
      %parallel_loop3A_96 = arith.constant 16 : i32
      %parallel_loop3A_97 = arith.muli %parallel_loop3A_95, %parallel_loop3A_96 : i32
      %parallel_loop3A_98 = arith.index_cast %parallel_loop3A_97 : i32 to index
      %parallel_loop3A_99 = tpu.vector_load %arg7[%parallel_loop3A_98] {strides = array<i32>} : memref<16000xf32, #tpu.memory_space<vmem>>, vector<16xf32>,
      %parallel_loop3A_100 = arith.constant 40 : i32
      %parallel_loop3A_101 = arith.muli %parallel_loop3A_82, %parallel_loop3A_100 : i32
      %parallel_loop3A_102 = arith.constant 2 : i32
      %parallel_loop3A_103 = arith.addi %parallel_loop3A_101, %parallel_loop3A_102 : i32
      %parallel_loop3A_104 = arith.constant 16 : i32
      %parallel_loop3A_105 = arith.muli %parallel_loop3A_103, %parallel_loop3A_104 : i32
      %parallel_loop3A_106 = arith.index_cast %parallel_loop3A_105 : i32 to index
      %parallel_loop3A_107 = tpu.vector_load %arg7[%parallel_loop3A_106] {strides = array<i32>} : memref<16000xf32, #tpu.memory_space<vmem>>, vector<16xf32>,
      %parallel_loop3A_108 = arith.constant 40 : i32
      %parallel_loop3A_109 = arith.muli %parallel_loop3A_82, %parallel_loop3A_108 : i32
      %parallel_loop3A_110 = arith.constant 3 : i32
      %parallel_loop3A_111 = arith.addi %parallel_loop3A_109, %parallel_loop3A_110 : i32
      %parallel_loop3A_112 = arith.constant 16 : i32
      %parallel_loop3A_113 = arith.muli %parallel_loop3A_111, %parallel_loop3A_112 : i32
      %parallel_loop3A_114 = arith.index_cast %parallel_loop3A_113 : i32 to index
      %parallel_loop3A_115 = tpu.vector_load %arg7[%parallel_loop3A_114] {strides = array<i32>} : memref<16000xf32, #tpu.memory_space<vmem>>, vector<16xf32>,
      %parallel_loop3A_116 = arith.constant 40 : i32
      %parallel_loop3A_117 = arith.muli %parallel_loop3A_82, %parallel_loop3A_116 : i32
      %parallel_loop3A_118 = arith.constant 4 : i32
      %parallel_loop3A_119 = arith.addi %parallel_loop3A_117, %parallel_loop3A_118 : i32
      %parallel_loop3A_120 = arith.constant 16 : i32
      %parallel_loop3A_121 = arith.muli %parallel_loop3A_119, %parallel_loop3A_120 : i32
      %parallel_loop3A_122 = arith.index_cast %parallel_loop3A_121 : i32 to index
      %parallel_loop3A_123 = tpu.vector_load %arg7[%parallel_loop3A_122] {strides = array<i32>} : memref<16000xf32, #tpu.memory_space<vmem>>, vector<16xf32>,
      %parallel_loop3A_124 = arith.constant 40 : i32
      %parallel_loop3A_125 = arith.muli %parallel_loop3A_82, %parallel_loop3A_124 : i32
      %parallel_loop3A_126 = arith.constant 5 : i32
      %parallel_loop3A_127 = arith.addi %parallel_loop3A_125, %parallel_loop3A_126 : i32
      %parallel_loop3A_128 = arith.constant 16 : i32
      %parallel_loop3A_129 = arith.muli %parallel_loop3A_127, %parallel_loop3A_128 : i32
      %parallel_loop3A_130 = arith.index_cast %parallel_loop3A_129 : i32 to index
      %parallel_loop3A_131 = tpu.vector_load %arg7[%parallel_loop3A_130] {strides = array<i32>} : memref<16000xf32, #tpu.memory_space<vmem>>, vector<16xf32>,
      %parallel_loop3A_132 = arith.constant 40 : i32
      %parallel_loop3A_133 = arith.muli %parallel_loop3A_82, %parallel_loop3A_132 : i32
      %parallel_loop3A_134 = arith.constant 6 : i32
      %parallel_loop3A_135 = arith.addi %parallel_loop3A_133, %parallel_loop3A_134 : i32
      %parallel_loop3A_136 = arith.constant 16 : i32
      %parallel_loop3A_137 = arith.muli %parallel_loop3A_135, %parallel_loop3A_136 : i32
      %parallel_loop3A_138 = arith.index_cast %parallel_loop3A_137 : i32 to index
      %parallel_loop3A_139 = tpu.vector_load %arg7[%parallel_loop3A_138] {strides = array<i32>} : memref<16000xf32, #tpu.memory_space<vmem>>, vector<16xf32>,
      %parallel_loop3A_140 = arith.constant 40 : i32
      %parallel_loop3A_141 = arith.muli %parallel_loop3A_82, %parallel_loop3A_140 : i32
      %parallel_loop3A_142 = arith.constant 7 : i32
      %parallel_loop3A_143 = arith.addi %parallel_loop3A_141, %parallel_loop3A_142 : i32
      %parallel_loop3A_144 = arith.constant 16 : i32
      %parallel_loop3A_145 = arith.muli %parallel_loop3A_143, %parallel_loop3A_144 : i32
      %parallel_loop3A_146 = arith.index_cast %parallel_loop3A_145 : i32 to index
      %parallel_loop3A_147 = tpu.vector_load %arg7[%parallel_loop3A_146] {strides = array<i32>} : memref<16000xf32, #tpu.memory_space<vmem>>, vector<16xf32>,
      %parallel_loop3A_148 = arith.constant 40 : i32
      %parallel_loop3A_149 = arith.muli %parallel_loop3A_82, %parallel_loop3A_148 : i32
      %parallel_loop3A_150 = arith.constant 8 : i32
      %parallel_loop3A_151 = arith.addi %parallel_loop3A_149, %parallel_loop3A_150 : i32
      %parallel_loop3A_152 = arith.constant 16 : i32
      %parallel_loop3A_153 = arith.muli %parallel_loop3A_151, %parallel_loop3A_152 : i32
      %parallel_loop3A_154 = arith.index_cast %parallel_loop3A_153 : i32 to index
      %parallel_loop3A_155 = tpu.vector_load %arg7[%parallel_loop3A_154] {strides = array<i32>} : memref<16000xf32, #tpu.memory_space<vmem>>, vector<16xf32>,
      %parallel_loop3A_156 = arith.constant 40 : i32
      %parallel_loop3A_157 = arith.muli %parallel_loop3A_82, %parallel_loop3A_156 : i32
      %parallel_loop3A_158 = arith.constant 9 : i32
      %parallel_loop3A_159 = arith.addi %parallel_loop3A_157, %parallel_loop3A_158 : i32
      %parallel_loop3A_160 = arith.constant 16 : i32
      %parallel_loop3A_161 = arith.muli %parallel_loop3A_159, %parallel_loop3A_160 : i32
      %parallel_loop3A_162 = arith.index_cast %parallel_loop3A_161 : i32 to index
      %parallel_loop3A_163 = tpu.vector_load %arg7[%parallel_loop3A_162] {strides = array<i32>} : memref<16000xf32, #tpu.memory_space<vmem>>, vector<16xf32>,
      %parallel_loop3A_164 = arith.constant 40 : i32
      %parallel_loop3A_165 = arith.muli %parallel_loop3A_82, %parallel_loop3A_164 : i32
      %parallel_loop3A_166 = arith.constant 10 : i32
      %parallel_loop3A_167 = arith.addi %parallel_loop3A_165, %parallel_loop3A_166 : i32
      %parallel_loop3A_168 = arith.constant 16 : i32
      %parallel_loop3A_169 = arith.muli %parallel_loop3A_167, %parallel_loop3A_168 : i32
      %parallel_loop3A_170 = arith.index_cast %parallel_loop3A_169 : i32 to index
      %parallel_loop3A_171 = tpu.vector_load %arg7[%parallel_loop3A_170] {strides = array<i32>} : memref<16000xf32, #tpu.memory_space<vmem>>, vector<16xf32>,
      %parallel_loop3A_172 = arith.constant 40 : i32
      %parallel_loop3A_173 = arith.muli %parallel_loop3A_82, %parallel_loop3A_172 : i32
      %parallel_loop3A_174 = arith.constant 11 : i32
      %parallel_loop3A_175 = arith.addi %parallel_loop3A_173, %parallel_loop3A_174 : i32
      %parallel_loop3A_176 = arith.constant 16 : i32
      %parallel_loop3A_177 = arith.muli %parallel_loop3A_175, %parallel_loop3A_176 : i32
      %parallel_loop3A_178 = arith.index_cast %parallel_loop3A_177 : i32 to index
      %parallel_loop3A_179 = tpu.vector_load %arg7[%parallel_loop3A_178] {strides = array<i32>} : memref<16000xf32, #tpu.memory_space<vmem>>, vector<16xf32>,
      %parallel_loop3A_180 = arith.constant 40 : i32
      %parallel_loop3A_181 = arith.muli %parallel_loop3A_82, %parallel_loop3A_180 : i32
      %parallel_loop3A_182 = arith.constant 12 : i32
      %parallel_loop3A_183 = arith.addi %parallel_loop3A_181, %parallel_loop3A_182 : i32
      %parallel_loop3A_184 = arith.constant 16 : i32
      %parallel_loop3A_185 = arith.muli %parallel_loop3A_183, %parallel_loop3A_184 : i32
      %parallel_loop3A_186 = arith.index_cast %parallel_loop3A_185 : i32 to index
      %parallel_loop3A_187 = tpu.vector_load %arg7[%parallel_loop3A_186] {strides = array<i32>} : memref<16000xf32, #tpu.memory_space<vmem>>, vector<16xf32>,
      %parallel_loop3A_188 = arith.constant 40 : i32
      %parallel_loop3A_189 = arith.muli %parallel_loop3A_82, %parallel_loop3A_188 : i32
      %parallel_loop3A_190 = arith.constant 13 : i32
      %parallel_loop3A_191 = arith.addi %parallel_loop3A_189, %parallel_loop3A_190 : i32
      %parallel_loop3A_192 = arith.constant 16 : i32
      %parallel_loop3A_193 = arith.muli %parallel_loop3A_191, %parallel_loop3A_192 : i32
      %parallel_loop3A_194 = arith.index_cast %parallel_loop3A_193 : i32 to index
      %parallel_loop3A_195 = tpu.vector_load %arg7[%parallel_loop3A_194] {strides = array<i32>} : memref<16000xf32, #tpu.memory_space<vmem>>, vector<16xf32>,
      %parallel_loop3A_196 = arith.constant 40 : i32
      %parallel_loop3A_197 = arith.muli %parallel_loop3A_82, %parallel_loop3A_196 : i32
      %parallel_loop3A_198 = arith.constant 14 : i32
      %parallel_loop3A_199 = arith.addi %parallel_loop3A_197, %parallel_loop3A_198 : i32
      %parallel_loop3A_200 = arith.constant 16 : i32
      %parallel_loop3A_201 = arith.muli %parallel_loop3A_199, %parallel_loop3A_200 : i32
      %parallel_loop3A_202 = arith.index_cast %parallel_loop3A_201 : i32 to index
      %parallel_loop3A_203 = tpu.vector_load %arg7[%parallel_loop3A_202] {strides = array<i32>} : memref<16000xf32, #tpu.memory_space<vmem>>, vector<16xf32>,
      %parallel_loop3A_204 = arith.constant 40 : i32
      %parallel_loop3A_205 = arith.muli %parallel_loop3A_82, %parallel_loop3A_204 : i32
      %parallel_loop3A_206 = arith.constant 15 : i32
      %parallel_loop3A_207 = arith.addi %parallel_loop3A_205, %parallel_loop3A_206 : i32
      %parallel_loop3A_208 = arith.constant 16 : i32
      %parallel_loop3A_209 = arith.muli %parallel_loop3A_207, %parallel_loop3A_208 : i32
      %parallel_loop3A_210 = arith.index_cast %parallel_loop3A_209 : i32 to index
      %parallel_loop3A_211 = tpu.vector_load %arg7[%parallel_loop3A_210] {strides = array<i32>} : memref<16000xf32, #tpu.memory_space<vmem>>, vector<16xf32>,
      %parallel_loop3A_212 = arith.constant 40 : i32
      %parallel_loop3A_213 = arith.muli %parallel_loop3A_82, %parallel_loop3A_212 : i32
      %parallel_loop3A_214 = arith.constant 16 : i32
      %parallel_loop3A_215 = arith.addi %parallel_loop3A_213, %parallel_loop3A_214 : i32
      %parallel_loop3A_216 = arith.constant 16 : i32
      %parallel_loop3A_217 = arith.muli %parallel_loop3A_215, %parallel_loop3A_216 : i32
      %parallel_loop3A_218 = arith.index_cast %parallel_loop3A_217 : i32 to index
      %parallel_loop3A_219 = tpu.vector_load %arg7[%parallel_loop3A_218] {strides = array<i32>} : memref<16000xf32, #tpu.memory_space<vmem>>, vector<16xf32>,
      %parallel_loop3A_220 = arith.constant 40 : i32
      %parallel_loop3A_221 = arith.muli %parallel_loop3A_82, %parallel_loop3A_220 : i32
      %parallel_loop3A_222 = arith.constant 17 : i32
      %parallel_loop3A_223 = arith.addi %parallel_loop3A_221, %parallel_loop3A_222 : i32
      %parallel_loop3A_224 = arith.constant 16 : i32
      %parallel_loop3A_225 = arith.muli %parallel_loop3A_223, %parallel_loop3A_224 : i32
      %parallel_loop3A_226 = arith.index_cast %parallel_loop3A_225 : i32 to index
      %parallel_loop3A_227 = tpu.vector_load %arg7[%parallel_loop3A_226] {strides = array<i32>} : memref<16000xf32, #tpu.memory_space<vmem>>, vector<16xf32>,
      %parallel_loop3A_228 = arith.constant 40 : i32
      %parallel_loop3A_229 = arith.muli %parallel_loop3A_82, %parallel_loop3A_228 : i32
      %parallel_loop3A_230 = arith.constant 18 : i32
      %parallel_loop3A_231 = arith.addi %parallel_loop3A_229, %parallel_loop3A_230 : i32
      %parallel_loop3A_232 = arith.constant 16 : i32
      %parallel_loop3A_233 = arith.muli %parallel_loop3A_231, %parallel_loop3A_232 : i32
      %parallel_loop3A_234 = arith.index_cast %parallel_loop3A_233 : i32 to index
      %parallel_loop3A_235 = tpu.vector_load %arg7[%parallel_loop3A_234] {strides = array<i32>} : memref<16000xf32, #tpu.memory_space<vmem>>, vector<16xf32>,
      %parallel_loop3A_236 = arith.constant 40 : i32
      %parallel_loop3A_237 = arith.muli %parallel_loop3A_82, %parallel_loop3A_236 : i32
      %parallel_loop3A_238 = arith.constant 19 : i32
      %parallel_loop3A_239 = arith.addi %parallel_loop3A_237, %parallel_loop3A_238 : i32
      %parallel_loop3A_240 = arith.constant 16 : i32
      %parallel_loop3A_241 = arith.muli %parallel_loop3A_239, %parallel_loop3A_240 : i32
      %parallel_loop3A_242 = arith.index_cast %parallel_loop3A_241 : i32 to index
      %parallel_loop3A_243 = tpu.vector_load %arg7[%parallel_loop3A_242] {strides = array<i32>} : memref<16000xf32, #tpu.memory_space<vmem>>, vector<16xf32>,
      %parallel_loop3A_244 = arith.constant 40 : i32
      %parallel_loop3A_245 = arith.muli %parallel_loop3A_82, %parallel_loop3A_244 : i32
      %parallel_loop3A_246 = arith.constant 20 : i32
      %parallel_loop3A_247 = arith.addi %parallel_loop3A_245, %parallel_loop3A_246 : i32
      %parallel_loop3A_248 = arith.constant 16 : i32
      %parallel_loop3A_249 = arith.muli %parallel_loop3A_247, %parallel_loop3A_248 : i32
      %parallel_loop3A_250 = arith.index_cast %parallel_loop3A_249 : i32 to index
      %parallel_loop3A_251 = tpu.vector_load %arg7[%parallel_loop3A_250] {strides = array<i32>} : memref<16000xf32, #tpu.memory_space<vmem>>, vector<16xf32>,
      %parallel_loop3A_252 = arith.constant 40 : i32
      %parallel_loop3A_253 = arith.muli %parallel_loop3A_82, %parallel_loop3A_252 : i32
      %parallel_loop3A_254 = arith.constant 21 : i32
      %parallel_loop3A_255 = arith.addi %parallel_loop3A_253, %parallel_loop3A_254 : i32
      %parallel_loop3A_256 = arith.constant 16 : i32
      %parallel_loop3A_257 = arith.muli %parallel_loop3A_255, %parallel_loop3A_256 : i32
      %parallel_loop3A_258 = arith.index_cast %parallel_loop3A_257 : i32 to index
      %parallel_loop3A_259 = tpu.vector_load %arg7[%parallel_loop3A_258] {strides = array<i32>} : memref<16000xf32, #tpu.memory_space<vmem>>, vector<16xf32>,
      %parallel_loop3A_260 = arith.constant 40 : i32
      %parallel_loop3A_261 = arith.muli %parallel_loop3A_82, %parallel_loop3A_260 : i32
      %parallel_loop3A_262 = arith.constant 22 : i32
      %parallel_loop3A_263 = arith.addi %parallel_loop3A_261, %parallel_loop3A_262 : i32
      %parallel_loop3A_264 = arith.constant 16 : i32
      %parallel_loop3A_265 = arith.muli %parallel_loop3A_263, %parallel_loop3A_264 : i32
      %parallel_loop3A_266 = arith.index_cast %parallel_loop3A_265 : i32 to index
      %parallel_loop3A_267 = tpu.vector_load %arg7[%parallel_loop3A_266] {strides = array<i32>} : memref<16000xf32, #tpu.memory_space<vmem>>, vector<16xf32>,
      %parallel_loop3A_268 = arith.constant 40 : i32
      %parallel_loop3A_269 = arith.muli %parallel_loop3A_82, %parallel_loop3A_268 : i32
      %parallel_loop3A_270 = arith.constant 23 : i32
      %parallel_loop3A_271 = arith.addi %parallel_loop3A_269, %parallel_loop3A_270 : i32
      %parallel_loop3A_272 = arith.constant 16 : i32
      %parallel_loop3A_273 = arith.muli %parallel_loop3A_271, %parallel_loop3A_272 : i32
      %parallel_loop3A_274 = arith.index_cast %parallel_loop3A_273 : i32 to index
      %parallel_loop3A_275 = tpu.vector_load %arg7[%parallel_loop3A_274] {strides = array<i32>} : memref<16000xf32, #tpu.memory_space<vmem>>, vector<16xf32>,
      %parallel_loop3A_276 = arith.constant 40 : i32
      %parallel_loop3A_277 = arith.muli %parallel_loop3A_82, %parallel_loop3A_276 : i32
      %parallel_loop3A_278 = arith.constant 24 : i32
      %parallel_loop3A_279 = arith.addi %parallel_loop3A_277, %parallel_loop3A_278 : i32
      %parallel_loop3A_280 = arith.constant 16 : i32
      %parallel_loop3A_281 = arith.muli %parallel_loop3A_279, %parallel_loop3A_280 : i32
      %parallel_loop3A_282 = arith.index_cast %parallel_loop3A_281 : i32 to index
      %parallel_loop3A_283 = tpu.vector_load %arg7[%parallel_loop3A_282] {strides = array<i32>} : memref<16000xf32, #tpu.memory_space<vmem>>, vector<16xf32>,
      %parallel_loop3A_284 = arith.constant 40 : i32
      %parallel_loop3A_285 = arith.muli %parallel_loop3A_82, %parallel_loop3A_284 : i32
      %parallel_loop3A_286 = arith.constant 25 : i32
      %parallel_loop3A_287 = arith.addi %parallel_loop3A_285, %parallel_loop3A_286 : i32
      %parallel_loop3A_288 = arith.constant 16 : i32
      %parallel_loop3A_289 = arith.muli %parallel_loop3A_287, %parallel_loop3A_288 : i32
      %parallel_loop3A_290 = arith.index_cast %parallel_loop3A_289 : i32 to index
      %parallel_loop3A_291 = tpu.vector_load %arg7[%parallel_loop3A_290] {strides = array<i32>} : memref<16000xf32, #tpu.memory_space<vmem>>, vector<16xf32>,
      %parallel_loop3A_292 = arith.constant 40 : i32
      %parallel_loop3A_293 = arith.muli %parallel_loop3A_82, %parallel_loop3A_292 : i32
      %parallel_loop3A_294 = arith.constant 26 : i32
      %parallel_loop3A_295 = arith.addi %parallel_loop3A_293, %parallel_loop3A_294 : i32
      %parallel_loop3A_296 = arith.constant 16 : i32
      %parallel_loop3A_297 = arith.muli %parallel_loop3A_295, %parallel_loop3A_296 : i32
      %parallel_loop3A_298 = arith.index_cast %parallel_loop3A_297 : i32 to index
      %parallel_loop3A_299 = tpu.vector_load %arg7[%parallel_loop3A_298] {strides = array<i32>} : memref<16000xf32, #tpu.memory_space<vmem>>, vector<16xf32>,
      %parallel_loop3A_300 = arith.constant 40 : i32
      %parallel_loop3A_301 = arith.muli %parallel_loop3A_82, %parallel_loop3A_300 : i32
      %parallel_loop3A_302 = arith.constant 27 : i32
      %parallel_loop3A_303 = arith.addi %parallel_loop3A_301, %parallel_loop3A_302 : i32
      %parallel_loop3A_304 = arith.constant 16 : i32
      %parallel_loop3A_305 = arith.muli %parallel_loop3A_303, %parallel_loop3A_304 : i32
      %parallel_loop3A_306 = arith.index_cast %parallel_loop3A_305 : i32 to index
      %parallel_loop3A_307 = tpu.vector_load %arg7[%parallel_loop3A_306] {strides = array<i32>} : memref<16000xf32, #tpu.memory_space<vmem>>, vector<16xf32>,
      %parallel_loop3A_308 = arith.constant 40 : i32
      %parallel_loop3A_309 = arith.muli %parallel_loop3A_82, %parallel_loop3A_308 : i32
      %parallel_loop3A_310 = arith.constant 28 : i32
      %parallel_loop3A_311 = arith.addi %parallel_loop3A_309, %parallel_loop3A_310 : i32
      %parallel_loop3A_312 = arith.constant 16 : i32
      %parallel_loop3A_313 = arith.muli %parallel_loop3A_311, %parallel_loop3A_312 : i32
      %parallel_loop3A_314 = arith.index_cast %parallel_loop3A_313 : i32 to index
      %parallel_loop3A_315 = tpu.vector_load %arg7[%parallel_loop3A_314] {strides = array<i32>} : memref<16000xf32, #tpu.memory_space<vmem>>, vector<16xf32>,
      %parallel_loop3A_316 = arith.constant 40 : i32
      %parallel_loop3A_317 = arith.muli %parallel_loop3A_82, %parallel_loop3A_316 : i32
      %parallel_loop3A_318 = arith.constant 29 : i32
      %parallel_loop3A_319 = arith.addi %parallel_loop3A_317, %parallel_loop3A_318 : i32
      %parallel_loop3A_320 = arith.constant 16 : i32
      %parallel_loop3A_321 = arith.muli %parallel_loop3A_319, %parallel_loop3A_320 : i32
      %parallel_loop3A_322 = arith.index_cast %parallel_loop3A_321 : i32 to index
      %parallel_loop3A_323 = tpu.vector_load %arg7[%parallel_loop3A_322] {strides = array<i32>} : memref<16000xf32, #tpu.memory_space<vmem>>, vector<16xf32>,
      %parallel_loop3A_324 = arith.constant 40 : i32
      %parallel_loop3A_325 = arith.muli %parallel_loop3A_82, %parallel_loop3A_324 : i32
      %parallel_loop3A_326 = arith.constant 30 : i32
      %parallel_loop3A_327 = arith.addi %parallel_loop3A_325, %parallel_loop3A_326 : i32
      %parallel_loop3A_328 = arith.constant 16 : i32
      %parallel_loop3A_329 = arith.muli %parallel_loop3A_327, %parallel_loop3A_328 : i32
      %parallel_loop3A_330 = arith.index_cast %parallel_loop3A_329 : i32 to index
      %parallel_loop3A_331 = tpu.vector_load %arg7[%parallel_loop3A_330] {strides = array<i32>} : memref<16000xf32, #tpu.memory_space<vmem>>, vector<16xf32>,
      %parallel_loop3A_332 = arith.constant 40 : i32
      %parallel_loop3A_333 = arith.muli %parallel_loop3A_82, %parallel_loop3A_332 : i32
      %parallel_loop3A_334 = arith.constant 31 : i32
      %parallel_loop3A_335 = arith.addi %parallel_loop3A_333, %parallel_loop3A_334 : i32
      %parallel_loop3A_336 = arith.constant 16 : i32
      %parallel_loop3A_337 = arith.muli %parallel_loop3A_335, %parallel_loop3A_336 : i32
      %parallel_loop3A_338 = arith.index_cast %parallel_loop3A_337 : i32 to index
      %parallel_loop3A_339 = tpu.vector_load %arg7[%parallel_loop3A_338] {strides = array<i32>} : memref<16000xf32, #tpu.memory_space<vmem>>, vector<16xf32>,
      %parallel_loop3A_340 = arith.constant 40 : i32
      %parallel_loop3A_341 = arith.muli %parallel_loop3A_82, %parallel_loop3A_340 : i32
      %parallel_loop3A_342 = arith.constant 32 : i32
      %parallel_loop3A_343 = arith.addi %parallel_loop3A_341, %parallel_loop3A_342 : i32
      %parallel_loop3A_344 = arith.constant 16 : i32
      %parallel_loop3A_345 = arith.muli %parallel_loop3A_343, %parallel_loop3A_344 : i32
      %parallel_loop3A_346 = arith.index_cast %parallel_loop3A_345 : i32 to index
      %parallel_loop3A_347 = tpu.vector_load %arg7[%parallel_loop3A_346] {strides = array<i32>} : memref<16000xf32, #tpu.memory_space<vmem>>, vector<16xf32>,
      %parallel_loop3A_348 = arith.constant 40 : i32
      %parallel_loop3A_349 = arith.muli %parallel_loop3A_82, %parallel_loop3A_348 : i32
      %parallel_loop3A_350 = arith.constant 33 : i32
      %parallel_loop3A_351 = arith.addi %parallel_loop3A_349, %parallel_loop3A_350 : i32
      %parallel_loop3A_352 = arith.constant 16 : i32
      %parallel_loop3A_353 = arith.muli %parallel_loop3A_351, %parallel_loop3A_352 : i32
      %parallel_loop3A_354 = arith.index_cast %parallel_loop3A_353 : i32 to index
      %parallel_loop3A_355 = tpu.vector_load %arg7[%parallel_loop3A_354] {strides = array<i32>} : memref<16000xf32, #tpu.memory_space<vmem>>, vector<16xf32>,
      %parallel_loop3A_356 = arith.constant 40 : i32
      %parallel_loop3A_357 = arith.muli %parallel_loop3A_82, %parallel_loop3A_356 : i32
      %parallel_loop3A_358 = arith.constant 34 : i32
      %parallel_loop3A_359 = arith.addi %parallel_loop3A_357, %parallel_loop3A_358 : i32
      %parallel_loop3A_360 = arith.constant 16 : i32
      %parallel_loop3A_361 = arith.muli %parallel_loop3A_359, %parallel_loop3A_360 : i32
      %parallel_loop3A_362 = arith.index_cast %parallel_loop3A_361 : i32 to index
      %parallel_loop3A_363 = tpu.vector_load %arg7[%parallel_loop3A_362] {strides = array<i32>} : memref<16000xf32, #tpu.memory_space<vmem>>, vector<16xf32>,
      %parallel_loop3A_364 = arith.constant 40 : i32
      %parallel_loop3A_365 = arith.muli %parallel_loop3A_82, %parallel_loop3A_364 : i32
      %parallel_loop3A_366 = arith.constant 35 : i32
      %parallel_loop3A_367 = arith.addi %parallel_loop3A_365, %parallel_loop3A_366 : i32
      %parallel_loop3A_368 = arith.constant 16 : i32
      %parallel_loop3A_369 = arith.muli %parallel_loop3A_367, %parallel_loop3A_368 : i32
      %parallel_loop3A_370 = arith.index_cast %parallel_loop3A_369 : i32 to index
      %parallel_loop3A_371 = tpu.vector_load %arg7[%parallel_loop3A_370] {strides = array<i32>} : memref<16000xf32, #tpu.memory_space<vmem>>, vector<16xf32>,
      %parallel_loop3A_372 = arith.constant 40 : i32
      %parallel_loop3A_373 = arith.muli %parallel_loop3A_82, %parallel_loop3A_372 : i32
      %parallel_loop3A_374 = arith.constant 36 : i32
      %parallel_loop3A_375 = arith.addi %parallel_loop3A_373, %parallel_loop3A_374 : i32
      %parallel_loop3A_376 = arith.constant 16 : i32
      %parallel_loop3A_377 = arith.muli %parallel_loop3A_375, %parallel_loop3A_376 : i32
      %parallel_loop3A_378 = arith.index_cast %parallel_loop3A_377 : i32 to index
      %parallel_loop3A_379 = tpu.vector_load %arg7[%parallel_loop3A_378] {strides = array<i32>} : memref<16000xf32, #tpu.memory_space<vmem>>, vector<16xf32>,
      %parallel_loop3A_380 = arith.constant 40 : i32
      %parallel_loop3A_381 = arith.muli %parallel_loop3A_82, %parallel_loop3A_380 : i32
      %parallel_loop3A_382 = arith.constant 37 : i32
      %parallel_loop3A_383 = arith.addi %parallel_loop3A_381, %parallel_loop3A_382 : i32
      %parallel_loop3A_384 = arith.constant 16 : i32
      %parallel_loop3A_385 = arith.muli %parallel_loop3A_383, %parallel_loop3A_384 : i32
      %parallel_loop3A_386 = arith.index_cast %parallel_loop3A_385 : i32 to index
      %parallel_loop3A_387 = tpu.vector_load %arg7[%parallel_loop3A_386] {strides = array<i32>} : memref<16000xf32, #tpu.memory_space<vmem>>, vector<16xf32>,
      %parallel_loop3A_388 = arith.constant 40 : i32
      %parallel_loop3A_389 = arith.muli %parallel_loop3A_82, %parallel_loop3A_388 : i32
      %parallel_loop3A_390 = arith.constant 38 : i32
      %parallel_loop3A_391 = arith.addi %parallel_loop3A_389, %parallel_loop3A_390 : i32
      %parallel_loop3A_392 = arith.constant 16 : i32
      %parallel_loop3A_393 = arith.muli %parallel_loop3A_391, %parallel_loop3A_392 : i32
      %parallel_loop3A_394 = arith.index_cast %parallel_loop3A_393 : i32 to index
      %parallel_loop3A_395 = tpu.vector_load %arg7[%parallel_loop3A_394] {strides = array<i32>} : memref<16000xf32, #tpu.memory_space<vmem>>, vector<16xf32>,
      %parallel_loop3A_396 = arith.constant 40 : i32
      %parallel_loop3A_397 = arith.muli %parallel_loop3A_82, %parallel_loop3A_396 : i32
      %parallel_loop3A_398 = arith.constant 39 : i32
      %parallel_loop3A_399 = arith.addi %parallel_loop3A_397, %parallel_loop3A_398 : i32
      %parallel_loop3A_400 = arith.constant 16 : i32
      %parallel_loop3A_401 = arith.muli %parallel_loop3A_399, %parallel_loop3A_400 : i32
      %parallel_loop3A_402 = arith.index_cast %parallel_loop3A_401 : i32 to index
      %parallel_loop3A_403 = tpu.vector_load %arg7[%parallel_loop3A_402] {strides = array<i32>} : memref<16000xf32, #tpu.memory_space<vmem>>, vector<16xf32>,
      %parallel_loop3A_404 = arith.maximumf %parallel_loop3A_91, %parallel_loop3A_99 : vector<16xf32>
      %parallel_loop3A_405 = arith.maximumf %parallel_loop3A_107, %parallel_loop3A_115 : vector<16xf32>
      %parallel_loop3A_406 = arith.maximumf %parallel_loop3A_123, %parallel_loop3A_131 : vector<16xf32>
      %parallel_loop3A_407 = arith.maximumf %parallel_loop3A_139, %parallel_loop3A_147 : vector<16xf32>
      %parallel_loop3A_408 = arith.maximumf %parallel_loop3A_155, %parallel_loop3A_163 : vector<16xf32>
      %parallel_loop3A_409 = arith.maximumf %parallel_loop3A_171, %parallel_loop3A_179 : vector<16xf32>
      %parallel_loop3A_410 = arith.maximumf %parallel_loop3A_187, %parallel_loop3A_195 : vector<16xf32>
      %parallel_loop3A_411 = arith.maximumf %parallel_loop3A_203, %parallel_loop3A_211 : vector<16xf32>
      %parallel_loop3A_412 = arith.maximumf %parallel_loop3A_219, %parallel_loop3A_227 : vector<16xf32>
      %parallel_loop3A_413 = arith.maximumf %parallel_loop3A_235, %parallel_loop3A_243 : vector<16xf32>
      %parallel_loop3A_414 = arith.maximumf %parallel_loop3A_251, %parallel_loop3A_259 : vector<16xf32>
      %parallel_loop3A_415 = arith.maximumf %parallel_loop3A_267, %parallel_loop3A_275 : vector<16xf32>
      %parallel_loop3A_416 = arith.maximumf %parallel_loop3A_283, %parallel_loop3A_291 : vector<16xf32>
      %parallel_loop3A_417 = arith.maximumf %parallel_loop3A_299, %parallel_loop3A_307 : vector<16xf32>
      %parallel_loop3A_418 = arith.maximumf %parallel_loop3A_315, %parallel_loop3A_323 : vector<16xf32>
      %parallel_loop3A_419 = arith.maximumf %parallel_loop3A_331, %parallel_loop3A_339 : vector<16xf32>
      %parallel_loop3A_420 = arith.maximumf %parallel_loop3A_347, %parallel_loop3A_355 : vector<16xf32>
      %parallel_loop3A_421 = arith.maximumf %parallel_loop3A_363, %parallel_loop3A_371 : vector<16xf32>
      %parallel_loop3A_422 = arith.maximumf %parallel_loop3A_379, %parallel_loop3A_387 : vector<16xf32>
      %parallel_loop3A_423 = arith.maximumf %parallel_loop3A_395, %parallel_loop3A_403 : vector<16xf32>
      %parallel_loop3A_424 = arith.maximumf %parallel_loop3A_404, %parallel_loop3A_405 : vector<16xf32>
      %parallel_loop3A_425 = arith.maximumf %parallel_loop3A_406, %parallel_loop3A_407 : vector<16xf32>
      %parallel_loop3A_426 = arith.maximumf %parallel_loop3A_408, %parallel_loop3A_409 : vector<16xf32>
      %parallel_loop3A_427 = arith.maximumf %parallel_loop3A_410, %parallel_loop3A_411 : vector<16xf32>
      %parallel_loop3A_428 = arith.maximumf %parallel_loop3A_412, %parallel_loop3A_413 : vector<16xf32>
      %parallel_loop3A_429 = arith.maximumf %parallel_loop3A_414, %parallel_loop3A_415 : vector<16xf32>
      %parallel_loop3A_430 = arith.maximumf %parallel_loop3A_416, %parallel_loop3A_417 : vector<16xf32>
      %parallel_loop3A_431 = arith.maximumf %parallel_loop3A_418, %parallel_loop3A_419 : vector<16xf32>
      %parallel_loop3A_432 = arith.maximumf %parallel_loop3A_420, %parallel_loop3A_421 : vector<16xf32>
      %parallel_loop3A_433 = arith.maximumf %parallel_loop3A_422, %parallel_loop3A_423 : vector<16xf32>
      %parallel_loop3A_434 = arith.maximumf %parallel_loop3A_424, %parallel_loop3A_425 : vector<16xf32>
      %parallel_loop3A_435 = arith.maximumf %parallel_loop3A_426, %parallel_loop3A_427 : vector<16xf32>
      %parallel_loop3A_436 = arith.maximumf %parallel_loop3A_428, %parallel_loop3A_429 : vector<16xf32>
      %parallel_loop3A_437 = arith.maximumf %parallel_loop3A_430, %parallel_loop3A_431 : vector<16xf32>
      %parallel_loop3A_438 = arith.maximumf %parallel_loop3A_432, %parallel_loop3A_433 : vector<16xf32>
      %parallel_loop3A_439 = arith.maximumf %parallel_loop3A_434, %parallel_loop3A_435 : vector<16xf32>
      %parallel_loop3A_440 = arith.maximumf %parallel_loop3A_436, %parallel_loop3A_437 : vector<16xf32>
      %parallel_loop3A_441 = arith.maximumf %parallel_loop3A_439, %parallel_loop3A_440 : vector<16xf32>
      %parallel_loop3A_442 = arith.maximumf %parallel_loop3A_441, %parallel_loop3A_438 : vector<16xf32>
      %parallel_loop3A_443 = arith.constant true
      %parallel_loop3A_444 = vector.broadcast %parallel_loop3A_443 : i1 to vector<16xi1>
      %parallel_loop3A_445 = tpu.scan <max>, %parallel_loop3A_442 masked %parallel_loop3A_444 : vector<16xf32>, vector<16xi1> -> vector<16xf32>
      %parallel_loop3A_446 = vector.extract %parallel_loop3A_445[15] : f32 from vector<16xf32>
      %parallel_loop3A_447 = arith.cmpf oge, %parallel_loop3A_446, %bitcast_convert_type3A : f32
      %parallel_loop3A_448 = arith.extui %parallel_loop3A_447 : i1 to i32
      %parallel_loop3A_449 = arith.constant 0 : i32
      %parallel_loop3A_450 = arith.cmpi ne, %parallel_loop3A_448, %parallel_loop3A_449 : i32
      %parallel_loop3A_451 = scf.if %parallel_loop3A_450 -> (i32) {
        %parallel_loop3A_452 = arith.constant 40 : i32
        %parallel_loop3A_453 = arith.muli %parallel_loop3A_82, %parallel_loop3A_452 : i32
        %parallel_loop3A_454 = arith.constant 40 : i32
        %parallel_loop3A_455 = arith.muli %parallel_loop3A_82, %parallel_loop3A_454 : i32
        %parallel_loop3A_456 = arith.constant 40 : i32
        %parallel_loop3A_457 = arith.addi %parallel_loop3A_455, %parallel_loop3A_456 : i32
        %parallel_loop3A_458 = arith.subi %parallel_loop3A_457, %parallel_loop3A_453 : i32
        %parallel_loop3A_459 = arith.addi %parallel_loop3A_453, %parallel_loop3A_458 : i32
        %parallel_loop3A_460 = arith.constant 1 : i32
        %parallel_loop3A_461 = arith.divsi %parallel_loop3A_458, %parallel_loop3A_460 : i32
        %parallel_loop3A_462 = arith.muli %parallel_loop3A_461, %parallel_loop3A_460 : i32
        %parallel_loop3A_463 = arith.addi %parallel_loop3A_453, %parallel_loop3A_462 : i32
        %parallel_loop3A_464 = arith.constant 1 : i32
        %parallel_loop3A_465 = scf.for %while3A = %parallel_loop3A_453 to %parallel_loop3A_463 step %parallel_loop3A_464 iter_args(%while3A_468 = %parallel_loop3A_83) -> (i32)  : i32 {
          %parallel_loop3A_469 = arith.constant 16 : i32
          %parallel_loop3A_470 = arith.muli %while3A, %parallel_loop3A_469 : i32
          %parallel_loop3A_471 = arith.index_cast %parallel_loop3A_470 : i32 to index
          %parallel_loop3A_472 = tpu.vector_load %arg7[%parallel_loop3A_471] {strides = array<i32>} : memref<16000xf32, #tpu.memory_space<vmem>>, vector<16xf32>,
          %parallel_loop3A_473 = arith.constant 32000 : i32
          %parallel_loop3A_474 = arith.addi %mul3A_2, %parallel_loop3A_473 : i32
          %parallel_loop3A_475 = arith.constant 16 : i32
          %parallel_loop3A_476 = arith.muli %while3A, %parallel_loop3A_475 : i32
          %parallel_loop3A_477 = arith.addi %parallel_loop3A_474, %parallel_loop3A_476 : i32
          %parallel_loop3A_478 = vector.broadcast %parallel_loop3A_477 : i32 to vector<16xi32>
          %parallel_loop3A_479 = arith.addi %parallel_loop3A_478, %iota3A : vector<16xi32>
          %parallel_loop3A_480 = vector.broadcast %bitcast_convert_type3A : f32 to vector<16xf32>
          %parallel_loop3A_481 = arith.cmpf oge, %parallel_loop3A_472, %parallel_loop3A_480 : vector<16xf32>
          %parallel_loop3A_482 = arith.constant 256 : i32
          %parallel_loop3A_483 = vector.broadcast %parallel_loop3A_482 : i32 to vector<16xi32>
          %parallel_loop3A_484 = arith.cmpi sge, %parallel_loop3A_479, %parallel_loop3A_483 : vector<16xi32>
          %parallel_loop3A_485 = arith.andi %parallel_loop3A_481, %parallel_loop3A_484 : vector<16xi1>
          %parallel_loop3A_486 = arith.constant 1 : i32
          %parallel_loop3A_487 = arith.constant 0 : i32
          %parallel_loop3A_488 = vector.broadcast %parallel_loop3A_486 : i32 to vector<16xi32>
          %parallel_loop3A_489 = vector.broadcast %parallel_loop3A_487 : i32 to vector<16xi32>
          %parallel_loop3A_490 = arith.select %parallel_loop3A_485, %parallel_loop3A_488, %parallel_loop3A_489 : vector<16xi1>, vector<16xi32>
          %parallel_loop3A_491 = arith.constant true
          %parallel_loop3A_492 = vector.broadcast %parallel_loop3A_491 : i1 to vector<16xi1>
          %parallel_loop3A_493 = tpu.scan <sum>, %parallel_loop3A_490 masked %parallel_loop3A_492 : vector<16xi32>, vector<16xi1> -> vector<16xi32>
          %parallel_loop3A_494 = vector.broadcast %while3A_468 : i32 to vector<16xi32>
          %parallel_loop3A_495 = arith.addi %parallel_loop3A_494, %parallel_loop3A_493 : vector<16xi32>
          %parallel_loop3A_496 = arith.constant 1 : i32
          %parallel_loop3A_497 = vector.broadcast %parallel_loop3A_496 : i32 to vector<16xi32>
          %parallel_loop3A_498 = arith.subi %parallel_loop3A_495, %parallel_loop3A_497 : vector<16xi32>
          %parallel_loop3A_499 = arith.constant 32 : i32
          %parallel_loop3A_500 = vector.broadcast %parallel_loop3A_499 : i32 to vector<16xi32>
          %parallel_loop3A_501 = arith.cmpi slt, %parallel_loop3A_498, %parallel_loop3A_500 : vector<16xi32>
          %parallel_loop3A_502 = arith.andi %parallel_loop3A_485, %parallel_loop3A_501 : vector<16xi1>
          %parallel_loop3A_503 = arith.constant 0 : i32
          %parallel_loop3A_504 = vector.broadcast %parallel_loop3A_503 : i32 to vector<16xi32>
          %parallel_loop3A_505 = arith.select %parallel_loop3A_502, %parallel_loop3A_498, %parallel_loop3A_504 : vector<16xi1>, vector<16xi32>
          %parallel_loop3A_506 = arith.constant 7 : i32
          %parallel_loop3A_507 = vector.broadcast %parallel_loop3A_506 : i32 to vector<16xi32>
          %parallel_loop3A_508 = arith.shrui %parallel_loop3A_479, %parallel_loop3A_507 : vector<16xi32>
          %parallel_loop3A_509 = arith.constant 127 : i32
          %parallel_loop3A_510 = vector.broadcast %parallel_loop3A_509 : i32 to vector<16xi32>
          %parallel_loop3A_511 = arith.andi %parallel_loop3A_479, %parallel_loop3A_510 : vector<16xi32>
          tpu.vector_store_idx %arg10[%parallel_loop3A_505], %parallel_loop3A_472 masked %parallel_loop3A_502 : memref<32xf32, #tpu.memory_space<vmem>>[vector<16xi32>], vector<16xf32>, vector<16xi1>
          %parallel_loop3A_512 = arith.constant 117 : i32
          %parallel_loop3A_513 = vector.broadcast %parallel_loop3A_512 : i32 to vector<16xi32>
          %parallel_loop3A_514 = arith.muli %parallel_loop3A_508, %parallel_loop3A_513 : vector<16xi32>
          %parallel_loop3A_515 = arith.addi %parallel_loop3A_514, %parallel_loop3A_511 : vector<16xi32>
          tpu.vector_store_idx %arg11[%parallel_loop3A_505], %parallel_loop3A_515 masked %parallel_loop3A_502 : memref<32xi32, #tpu.memory_space<vmem>>[vector<16xi32>], vector<16xi32>, vector<16xi1>
          %parallel_loop3A_516 = arith.constant true
          %parallel_loop3A_517 = vector.broadcast %parallel_loop3A_516 : i1 to vector<16xi1>
          %parallel_loop3A_518 = tpu.scan <sum>, %parallel_loop3A_490 masked %parallel_loop3A_517 : vector<16xi32>, vector<16xi1> -> vector<16xi32>
          %parallel_loop3A_519 = vector.extract %parallel_loop3A_518[15] : i32 from vector<16xi32>
          %parallel_loop3A_520 = arith.addi %while3A_468, %parallel_loop3A_519 : i32
          scf.yield %parallel_loop3A_520 : i32
        }
        %parallel_loop3A_466 = arith.constant 1 : i32
        %parallel_loop3A_467 = scf.for %while3A = %parallel_loop3A_463 to %parallel_loop3A_459 step %parallel_loop3A_466 iter_args(%while3A_468 = %parallel_loop3A_465) -> (i32)  : i32 {
          %parallel_loop3A_469 = arith.constant 16 : i32
          %parallel_loop3A_470 = arith.muli %while3A, %parallel_loop3A_469 : i32
          %parallel_loop3A_471 = arith.index_cast %parallel_loop3A_470 : i32 to index
          %parallel_loop3A_472 = tpu.vector_load %arg7[%parallel_loop3A_471] {strides = array<i32>} : memref<16000xf32, #tpu.memory_space<vmem>>, vector<16xf32>,
          %parallel_loop3A_473 = arith.constant 32000 : i32
          %parallel_loop3A_474 = arith.addi %mul3A_2, %parallel_loop3A_473 : i32
          %parallel_loop3A_475 = arith.constant 16 : i32
          %parallel_loop3A_476 = arith.muli %while3A, %parallel_loop3A_475 : i32
          %parallel_loop3A_477 = arith.addi %parallel_loop3A_474, %parallel_loop3A_476 : i32
          %parallel_loop3A_478 = vector.broadcast %parallel_loop3A_477 : i32 to vector<16xi32>
          %parallel_loop3A_479 = arith.addi %parallel_loop3A_478, %iota3A : vector<16xi32>
          %parallel_loop3A_480 = vector.broadcast %bitcast_convert_type3A : f32 to vector<16xf32>
          %parallel_loop3A_481 = arith.cmpf oge, %parallel_loop3A_472, %parallel_loop3A_480 : vector<16xf32>
          %parallel_loop3A_482 = arith.constant 256 : i32
          %parallel_loop3A_483 = vector.broadcast %parallel_loop3A_482 : i32 to vector<16xi32>
          %parallel_loop3A_484 = arith.cmpi sge, %parallel_loop3A_479, %parallel_loop3A_483 : vector<16xi32>
          %parallel_loop3A_485 = arith.andi %parallel_loop3A_481, %parallel_loop3A_484 : vector<16xi1>
          %parallel_loop3A_486 = arith.constant 1 : i32
          %parallel_loop3A_487 = arith.constant 0 : i32
          %parallel_loop3A_488 = vector.broadcast %parallel_loop3A_486 : i32 to vector<16xi32>
          %parallel_loop3A_489 = vector.broadcast %parallel_loop3A_487 : i32 to vector<16xi32>
          %parallel_loop3A_490 = arith.select %parallel_loop3A_485, %parallel_loop3A_488, %parallel_loop3A_489 : vector<16xi1>, vector<16xi32>
          %parallel_loop3A_491 = arith.constant true
          %parallel_loop3A_492 = vector.broadcast %parallel_loop3A_491 : i1 to vector<16xi1>
          %parallel_loop3A_493 = tpu.scan <sum>, %parallel_loop3A_490 masked %parallel_loop3A_492 : vector<16xi32>, vector<16xi1> -> vector<16xi32>
          %parallel_loop3A_494 = vector.broadcast %while3A_468 : i32 to vector<16xi32>
          %parallel_loop3A_495 = arith.addi %parallel_loop3A_494, %parallel_loop3A_493 : vector<16xi32>
          %parallel_loop3A_496 = arith.constant 1 : i32
          %parallel_loop3A_497 = vector.broadcast %parallel_loop3A_496 : i32 to vector<16xi32>
          %parallel_loop3A_498 = arith.subi %parallel_loop3A_495, %parallel_loop3A_497 : vector<16xi32>
          %parallel_loop3A_499 = arith.constant 32 : i32
          %parallel_loop3A_500 = vector.broadcast %parallel_loop3A_499 : i32 to vector<16xi32>
          %parallel_loop3A_501 = arith.cmpi slt, %parallel_loop3A_498, %parallel_loop3A_500 : vector<16xi32>
          %parallel_loop3A_502 = arith.andi %parallel_loop3A_485, %parallel_loop3A_501 : vector<16xi1>
          %parallel_loop3A_503 = arith.constant 0 : i32
          %parallel_loop3A_504 = vector.broadcast %parallel_loop3A_503 : i32 to vector<16xi32>
          %parallel_loop3A_505 = arith.select %parallel_loop3A_502, %parallel_loop3A_498, %parallel_loop3A_504 : vector<16xi1>, vector<16xi32>
          %parallel_loop3A_506 = arith.constant 7 : i32
          %parallel_loop3A_507 = vector.broadcast %parallel_loop3A_506 : i32 to vector<16xi32>
          %parallel_loop3A_508 = arith.shrui %parallel_loop3A_479, %parallel_loop3A_507 : vector<16xi32>
          %parallel_loop3A_509 = arith.constant 127 : i32
          %parallel_loop3A_510 = vector.broadcast %parallel_loop3A_509 : i32 to vector<16xi32>
          %parallel_loop3A_511 = arith.andi %parallel_loop3A_479, %parallel_loop3A_510 : vector<16xi32>
          tpu.vector_store_idx %arg10[%parallel_loop3A_505], %parallel_loop3A_472 masked %parallel_loop3A_502 : memref<32xf32, #tpu.memory_space<vmem>>[vector<16xi32>], vector<16xf32>, vector<16xi1>
          %parallel_loop3A_512 = arith.constant 117 : i32
          %parallel_loop3A_513 = vector.broadcast %parallel_loop3A_512 : i32 to vector<16xi32>
          %parallel_loop3A_514 = arith.muli %parallel_loop3A_508, %parallel_loop3A_513 : vector<16xi32>
          %parallel_loop3A_515 = arith.addi %parallel_loop3A_514, %parallel_loop3A_511 : vector<16xi32>
          tpu.vector_store_idx %arg11[%parallel_loop3A_505], %parallel_loop3A_515 masked %parallel_loop3A_502 : memref<32xi32, #tpu.memory_space<vmem>>[vector<16xi32>], vector<16xi32>, vector<16xi1>
          %parallel_loop3A_516 = arith.constant true
          %parallel_loop3A_517 = vector.broadcast %parallel_loop3A_516 : i1 to vector<16xi1>
          %parallel_loop3A_518 = tpu.scan <sum>, %parallel_loop3A_490 masked %parallel_loop3A_517 : vector<16xi32>, vector<16xi1> -> vector<16xi32>
          %parallel_loop3A_519 = vector.extract %parallel_loop3A_518[15] : i32 from vector<16xi32>
          %parallel_loop3A_520 = arith.addi %while3A_468, %parallel_loop3A_519 : i32
          scf.yield %parallel_loop3A_520 : i32
        }
        scf.yield %parallel_loop3A_467 : i32
      } else {
        scf.yield %parallel_loop3A_83 : i32
      }
      scf.yield %parallel_loop3A_451 : i32
    } {sc.loop_unroll_factor = 1 : i64, sc.parallel_access}
    %add3A_58 = arith.constant 64000 : i32
    %add3A_59 = arith.addi %mul3A_2, %add3A_58 : i32
    %dma_start3A_60 = tpu.memref_slice %arg2[%add3A_59] : memref<2560000xf32, #tpu.memory_space<hbm>> -> memref<16000xf32, #tpu.memory_space<hbm>>
    %dma_start3A_61 = tpu.memref_slice %arg2[%add3A_59] : memref<2560000xf32, #tpu.memory_space<hbm>> -> memref<16000xf32, #tpu.memory_space<hbm>>
    tpu.enqueue_dma source(%dma_start3A_61 : memref<16000xf32, #tpu.memory_space<hbm>>) target(%arg7 : memref<16000xf32, #tpu.memory_space<vmem>>) target_semaphore(%arg15 : memref<!tpu.dma_semaphore, #tpu.memory_space<semaphore_mem>>)
    %dma_wait3A_62 = tpu.memref_slice %arg2[%add3A_49] : memref<2560000xf32, #tpu.memory_space<hbm>> -> memref<16000xf32, #tpu.memory_space<hbm>>
    %dma_wait3A_63 = tpu.memref_slice %arg2[%add3A_49] : memref<2560000xf32, #tpu.memory_space<hbm>> -> memref<16000xf32, #tpu.memory_space<hbm>>
    tpu.wait_dma2 semaphore(%arg14 : memref<!tpu.dma_semaphore, #tpu.memory_space<semaphore_mem>>) src(%dma_wait3A_63 : memref<16000xf32, #tpu.memory_space<hbm>>) dst(%arg6 : memref<16000xf32, #tpu.memory_space<vmem>>)
    %parallel_loop3A_64 = arith.constant 0 : i32
    %parallel_loop3A_65 = arith.constant 25 : i32
    %parallel_loop3A_66 = arith.constant 1 : i32
    %parallel_loop3A_67 = scf.for %parallel_loop3A_82 = %parallel_loop3A_64 to %parallel_loop3A_65 step %parallel_loop3A_66 iter_args(%parallel_loop3A_83 = %parallel_loop3A_57) -> (i32)  : i32 {
      %parallel_loop3A_84 = arith.constant 40 : i32
      %parallel_loop3A_85 = arith.muli %parallel_loop3A_82, %parallel_loop3A_84 : i32
      %parallel_loop3A_86 = arith.constant 0 : i32
      %parallel_loop3A_87 = arith.addi %parallel_loop3A_85, %parallel_loop3A_86 : i32
      %parallel_loop3A_88 = arith.constant 16 : i32
      %parallel_loop3A_89 = arith.muli %parallel_loop3A_87, %parallel_loop3A_88 : i32
      %parallel_loop3A_90 = arith.index_cast %parallel_loop3A_89 : i32 to index
      %parallel_loop3A_91 = tpu.vector_load %arg6[%parallel_loop3A_90] {strides = array<i32>} : memref<16000xf32, #tpu.memory_space<vmem>>, vector<16xf32>,
      %parallel_loop3A_92 = arith.constant 40 : i32
      %parallel_loop3A_93 = arith.muli %parallel_loop3A_82, %parallel_loop3A_92 : i32
      %parallel_loop3A_94 = arith.constant 1 : i32
      %parallel_loop3A_95 = arith.addi %parallel_loop3A_93, %parallel_loop3A_94 : i32
      %parallel_loop3A_96 = arith.constant 16 : i32
      %parallel_loop3A_97 = arith.muli %parallel_loop3A_95, %parallel_loop3A_96 : i32
      %parallel_loop3A_98 = arith.index_cast %parallel_loop3A_97 : i32 to index
      %parallel_loop3A_99 = tpu.vector_load %arg6[%parallel_loop3A_98] {strides = array<i32>} : memref<16000xf32, #tpu.memory_space<vmem>>, vector<16xf32>,
      %parallel_loop3A_100 = arith.constant 40 : i32
      %parallel_loop3A_101 = arith.muli %parallel_loop3A_82, %parallel_loop3A_100 : i32
      %parallel_loop3A_102 = arith.constant 2 : i32
      %parallel_loop3A_103 = arith.addi %parallel_loop3A_101, %parallel_loop3A_102 : i32
      %parallel_loop3A_104 = arith.constant 16 : i32
      %parallel_loop3A_105 = arith.muli %parallel_loop3A_103, %parallel_loop3A_104 : i32
      %parallel_loop3A_106 = arith.index_cast %parallel_loop3A_105 : i32 to index
      %parallel_loop3A_107 = tpu.vector_load %arg6[%parallel_loop3A_106] {strides = array<i32>} : memref<16000xf32, #tpu.memory_space<vmem>>, vector<16xf32>,
      %parallel_loop3A_108 = arith.constant 40 : i32
      %parallel_loop3A_109 = arith.muli %parallel_loop3A_82, %parallel_loop3A_108 : i32
      %parallel_loop3A_110 = arith.constant 3 : i32
      %parallel_loop3A_111 = arith.addi %parallel_loop3A_109, %parallel_loop3A_110 : i32
      %parallel_loop3A_112 = arith.constant 16 : i32
      %parallel_loop3A_113 = arith.muli %parallel_loop3A_111, %parallel_loop3A_112 : i32
      %parallel_loop3A_114 = arith.index_cast %parallel_loop3A_113 : i32 to index
      %parallel_loop3A_115 = tpu.vector_load %arg6[%parallel_loop3A_114] {strides = array<i32>} : memref<16000xf32, #tpu.memory_space<vmem>>, vector<16xf32>,
      %parallel_loop3A_116 = arith.constant 40 : i32
      %parallel_loop3A_117 = arith.muli %parallel_loop3A_82, %parallel_loop3A_116 : i32
      %parallel_loop3A_118 = arith.constant 4 : i32
      %parallel_loop3A_119 = arith.addi %parallel_loop3A_117, %parallel_loop3A_118 : i32
      %parallel_loop3A_120 = arith.constant 16 : i32
      %parallel_loop3A_121 = arith.muli %parallel_loop3A_119, %parallel_loop3A_120 : i32
      %parallel_loop3A_122 = arith.index_cast %parallel_loop3A_121 : i32 to index
      %parallel_loop3A_123 = tpu.vector_load %arg6[%parallel_loop3A_122] {strides = array<i32>} : memref<16000xf32, #tpu.memory_space<vmem>>, vector<16xf32>,
      %parallel_loop3A_124 = arith.constant 40 : i32
      %parallel_loop3A_125 = arith.muli %parallel_loop3A_82, %parallel_loop3A_124 : i32
      %parallel_loop3A_126 = arith.constant 5 : i32
      %parallel_loop3A_127 = arith.addi %parallel_loop3A_125, %parallel_loop3A_126 : i32
      %parallel_loop3A_128 = arith.constant 16 : i32
      %parallel_loop3A_129 = arith.muli %parallel_loop3A_127, %parallel_loop3A_128 : i32
      %parallel_loop3A_130 = arith.index_cast %parallel_loop3A_129 : i32 to index
      %parallel_loop3A_131 = tpu.vector_load %arg6[%parallel_loop3A_130] {strides = array<i32>} : memref<16000xf32, #tpu.memory_space<vmem>>, vector<16xf32>,
      %parallel_loop3A_132 = arith.constant 40 : i32
      %parallel_loop3A_133 = arith.muli %parallel_loop3A_82, %parallel_loop3A_132 : i32
      %parallel_loop3A_134 = arith.constant 6 : i32
      %parallel_loop3A_135 = arith.addi %parallel_loop3A_133, %parallel_loop3A_134 : i32
      %parallel_loop3A_136 = arith.constant 16 : i32
      %parallel_loop3A_137 = arith.muli %parallel_loop3A_135, %parallel_loop3A_136 : i32
      %parallel_loop3A_138 = arith.index_cast %parallel_loop3A_137 : i32 to index
      %parallel_loop3A_139 = tpu.vector_load %arg6[%parallel_loop3A_138] {strides = array<i32>} : memref<16000xf32, #tpu.memory_space<vmem>>, vector<16xf32>,
      %parallel_loop3A_140 = arith.constant 40 : i32
      %parallel_loop3A_141 = arith.muli %parallel_loop3A_82, %parallel_loop3A_140 : i32
      %parallel_loop3A_142 = arith.constant 7 : i32
      %parallel_loop3A_143 = arith.addi %parallel_loop3A_141, %parallel_loop3A_142 : i32
      %parallel_loop3A_144 = arith.constant 16 : i32
      %parallel_loop3A_145 = arith.muli %parallel_loop3A_143, %parallel_loop3A_144 : i32
      %parallel_loop3A_146 = arith.index_cast %parallel_loop3A_145 : i32 to index
      %parallel_loop3A_147 = tpu.vector_load %arg6[%parallel_loop3A_146] {strides = array<i32>} : memref<16000xf32, #tpu.memory_space<vmem>>, vector<16xf32>,
      %parallel_loop3A_148 = arith.constant 40 : i32
      %parallel_loop3A_149 = arith.muli %parallel_loop3A_82, %parallel_loop3A_148 : i32
      %parallel_loop3A_150 = arith.constant 8 : i32
      %parallel_loop3A_151 = arith.addi %parallel_loop3A_149, %parallel_loop3A_150 : i32
      %parallel_loop3A_152 = arith.constant 16 : i32
      %parallel_loop3A_153 = arith.muli %parallel_loop3A_151, %parallel_loop3A_152 : i32
      %parallel_loop3A_154 = arith.index_cast %parallel_loop3A_153 : i32 to index
      %parallel_loop3A_155 = tpu.vector_load %arg6[%parallel_loop3A_154] {strides = array<i32>} : memref<16000xf32, #tpu.memory_space<vmem>>, vector<16xf32>,
      %parallel_loop3A_156 = arith.constant 40 : i32
      %parallel_loop3A_157 = arith.muli %parallel_loop3A_82, %parallel_loop3A_156 : i32
      %parallel_loop3A_158 = arith.constant 9 : i32
      %parallel_loop3A_159 = arith.addi %parallel_loop3A_157, %parallel_loop3A_158 : i32
      %parallel_loop3A_160 = arith.constant 16 : i32
      %parallel_loop3A_161 = arith.muli %parallel_loop3A_159, %parallel_loop3A_160 : i32
      %parallel_loop3A_162 = arith.index_cast %parallel_loop3A_161 : i32 to index
      %parallel_loop3A_163 = tpu.vector_load %arg6[%parallel_loop3A_162] {strides = array<i32>} : memref<16000xf32, #tpu.memory_space<vmem>>, vector<16xf32>,
      %parallel_loop3A_164 = arith.constant 40 : i32
      %parallel_loop3A_165 = arith.muli %parallel_loop3A_82, %parallel_loop3A_164 : i32
      %parallel_loop3A_166 = arith.constant 10 : i32
      %parallel_loop3A_167 = arith.addi %parallel_loop3A_165, %parallel_loop3A_166 : i32
      %parallel_loop3A_168 = arith.constant 16 : i32
      %parallel_loop3A_169 = arith.muli %parallel_loop3A_167, %parallel_loop3A_168 : i32
      %parallel_loop3A_170 = arith.index_cast %parallel_loop3A_169 : i32 to index
      %parallel_loop3A_171 = tpu.vector_load %arg6[%parallel_loop3A_170] {strides = array<i32>} : memref<16000xf32, #tpu.memory_space<vmem>>, vector<16xf32>,
      %parallel_loop3A_172 = arith.constant 40 : i32
      %parallel_loop3A_173 = arith.muli %parallel_loop3A_82, %parallel_loop3A_172 : i32
      %parallel_loop3A_174 = arith.constant 11 : i32
      %parallel_loop3A_175 = arith.addi %parallel_loop3A_173, %parallel_loop3A_174 : i32
      %parallel_loop3A_176 = arith.constant 16 : i32
      %parallel_loop3A_177 = arith.muli %parallel_loop3A_175, %parallel_loop3A_176 : i32
      %parallel_loop3A_178 = arith.index_cast %parallel_loop3A_177 : i32 to index
      %parallel_loop3A_179 = tpu.vector_load %arg6[%parallel_loop3A_178] {strides = array<i32>} : memref<16000xf32, #tpu.memory_space<vmem>>, vector<16xf32>,
      %parallel_loop3A_180 = arith.constant 40 : i32
      %parallel_loop3A_181 = arith.muli %parallel_loop3A_82, %parallel_loop3A_180 : i32
      %parallel_loop3A_182 = arith.constant 12 : i32
      %parallel_loop3A_183 = arith.addi %parallel_loop3A_181, %parallel_loop3A_182 : i32
      %parallel_loop3A_184 = arith.constant 16 : i32
      %parallel_loop3A_185 = arith.muli %parallel_loop3A_183, %parallel_loop3A_184 : i32
      %parallel_loop3A_186 = arith.index_cast %parallel_loop3A_185 : i32 to index
      %parallel_loop3A_187 = tpu.vector_load %arg6[%parallel_loop3A_186] {strides = array<i32>} : memref<16000xf32, #tpu.memory_space<vmem>>, vector<16xf32>,
      %parallel_loop3A_188 = arith.constant 40 : i32
      %parallel_loop3A_189 = arith.muli %parallel_loop3A_82, %parallel_loop3A_188 : i32
      %parallel_loop3A_190 = arith.constant 13 : i32
      %parallel_loop3A_191 = arith.addi %parallel_loop3A_189, %parallel_loop3A_190 : i32
      %parallel_loop3A_192 = arith.constant 16 : i32
      %parallel_loop3A_193 = arith.muli %parallel_loop3A_191, %parallel_loop3A_192 : i32
      %parallel_loop3A_194 = arith.index_cast %parallel_loop3A_193 : i32 to index
      %parallel_loop3A_195 = tpu.vector_load %arg6[%parallel_loop3A_194] {strides = array<i32>} : memref<16000xf32, #tpu.memory_space<vmem>>, vector<16xf32>,
      %parallel_loop3A_196 = arith.constant 40 : i32
      %parallel_loop3A_197 = arith.muli %parallel_loop3A_82, %parallel_loop3A_196 : i32
      %parallel_loop3A_198 = arith.constant 14 : i32
      %parallel_loop3A_199 = arith.addi %parallel_loop3A_197, %parallel_loop3A_198 : i32
      %parallel_loop3A_200 = arith.constant 16 : i32
      %parallel_loop3A_201 = arith.muli %parallel_loop3A_199, %parallel_loop3A_200 : i32
      %parallel_loop3A_202 = arith.index_cast %parallel_loop3A_201 : i32 to index
      %parallel_loop3A_203 = tpu.vector_load %arg6[%parallel_loop3A_202] {strides = array<i32>} : memref<16000xf32, #tpu.memory_space<vmem>>, vector<16xf32>,
      %parallel_loop3A_204 = arith.constant 40 : i32
      %parallel_loop3A_205 = arith.muli %parallel_loop3A_82, %parallel_loop3A_204 : i32
      %parallel_loop3A_206 = arith.constant 15 : i32
      %parallel_loop3A_207 = arith.addi %parallel_loop3A_205, %parallel_loop3A_206 : i32
      %parallel_loop3A_208 = arith.constant 16 : i32
      %parallel_loop3A_209 = arith.muli %parallel_loop3A_207, %parallel_loop3A_208 : i32
      %parallel_loop3A_210 = arith.index_cast %parallel_loop3A_209 : i32 to index
      %parallel_loop3A_211 = tpu.vector_load %arg6[%parallel_loop3A_210] {strides = array<i32>} : memref<16000xf32, #tpu.memory_space<vmem>>, vector<16xf32>,
      %parallel_loop3A_212 = arith.constant 40 : i32
      %parallel_loop3A_213 = arith.muli %parallel_loop3A_82, %parallel_loop3A_212 : i32
      %parallel_loop3A_214 = arith.constant 16 : i32
      %parallel_loop3A_215 = arith.addi %parallel_loop3A_213, %parallel_loop3A_214 : i32
      %parallel_loop3A_216 = arith.constant 16 : i32
      %parallel_loop3A_217 = arith.muli %parallel_loop3A_215, %parallel_loop3A_216 : i32
      %parallel_loop3A_218 = arith.index_cast %parallel_loop3A_217 : i32 to index
      %parallel_loop3A_219 = tpu.vector_load %arg6[%parallel_loop3A_218] {strides = array<i32>} : memref<16000xf32, #tpu.memory_space<vmem>>, vector<16xf32>,
      %parallel_loop3A_220 = arith.constant 40 : i32
      %parallel_loop3A_221 = arith.muli %parallel_loop3A_82, %parallel_loop3A_220 : i32
      %parallel_loop3A_222 = arith.constant 17 : i32
      %parallel_loop3A_223 = arith.addi %parallel_loop3A_221, %parallel_loop3A_222 : i32
      %parallel_loop3A_224 = arith.constant 16 : i32
      %parallel_loop3A_225 = arith.muli %parallel_loop3A_223, %parallel_loop3A_224 : i32
      %parallel_loop3A_226 = arith.index_cast %parallel_loop3A_225 : i32 to index
      %parallel_loop3A_227 = tpu.vector_load %arg6[%parallel_loop3A_226] {strides = array<i32>} : memref<16000xf32, #tpu.memory_space<vmem>>, vector<16xf32>,
      %parallel_loop3A_228 = arith.constant 40 : i32
      %parallel_loop3A_229 = arith.muli %parallel_loop3A_82, %parallel_loop3A_228 : i32
      %parallel_loop3A_230 = arith.constant 18 : i32
      %parallel_loop3A_231 = arith.addi %parallel_loop3A_229, %parallel_loop3A_230 : i32
      %parallel_loop3A_232 = arith.constant 16 : i32
      %parallel_loop3A_233 = arith.muli %parallel_loop3A_231, %parallel_loop3A_232 : i32
      %parallel_loop3A_234 = arith.index_cast %parallel_loop3A_233 : i32 to index
      %parallel_loop3A_235 = tpu.vector_load %arg6[%parallel_loop3A_234] {strides = array<i32>} : memref<16000xf32, #tpu.memory_space<vmem>>, vector<16xf32>,
      %parallel_loop3A_236 = arith.constant 40 : i32
      %parallel_loop3A_237 = arith.muli %parallel_loop3A_82, %parallel_loop3A_236 : i32
      %parallel_loop3A_238 = arith.constant 19 : i32
      %parallel_loop3A_239 = arith.addi %parallel_loop3A_237, %parallel_loop3A_238 : i32
      %parallel_loop3A_240 = arith.constant 16 : i32
      %parallel_loop3A_241 = arith.muli %parallel_loop3A_239, %parallel_loop3A_240 : i32
      %parallel_loop3A_242 = arith.index_cast %parallel_loop3A_241 : i32 to index
      %parallel_loop3A_243 = tpu.vector_load %arg6[%parallel_loop3A_242] {strides = array<i32>} : memref<16000xf32, #tpu.memory_space<vmem>>, vector<16xf32>,
      %parallel_loop3A_244 = arith.constant 40 : i32
      %parallel_loop3A_245 = arith.muli %parallel_loop3A_82, %parallel_loop3A_244 : i32
      %parallel_loop3A_246 = arith.constant 20 : i32
      %parallel_loop3A_247 = arith.addi %parallel_loop3A_245, %parallel_loop3A_246 : i32
      %parallel_loop3A_248 = arith.constant 16 : i32
      %parallel_loop3A_249 = arith.muli %parallel_loop3A_247, %parallel_loop3A_248 : i32
      %parallel_loop3A_250 = arith.index_cast %parallel_loop3A_249 : i32 to index
      %parallel_loop3A_251 = tpu.vector_load %arg6[%parallel_loop3A_250] {strides = array<i32>} : memref<16000xf32, #tpu.memory_space<vmem>>, vector<16xf32>,
      %parallel_loop3A_252 = arith.constant 40 : i32
      %parallel_loop3A_253 = arith.muli %parallel_loop3A_82, %parallel_loop3A_252 : i32
      %parallel_loop3A_254 = arith.constant 21 : i32
      %parallel_loop3A_255 = arith.addi %parallel_loop3A_253, %parallel_loop3A_254 : i32
      %parallel_loop3A_256 = arith.constant 16 : i32
      %parallel_loop3A_257 = arith.muli %parallel_loop3A_255, %parallel_loop3A_256 : i32
      %parallel_loop3A_258 = arith.index_cast %parallel_loop3A_257 : i32 to index
      %parallel_loop3A_259 = tpu.vector_load %arg6[%parallel_loop3A_258] {strides = array<i32>} : memref<16000xf32, #tpu.memory_space<vmem>>, vector<16xf32>,
      %parallel_loop3A_260 = arith.constant 40 : i32
      %parallel_loop3A_261 = arith.muli %parallel_loop3A_82, %parallel_loop3A_260 : i32
      %parallel_loop3A_262 = arith.constant 22 : i32
      %parallel_loop3A_263 = arith.addi %parallel_loop3A_261, %parallel_loop3A_262 : i32
      %parallel_loop3A_264 = arith.constant 16 : i32
      %parallel_loop3A_265 = arith.muli %parallel_loop3A_263, %parallel_loop3A_264 : i32
      %parallel_loop3A_266 = arith.index_cast %parallel_loop3A_265 : i32 to index
      %parallel_loop3A_267 = tpu.vector_load %arg6[%parallel_loop3A_266] {strides = array<i32>} : memref<16000xf32, #tpu.memory_space<vmem>>, vector<16xf32>,
      %parallel_loop3A_268 = arith.constant 40 : i32
      %parallel_loop3A_269 = arith.muli %parallel_loop3A_82, %parallel_loop3A_268 : i32
      %parallel_loop3A_270 = arith.constant 23 : i32
      %parallel_loop3A_271 = arith.addi %parallel_loop3A_269, %parallel_loop3A_270 : i32
      %parallel_loop3A_272 = arith.constant 16 : i32
      %parallel_loop3A_273 = arith.muli %parallel_loop3A_271, %parallel_loop3A_272 : i32
      %parallel_loop3A_274 = arith.index_cast %parallel_loop3A_273 : i32 to index
      %parallel_loop3A_275 = tpu.vector_load %arg6[%parallel_loop3A_274] {strides = array<i32>} : memref<16000xf32, #tpu.memory_space<vmem>>, vector<16xf32>,
      %parallel_loop3A_276 = arith.constant 40 : i32
      %parallel_loop3A_277 = arith.muli %parallel_loop3A_82, %parallel_loop3A_276 : i32
      %parallel_loop3A_278 = arith.constant 24 : i32
      %parallel_loop3A_279 = arith.addi %parallel_loop3A_277, %parallel_loop3A_278 : i32
      %parallel_loop3A_280 = arith.constant 16 : i32
      %parallel_loop3A_281 = arith.muli %parallel_loop3A_279, %parallel_loop3A_280 : i32
      %parallel_loop3A_282 = arith.index_cast %parallel_loop3A_281 : i32 to index
      %parallel_loop3A_283 = tpu.vector_load %arg6[%parallel_loop3A_282] {strides = array<i32>} : memref<16000xf32, #tpu.memory_space<vmem>>, vector<16xf32>,
      %parallel_loop3A_284 = arith.constant 40 : i32
      %parallel_loop3A_285 = arith.muli %parallel_loop3A_82, %parallel_loop3A_284 : i32
      %parallel_loop3A_286 = arith.constant 25 : i32
      %parallel_loop3A_287 = arith.addi %parallel_loop3A_285, %parallel_loop3A_286 : i32
      %parallel_loop3A_288 = arith.constant 16 : i32
      %parallel_loop3A_289 = arith.muli %parallel_loop3A_287, %parallel_loop3A_288 : i32
      %parallel_loop3A_290 = arith.index_cast %parallel_loop3A_289 : i32 to index
      %parallel_loop3A_291 = tpu.vector_load %arg6[%parallel_loop3A_290] {strides = array<i32>} : memref<16000xf32, #tpu.memory_space<vmem>>, vector<16xf32>,
      %parallel_loop3A_292 = arith.constant 40 : i32
      %parallel_loop3A_293 = arith.muli %parallel_loop3A_82, %parallel_loop3A_292 : i32
      %parallel_loop3A_294 = arith.constant 26 : i32
      %parallel_loop3A_295 = arith.addi %parallel_loop3A_293, %parallel_loop3A_294 : i32
      %parallel_loop3A_296 = arith.constant 16 : i32
      %parallel_loop3A_297 = arith.muli %parallel_loop3A_295, %parallel_loop3A_296 : i32
      %parallel_loop3A_298 = arith.index_cast %parallel_loop3A_297 : i32 to index
      %parallel_loop3A_299 = tpu.vector_load %arg6[%parallel_loop3A_298] {strides = array<i32>} : memref<16000xf32, #tpu.memory_space<vmem>>, vector<16xf32>,
      %parallel_loop3A_300 = arith.constant 40 : i32
      %parallel_loop3A_301 = arith.muli %parallel_loop3A_82, %parallel_loop3A_300 : i32
      %parallel_loop3A_302 = arith.constant 27 : i32
      %parallel_loop3A_303 = arith.addi %parallel_loop3A_301, %parallel_loop3A_302 : i32
      %parallel_loop3A_304 = arith.constant 16 : i32
      %parallel_loop3A_305 = arith.muli %parallel_loop3A_303, %parallel_loop3A_304 : i32
      %parallel_loop3A_306 = arith.index_cast %parallel_loop3A_305 : i32 to index
      %parallel_loop3A_307 = tpu.vector_load %arg6[%parallel_loop3A_306] {strides = array<i32>} : memref<16000xf32, #tpu.memory_space<vmem>>, vector<16xf32>,
      %parallel_loop3A_308 = arith.constant 40 : i32
      %parallel_loop3A_309 = arith.muli %parallel_loop3A_82, %parallel_loop3A_308 : i32
      %parallel_loop3A_310 = arith.constant 28 : i32
      %parallel_loop3A_311 = arith.addi %parallel_loop3A_309, %parallel_loop3A_310 : i32
      %parallel_loop3A_312 = arith.constant 16 : i32
      %parallel_loop3A_313 = arith.muli %parallel_loop3A_311, %parallel_loop3A_312 : i32
      %parallel_loop3A_314 = arith.index_cast %parallel_loop3A_313 : i32 to index
      %parallel_loop3A_315 = tpu.vector_load %arg6[%parallel_loop3A_314] {strides = array<i32>} : memref<16000xf32, #tpu.memory_space<vmem>>, vector<16xf32>,
      %parallel_loop3A_316 = arith.constant 40 : i32
      %parallel_loop3A_317 = arith.muli %parallel_loop3A_82, %parallel_loop3A_316 : i32
      %parallel_loop3A_318 = arith.constant 29 : i32
      %parallel_loop3A_319 = arith.addi %parallel_loop3A_317, %parallel_loop3A_318 : i32
      %parallel_loop3A_320 = arith.constant 16 : i32
      %parallel_loop3A_321 = arith.muli %parallel_loop3A_319, %parallel_loop3A_320 : i32
      %parallel_loop3A_322 = arith.index_cast %parallel_loop3A_321 : i32 to index
      %parallel_loop3A_323 = tpu.vector_load %arg6[%parallel_loop3A_322] {strides = array<i32>} : memref<16000xf32, #tpu.memory_space<vmem>>, vector<16xf32>,
      %parallel_loop3A_324 = arith.constant 40 : i32
      %parallel_loop3A_325 = arith.muli %parallel_loop3A_82, %parallel_loop3A_324 : i32
      %parallel_loop3A_326 = arith.constant 30 : i32
      %parallel_loop3A_327 = arith.addi %parallel_loop3A_325, %parallel_loop3A_326 : i32
      %parallel_loop3A_328 = arith.constant 16 : i32
      %parallel_loop3A_329 = arith.muli %parallel_loop3A_327, %parallel_loop3A_328 : i32
      %parallel_loop3A_330 = arith.index_cast %parallel_loop3A_329 : i32 to index
      %parallel_loop3A_331 = tpu.vector_load %arg6[%parallel_loop3A_330] {strides = array<i32>} : memref<16000xf32, #tpu.memory_space<vmem>>, vector<16xf32>,
      %parallel_loop3A_332 = arith.constant 40 : i32
      %parallel_loop3A_333 = arith.muli %parallel_loop3A_82, %parallel_loop3A_332 : i32
      %parallel_loop3A_334 = arith.constant 31 : i32
      %parallel_loop3A_335 = arith.addi %parallel_loop3A_333, %parallel_loop3A_334 : i32
      %parallel_loop3A_336 = arith.constant 16 : i32
      %parallel_loop3A_337 = arith.muli %parallel_loop3A_335, %parallel_loop3A_336 : i32
      %parallel_loop3A_338 = arith.index_cast %parallel_loop3A_337 : i32 to index
      %parallel_loop3A_339 = tpu.vector_load %arg6[%parallel_loop3A_338] {strides = array<i32>} : memref<16000xf32, #tpu.memory_space<vmem>>, vector<16xf32>,
      %parallel_loop3A_340 = arith.constant 40 : i32
      %parallel_loop3A_341 = arith.muli %parallel_loop3A_82, %parallel_loop3A_340 : i32
      %parallel_loop3A_342 = arith.constant 32 : i32
      %parallel_loop3A_343 = arith.addi %parallel_loop3A_341, %parallel_loop3A_342 : i32
      %parallel_loop3A_344 = arith.constant 16 : i32
      %parallel_loop3A_345 = arith.muli %parallel_loop3A_343, %parallel_loop3A_344 : i32
      %parallel_loop3A_346 = arith.index_cast %parallel_loop3A_345 : i32 to index
      %parallel_loop3A_347 = tpu.vector_load %arg6[%parallel_loop3A_346] {strides = array<i32>} : memref<16000xf32, #tpu.memory_space<vmem>>, vector<16xf32>,
      %parallel_loop3A_348 = arith.constant 40 : i32
      %parallel_loop3A_349 = arith.muli %parallel_loop3A_82, %parallel_loop3A_348 : i32
      %parallel_loop3A_350 = arith.constant 33 : i32
      %parallel_loop3A_351 = arith.addi %parallel_loop3A_349, %parallel_loop3A_350 : i32
      %parallel_loop3A_352 = arith.constant 16 : i32
      %parallel_loop3A_353 = arith.muli %parallel_loop3A_351, %parallel_loop3A_352 : i32
      %parallel_loop3A_354 = arith.index_cast %parallel_loop3A_353 : i32 to index
      %parallel_loop3A_355 = tpu.vector_load %arg6[%parallel_loop3A_354] {strides = array<i32>} : memref<16000xf32, #tpu.memory_space<vmem>>, vector<16xf32>,
      %parallel_loop3A_356 = arith.constant 40 : i32
      %parallel_loop3A_357 = arith.muli %parallel_loop3A_82, %parallel_loop3A_356 : i32
      %parallel_loop3A_358 = arith.constant 34 : i32
      %parallel_loop3A_359 = arith.addi %parallel_loop3A_357, %parallel_loop3A_358 : i32
      %parallel_loop3A_360 = arith.constant 16 : i32
      %parallel_loop3A_361 = arith.muli %parallel_loop3A_359, %parallel_loop3A_360 : i32
      %parallel_loop3A_362 = arith.index_cast %parallel_loop3A_361 : i32 to index
      %parallel_loop3A_363 = tpu.vector_load %arg6[%parallel_loop3A_362] {strides = array<i32>} : memref<16000xf32, #tpu.memory_space<vmem>>, vector<16xf32>,
      %parallel_loop3A_364 = arith.constant 40 : i32
      %parallel_loop3A_365 = arith.muli %parallel_loop3A_82, %parallel_loop3A_364 : i32
      %parallel_loop3A_366 = arith.constant 35 : i32
      %parallel_loop3A_367 = arith.addi %parallel_loop3A_365, %parallel_loop3A_366 : i32
      %parallel_loop3A_368 = arith.constant 16 : i32
      %parallel_loop3A_369 = arith.muli %parallel_loop3A_367, %parallel_loop3A_368 : i32
      %parallel_loop3A_370 = arith.index_cast %parallel_loop3A_369 : i32 to index
      %parallel_loop3A_371 = tpu.vector_load %arg6[%parallel_loop3A_370] {strides = array<i32>} : memref<16000xf32, #tpu.memory_space<vmem>>, vector<16xf32>,
      %parallel_loop3A_372 = arith.constant 40 : i32
      %parallel_loop3A_373 = arith.muli %parallel_loop3A_82, %parallel_loop3A_372 : i32
      %parallel_loop3A_374 = arith.constant 36 : i32
      %parallel_loop3A_375 = arith.addi %parallel_loop3A_373, %parallel_loop3A_374 : i32
      %parallel_loop3A_376 = arith.constant 16 : i32
      %parallel_loop3A_377 = arith.muli %parallel_loop3A_375, %parallel_loop3A_376 : i32
      %parallel_loop3A_378 = arith.index_cast %parallel_loop3A_377 : i32 to index
      %parallel_loop3A_379 = tpu.vector_load %arg6[%parallel_loop3A_378] {strides = array<i32>} : memref<16000xf32, #tpu.memory_space<vmem>>, vector<16xf32>,
      %parallel_loop3A_380 = arith.constant 40 : i32
      %parallel_loop3A_381 = arith.muli %parallel_loop3A_82, %parallel_loop3A_380 : i32
      %parallel_loop3A_382 = arith.constant 37 : i32
      %parallel_loop3A_383 = arith.addi %parallel_loop3A_381, %parallel_loop3A_382 : i32
      %parallel_loop3A_384 = arith.constant 16 : i32
      %parallel_loop3A_385 = arith.muli %parallel_loop3A_383, %parallel_loop3A_384 : i32
      %parallel_loop3A_386 = arith.index_cast %parallel_loop3A_385 : i32 to index
      %parallel_loop3A_387 = tpu.vector_load %arg6[%parallel_loop3A_386] {strides = array<i32>} : memref<16000xf32, #tpu.memory_space<vmem>>, vector<16xf32>,
      %parallel_loop3A_388 = arith.constant 40 : i32
      %parallel_loop3A_389 = arith.muli %parallel_loop3A_82, %parallel_loop3A_388 : i32
      %parallel_loop3A_390 = arith.constant 38 : i32
      %parallel_loop3A_391 = arith.addi %parallel_loop3A_389, %parallel_loop3A_390 : i32
      %parallel_loop3A_392 = arith.constant 16 : i32
      %parallel_loop3A_393 = arith.muli %parallel_loop3A_391, %parallel_loop3A_392 : i32
      %parallel_loop3A_394 = arith.index_cast %parallel_loop3A_393 : i32 to index
      %parallel_loop3A_395 = tpu.vector_load %arg6[%parallel_loop3A_394] {strides = array<i32>} : memref<16000xf32, #tpu.memory_space<vmem>>, vector<16xf32>,
      %parallel_loop3A_396 = arith.constant 40 : i32
      %parallel_loop3A_397 = arith.muli %parallel_loop3A_82, %parallel_loop3A_396 : i32
      %parallel_loop3A_398 = arith.constant 39 : i32
      %parallel_loop3A_399 = arith.addi %parallel_loop3A_397, %parallel_loop3A_398 : i32
      %parallel_loop3A_400 = arith.constant 16 : i32
      %parallel_loop3A_401 = arith.muli %parallel_loop3A_399, %parallel_loop3A_400 : i32
      %parallel_loop3A_402 = arith.index_cast %parallel_loop3A_401 : i32 to index
      %parallel_loop3A_403 = tpu.vector_load %arg6[%parallel_loop3A_402] {strides = array<i32>} : memref<16000xf32, #tpu.memory_space<vmem>>, vector<16xf32>,
      %parallel_loop3A_404 = arith.maximumf %parallel_loop3A_91, %parallel_loop3A_99 : vector<16xf32>
      %parallel_loop3A_405 = arith.maximumf %parallel_loop3A_107, %parallel_loop3A_115 : vector<16xf32>
      %parallel_loop3A_406 = arith.maximumf %parallel_loop3A_123, %parallel_loop3A_131 : vector<16xf32>
      %parallel_loop3A_407 = arith.maximumf %parallel_loop3A_139, %parallel_loop3A_147 : vector<16xf32>
      %parallel_loop3A_408 = arith.maximumf %parallel_loop3A_155, %parallel_loop3A_163 : vector<16xf32>
      %parallel_loop3A_409 = arith.maximumf %parallel_loop3A_171, %parallel_loop3A_179 : vector<16xf32>
      %parallel_loop3A_410 = arith.maximumf %parallel_loop3A_187, %parallel_loop3A_195 : vector<16xf32>
      %parallel_loop3A_411 = arith.maximumf %parallel_loop3A_203, %parallel_loop3A_211 : vector<16xf32>
      %parallel_loop3A_412 = arith.maximumf %parallel_loop3A_219, %parallel_loop3A_227 : vector<16xf32>
      %parallel_loop3A_413 = arith.maximumf %parallel_loop3A_235, %parallel_loop3A_243 : vector<16xf32>
      %parallel_loop3A_414 = arith.maximumf %parallel_loop3A_251, %parallel_loop3A_259 : vector<16xf32>
      %parallel_loop3A_415 = arith.maximumf %parallel_loop3A_267, %parallel_loop3A_275 : vector<16xf32>
      %parallel_loop3A_416 = arith.maximumf %parallel_loop3A_283, %parallel_loop3A_291 : vector<16xf32>
      %parallel_loop3A_417 = arith.maximumf %parallel_loop3A_299, %parallel_loop3A_307 : vector<16xf32>
      %parallel_loop3A_418 = arith.maximumf %parallel_loop3A_315, %parallel_loop3A_323 : vector<16xf32>
      %parallel_loop3A_419 = arith.maximumf %parallel_loop3A_331, %parallel_loop3A_339 : vector<16xf32>
      %parallel_loop3A_420 = arith.maximumf %parallel_loop3A_347, %parallel_loop3A_355 : vector<16xf32>
      %parallel_loop3A_421 = arith.maximumf %parallel_loop3A_363, %parallel_loop3A_371 : vector<16xf32>
      %parallel_loop3A_422 = arith.maximumf %parallel_loop3A_379, %parallel_loop3A_387 : vector<16xf32>
      %parallel_loop3A_423 = arith.maximumf %parallel_loop3A_395, %parallel_loop3A_403 : vector<16xf32>
      %parallel_loop3A_424 = arith.maximumf %parallel_loop3A_404, %parallel_loop3A_405 : vector<16xf32>
      %parallel_loop3A_425 = arith.maximumf %parallel_loop3A_406, %parallel_loop3A_407 : vector<16xf32>
      %parallel_loop3A_426 = arith.maximumf %parallel_loop3A_408, %parallel_loop3A_409 : vector<16xf32>
      %parallel_loop3A_427 = arith.maximumf %parallel_loop3A_410, %parallel_loop3A_411 : vector<16xf32>
      %parallel_loop3A_428 = arith.maximumf %parallel_loop3A_412, %parallel_loop3A_413 : vector<16xf32>
      %parallel_loop3A_429 = arith.maximumf %parallel_loop3A_414, %parallel_loop3A_415 : vector<16xf32>
      %parallel_loop3A_430 = arith.maximumf %parallel_loop3A_416, %parallel_loop3A_417 : vector<16xf32>
      %parallel_loop3A_431 = arith.maximumf %parallel_loop3A_418, %parallel_loop3A_419 : vector<16xf32>
      %parallel_loop3A_432 = arith.maximumf %parallel_loop3A_420, %parallel_loop3A_421 : vector<16xf32>
      %parallel_loop3A_433 = arith.maximumf %parallel_loop3A_422, %parallel_loop3A_423 : vector<16xf32>
      %parallel_loop3A_434 = arith.maximumf %parallel_loop3A_424, %parallel_loop3A_425 : vector<16xf32>
      %parallel_loop3A_435 = arith.maximumf %parallel_loop3A_426, %parallel_loop3A_427 : vector<16xf32>
      %parallel_loop3A_436 = arith.maximumf %parallel_loop3A_428, %parallel_loop3A_429 : vector<16xf32>
      %parallel_loop3A_437 = arith.maximumf %parallel_loop3A_430, %parallel_loop3A_431 : vector<16xf32>
      %parallel_loop3A_438 = arith.maximumf %parallel_loop3A_432, %parallel_loop3A_433 : vector<16xf32>
      %parallel_loop3A_439 = arith.maximumf %parallel_loop3A_434, %parallel_loop3A_435 : vector<16xf32>
      %parallel_loop3A_440 = arith.maximumf %parallel_loop3A_436, %parallel_loop3A_437 : vector<16xf32>
      %parallel_loop3A_441 = arith.maximumf %parallel_loop3A_439, %parallel_loop3A_440 : vector<16xf32>
      %parallel_loop3A_442 = arith.maximumf %parallel_loop3A_441, %parallel_loop3A_438 : vector<16xf32>
      %parallel_loop3A_443 = arith.constant true
      %parallel_loop3A_444 = vector.broadcast %parallel_loop3A_443 : i1 to vector<16xi1>
      %parallel_loop3A_445 = tpu.scan <max>, %parallel_loop3A_442 masked %parallel_loop3A_444 : vector<16xf32>, vector<16xi1> -> vector<16xf32>
      %parallel_loop3A_446 = vector.extract %parallel_loop3A_445[15] : f32 from vector<16xf32>
      %parallel_loop3A_447 = arith.cmpf oge, %parallel_loop3A_446, %bitcast_convert_type3A : f32
      %parallel_loop3A_448 = arith.extui %parallel_loop3A_447 : i1 to i32
      %parallel_loop3A_449 = arith.constant 0 : i32
      %parallel_loop3A_450 = arith.cmpi ne, %parallel_loop3A_448, %parallel_loop3A_449 : i32
      %parallel_loop3A_451 = scf.if %parallel_loop3A_450 -> (i32) {
        %parallel_loop3A_452 = arith.constant 40 : i32
        %parallel_loop3A_453 = arith.muli %parallel_loop3A_82, %parallel_loop3A_452 : i32
        %parallel_loop3A_454 = arith.constant 40 : i32
        %parallel_loop3A_455 = arith.muli %parallel_loop3A_82, %parallel_loop3A_454 : i32
        %parallel_loop3A_456 = arith.constant 40 : i32
        %parallel_loop3A_457 = arith.addi %parallel_loop3A_455, %parallel_loop3A_456 : i32
        %parallel_loop3A_458 = arith.subi %parallel_loop3A_457, %parallel_loop3A_453 : i32
        %parallel_loop3A_459 = arith.addi %parallel_loop3A_453, %parallel_loop3A_458 : i32
        %parallel_loop3A_460 = arith.constant 1 : i32
        %parallel_loop3A_461 = arith.divsi %parallel_loop3A_458, %parallel_loop3A_460 : i32
        %parallel_loop3A_462 = arith.muli %parallel_loop3A_461, %parallel_loop3A_460 : i32
        %parallel_loop3A_463 = arith.addi %parallel_loop3A_453, %parallel_loop3A_462 : i32
        %parallel_loop3A_464 = arith.constant 1 : i32
        %parallel_loop3A_465 = scf.for %while3A = %parallel_loop3A_453 to %parallel_loop3A_463 step %parallel_loop3A_464 iter_args(%while3A_468 = %parallel_loop3A_83) -> (i32)  : i32 {
          %parallel_loop3A_469 = arith.constant 16 : i32
          %parallel_loop3A_470 = arith.muli %while3A, %parallel_loop3A_469 : i32
          %parallel_loop3A_471 = arith.index_cast %parallel_loop3A_470 : i32 to index
          %parallel_loop3A_472 = tpu.vector_load %arg6[%parallel_loop3A_471] {strides = array<i32>} : memref<16000xf32, #tpu.memory_space<vmem>>, vector<16xf32>,
          %parallel_loop3A_473 = arith.constant 48000 : i32
          %parallel_loop3A_474 = arith.addi %mul3A_2, %parallel_loop3A_473 : i32
          %parallel_loop3A_475 = arith.constant 16 : i32
          %parallel_loop3A_476 = arith.muli %while3A, %parallel_loop3A_475 : i32
          %parallel_loop3A_477 = arith.addi %parallel_loop3A_474, %parallel_loop3A_476 : i32
          %parallel_loop3A_478 = vector.broadcast %parallel_loop3A_477 : i32 to vector<16xi32>
          %parallel_loop3A_479 = arith.addi %parallel_loop3A_478, %iota3A : vector<16xi32>
          %parallel_loop3A_480 = vector.broadcast %bitcast_convert_type3A : f32 to vector<16xf32>
          %parallel_loop3A_481 = arith.cmpf oge, %parallel_loop3A_472, %parallel_loop3A_480 : vector<16xf32>
          %parallel_loop3A_482 = arith.constant 256 : i32
          %parallel_loop3A_483 = vector.broadcast %parallel_loop3A_482 : i32 to vector<16xi32>
          %parallel_loop3A_484 = arith.cmpi sge, %parallel_loop3A_479, %parallel_loop3A_483 : vector<16xi32>
          %parallel_loop3A_485 = arith.andi %parallel_loop3A_481, %parallel_loop3A_484 : vector<16xi1>
          %parallel_loop3A_486 = arith.constant 1 : i32
          %parallel_loop3A_487 = arith.constant 0 : i32
          %parallel_loop3A_488 = vector.broadcast %parallel_loop3A_486 : i32 to vector<16xi32>
          %parallel_loop3A_489 = vector.broadcast %parallel_loop3A_487 : i32 to vector<16xi32>
          %parallel_loop3A_490 = arith.select %parallel_loop3A_485, %parallel_loop3A_488, %parallel_loop3A_489 : vector<16xi1>, vector<16xi32>
          %parallel_loop3A_491 = arith.constant true
          %parallel_loop3A_492 = vector.broadcast %parallel_loop3A_491 : i1 to vector<16xi1>
          %parallel_loop3A_493 = tpu.scan <sum>, %parallel_loop3A_490 masked %parallel_loop3A_492 : vector<16xi32>, vector<16xi1> -> vector<16xi32>
          %parallel_loop3A_494 = vector.broadcast %while3A_468 : i32 to vector<16xi32>
          %parallel_loop3A_495 = arith.addi %parallel_loop3A_494, %parallel_loop3A_493 : vector<16xi32>
          %parallel_loop3A_496 = arith.constant 1 : i32
          %parallel_loop3A_497 = vector.broadcast %parallel_loop3A_496 : i32 to vector<16xi32>
          %parallel_loop3A_498 = arith.subi %parallel_loop3A_495, %parallel_loop3A_497 : vector<16xi32>
          %parallel_loop3A_499 = arith.constant 32 : i32
          %parallel_loop3A_500 = vector.broadcast %parallel_loop3A_499 : i32 to vector<16xi32>
          %parallel_loop3A_501 = arith.cmpi slt, %parallel_loop3A_498, %parallel_loop3A_500 : vector<16xi32>
          %parallel_loop3A_502 = arith.andi %parallel_loop3A_485, %parallel_loop3A_501 : vector<16xi1>
          %parallel_loop3A_503 = arith.constant 0 : i32
          %parallel_loop3A_504 = vector.broadcast %parallel_loop3A_503 : i32 to vector<16xi32>
          %parallel_loop3A_505 = arith.select %parallel_loop3A_502, %parallel_loop3A_498, %parallel_loop3A_504 : vector<16xi1>, vector<16xi32>
          %parallel_loop3A_506 = arith.constant 7 : i32
          %parallel_loop3A_507 = vector.broadcast %parallel_loop3A_506 : i32 to vector<16xi32>
          %parallel_loop3A_508 = arith.shrui %parallel_loop3A_479, %parallel_loop3A_507 : vector<16xi32>
          %parallel_loop3A_509 = arith.constant 127 : i32
          %parallel_loop3A_510 = vector.broadcast %parallel_loop3A_509 : i32 to vector<16xi32>
          %parallel_loop3A_511 = arith.andi %parallel_loop3A_479, %parallel_loop3A_510 : vector<16xi32>
          tpu.vector_store_idx %arg10[%parallel_loop3A_505], %parallel_loop3A_472 masked %parallel_loop3A_502 : memref<32xf32, #tpu.memory_space<vmem>>[vector<16xi32>], vector<16xf32>, vector<16xi1>
          %parallel_loop3A_512 = arith.constant 117 : i32
          %parallel_loop3A_513 = vector.broadcast %parallel_loop3A_512 : i32 to vector<16xi32>
          %parallel_loop3A_514 = arith.muli %parallel_loop3A_508, %parallel_loop3A_513 : vector<16xi32>
          %parallel_loop3A_515 = arith.addi %parallel_loop3A_514, %parallel_loop3A_511 : vector<16xi32>
          tpu.vector_store_idx %arg11[%parallel_loop3A_505], %parallel_loop3A_515 masked %parallel_loop3A_502 : memref<32xi32, #tpu.memory_space<vmem>>[vector<16xi32>], vector<16xi32>, vector<16xi1>
          %parallel_loop3A_516 = arith.constant true
          %parallel_loop3A_517 = vector.broadcast %parallel_loop3A_516 : i1 to vector<16xi1>
          %parallel_loop3A_518 = tpu.scan <sum>, %parallel_loop3A_490 masked %parallel_loop3A_517 : vector<16xi32>, vector<16xi1> -> vector<16xi32>
          %parallel_loop3A_519 = vector.extract %parallel_loop3A_518[15] : i32 from vector<16xi32>
          %parallel_loop3A_520 = arith.addi %while3A_468, %parallel_loop3A_519 : i32
          scf.yield %parallel_loop3A_520 : i32
        }
        %parallel_loop3A_466 = arith.constant 1 : i32
        %parallel_loop3A_467 = scf.for %while3A = %parallel_loop3A_463 to %parallel_loop3A_459 step %parallel_loop3A_466 iter_args(%while3A_468 = %parallel_loop3A_465) -> (i32)  : i32 {
          %parallel_loop3A_469 = arith.constant 16 : i32
          %parallel_loop3A_470 = arith.muli %while3A, %parallel_loop3A_469 : i32
          %parallel_loop3A_471 = arith.index_cast %parallel_loop3A_470 : i32 to index
          %parallel_loop3A_472 = tpu.vector_load %arg6[%parallel_loop3A_471] {strides = array<i32>} : memref<16000xf32, #tpu.memory_space<vmem>>, vector<16xf32>,
          %parallel_loop3A_473 = arith.constant 48000 : i32
          %parallel_loop3A_474 = arith.addi %mul3A_2, %parallel_loop3A_473 : i32
          %parallel_loop3A_475 = arith.constant 16 : i32
          %parallel_loop3A_476 = arith.muli %while3A, %parallel_loop3A_475 : i32
          %parallel_loop3A_477 = arith.addi %parallel_loop3A_474, %parallel_loop3A_476 : i32
          %parallel_loop3A_478 = vector.broadcast %parallel_loop3A_477 : i32 to vector<16xi32>
          %parallel_loop3A_479 = arith.addi %parallel_loop3A_478, %iota3A : vector<16xi32>
          %parallel_loop3A_480 = vector.broadcast %bitcast_convert_type3A : f32 to vector<16xf32>
          %parallel_loop3A_481 = arith.cmpf oge, %parallel_loop3A_472, %parallel_loop3A_480 : vector<16xf32>
          %parallel_loop3A_482 = arith.constant 256 : i32
          %parallel_loop3A_483 = vector.broadcast %parallel_loop3A_482 : i32 to vector<16xi32>
          %parallel_loop3A_484 = arith.cmpi sge, %parallel_loop3A_479, %parallel_loop3A_483 : vector<16xi32>
          %parallel_loop3A_485 = arith.andi %parallel_loop3A_481, %parallel_loop3A_484 : vector<16xi1>
          %parallel_loop3A_486 = arith.constant 1 : i32
          %parallel_loop3A_487 = arith.constant 0 : i32
          %parallel_loop3A_488 = vector.broadcast %parallel_loop3A_486 : i32 to vector<16xi32>
          %parallel_loop3A_489 = vector.broadcast %parallel_loop3A_487 : i32 to vector<16xi32>
          %parallel_loop3A_490 = arith.select %parallel_loop3A_485, %parallel_loop3A_488, %parallel_loop3A_489 : vector<16xi1>, vector<16xi32>
          %parallel_loop3A_491 = arith.constant true
          %parallel_loop3A_492 = vector.broadcast %parallel_loop3A_491 : i1 to vector<16xi1>
          %parallel_loop3A_493 = tpu.scan <sum>, %parallel_loop3A_490 masked %parallel_loop3A_492 : vector<16xi32>, vector<16xi1> -> vector<16xi32>
          %parallel_loop3A_494 = vector.broadcast %while3A_468 : i32 to vector<16xi32>
          %parallel_loop3A_495 = arith.addi %parallel_loop3A_494, %parallel_loop3A_493 : vector<16xi32>
          %parallel_loop3A_496 = arith.constant 1 : i32
          %parallel_loop3A_497 = vector.broadcast %parallel_loop3A_496 : i32 to vector<16xi32>
          %parallel_loop3A_498 = arith.subi %parallel_loop3A_495, %parallel_loop3A_497 : vector<16xi32>
          %parallel_loop3A_499 = arith.constant 32 : i32
          %parallel_loop3A_500 = vector.broadcast %parallel_loop3A_499 : i32 to vector<16xi32>
          %parallel_loop3A_501 = arith.cmpi slt, %parallel_loop3A_498, %parallel_loop3A_500 : vector<16xi32>
          %parallel_loop3A_502 = arith.andi %parallel_loop3A_485, %parallel_loop3A_501 : vector<16xi1>
          %parallel_loop3A_503 = arith.constant 0 : i32
          %parallel_loop3A_504 = vector.broadcast %parallel_loop3A_503 : i32 to vector<16xi32>
          %parallel_loop3A_505 = arith.select %parallel_loop3A_502, %parallel_loop3A_498, %parallel_loop3A_504 : vector<16xi1>, vector<16xi32>
          %parallel_loop3A_506 = arith.constant 7 : i32
          %parallel_loop3A_507 = vector.broadcast %parallel_loop3A_506 : i32 to vector<16xi32>
          %parallel_loop3A_508 = arith.shrui %parallel_loop3A_479, %parallel_loop3A_507 : vector<16xi32>
          %parallel_loop3A_509 = arith.constant 127 : i32
          %parallel_loop3A_510 = vector.broadcast %parallel_loop3A_509 : i32 to vector<16xi32>
          %parallel_loop3A_511 = arith.andi %parallel_loop3A_479, %parallel_loop3A_510 : vector<16xi32>
          tpu.vector_store_idx %arg10[%parallel_loop3A_505], %parallel_loop3A_472 masked %parallel_loop3A_502 : memref<32xf32, #tpu.memory_space<vmem>>[vector<16xi32>], vector<16xf32>, vector<16xi1>
          %parallel_loop3A_512 = arith.constant 117 : i32
          %parallel_loop3A_513 = vector.broadcast %parallel_loop3A_512 : i32 to vector<16xi32>
          %parallel_loop3A_514 = arith.muli %parallel_loop3A_508, %parallel_loop3A_513 : vector<16xi32>
          %parallel_loop3A_515 = arith.addi %parallel_loop3A_514, %parallel_loop3A_511 : vector<16xi32>
          tpu.vector_store_idx %arg11[%parallel_loop3A_505], %parallel_loop3A_515 masked %parallel_loop3A_502 : memref<32xi32, #tpu.memory_space<vmem>>[vector<16xi32>], vector<16xi32>, vector<16xi1>
          %parallel_loop3A_516 = arith.constant true
          %parallel_loop3A_517 = vector.broadcast %parallel_loop3A_516 : i1 to vector<16xi1>
          %parallel_loop3A_518 = tpu.scan <sum>, %parallel_loop3A_490 masked %parallel_loop3A_517 : vector<16xi32>, vector<16xi1> -> vector<16xi32>
          %parallel_loop3A_519 = vector.extract %parallel_loop3A_518[15] : i32 from vector<16xi32>
          %parallel_loop3A_520 = arith.addi %while3A_468, %parallel_loop3A_519 : i32
          scf.yield %parallel_loop3A_520 : i32
        }
        scf.yield %parallel_loop3A_467 : i32
      } else {
        scf.yield %parallel_loop3A_83 : i32
      }
      scf.yield %parallel_loop3A_451 : i32
    } {sc.loop_unroll_factor = 1 : i64, sc.parallel_access}
    %dma_wait3A_68 = tpu.memref_slice %arg2[%add3A_59] : memref<2560000xf32, #tpu.memory_space<hbm>> -> memref<16000xf32, #tpu.memory_space<hbm>>
    %dma_wait3A_69 = tpu.memref_slice %arg2[%add3A_59] : memref<2560000xf32, #tpu.memory_space<hbm>> -> memref<16000xf32, #tpu.memory_space<hbm>>
    tpu.wait_dma2 semaphore(%arg15 : memref<!tpu.dma_semaphore, #tpu.memory_space<semaphore_mem>>) src(%dma_wait3A_69 : memref<16000xf32, #tpu.memory_space<hbm>>) dst(%arg7 : memref<16000xf32, #tpu.memory_space<vmem>>)
    %parallel_loop3A_70 = arith.constant 0 : i32
    %parallel_loop3A_71 = arith.constant 25 : i32
    %parallel_loop3A_72 = arith.constant 1 : i32
    %parallel_loop3A_73 = scf.for %parallel_loop3A_82 = %parallel_loop3A_70 to %parallel_loop3A_71 step %parallel_loop3A_72 iter_args(%parallel_loop3A_83 = %parallel_loop3A_67) -> (i32)  : i32 {
      %parallel_loop3A_84 = arith.constant 40 : i32
      %parallel_loop3A_85 = arith.muli %parallel_loop3A_82, %parallel_loop3A_84 : i32
      %parallel_loop3A_86 = arith.constant 0 : i32
      %parallel_loop3A_87 = arith.addi %parallel_loop3A_85, %parallel_loop3A_86 : i32
      %parallel_loop3A_88 = arith.constant 16 : i32
      %parallel_loop3A_89 = arith.muli %parallel_loop3A_87, %parallel_loop3A_88 : i32
      %parallel_loop3A_90 = arith.index_cast %parallel_loop3A_89 : i32 to index
      %parallel_loop3A_91 = tpu.vector_load %arg7[%parallel_loop3A_90] {strides = array<i32>} : memref<16000xf32, #tpu.memory_space<vmem>>, vector<16xf32>,
      %parallel_loop3A_92 = arith.constant 40 : i32
      %parallel_loop3A_93 = arith.muli %parallel_loop3A_82, %parallel_loop3A_92 : i32
      %parallel_loop3A_94 = arith.constant 1 : i32
      %parallel_loop3A_95 = arith.addi %parallel_loop3A_93, %parallel_loop3A_94 : i32
      %parallel_loop3A_96 = arith.constant 16 : i32
      %parallel_loop3A_97 = arith.muli %parallel_loop3A_95, %parallel_loop3A_96 : i32
      %parallel_loop3A_98 = arith.index_cast %parallel_loop3A_97 : i32 to index
      %parallel_loop3A_99 = tpu.vector_load %arg7[%parallel_loop3A_98] {strides = array<i32>} : memref<16000xf32, #tpu.memory_space<vmem>>, vector<16xf32>,
      %parallel_loop3A_100 = arith.constant 40 : i32
      %parallel_loop3A_101 = arith.muli %parallel_loop3A_82, %parallel_loop3A_100 : i32
      %parallel_loop3A_102 = arith.constant 2 : i32
      %parallel_loop3A_103 = arith.addi %parallel_loop3A_101, %parallel_loop3A_102 : i32
      %parallel_loop3A_104 = arith.constant 16 : i32
      %parallel_loop3A_105 = arith.muli %parallel_loop3A_103, %parallel_loop3A_104 : i32
      %parallel_loop3A_106 = arith.index_cast %parallel_loop3A_105 : i32 to index
      %parallel_loop3A_107 = tpu.vector_load %arg7[%parallel_loop3A_106] {strides = array<i32>} : memref<16000xf32, #tpu.memory_space<vmem>>, vector<16xf32>,
      %parallel_loop3A_108 = arith.constant 40 : i32
      %parallel_loop3A_109 = arith.muli %parallel_loop3A_82, %parallel_loop3A_108 : i32
      %parallel_loop3A_110 = arith.constant 3 : i32
      %parallel_loop3A_111 = arith.addi %parallel_loop3A_109, %parallel_loop3A_110 : i32
      %parallel_loop3A_112 = arith.constant 16 : i32
      %parallel_loop3A_113 = arith.muli %parallel_loop3A_111, %parallel_loop3A_112 : i32
      %parallel_loop3A_114 = arith.index_cast %parallel_loop3A_113 : i32 to index
      %parallel_loop3A_115 = tpu.vector_load %arg7[%parallel_loop3A_114] {strides = array<i32>} : memref<16000xf32, #tpu.memory_space<vmem>>, vector<16xf32>,
      %parallel_loop3A_116 = arith.constant 40 : i32
      %parallel_loop3A_117 = arith.muli %parallel_loop3A_82, %parallel_loop3A_116 : i32
      %parallel_loop3A_118 = arith.constant 4 : i32
      %parallel_loop3A_119 = arith.addi %parallel_loop3A_117, %parallel_loop3A_118 : i32
      %parallel_loop3A_120 = arith.constant 16 : i32
      %parallel_loop3A_121 = arith.muli %parallel_loop3A_119, %parallel_loop3A_120 : i32
      %parallel_loop3A_122 = arith.index_cast %parallel_loop3A_121 : i32 to index
      %parallel_loop3A_123 = tpu.vector_load %arg7[%parallel_loop3A_122] {strides = array<i32>} : memref<16000xf32, #tpu.memory_space<vmem>>, vector<16xf32>,
      %parallel_loop3A_124 = arith.constant 40 : i32
      %parallel_loop3A_125 = arith.muli %parallel_loop3A_82, %parallel_loop3A_124 : i32
      %parallel_loop3A_126 = arith.constant 5 : i32
      %parallel_loop3A_127 = arith.addi %parallel_loop3A_125, %parallel_loop3A_126 : i32
      %parallel_loop3A_128 = arith.constant 16 : i32
      %parallel_loop3A_129 = arith.muli %parallel_loop3A_127, %parallel_loop3A_128 : i32
      %parallel_loop3A_130 = arith.index_cast %parallel_loop3A_129 : i32 to index
      %parallel_loop3A_131 = tpu.vector_load %arg7[%parallel_loop3A_130] {strides = array<i32>} : memref<16000xf32, #tpu.memory_space<vmem>>, vector<16xf32>,
      %parallel_loop3A_132 = arith.constant 40 : i32
      %parallel_loop3A_133 = arith.muli %parallel_loop3A_82, %parallel_loop3A_132 : i32
      %parallel_loop3A_134 = arith.constant 6 : i32
      %parallel_loop3A_135 = arith.addi %parallel_loop3A_133, %parallel_loop3A_134 : i32
      %parallel_loop3A_136 = arith.constant 16 : i32
      %parallel_loop3A_137 = arith.muli %parallel_loop3A_135, %parallel_loop3A_136 : i32
      %parallel_loop3A_138 = arith.index_cast %parallel_loop3A_137 : i32 to index
      %parallel_loop3A_139 = tpu.vector_load %arg7[%parallel_loop3A_138] {strides = array<i32>} : memref<16000xf32, #tpu.memory_space<vmem>>, vector<16xf32>,
      %parallel_loop3A_140 = arith.constant 40 : i32
      %parallel_loop3A_141 = arith.muli %parallel_loop3A_82, %parallel_loop3A_140 : i32
      %parallel_loop3A_142 = arith.constant 7 : i32
      %parallel_loop3A_143 = arith.addi %parallel_loop3A_141, %parallel_loop3A_142 : i32
      %parallel_loop3A_144 = arith.constant 16 : i32
      %parallel_loop3A_145 = arith.muli %parallel_loop3A_143, %parallel_loop3A_144 : i32
      %parallel_loop3A_146 = arith.index_cast %parallel_loop3A_145 : i32 to index
      %parallel_loop3A_147 = tpu.vector_load %arg7[%parallel_loop3A_146] {strides = array<i32>} : memref<16000xf32, #tpu.memory_space<vmem>>, vector<16xf32>,
      %parallel_loop3A_148 = arith.constant 40 : i32
      %parallel_loop3A_149 = arith.muli %parallel_loop3A_82, %parallel_loop3A_148 : i32
      %parallel_loop3A_150 = arith.constant 8 : i32
      %parallel_loop3A_151 = arith.addi %parallel_loop3A_149, %parallel_loop3A_150 : i32
      %parallel_loop3A_152 = arith.constant 16 : i32
      %parallel_loop3A_153 = arith.muli %parallel_loop3A_151, %parallel_loop3A_152 : i32
      %parallel_loop3A_154 = arith.index_cast %parallel_loop3A_153 : i32 to index
      %parallel_loop3A_155 = tpu.vector_load %arg7[%parallel_loop3A_154] {strides = array<i32>} : memref<16000xf32, #tpu.memory_space<vmem>>, vector<16xf32>,
      %parallel_loop3A_156 = arith.constant 40 : i32
      %parallel_loop3A_157 = arith.muli %parallel_loop3A_82, %parallel_loop3A_156 : i32
      %parallel_loop3A_158 = arith.constant 9 : i32
      %parallel_loop3A_159 = arith.addi %parallel_loop3A_157, %parallel_loop3A_158 : i32
      %parallel_loop3A_160 = arith.constant 16 : i32
      %parallel_loop3A_161 = arith.muli %parallel_loop3A_159, %parallel_loop3A_160 : i32
      %parallel_loop3A_162 = arith.index_cast %parallel_loop3A_161 : i32 to index
      %parallel_loop3A_163 = tpu.vector_load %arg7[%parallel_loop3A_162] {strides = array<i32>} : memref<16000xf32, #tpu.memory_space<vmem>>, vector<16xf32>,
      %parallel_loop3A_164 = arith.constant 40 : i32
      %parallel_loop3A_165 = arith.muli %parallel_loop3A_82, %parallel_loop3A_164 : i32
      %parallel_loop3A_166 = arith.constant 10 : i32
      %parallel_loop3A_167 = arith.addi %parallel_loop3A_165, %parallel_loop3A_166 : i32
      %parallel_loop3A_168 = arith.constant 16 : i32
      %parallel_loop3A_169 = arith.muli %parallel_loop3A_167, %parallel_loop3A_168 : i32
      %parallel_loop3A_170 = arith.index_cast %parallel_loop3A_169 : i32 to index
      %parallel_loop3A_171 = tpu.vector_load %arg7[%parallel_loop3A_170] {strides = array<i32>} : memref<16000xf32, #tpu.memory_space<vmem>>, vector<16xf32>,
      %parallel_loop3A_172 = arith.constant 40 : i32
      %parallel_loop3A_173 = arith.muli %parallel_loop3A_82, %parallel_loop3A_172 : i32
      %parallel_loop3A_174 = arith.constant 11 : i32
      %parallel_loop3A_175 = arith.addi %parallel_loop3A_173, %parallel_loop3A_174 : i32
      %parallel_loop3A_176 = arith.constant 16 : i32
      %parallel_loop3A_177 = arith.muli %parallel_loop3A_175, %parallel_loop3A_176 : i32
      %parallel_loop3A_178 = arith.index_cast %parallel_loop3A_177 : i32 to index
      %parallel_loop3A_179 = tpu.vector_load %arg7[%parallel_loop3A_178] {strides = array<i32>} : memref<16000xf32, #tpu.memory_space<vmem>>, vector<16xf32>,
      %parallel_loop3A_180 = arith.constant 40 : i32
      %parallel_loop3A_181 = arith.muli %parallel_loop3A_82, %parallel_loop3A_180 : i32
      %parallel_loop3A_182 = arith.constant 12 : i32
      %parallel_loop3A_183 = arith.addi %parallel_loop3A_181, %parallel_loop3A_182 : i32
      %parallel_loop3A_184 = arith.constant 16 : i32
      %parallel_loop3A_185 = arith.muli %parallel_loop3A_183, %parallel_loop3A_184 : i32
      %parallel_loop3A_186 = arith.index_cast %parallel_loop3A_185 : i32 to index
      %parallel_loop3A_187 = tpu.vector_load %arg7[%parallel_loop3A_186] {strides = array<i32>} : memref<16000xf32, #tpu.memory_space<vmem>>, vector<16xf32>,
      %parallel_loop3A_188 = arith.constant 40 : i32
      %parallel_loop3A_189 = arith.muli %parallel_loop3A_82, %parallel_loop3A_188 : i32
      %parallel_loop3A_190 = arith.constant 13 : i32
      %parallel_loop3A_191 = arith.addi %parallel_loop3A_189, %parallel_loop3A_190 : i32
      %parallel_loop3A_192 = arith.constant 16 : i32
      %parallel_loop3A_193 = arith.muli %parallel_loop3A_191, %parallel_loop3A_192 : i32
      %parallel_loop3A_194 = arith.index_cast %parallel_loop3A_193 : i32 to index
      %parallel_loop3A_195 = tpu.vector_load %arg7[%parallel_loop3A_194] {strides = array<i32>} : memref<16000xf32, #tpu.memory_space<vmem>>, vector<16xf32>,
      %parallel_loop3A_196 = arith.constant 40 : i32
      %parallel_loop3A_197 = arith.muli %parallel_loop3A_82, %parallel_loop3A_196 : i32
      %parallel_loop3A_198 = arith.constant 14 : i32
      %parallel_loop3A_199 = arith.addi %parallel_loop3A_197, %parallel_loop3A_198 : i32
      %parallel_loop3A_200 = arith.constant 16 : i32
      %parallel_loop3A_201 = arith.muli %parallel_loop3A_199, %parallel_loop3A_200 : i32
      %parallel_loop3A_202 = arith.index_cast %parallel_loop3A_201 : i32 to index
      %parallel_loop3A_203 = tpu.vector_load %arg7[%parallel_loop3A_202] {strides = array<i32>} : memref<16000xf32, #tpu.memory_space<vmem>>, vector<16xf32>,
      %parallel_loop3A_204 = arith.constant 40 : i32
      %parallel_loop3A_205 = arith.muli %parallel_loop3A_82, %parallel_loop3A_204 : i32
      %parallel_loop3A_206 = arith.constant 15 : i32
      %parallel_loop3A_207 = arith.addi %parallel_loop3A_205, %parallel_loop3A_206 : i32
      %parallel_loop3A_208 = arith.constant 16 : i32
      %parallel_loop3A_209 = arith.muli %parallel_loop3A_207, %parallel_loop3A_208 : i32
      %parallel_loop3A_210 = arith.index_cast %parallel_loop3A_209 : i32 to index
      %parallel_loop3A_211 = tpu.vector_load %arg7[%parallel_loop3A_210] {strides = array<i32>} : memref<16000xf32, #tpu.memory_space<vmem>>, vector<16xf32>,
      %parallel_loop3A_212 = arith.constant 40 : i32
      %parallel_loop3A_213 = arith.muli %parallel_loop3A_82, %parallel_loop3A_212 : i32
      %parallel_loop3A_214 = arith.constant 16 : i32
      %parallel_loop3A_215 = arith.addi %parallel_loop3A_213, %parallel_loop3A_214 : i32
      %parallel_loop3A_216 = arith.constant 16 : i32
      %parallel_loop3A_217 = arith.muli %parallel_loop3A_215, %parallel_loop3A_216 : i32
      %parallel_loop3A_218 = arith.index_cast %parallel_loop3A_217 : i32 to index
      %parallel_loop3A_219 = tpu.vector_load %arg7[%parallel_loop3A_218] {strides = array<i32>} : memref<16000xf32, #tpu.memory_space<vmem>>, vector<16xf32>,
      %parallel_loop3A_220 = arith.constant 40 : i32
      %parallel_loop3A_221 = arith.muli %parallel_loop3A_82, %parallel_loop3A_220 : i32
      %parallel_loop3A_222 = arith.constant 17 : i32
      %parallel_loop3A_223 = arith.addi %parallel_loop3A_221, %parallel_loop3A_222 : i32
      %parallel_loop3A_224 = arith.constant 16 : i32
      %parallel_loop3A_225 = arith.muli %parallel_loop3A_223, %parallel_loop3A_224 : i32
      %parallel_loop3A_226 = arith.index_cast %parallel_loop3A_225 : i32 to index
      %parallel_loop3A_227 = tpu.vector_load %arg7[%parallel_loop3A_226] {strides = array<i32>} : memref<16000xf32, #tpu.memory_space<vmem>>, vector<16xf32>,
      %parallel_loop3A_228 = arith.constant 40 : i32
      %parallel_loop3A_229 = arith.muli %parallel_loop3A_82, %parallel_loop3A_228 : i32
      %parallel_loop3A_230 = arith.constant 18 : i32
      %parallel_loop3A_231 = arith.addi %parallel_loop3A_229, %parallel_loop3A_230 : i32
      %parallel_loop3A_232 = arith.constant 16 : i32
      %parallel_loop3A_233 = arith.muli %parallel_loop3A_231, %parallel_loop3A_232 : i32
      %parallel_loop3A_234 = arith.index_cast %parallel_loop3A_233 : i32 to index
      %parallel_loop3A_235 = tpu.vector_load %arg7[%parallel_loop3A_234] {strides = array<i32>} : memref<16000xf32, #tpu.memory_space<vmem>>, vector<16xf32>,
      %parallel_loop3A_236 = arith.constant 40 : i32
      %parallel_loop3A_237 = arith.muli %parallel_loop3A_82, %parallel_loop3A_236 : i32
      %parallel_loop3A_238 = arith.constant 19 : i32
      %parallel_loop3A_239 = arith.addi %parallel_loop3A_237, %parallel_loop3A_238 : i32
      %parallel_loop3A_240 = arith.constant 16 : i32
      %parallel_loop3A_241 = arith.muli %parallel_loop3A_239, %parallel_loop3A_240 : i32
      %parallel_loop3A_242 = arith.index_cast %parallel_loop3A_241 : i32 to index
      %parallel_loop3A_243 = tpu.vector_load %arg7[%parallel_loop3A_242] {strides = array<i32>} : memref<16000xf32, #tpu.memory_space<vmem>>, vector<16xf32>,
      %parallel_loop3A_244 = arith.constant 40 : i32
      %parallel_loop3A_245 = arith.muli %parallel_loop3A_82, %parallel_loop3A_244 : i32
      %parallel_loop3A_246 = arith.constant 20 : i32
      %parallel_loop3A_247 = arith.addi %parallel_loop3A_245, %parallel_loop3A_246 : i32
      %parallel_loop3A_248 = arith.constant 16 : i32
      %parallel_loop3A_249 = arith.muli %parallel_loop3A_247, %parallel_loop3A_248 : i32
      %parallel_loop3A_250 = arith.index_cast %parallel_loop3A_249 : i32 to index
      %parallel_loop3A_251 = tpu.vector_load %arg7[%parallel_loop3A_250] {strides = array<i32>} : memref<16000xf32, #tpu.memory_space<vmem>>, vector<16xf32>,
      %parallel_loop3A_252 = arith.constant 40 : i32
      %parallel_loop3A_253 = arith.muli %parallel_loop3A_82, %parallel_loop3A_252 : i32
      %parallel_loop3A_254 = arith.constant 21 : i32
      %parallel_loop3A_255 = arith.addi %parallel_loop3A_253, %parallel_loop3A_254 : i32
      %parallel_loop3A_256 = arith.constant 16 : i32
      %parallel_loop3A_257 = arith.muli %parallel_loop3A_255, %parallel_loop3A_256 : i32
      %parallel_loop3A_258 = arith.index_cast %parallel_loop3A_257 : i32 to index
      %parallel_loop3A_259 = tpu.vector_load %arg7[%parallel_loop3A_258] {strides = array<i32>} : memref<16000xf32, #tpu.memory_space<vmem>>, vector<16xf32>,
      %parallel_loop3A_260 = arith.constant 40 : i32
      %parallel_loop3A_261 = arith.muli %parallel_loop3A_82, %parallel_loop3A_260 : i32
      %parallel_loop3A_262 = arith.constant 22 : i32
      %parallel_loop3A_263 = arith.addi %parallel_loop3A_261, %parallel_loop3A_262 : i32
      %parallel_loop3A_264 = arith.constant 16 : i32
      %parallel_loop3A_265 = arith.muli %parallel_loop3A_263, %parallel_loop3A_264 : i32
      %parallel_loop3A_266 = arith.index_cast %parallel_loop3A_265 : i32 to index
      %parallel_loop3A_267 = tpu.vector_load %arg7[%parallel_loop3A_266] {strides = array<i32>} : memref<16000xf32, #tpu.memory_space<vmem>>, vector<16xf32>,
      %parallel_loop3A_268 = arith.constant 40 : i32
      %parallel_loop3A_269 = arith.muli %parallel_loop3A_82, %parallel_loop3A_268 : i32
      %parallel_loop3A_270 = arith.constant 23 : i32
      %parallel_loop3A_271 = arith.addi %parallel_loop3A_269, %parallel_loop3A_270 : i32
      %parallel_loop3A_272 = arith.constant 16 : i32
      %parallel_loop3A_273 = arith.muli %parallel_loop3A_271, %parallel_loop3A_272 : i32
      %parallel_loop3A_274 = arith.index_cast %parallel_loop3A_273 : i32 to index
      %parallel_loop3A_275 = tpu.vector_load %arg7[%parallel_loop3A_274] {strides = array<i32>} : memref<16000xf32, #tpu.memory_space<vmem>>, vector<16xf32>,
      %parallel_loop3A_276 = arith.constant 40 : i32
      %parallel_loop3A_277 = arith.muli %parallel_loop3A_82, %parallel_loop3A_276 : i32
      %parallel_loop3A_278 = arith.constant 24 : i32
      %parallel_loop3A_279 = arith.addi %parallel_loop3A_277, %parallel_loop3A_278 : i32
      %parallel_loop3A_280 = arith.constant 16 : i32
      %parallel_loop3A_281 = arith.muli %parallel_loop3A_279, %parallel_loop3A_280 : i32
      %parallel_loop3A_282 = arith.index_cast %parallel_loop3A_281 : i32 to index
      %parallel_loop3A_283 = tpu.vector_load %arg7[%parallel_loop3A_282] {strides = array<i32>} : memref<16000xf32, #tpu.memory_space<vmem>>, vector<16xf32>,
      %parallel_loop3A_284 = arith.constant 40 : i32
      %parallel_loop3A_285 = arith.muli %parallel_loop3A_82, %parallel_loop3A_284 : i32
      %parallel_loop3A_286 = arith.constant 25 : i32
      %parallel_loop3A_287 = arith.addi %parallel_loop3A_285, %parallel_loop3A_286 : i32
      %parallel_loop3A_288 = arith.constant 16 : i32
      %parallel_loop3A_289 = arith.muli %parallel_loop3A_287, %parallel_loop3A_288 : i32
      %parallel_loop3A_290 = arith.index_cast %parallel_loop3A_289 : i32 to index
      %parallel_loop3A_291 = tpu.vector_load %arg7[%parallel_loop3A_290] {strides = array<i32>} : memref<16000xf32, #tpu.memory_space<vmem>>, vector<16xf32>,
      %parallel_loop3A_292 = arith.constant 40 : i32
      %parallel_loop3A_293 = arith.muli %parallel_loop3A_82, %parallel_loop3A_292 : i32
      %parallel_loop3A_294 = arith.constant 26 : i32
      %parallel_loop3A_295 = arith.addi %parallel_loop3A_293, %parallel_loop3A_294 : i32
      %parallel_loop3A_296 = arith.constant 16 : i32
      %parallel_loop3A_297 = arith.muli %parallel_loop3A_295, %parallel_loop3A_296 : i32
      %parallel_loop3A_298 = arith.index_cast %parallel_loop3A_297 : i32 to index
      %parallel_loop3A_299 = tpu.vector_load %arg7[%parallel_loop3A_298] {strides = array<i32>} : memref<16000xf32, #tpu.memory_space<vmem>>, vector<16xf32>,
      %parallel_loop3A_300 = arith.constant 40 : i32
      %parallel_loop3A_301 = arith.muli %parallel_loop3A_82, %parallel_loop3A_300 : i32
      %parallel_loop3A_302 = arith.constant 27 : i32
      %parallel_loop3A_303 = arith.addi %parallel_loop3A_301, %parallel_loop3A_302 : i32
      %parallel_loop3A_304 = arith.constant 16 : i32
      %parallel_loop3A_305 = arith.muli %parallel_loop3A_303, %parallel_loop3A_304 : i32
      %parallel_loop3A_306 = arith.index_cast %parallel_loop3A_305 : i32 to index
      %parallel_loop3A_307 = tpu.vector_load %arg7[%parallel_loop3A_306] {strides = array<i32>} : memref<16000xf32, #tpu.memory_space<vmem>>, vector<16xf32>,
      %parallel_loop3A_308 = arith.constant 40 : i32
      %parallel_loop3A_309 = arith.muli %parallel_loop3A_82, %parallel_loop3A_308 : i32
      %parallel_loop3A_310 = arith.constant 28 : i32
      %parallel_loop3A_311 = arith.addi %parallel_loop3A_309, %parallel_loop3A_310 : i32
      %parallel_loop3A_312 = arith.constant 16 : i32
      %parallel_loop3A_313 = arith.muli %parallel_loop3A_311, %parallel_loop3A_312 : i32
      %parallel_loop3A_314 = arith.index_cast %parallel_loop3A_313 : i32 to index
      %parallel_loop3A_315 = tpu.vector_load %arg7[%parallel_loop3A_314] {strides = array<i32>} : memref<16000xf32, #tpu.memory_space<vmem>>, vector<16xf32>,
      %parallel_loop3A_316 = arith.constant 40 : i32
      %parallel_loop3A_317 = arith.muli %parallel_loop3A_82, %parallel_loop3A_316 : i32
      %parallel_loop3A_318 = arith.constant 29 : i32
      %parallel_loop3A_319 = arith.addi %parallel_loop3A_317, %parallel_loop3A_318 : i32
      %parallel_loop3A_320 = arith.constant 16 : i32
      %parallel_loop3A_321 = arith.muli %parallel_loop3A_319, %parallel_loop3A_320 : i32
      %parallel_loop3A_322 = arith.index_cast %parallel_loop3A_321 : i32 to index
      %parallel_loop3A_323 = tpu.vector_load %arg7[%parallel_loop3A_322] {strides = array<i32>} : memref<16000xf32, #tpu.memory_space<vmem>>, vector<16xf32>,
      %parallel_loop3A_324 = arith.constant 40 : i32
      %parallel_loop3A_325 = arith.muli %parallel_loop3A_82, %parallel_loop3A_324 : i32
      %parallel_loop3A_326 = arith.constant 30 : i32
      %parallel_loop3A_327 = arith.addi %parallel_loop3A_325, %parallel_loop3A_326 : i32
      %parallel_loop3A_328 = arith.constant 16 : i32
      %parallel_loop3A_329 = arith.muli %parallel_loop3A_327, %parallel_loop3A_328 : i32
      %parallel_loop3A_330 = arith.index_cast %parallel_loop3A_329 : i32 to index
      %parallel_loop3A_331 = tpu.vector_load %arg7[%parallel_loop3A_330] {strides = array<i32>} : memref<16000xf32, #tpu.memory_space<vmem>>, vector<16xf32>,
      %parallel_loop3A_332 = arith.constant 40 : i32
      %parallel_loop3A_333 = arith.muli %parallel_loop3A_82, %parallel_loop3A_332 : i32
      %parallel_loop3A_334 = arith.constant 31 : i32
      %parallel_loop3A_335 = arith.addi %parallel_loop3A_333, %parallel_loop3A_334 : i32
      %parallel_loop3A_336 = arith.constant 16 : i32
      %parallel_loop3A_337 = arith.muli %parallel_loop3A_335, %parallel_loop3A_336 : i32
      %parallel_loop3A_338 = arith.index_cast %parallel_loop3A_337 : i32 to index
      %parallel_loop3A_339 = tpu.vector_load %arg7[%parallel_loop3A_338] {strides = array<i32>} : memref<16000xf32, #tpu.memory_space<vmem>>, vector<16xf32>,
      %parallel_loop3A_340 = arith.constant 40 : i32
      %parallel_loop3A_341 = arith.muli %parallel_loop3A_82, %parallel_loop3A_340 : i32
      %parallel_loop3A_342 = arith.constant 32 : i32
      %parallel_loop3A_343 = arith.addi %parallel_loop3A_341, %parallel_loop3A_342 : i32
      %parallel_loop3A_344 = arith.constant 16 : i32
      %parallel_loop3A_345 = arith.muli %parallel_loop3A_343, %parallel_loop3A_344 : i32
      %parallel_loop3A_346 = arith.index_cast %parallel_loop3A_345 : i32 to index
      %parallel_loop3A_347 = tpu.vector_load %arg7[%parallel_loop3A_346] {strides = array<i32>} : memref<16000xf32, #tpu.memory_space<vmem>>, vector<16xf32>,
      %parallel_loop3A_348 = arith.constant 40 : i32
      %parallel_loop3A_349 = arith.muli %parallel_loop3A_82, %parallel_loop3A_348 : i32
      %parallel_loop3A_350 = arith.constant 33 : i32
      %parallel_loop3A_351 = arith.addi %parallel_loop3A_349, %parallel_loop3A_350 : i32
      %parallel_loop3A_352 = arith.constant 16 : i32
      %parallel_loop3A_353 = arith.muli %parallel_loop3A_351, %parallel_loop3A_352 : i32
      %parallel_loop3A_354 = arith.index_cast %parallel_loop3A_353 : i32 to index
      %parallel_loop3A_355 = tpu.vector_load %arg7[%parallel_loop3A_354] {strides = array<i32>} : memref<16000xf32, #tpu.memory_space<vmem>>, vector<16xf32>,
      %parallel_loop3A_356 = arith.constant 40 : i32
      %parallel_loop3A_357 = arith.muli %parallel_loop3A_82, %parallel_loop3A_356 : i32
      %parallel_loop3A_358 = arith.constant 34 : i32
      %parallel_loop3A_359 = arith.addi %parallel_loop3A_357, %parallel_loop3A_358 : i32
      %parallel_loop3A_360 = arith.constant 16 : i32
      %parallel_loop3A_361 = arith.muli %parallel_loop3A_359, %parallel_loop3A_360 : i32
      %parallel_loop3A_362 = arith.index_cast %parallel_loop3A_361 : i32 to index
      %parallel_loop3A_363 = tpu.vector_load %arg7[%parallel_loop3A_362] {strides = array<i32>} : memref<16000xf32, #tpu.memory_space<vmem>>, vector<16xf32>,
      %parallel_loop3A_364 = arith.constant 40 : i32
      %parallel_loop3A_365 = arith.muli %parallel_loop3A_82, %parallel_loop3A_364 : i32
      %parallel_loop3A_366 = arith.constant 35 : i32
      %parallel_loop3A_367 = arith.addi %parallel_loop3A_365, %parallel_loop3A_366 : i32
      %parallel_loop3A_368 = arith.constant 16 : i32
      %parallel_loop3A_369 = arith.muli %parallel_loop3A_367, %parallel_loop3A_368 : i32
      %parallel_loop3A_370 = arith.index_cast %parallel_loop3A_369 : i32 to index
      %parallel_loop3A_371 = tpu.vector_load %arg7[%parallel_loop3A_370] {strides = array<i32>} : memref<16000xf32, #tpu.memory_space<vmem>>, vector<16xf32>,
      %parallel_loop3A_372 = arith.constant 40 : i32
      %parallel_loop3A_373 = arith.muli %parallel_loop3A_82, %parallel_loop3A_372 : i32
      %parallel_loop3A_374 = arith.constant 36 : i32
      %parallel_loop3A_375 = arith.addi %parallel_loop3A_373, %parallel_loop3A_374 : i32
      %parallel_loop3A_376 = arith.constant 16 : i32
      %parallel_loop3A_377 = arith.muli %parallel_loop3A_375, %parallel_loop3A_376 : i32
      %parallel_loop3A_378 = arith.index_cast %parallel_loop3A_377 : i32 to index
      %parallel_loop3A_379 = tpu.vector_load %arg7[%parallel_loop3A_378] {strides = array<i32>} : memref<16000xf32, #tpu.memory_space<vmem>>, vector<16xf32>,
      %parallel_loop3A_380 = arith.constant 40 : i32
      %parallel_loop3A_381 = arith.muli %parallel_loop3A_82, %parallel_loop3A_380 : i32
      %parallel_loop3A_382 = arith.constant 37 : i32
      %parallel_loop3A_383 = arith.addi %parallel_loop3A_381, %parallel_loop3A_382 : i32
      %parallel_loop3A_384 = arith.constant 16 : i32
      %parallel_loop3A_385 = arith.muli %parallel_loop3A_383, %parallel_loop3A_384 : i32
      %parallel_loop3A_386 = arith.index_cast %parallel_loop3A_385 : i32 to index
      %parallel_loop3A_387 = tpu.vector_load %arg7[%parallel_loop3A_386] {strides = array<i32>} : memref<16000xf32, #tpu.memory_space<vmem>>, vector<16xf32>,
      %parallel_loop3A_388 = arith.constant 40 : i32
      %parallel_loop3A_389 = arith.muli %parallel_loop3A_82, %parallel_loop3A_388 : i32
      %parallel_loop3A_390 = arith.constant 38 : i32
      %parallel_loop3A_391 = arith.addi %parallel_loop3A_389, %parallel_loop3A_390 : i32
      %parallel_loop3A_392 = arith.constant 16 : i32
      %parallel_loop3A_393 = arith.muli %parallel_loop3A_391, %parallel_loop3A_392 : i32
      %parallel_loop3A_394 = arith.index_cast %parallel_loop3A_393 : i32 to index
      %parallel_loop3A_395 = tpu.vector_load %arg7[%parallel_loop3A_394] {strides = array<i32>} : memref<16000xf32, #tpu.memory_space<vmem>>, vector<16xf32>,
      %parallel_loop3A_396 = arith.constant 40 : i32
      %parallel_loop3A_397 = arith.muli %parallel_loop3A_82, %parallel_loop3A_396 : i32
      %parallel_loop3A_398 = arith.constant 39 : i32
      %parallel_loop3A_399 = arith.addi %parallel_loop3A_397, %parallel_loop3A_398 : i32
      %parallel_loop3A_400 = arith.constant 16 : i32
      %parallel_loop3A_401 = arith.muli %parallel_loop3A_399, %parallel_loop3A_400 : i32
      %parallel_loop3A_402 = arith.index_cast %parallel_loop3A_401 : i32 to index
      %parallel_loop3A_403 = tpu.vector_load %arg7[%parallel_loop3A_402] {strides = array<i32>} : memref<16000xf32, #tpu.memory_space<vmem>>, vector<16xf32>,
      %parallel_loop3A_404 = arith.maximumf %parallel_loop3A_91, %parallel_loop3A_99 : vector<16xf32>
      %parallel_loop3A_405 = arith.maximumf %parallel_loop3A_107, %parallel_loop3A_115 : vector<16xf32>
      %parallel_loop3A_406 = arith.maximumf %parallel_loop3A_123, %parallel_loop3A_131 : vector<16xf32>
      %parallel_loop3A_407 = arith.maximumf %parallel_loop3A_139, %parallel_loop3A_147 : vector<16xf32>
      %parallel_loop3A_408 = arith.maximumf %parallel_loop3A_155, %parallel_loop3A_163 : vector<16xf32>
      %parallel_loop3A_409 = arith.maximumf %parallel_loop3A_171, %parallel_loop3A_179 : vector<16xf32>
      %parallel_loop3A_410 = arith.maximumf %parallel_loop3A_187, %parallel_loop3A_195 : vector<16xf32>
      %parallel_loop3A_411 = arith.maximumf %parallel_loop3A_203, %parallel_loop3A_211 : vector<16xf32>
      %parallel_loop3A_412 = arith.maximumf %parallel_loop3A_219, %parallel_loop3A_227 : vector<16xf32>
      %parallel_loop3A_413 = arith.maximumf %parallel_loop3A_235, %parallel_loop3A_243 : vector<16xf32>
      %parallel_loop3A_414 = arith.maximumf %parallel_loop3A_251, %parallel_loop3A_259 : vector<16xf32>
      %parallel_loop3A_415 = arith.maximumf %parallel_loop3A_267, %parallel_loop3A_275 : vector<16xf32>
      %parallel_loop3A_416 = arith.maximumf %parallel_loop3A_283, %parallel_loop3A_291 : vector<16xf32>
      %parallel_loop3A_417 = arith.maximumf %parallel_loop3A_299, %parallel_loop3A_307 : vector<16xf32>
      %parallel_loop3A_418 = arith.maximumf %parallel_loop3A_315, %parallel_loop3A_323 : vector<16xf32>
      %parallel_loop3A_419 = arith.maximumf %parallel_loop3A_331, %parallel_loop3A_339 : vector<16xf32>
      %parallel_loop3A_420 = arith.maximumf %parallel_loop3A_347, %parallel_loop3A_355 : vector<16xf32>
      %parallel_loop3A_421 = arith.maximumf %parallel_loop3A_363, %parallel_loop3A_371 : vector<16xf32>
      %parallel_loop3A_422 = arith.maximumf %parallel_loop3A_379, %parallel_loop3A_387 : vector<16xf32>
      %parallel_loop3A_423 = arith.maximumf %parallel_loop3A_395, %parallel_loop3A_403 : vector<16xf32>
      %parallel_loop3A_424 = arith.maximumf %parallel_loop3A_404, %parallel_loop3A_405 : vector<16xf32>
      %parallel_loop3A_425 = arith.maximumf %parallel_loop3A_406, %parallel_loop3A_407 : vector<16xf32>
      %parallel_loop3A_426 = arith.maximumf %parallel_loop3A_408, %parallel_loop3A_409 : vector<16xf32>
      %parallel_loop3A_427 = arith.maximumf %parallel_loop3A_410, %parallel_loop3A_411 : vector<16xf32>
      %parallel_loop3A_428 = arith.maximumf %parallel_loop3A_412, %parallel_loop3A_413 : vector<16xf32>
      %parallel_loop3A_429 = arith.maximumf %parallel_loop3A_414, %parallel_loop3A_415 : vector<16xf32>
      %parallel_loop3A_430 = arith.maximumf %parallel_loop3A_416, %parallel_loop3A_417 : vector<16xf32>
      %parallel_loop3A_431 = arith.maximumf %parallel_loop3A_418, %parallel_loop3A_419 : vector<16xf32>
      %parallel_loop3A_432 = arith.maximumf %parallel_loop3A_420, %parallel_loop3A_421 : vector<16xf32>
      %parallel_loop3A_433 = arith.maximumf %parallel_loop3A_422, %parallel_loop3A_423 : vector<16xf32>
      %parallel_loop3A_434 = arith.maximumf %parallel_loop3A_424, %parallel_loop3A_425 : vector<16xf32>
      %parallel_loop3A_435 = arith.maximumf %parallel_loop3A_426, %parallel_loop3A_427 : vector<16xf32>
      %parallel_loop3A_436 = arith.maximumf %parallel_loop3A_428, %parallel_loop3A_429 : vector<16xf32>
      %parallel_loop3A_437 = arith.maximumf %parallel_loop3A_430, %parallel_loop3A_431 : vector<16xf32>
      %parallel_loop3A_438 = arith.maximumf %parallel_loop3A_432, %parallel_loop3A_433 : vector<16xf32>
      %parallel_loop3A_439 = arith.maximumf %parallel_loop3A_434, %parallel_loop3A_435 : vector<16xf32>
      %parallel_loop3A_440 = arith.maximumf %parallel_loop3A_436, %parallel_loop3A_437 : vector<16xf32>
      %parallel_loop3A_441 = arith.maximumf %parallel_loop3A_439, %parallel_loop3A_440 : vector<16xf32>
      %parallel_loop3A_442 = arith.maximumf %parallel_loop3A_441, %parallel_loop3A_438 : vector<16xf32>
      %parallel_loop3A_443 = arith.constant true
      %parallel_loop3A_444 = vector.broadcast %parallel_loop3A_443 : i1 to vector<16xi1>
      %parallel_loop3A_445 = tpu.scan <max>, %parallel_loop3A_442 masked %parallel_loop3A_444 : vector<16xf32>, vector<16xi1> -> vector<16xf32>
      %parallel_loop3A_446 = vector.extract %parallel_loop3A_445[15] : f32 from vector<16xf32>
      %parallel_loop3A_447 = arith.cmpf oge, %parallel_loop3A_446, %bitcast_convert_type3A : f32
      %parallel_loop3A_448 = arith.extui %parallel_loop3A_447 : i1 to i32
      %parallel_loop3A_449 = arith.constant 0 : i32
      %parallel_loop3A_450 = arith.cmpi ne, %parallel_loop3A_448, %parallel_loop3A_449 : i32
      %parallel_loop3A_451 = scf.if %parallel_loop3A_450 -> (i32) {
        %parallel_loop3A_452 = arith.constant 40 : i32
        %parallel_loop3A_453 = arith.muli %parallel_loop3A_82, %parallel_loop3A_452 : i32
        %parallel_loop3A_454 = arith.constant 40 : i32
        %parallel_loop3A_455 = arith.muli %parallel_loop3A_82, %parallel_loop3A_454 : i32
        %parallel_loop3A_456 = arith.constant 40 : i32
        %parallel_loop3A_457 = arith.addi %parallel_loop3A_455, %parallel_loop3A_456 : i32
        %parallel_loop3A_458 = arith.subi %parallel_loop3A_457, %parallel_loop3A_453 : i32
        %parallel_loop3A_459 = arith.addi %parallel_loop3A_453, %parallel_loop3A_458 : i32
        %parallel_loop3A_460 = arith.constant 1 : i32
        %parallel_loop3A_461 = arith.divsi %parallel_loop3A_458, %parallel_loop3A_460 : i32
        %parallel_loop3A_462 = arith.muli %parallel_loop3A_461, %parallel_loop3A_460 : i32
        %parallel_loop3A_463 = arith.addi %parallel_loop3A_453, %parallel_loop3A_462 : i32
        %parallel_loop3A_464 = arith.constant 1 : i32
        %parallel_loop3A_465 = scf.for %while3A = %parallel_loop3A_453 to %parallel_loop3A_463 step %parallel_loop3A_464 iter_args(%while3A_468 = %parallel_loop3A_83) -> (i32)  : i32 {
          %parallel_loop3A_469 = arith.constant 16 : i32
          %parallel_loop3A_470 = arith.muli %while3A, %parallel_loop3A_469 : i32
          %parallel_loop3A_471 = arith.index_cast %parallel_loop3A_470 : i32 to index
          %parallel_loop3A_472 = tpu.vector_load %arg7[%parallel_loop3A_471] {strides = array<i32>} : memref<16000xf32, #tpu.memory_space<vmem>>, vector<16xf32>,
          %parallel_loop3A_473 = arith.constant 64000 : i32
          %parallel_loop3A_474 = arith.addi %mul3A_2, %parallel_loop3A_473 : i32
          %parallel_loop3A_475 = arith.constant 16 : i32
          %parallel_loop3A_476 = arith.muli %while3A, %parallel_loop3A_475 : i32
          %parallel_loop3A_477 = arith.addi %parallel_loop3A_474, %parallel_loop3A_476 : i32
          %parallel_loop3A_478 = vector.broadcast %parallel_loop3A_477 : i32 to vector<16xi32>
          %parallel_loop3A_479 = arith.addi %parallel_loop3A_478, %iota3A : vector<16xi32>
          %parallel_loop3A_480 = vector.broadcast %bitcast_convert_type3A : f32 to vector<16xf32>
          %parallel_loop3A_481 = arith.cmpf oge, %parallel_loop3A_472, %parallel_loop3A_480 : vector<16xf32>
          %parallel_loop3A_482 = arith.constant 256 : i32
          %parallel_loop3A_483 = vector.broadcast %parallel_loop3A_482 : i32 to vector<16xi32>
          %parallel_loop3A_484 = arith.cmpi sge, %parallel_loop3A_479, %parallel_loop3A_483 : vector<16xi32>
          %parallel_loop3A_485 = arith.andi %parallel_loop3A_481, %parallel_loop3A_484 : vector<16xi1>
          %parallel_loop3A_486 = arith.constant 1 : i32
          %parallel_loop3A_487 = arith.constant 0 : i32
          %parallel_loop3A_488 = vector.broadcast %parallel_loop3A_486 : i32 to vector<16xi32>
          %parallel_loop3A_489 = vector.broadcast %parallel_loop3A_487 : i32 to vector<16xi32>
          %parallel_loop3A_490 = arith.select %parallel_loop3A_485, %parallel_loop3A_488, %parallel_loop3A_489 : vector<16xi1>, vector<16xi32>
          %parallel_loop3A_491 = arith.constant true
          %parallel_loop3A_492 = vector.broadcast %parallel_loop3A_491 : i1 to vector<16xi1>
          %parallel_loop3A_493 = tpu.scan <sum>, %parallel_loop3A_490 masked %parallel_loop3A_492 : vector<16xi32>, vector<16xi1> -> vector<16xi32>
          %parallel_loop3A_494 = vector.broadcast %while3A_468 : i32 to vector<16xi32>
          %parallel_loop3A_495 = arith.addi %parallel_loop3A_494, %parallel_loop3A_493 : vector<16xi32>
          %parallel_loop3A_496 = arith.constant 1 : i32
          %parallel_loop3A_497 = vector.broadcast %parallel_loop3A_496 : i32 to vector<16xi32>
          %parallel_loop3A_498 = arith.subi %parallel_loop3A_495, %parallel_loop3A_497 : vector<16xi32>
          %parallel_loop3A_499 = arith.constant 32 : i32
          %parallel_loop3A_500 = vector.broadcast %parallel_loop3A_499 : i32 to vector<16xi32>
          %parallel_loop3A_501 = arith.cmpi slt, %parallel_loop3A_498, %parallel_loop3A_500 : vector<16xi32>
          %parallel_loop3A_502 = arith.andi %parallel_loop3A_485, %parallel_loop3A_501 : vector<16xi1>
          %parallel_loop3A_503 = arith.constant 0 : i32
          %parallel_loop3A_504 = vector.broadcast %parallel_loop3A_503 : i32 to vector<16xi32>
          %parallel_loop3A_505 = arith.select %parallel_loop3A_502, %parallel_loop3A_498, %parallel_loop3A_504 : vector<16xi1>, vector<16xi32>
          %parallel_loop3A_506 = arith.constant 7 : i32
          %parallel_loop3A_507 = vector.broadcast %parallel_loop3A_506 : i32 to vector<16xi32>
          %parallel_loop3A_508 = arith.shrui %parallel_loop3A_479, %parallel_loop3A_507 : vector<16xi32>
          %parallel_loop3A_509 = arith.constant 127 : i32
          %parallel_loop3A_510 = vector.broadcast %parallel_loop3A_509 : i32 to vector<16xi32>
          %parallel_loop3A_511 = arith.andi %parallel_loop3A_479, %parallel_loop3A_510 : vector<16xi32>
          tpu.vector_store_idx %arg10[%parallel_loop3A_505], %parallel_loop3A_472 masked %parallel_loop3A_502 : memref<32xf32, #tpu.memory_space<vmem>>[vector<16xi32>], vector<16xf32>, vector<16xi1>
          %parallel_loop3A_512 = arith.constant 117 : i32
          %parallel_loop3A_513 = vector.broadcast %parallel_loop3A_512 : i32 to vector<16xi32>
          %parallel_loop3A_514 = arith.muli %parallel_loop3A_508, %parallel_loop3A_513 : vector<16xi32>
          %parallel_loop3A_515 = arith.addi %parallel_loop3A_514, %parallel_loop3A_511 : vector<16xi32>
          tpu.vector_store_idx %arg11[%parallel_loop3A_505], %parallel_loop3A_515 masked %parallel_loop3A_502 : memref<32xi32, #tpu.memory_space<vmem>>[vector<16xi32>], vector<16xi32>, vector<16xi1>
          %parallel_loop3A_516 = arith.constant true
          %parallel_loop3A_517 = vector.broadcast %parallel_loop3A_516 : i1 to vector<16xi1>
          %parallel_loop3A_518 = tpu.scan <sum>, %parallel_loop3A_490 masked %parallel_loop3A_517 : vector<16xi32>, vector<16xi1> -> vector<16xi32>
          %parallel_loop3A_519 = vector.extract %parallel_loop3A_518[15] : i32 from vector<16xi32>
          %parallel_loop3A_520 = arith.addi %while3A_468, %parallel_loop3A_519 : i32
          scf.yield %parallel_loop3A_520 : i32
        }
        %parallel_loop3A_466 = arith.constant 1 : i32
        %parallel_loop3A_467 = scf.for %while3A = %parallel_loop3A_463 to %parallel_loop3A_459 step %parallel_loop3A_466 iter_args(%while3A_468 = %parallel_loop3A_465) -> (i32)  : i32 {
          %parallel_loop3A_469 = arith.constant 16 : i32
          %parallel_loop3A_470 = arith.muli %while3A, %parallel_loop3A_469 : i32
          %parallel_loop3A_471 = arith.index_cast %parallel_loop3A_470 : i32 to index
          %parallel_loop3A_472 = tpu.vector_load %arg7[%parallel_loop3A_471] {strides = array<i32>} : memref<16000xf32, #tpu.memory_space<vmem>>, vector<16xf32>,
          %parallel_loop3A_473 = arith.constant 64000 : i32
          %parallel_loop3A_474 = arith.addi %mul3A_2, %parallel_loop3A_473 : i32
          %parallel_loop3A_475 = arith.constant 16 : i32
          %parallel_loop3A_476 = arith.muli %while3A, %parallel_loop3A_475 : i32
          %parallel_loop3A_477 = arith.addi %parallel_loop3A_474, %parallel_loop3A_476 : i32
          %parallel_loop3A_478 = vector.broadcast %parallel_loop3A_477 : i32 to vector<16xi32>
          %parallel_loop3A_479 = arith.addi %parallel_loop3A_478, %iota3A : vector<16xi32>
          %parallel_loop3A_480 = vector.broadcast %bitcast_convert_type3A : f32 to vector<16xf32>
          %parallel_loop3A_481 = arith.cmpf oge, %parallel_loop3A_472, %parallel_loop3A_480 : vector<16xf32>
          %parallel_loop3A_482 = arith.constant 256 : i32
          %parallel_loop3A_483 = vector.broadcast %parallel_loop3A_482 : i32 to vector<16xi32>
          %parallel_loop3A_484 = arith.cmpi sge, %parallel_loop3A_479, %parallel_loop3A_483 : vector<16xi32>
          %parallel_loop3A_485 = arith.andi %parallel_loop3A_481, %parallel_loop3A_484 : vector<16xi1>
          %parallel_loop3A_486 = arith.constant 1 : i32
          %parallel_loop3A_487 = arith.constant 0 : i32
          %parallel_loop3A_488 = vector.broadcast %parallel_loop3A_486 : i32 to vector<16xi32>
          %parallel_loop3A_489 = vector.broadcast %parallel_loop3A_487 : i32 to vector<16xi32>
          %parallel_loop3A_490 = arith.select %parallel_loop3A_485, %parallel_loop3A_488, %parallel_loop3A_489 : vector<16xi1>, vector<16xi32>
          %parallel_loop3A_491 = arith.constant true
          %parallel_loop3A_492 = vector.broadcast %parallel_loop3A_491 : i1 to vector<16xi1>
          %parallel_loop3A_493 = tpu.scan <sum>, %parallel_loop3A_490 masked %parallel_loop3A_492 : vector<16xi32>, vector<16xi1> -> vector<16xi32>
          %parallel_loop3A_494 = vector.broadcast %while3A_468 : i32 to vector<16xi32>
          %parallel_loop3A_495 = arith.addi %parallel_loop3A_494, %parallel_loop3A_493 : vector<16xi32>
          %parallel_loop3A_496 = arith.constant 1 : i32
          %parallel_loop3A_497 = vector.broadcast %parallel_loop3A_496 : i32 to vector<16xi32>
          %parallel_loop3A_498 = arith.subi %parallel_loop3A_495, %parallel_loop3A_497 : vector<16xi32>
          %parallel_loop3A_499 = arith.constant 32 : i32
          %parallel_loop3A_500 = vector.broadcast %parallel_loop3A_499 : i32 to vector<16xi32>
          %parallel_loop3A_501 = arith.cmpi slt, %parallel_loop3A_498, %parallel_loop3A_500 : vector<16xi32>
          %parallel_loop3A_502 = arith.andi %parallel_loop3A_485, %parallel_loop3A_501 : vector<16xi1>
          %parallel_loop3A_503 = arith.constant 0 : i32
          %parallel_loop3A_504 = vector.broadcast %parallel_loop3A_503 : i32 to vector<16xi32>
          %parallel_loop3A_505 = arith.select %parallel_loop3A_502, %parallel_loop3A_498, %parallel_loop3A_504 : vector<16xi1>, vector<16xi32>
          %parallel_loop3A_506 = arith.constant 7 : i32
          %parallel_loop3A_507 = vector.broadcast %parallel_loop3A_506 : i32 to vector<16xi32>
          %parallel_loop3A_508 = arith.shrui %parallel_loop3A_479, %parallel_loop3A_507 : vector<16xi32>
          %parallel_loop3A_509 = arith.constant 127 : i32
          %parallel_loop3A_510 = vector.broadcast %parallel_loop3A_509 : i32 to vector<16xi32>
          %parallel_loop3A_511 = arith.andi %parallel_loop3A_479, %parallel_loop3A_510 : vector<16xi32>
          tpu.vector_store_idx %arg10[%parallel_loop3A_505], %parallel_loop3A_472 masked %parallel_loop3A_502 : memref<32xf32, #tpu.memory_space<vmem>>[vector<16xi32>], vector<16xf32>, vector<16xi1>
          %parallel_loop3A_512 = arith.constant 117 : i32
          %parallel_loop3A_513 = vector.broadcast %parallel_loop3A_512 : i32 to vector<16xi32>
          %parallel_loop3A_514 = arith.muli %parallel_loop3A_508, %parallel_loop3A_513 : vector<16xi32>
          %parallel_loop3A_515 = arith.addi %parallel_loop3A_514, %parallel_loop3A_511 : vector<16xi32>
          tpu.vector_store_idx %arg11[%parallel_loop3A_505], %parallel_loop3A_515 masked %parallel_loop3A_502 : memref<32xi32, #tpu.memory_space<vmem>>[vector<16xi32>], vector<16xi32>, vector<16xi1>
          %parallel_loop3A_516 = arith.constant true
          %parallel_loop3A_517 = vector.broadcast %parallel_loop3A_516 : i1 to vector<16xi1>
          %parallel_loop3A_518 = tpu.scan <sum>, %parallel_loop3A_490 masked %parallel_loop3A_517 : vector<16xi32>, vector<16xi1> -> vector<16xi32>
          %parallel_loop3A_519 = vector.extract %parallel_loop3A_518[15] : i32 from vector<16xi32>
          %parallel_loop3A_520 = arith.addi %while3A_468, %parallel_loop3A_519 : i32
          scf.yield %parallel_loop3A_520 : i32
        }
        scf.yield %parallel_loop3A_467 : i32
      } else {
        scf.yield %parallel_loop3A_83 : i32
      }
      scf.yield %parallel_loop3A_451 : i32
    } {sc.loop_unroll_factor = 1 : i64, sc.parallel_access}
    %mul3A_74 = arith.constant 32 : i32
    %mul3A_75 = arith.muli %add3A, %mul3A_74 : i32
    %add3A_76 = arith.constant 256 : i32
    %add3A_77 = arith.addi %add3A_76, %mul3A_75 : i32
    "tpu.region"() ({
      %run_scoped3A = tpu.sem_alloc : memref<!tpu.dma_semaphore, #tpu.memory_space<semaphore_mem>>
      %dma_start3A_82 = tpu.memref_slice %arg4[%add3A_77] : memref<1280xf32, #tpu.memory_space<hbm>> -> memref<32xf32, #tpu.memory_space<hbm>>
      %dma_start3A_83 = tpu.memref_slice %arg4[%add3A_77] : memref<1280xf32, #tpu.memory_space<hbm>> -> memref<32xf32, #tpu.memory_space<hbm>>
      tpu.enqueue_dma source(%arg10 : memref<32xf32, #tpu.memory_space<vmem>>) target(%dma_start3A_83 : memref<32xf32, #tpu.memory_space<hbm>>) target_semaphore(%run_scoped3A : memref<!tpu.dma_semaphore, #tpu.memory_space<semaphore_mem>>)
      %dma_wait3A_84 = tpu.memref_slice %arg4[%add3A_77] : memref<1280xf32, #tpu.memory_space<hbm>> -> memref<32xf32, #tpu.memory_space<hbm>>
      %dma_wait3A_85 = tpu.memref_slice %arg4[%add3A_77] : memref<1280xf32, #tpu.memory_space<hbm>> -> memref<32xf32, #tpu.memory_space<hbm>>
      tpu.wait_dma2 semaphore(%run_scoped3A : memref<!tpu.dma_semaphore, #tpu.memory_space<semaphore_mem>>) src(%arg10 : memref<32xf32, #tpu.memory_space<vmem>>) dst(%dma_wait3A_85 : memref<32xf32, #tpu.memory_space<hbm>>)
      tpu.yield
    }) : () -> ()
    %mul3A_78 = arith.constant 32 : i32
    %mul3A_79 = arith.muli %add3A, %mul3A_78 : i32
    %add3A_80 = arith.constant 256 : i32
    %add3A_81 = arith.addi %add3A_80, %mul3A_79 : i32
    "tpu.region"() ({
      %run_scoped3A = tpu.sem_alloc : memref<!tpu.dma_semaphore, #tpu.memory_space<semaphore_mem>>
      %dma_start3A_82 = tpu.memref_slice %arg5[%add3A_81] : memref<1280xi32, #tpu.memory_space<hbm>> -> memref<32xi32, #tpu.memory_space<hbm>>
      %dma_start3A_83 = tpu.memref_slice %arg5[%add3A_81] : memref<1280xi32, #tpu.memory_space<hbm>> -> memref<32xi32, #tpu.memory_space<hbm>>
      tpu.enqueue_dma source(%arg11 : memref<32xi32, #tpu.memory_space<vmem>>) target(%dma_start3A_83 : memref<32xi32, #tpu.memory_space<hbm>>) target_semaphore(%run_scoped3A : memref<!tpu.dma_semaphore, #tpu.memory_space<semaphore_mem>>)
      %dma_wait3A_84 = tpu.memref_slice %arg5[%add3A_81] : memref<1280xi32, #tpu.memory_space<hbm>> -> memref<32xi32, #tpu.memory_space<hbm>>
      %dma_wait3A_85 = tpu.memref_slice %arg5[%add3A_81] : memref<1280xi32, #tpu.memory_space<hbm>> -> memref<32xi32, #tpu.memory_space<hbm>>
      tpu.wait_dma2 semaphore(%run_scoped3A : memref<!tpu.dma_semaphore, #tpu.memory_space<semaphore_mem>>) src(%arg11 : memref<32xi32, #tpu.memory_space<vmem>>) dst(%dma_wait3A_85 : memref<32xi32, #tpu.memory_space<hbm>>)
      tpu.yield
    }) : () -> ()
    return
  }
}

#map = affine_map<(d0, d1) -> (0, 0)>
#map1 = affine_map<(d0, d1) -> (0)>
module attributes {stable_mosaic.version = 14 : i64} {
  func.func @gather_kernel(%arg0: i32, %arg1: i32, %arg2: memref<20000x128xf32, #tpu.memory_space<hbm>>, %arg3: memref<128xi32, #tpu.memory_space<hbm>>, %arg4: memref<128x128xf32, #tpu.memory_space<hbm>>, %arg5: memref<128xi32, #tpu.memory_space<vmem>>, %arg6: memref<128x128xf32, #tpu.memory_space<vmem>>, %arg7: memref<!tpu.dma_semaphore, #tpu.memory_space<semaphore_mem>>) attributes {dimension_semantics = [#tpu.dimension_semantics<core_parallel>, #tpu.dimension_semantics<subcore_parallel>], iteration_bounds = array<i64: 2, 16>, scalar_prefetch = 0 : i64, scratch_operands = 3 : i64, tpu.core_type = #tpu.core_type<sc_vector_subcore>, window_params = [{transform_indices = #map}, {transform_indices = #map1}, {transform_indices = #map}]} {
    %mul3A = arith.constant 2 : i32
    %mul3A_0 = arith.muli %arg1, %mul3A : i32
    %add3A = arith.addi %mul3A_0, %arg0 : i32
    %eq3A = arith.constant 0 : i32
    %eq3A_1 = arith.cmpi eq, %add3A, %eq3A : i32
    %convert_element_type3A = arith.extui %eq3A_1 : i1 to i32
    %cond3A = arith.constant 0 : i32
    %cond3A_2 = arith.cmpi ne, %convert_element_type3A, %cond3A : i32
    scf.if %cond3A_2 {
      "tpu.region"() ({
        %run_scoped3A = tpu.sem_alloc : memref<!tpu.dma_semaphore, #tpu.memory_space<semaphore_mem>>
        tpu.enqueue_dma source(%arg3 : memref<128xi32, #tpu.memory_space<hbm>>) target(%arg5 : memref<128xi32, #tpu.memory_space<vmem>>) target_semaphore(%run_scoped3A : memref<!tpu.dma_semaphore, #tpu.memory_space<semaphore_mem>>)
        tpu.wait_dma2 semaphore(%run_scoped3A : memref<!tpu.dma_semaphore, #tpu.memory_space<semaphore_mem>>) src(%arg3 : memref<128xi32, #tpu.memory_space<hbm>>) dst(%arg5 : memref<128xi32, #tpu.memory_space<vmem>>)
        tpu.yield
      }) : () -> ()
      %dma_start3A = arith.constant 0 : i32
      %dma_start3A_3 = arith.constant 0 : i32
      %dma_start3A_4 = tpu.memref_slice %arg2[%dma_start3A, %dma_start3A_3] : memref<20000x128xf32, #tpu.memory_space<hbm>> -> memref<20000x128xf32, #tpu.memory_space<hbm>>
      tpu.enqueue_indirect_dma source(%dma_start3A_4 : memref<20000x128xf32, #tpu.memory_space<hbm>>) target(%arg6 : memref<128x128xf32, #tpu.memory_space<vmem>>) offsets(%arg5 : memref<128xi32, #tpu.memory_space<vmem>>) semaphore(%arg7 : memref<!tpu.dma_semaphore, #tpu.memory_space<semaphore_mem>>)
      %dma_wait3A = arith.constant 0 : i32
      %dma_wait3A_5 = arith.constant 0 : i32
      %dma_wait3A_6 = tpu.memref_slice %arg2[%dma_wait3A, %dma_wait3A_5] : memref<20000x128xf32, #tpu.memory_space<hbm>> -> memref<20000x128xf32, #tpu.memory_space<hbm>>
      tpu.wait_indirect_dma semaphore(%arg7 : memref<!tpu.dma_semaphore, #tpu.memory_space<semaphore_mem>>) src(%dma_wait3A_6 : memref<20000x128xf32, #tpu.memory_space<hbm>>) dst(%arg6 : memref<128x128xf32, #tpu.memory_space<vmem>>)
      "tpu.region"() ({
        %run_scoped3A = tpu.sem_alloc : memref<!tpu.dma_semaphore, #tpu.memory_space<semaphore_mem>>
        tpu.enqueue_dma source(%arg6 : memref<128x128xf32, #tpu.memory_space<vmem>>) target(%arg4 : memref<128x128xf32, #tpu.memory_space<hbm>>) target_semaphore(%run_scoped3A : memref<!tpu.dma_semaphore, #tpu.memory_space<semaphore_mem>>)
        tpu.wait_dma2 semaphore(%run_scoped3A : memref<!tpu.dma_semaphore, #tpu.memory_space<semaphore_mem>>) src(%arg6 : memref<128x128xf32, #tpu.memory_space<vmem>>) dst(%arg4 : memref<128x128xf32, #tpu.memory_space<hbm>>)
        tpu.yield
      }) : () -> ()
    } else {
    }
    return
  }
}

module attributes {stable_mosaic.version = 14 : i64} {
  func.func @_score_body(%arg0: i32, %arg1: memref<2000x1024xf32, #tpu.memory_space<vmem>>, %arg2: memref<1024x128xf32, #tpu.memory_space<vmem>>, %arg3: memref<1x128xf32, #tpu.memory_space<vmem>>, %arg4: memref<1x1x2000xf32, #tpu.memory_space<vmem>>, %arg5: memref<2000x128xf32, #tpu.memory_space<vmem>>) attributes {dimension_semantics = [#tpu.dimension_semantics<arbitrary>], iteration_bounds = array<i64: 10>, scalar_prefetch = 0 : i64, scratch_operands = 0 : i64, tpu.core_type = #tpu.core_type<tc>, window_params = [{transform_indices = @transform_0, window_bounds = array<i64: 2000, 1024>}, {pipeline_mode = #tpu.pipeline_mode<synchronous>, transform_indices = @transform_1, window_bounds = array<i64: 1024, 128>}, {pipeline_mode = #tpu.pipeline_mode<synchronous>, transform_indices = @transform_2, window_bounds = array<i64: 1, 128>}, {transform_indices = @transform_3, window_bounds = array<i64: 1, 1, 2000>}, {transform_indices = @transform_4, window_bounds = array<i64: 2000, 128>}]} {
    %get3A = arith.constant 0 : index
    %get3A_0 = arith.constant 0 : index
    %get3A_1 = vector.load %arg1[%get3A, %get3A_0] : memref<2000x1024xf32, #tpu.memory_space<vmem>>, vector<2000x1024xf32>
    %get3A_2 = arith.constant 0 : index
    %get3A_3 = arith.constant 0 : index
    %get3A_4 = vector.load %arg2[%get3A_2, %get3A_3] : memref<1024x128xf32, #tpu.memory_space<vmem>>, vector<1024x128xf32>
    %dot_general3A = arith.constant dense<0.000000e+00> : vector<2000x128xf32>
    %dot_general3A_5 = tpu.matmul %get3A_1, %get3A_4, %dot_general3A {dimension_numbers = #tpu.dot_dimension_numbers<[1], [0], [0], [1], [0, 0, 1, 1], [], []>, transpose_lhs_hint = false} : vector<2000x1024xf32>, vector<1024x128xf32>, vector<2000x128xf32> -> vector<2000x128xf32>
    %get3A_6 = arith.constant 0 : index
    %get3A_7 = arith.constant 0 : index
    %get3A_8 = vector.load %arg3[%get3A_6, %get3A_7] : memref<1x128xf32, #tpu.memory_space<vmem>>, vector<1x128xf32>
    %add3A = vector.broadcast %get3A_8 : vector<1x128xf32> to vector<2000x128xf32>
    %add3A_9 = arith.addf %dot_general3A_5, %add3A : vector<2000x128xf32>
    %logistic3A = arith.negf %add3A_9 : vector<2000x128xf32>
    %logistic3A_10 = math.exp %logistic3A : vector<2000x128xf32>
    %logistic3A_11 = arith.constant 1.000000e+00 : f32
    %logistic3A_12 = vector.broadcast %logistic3A_11 : f32 to vector<2000x128xf32>
    %logistic3A_13 = arith.addf %logistic3A_12, %logistic3A_10 : vector<2000x128xf32>
    %logistic3A_14 = arith.divf %logistic3A_12, %logistic3A_13 : vector<2000x128xf32>
    %get3A_15 = arith.constant 0 : index
    %get3A_16 = arith.constant 0 : index
    %get3A_17 = arith.constant 0 : index
    %get3A_18 = vector.load %arg4[%get3A_15, %get3A_16, %get3A_17] : memref<1x1x2000xf32, #tpu.memory_space<vmem>>, vector<1x1x2000xf32>
    %get3A_19 = vector.shape_cast %get3A_18 : vector<1x1x2000xf32> to vector<1x2000xf32>
    %transpose3A = tpu.transpose %get3A_19, [1, 0] : vector<1x2000xf32> -> vector<2000x1xf32>
    %mul3A = vector.broadcast %transpose3A : vector<2000x1xf32> to vector<2000x128xf32>
    %mul3A_20 = arith.mulf %logistic3A_14, %mul3A : vector<2000x128xf32>
    %gt3A = arith.constant 5.000000e-02 : f32
    %gt3A_21 = vector.broadcast %gt3A : f32 to vector<2000x128xf32>
    %gt3A_22 = arith.cmpf ogt, %mul3A_20, %gt3A_21 : vector<2000x128xf32>
    %jit3A = arith.constant 0.000000e+00 : f32
    %broadcast_in_dim3A = vector.broadcast %jit3A : f32 to vector<2000x128xf32>
    %select_n3A = arith.select %gt3A_22, %mul3A_20, %broadcast_in_dim3A : vector<2000x128xi1>, vector<2000x128xf32>
    %swap3A = arith.constant 0 : index
    %swap3A_23 = arith.constant 0 : index
    %swap3A_24 = vector.load %arg5[%swap3A, %swap3A_23] : memref<2000x128xf32, #tpu.memory_space<vmem>>, vector<2000x128xf32>
    tpu.vector_store %arg5[%swap3A, %swap3A_23], %select_n3A {strides = array<i32>} : memref<2000x128xf32, #tpu.memory_space<vmem>>, vector<2000x128xf32>,
    return
  }
  func.func @transform_0(%arg0: i32) -> (i32, i32) {
    %c0_i32 = arith.constant 0 : i32
    %c0_i32_0 = arith.constant 0 : i32
    return %arg0, %c0_i32 : i32, i32
  }
  func.func @transform_1(%arg0: i32) -> (i32, i32) {
    %c0_i32 = arith.constant 0 : i32
    %c0_i32_0 = arith.constant 0 : i32
    %c0_i32_1 = arith.constant 0 : i32
    return %c0_i32, %c0_i32_0 : i32, i32
  }
  func.func @transform_2(%arg0: i32) -> (i32, i32) {
    %c0_i32 = arith.constant 0 : i32
    %c0_i32_0 = arith.constant 0 : i32
    %c0_i32_1 = arith.constant 0 : i32
    return %c0_i32, %c0_i32_0 : i32, i32
  }
  func.func @transform_3(%arg0: i32) -> (i32, i32, i32) {
    %c0_i32 = arith.constant 0 : i32
    %c0_i32_0 = arith.constant 0 : i32
    %c0_i32_1 = arith.constant 0 : i32
    return %arg0, %c0_i32, %c0_i32_0 : i32, i32, i32
  }
  func.func @transform_4(%arg0: i32) -> (i32, i32) {
    %c0_i32 = arith.constant 0 : i32
    %c0_i32_0 = arith.constant 0 : i32
    return %arg0, %c0_i32 : i32, i32
  }
}

module attributes {stable_mosaic.version = 14 : i64} {
  func.func @body(%arg0: memref<10x128xf32, #tpu.memory_space<vmem>>, %arg1: memref<10x128xi32, #tpu.memory_space<vmem>>, %arg2: memref<1x128xf32, #tpu.memory_space<vmem>>, %arg3: memref<1x128xi32, #tpu.memory_space<vmem>>) attributes {dimension_semantics = [], scalar_prefetch = 0 : i64, scratch_operands = 0 : i64, tpu.core_type = #tpu.core_type<tc>} {
    %get3A = arith.constant 0 : index
    %get3A_0 = arith.constant 0 : index
    %get3A_1 = vector.load %arg0[%get3A, %get3A_0] : memref<10x128xf32, #tpu.memory_space<vmem>>, vector<10x128xf32>
    %get3A_2 = arith.constant 0 : index
    %get3A_3 = arith.constant 0 : index
    %get3A_4 = vector.load %arg1[%get3A_2, %get3A_3] : memref<10x128xi32, #tpu.memory_space<vmem>>, vector<10x128xi32>
    %reshape3A = vector.shape_cast %get3A_1 : vector<10x128xf32> to vector<1x1280xf32>
    %reshape3A_5 = vector.shape_cast %get3A_4 : vector<10x128xi32> to vector<1x1280xi32>
    %transpose3A = tpu.transpose %get3A_1, [1, 0] : vector<10x128xf32> -> vector<128x10xf32>
    %transpose3A_6 = tpu.transpose %get3A_4, [1, 0] : vector<10x128xi32> -> vector<128x10xi32>
    %iota3A = tpu.iota {dimensions = array<i32: 1>} : vector<1x128xi32>
    %broadcast_in_dim3A = arith.constant 0.000000e+00 : f32
    %broadcast_in_dim3A_7 = vector.broadcast %broadcast_in_dim3A : f32 to vector<1x128xf32>
    %broadcast_in_dim3A_8 = arith.constant 0 : i32
    %broadcast_in_dim3A_9 = vector.broadcast %broadcast_in_dim3A_8 : i32 to vector<1x128xi32>
    %slice3A = vector.extract_strided_slice %transpose3A {offsets = [0, 0], sizes = [128, 1], strides = [1, 1]} : vector<128x10xf32> to vector<128x1xf32>
    %slice3A_10 = vector.extract_strided_slice %transpose3A_6 {offsets = [0, 0], sizes = [128, 1], strides = [1, 1]} : vector<128x10xi32> to vector<128x1xi32>
    %gt3A = vector.broadcast %reshape3A : vector<1x1280xf32> to vector<128x1280xf32>
    %gt3A_11 = vector.broadcast %slice3A : vector<128x1xf32> to vector<128x1280xf32>
    %gt3A_12 = arith.cmpf ogt, %gt3A, %gt3A_11 : vector<128x1280xf32>
    %eq3A = vector.broadcast %reshape3A : vector<1x1280xf32> to vector<128x1280xf32>
    %eq3A_13 = vector.broadcast %slice3A : vector<128x1xf32> to vector<128x1280xf32>
    %eq3A_14 = arith.cmpf oeq, %eq3A, %eq3A_13 : vector<128x1280xf32>
    %lt3A = vector.broadcast %reshape3A_5 : vector<1x1280xi32> to vector<128x1280xi32>
    %lt3A_15 = vector.broadcast %slice3A_10 : vector<128x1xi32> to vector<128x1280xi32>
    %lt3A_16 = arith.cmpi slt, %lt3A, %lt3A_15 : vector<128x1280xi32>
    %and3A = arith.andi %eq3A_14, %lt3A_16 : vector<128x1280xi1>
    %or3A = arith.ori %gt3A_12, %and3A : vector<128x1280xi1>
    %convert_element_type3A = arith.extui %or3A : vector<128x1280xi1> to vector<128x1280xi32>
    %reduce_sum3A = arith.constant dense<0> : vector<128xi32>
    %reduce_sum3A_17 = vector.multi_reduction <add>, %convert_element_type3A, %reduce_sum3A [1] : vector<128x1280xi32> to vector<128xi32>
    %broadcast_in_dim3A_18 = vector.shape_cast %reduce_sum3A_17 : vector<128xi32> to vector<128x1xi32>
    %eq3A_19 = vector.broadcast %broadcast_in_dim3A_18 : vector<128x1xi32> to vector<128x128xi32>
    %eq3A_20 = vector.broadcast %iota3A : vector<1x128xi32> to vector<128x128xi32>
    %eq3A_21 = arith.cmpi eq, %eq3A_19, %eq3A_20 : vector<128x128xi32>
    %jit3A = arith.constant 0.000000e+00 : f32
    %broadcast_in_dim3A_22 = vector.shape_cast %slice3A : vector<128x1xf32> to vector<128x1xf32>
    %broadcast_in_dim3A_23 = vector.broadcast %broadcast_in_dim3A_22 : vector<128x1xf32> to vector<128x128xf32>
    %broadcast_in_dim3A_24 = vector.broadcast %jit3A : f32 to vector<128x128xf32>
    %select_n3A = arith.select %eq3A_21, %broadcast_in_dim3A_23, %broadcast_in_dim3A_24 : vector<128x128xi1>, vector<128x128xf32>
    %reduce_sum3A_25 = arith.constant dense<0.000000e+00> : vector<128xf32>
    %reduce_sum3A_26 = vector.multi_reduction <add>, %select_n3A, %reduce_sum3A_25 [0] : vector<128x128xf32> to vector<128xf32>
    %broadcast_in_dim3A_27 = vector.shape_cast %reduce_sum3A_26 : vector<128xf32> to vector<1x128xf32>
    %add3A = arith.addf %broadcast_in_dim3A_7, %broadcast_in_dim3A_27 : vector<1x128xf32>
    %jit3A_28 = arith.constant 0 : i32
    %broadcast_in_dim3A_29 = vector.shape_cast %slice3A_10 : vector<128x1xi32> to vector<128x1xi32>
    %broadcast_in_dim3A_30 = vector.broadcast %broadcast_in_dim3A_29 : vector<128x1xi32> to vector<128x128xi32>
    %broadcast_in_dim3A_31 = vector.broadcast %jit3A_28 : i32 to vector<128x128xi32>
    %select_n3A_32 = arith.select %eq3A_21, %broadcast_in_dim3A_30, %broadcast_in_dim3A_31 : vector<128x128xi1>, vector<128x128xi32>
    %reduce_sum3A_33 = arith.constant dense<0> : vector<128xi32>
    %reduce_sum3A_34 = vector.multi_reduction <add>, %select_n3A_32, %reduce_sum3A_33 [0] : vector<128x128xi32> to vector<128xi32>
    %broadcast_in_dim3A_35 = vector.shape_cast %reduce_sum3A_34 : vector<128xi32> to vector<1x128xi32>
    %add3A_36 = arith.addi %broadcast_in_dim3A_9, %broadcast_in_dim3A_35 : vector<1x128xi32>
    %slice3A_37 = vector.extract_strided_slice %transpose3A {offsets = [0, 1], sizes = [128, 1], strides = [1, 1]} : vector<128x10xf32> to vector<128x1xf32>
    %slice3A_38 = vector.extract_strided_slice %transpose3A_6 {offsets = [0, 1], sizes = [128, 1], strides = [1, 1]} : vector<128x10xi32> to vector<128x1xi32>
    %gt3A_39 = vector.broadcast %reshape3A : vector<1x1280xf32> to vector<128x1280xf32>
    %gt3A_40 = vector.broadcast %slice3A_37 : vector<128x1xf32> to vector<128x1280xf32>
    %gt3A_41 = arith.cmpf ogt, %gt3A_39, %gt3A_40 : vector<128x1280xf32>
    %eq3A_42 = vector.broadcast %reshape3A : vector<1x1280xf32> to vector<128x1280xf32>
    %eq3A_43 = vector.broadcast %slice3A_37 : vector<128x1xf32> to vector<128x1280xf32>
    %eq3A_44 = arith.cmpf oeq, %eq3A_42, %eq3A_43 : vector<128x1280xf32>
    %lt3A_45 = vector.broadcast %reshape3A_5 : vector<1x1280xi32> to vector<128x1280xi32>
    %lt3A_46 = vector.broadcast %slice3A_38 : vector<128x1xi32> to vector<128x1280xi32>
    %lt3A_47 = arith.cmpi slt, %lt3A_45, %lt3A_46 : vector<128x1280xi32>
    %and3A_48 = arith.andi %eq3A_44, %lt3A_47 : vector<128x1280xi1>
    %or3A_49 = arith.ori %gt3A_41, %and3A_48 : vector<128x1280xi1>
    %convert_element_type3A_50 = arith.extui %or3A_49 : vector<128x1280xi1> to vector<128x1280xi32>
    %reduce_sum3A_51 = arith.constant dense<0> : vector<128xi32>
    %reduce_sum3A_52 = vector.multi_reduction <add>, %convert_element_type3A_50, %reduce_sum3A_51 [1] : vector<128x1280xi32> to vector<128xi32>
    %broadcast_in_dim3A_53 = vector.shape_cast %reduce_sum3A_52 : vector<128xi32> to vector<128x1xi32>
    %eq3A_54 = vector.broadcast %broadcast_in_dim3A_53 : vector<128x1xi32> to vector<128x128xi32>
    %eq3A_55 = vector.broadcast %iota3A : vector<1x128xi32> to vector<128x128xi32>
    %eq3A_56 = arith.cmpi eq, %eq3A_54, %eq3A_55 : vector<128x128xi32>
    %jit3A_57 = arith.constant 0.000000e+00 : f32
    %broadcast_in_dim3A_58 = vector.shape_cast %slice3A_37 : vector<128x1xf32> to vector<128x1xf32>
    %broadcast_in_dim3A_59 = vector.broadcast %broadcast_in_dim3A_58 : vector<128x1xf32> to vector<128x128xf32>
    %broadcast_in_dim3A_60 = vector.broadcast %jit3A_57 : f32 to vector<128x128xf32>
    %select_n3A_61 = arith.select %eq3A_56, %broadcast_in_dim3A_59, %broadcast_in_dim3A_60 : vector<128x128xi1>, vector<128x128xf32>
    %reduce_sum3A_62 = arith.constant dense<0.000000e+00> : vector<128xf32>
    %reduce_sum3A_63 = vector.multi_reduction <add>, %select_n3A_61, %reduce_sum3A_62 [0] : vector<128x128xf32> to vector<128xf32>
    %broadcast_in_dim3A_64 = vector.shape_cast %reduce_sum3A_63 : vector<128xf32> to vector<1x128xf32>
    %add3A_65 = arith.addf %add3A, %broadcast_in_dim3A_64 : vector<1x128xf32>
    %jit3A_66 = arith.constant 0 : i32
    %broadcast_in_dim3A_67 = vector.shape_cast %slice3A_38 : vector<128x1xi32> to vector<128x1xi32>
    %broadcast_in_dim3A_68 = vector.broadcast %broadcast_in_dim3A_67 : vector<128x1xi32> to vector<128x128xi32>
    %broadcast_in_dim3A_69 = vector.broadcast %jit3A_66 : i32 to vector<128x128xi32>
    %select_n3A_70 = arith.select %eq3A_56, %broadcast_in_dim3A_68, %broadcast_in_dim3A_69 : vector<128x128xi1>, vector<128x128xi32>
    %reduce_sum3A_71 = arith.constant dense<0> : vector<128xi32>
    %reduce_sum3A_72 = vector.multi_reduction <add>, %select_n3A_70, %reduce_sum3A_71 [0] : vector<128x128xi32> to vector<128xi32>
    %broadcast_in_dim3A_73 = vector.shape_cast %reduce_sum3A_72 : vector<128xi32> to vector<1x128xi32>
    %add3A_74 = arith.addi %add3A_36, %broadcast_in_dim3A_73 : vector<1x128xi32>
    %slice3A_75 = vector.extract_strided_slice %transpose3A {offsets = [0, 2], sizes = [128, 1], strides = [1, 1]} : vector<128x10xf32> to vector<128x1xf32>
    %slice3A_76 = vector.extract_strided_slice %transpose3A_6 {offsets = [0, 2], sizes = [128, 1], strides = [1, 1]} : vector<128x10xi32> to vector<128x1xi32>
    %gt3A_77 = vector.broadcast %reshape3A : vector<1x1280xf32> to vector<128x1280xf32>
    %gt3A_78 = vector.broadcast %slice3A_75 : vector<128x1xf32> to vector<128x1280xf32>
    %gt3A_79 = arith.cmpf ogt, %gt3A_77, %gt3A_78 : vector<128x1280xf32>
    %eq3A_80 = vector.broadcast %reshape3A : vector<1x1280xf32> to vector<128x1280xf32>
    %eq3A_81 = vector.broadcast %slice3A_75 : vector<128x1xf32> to vector<128x1280xf32>
    %eq3A_82 = arith.cmpf oeq, %eq3A_80, %eq3A_81 : vector<128x1280xf32>
    %lt3A_83 = vector.broadcast %reshape3A_5 : vector<1x1280xi32> to vector<128x1280xi32>
    %lt3A_84 = vector.broadcast %slice3A_76 : vector<128x1xi32> to vector<128x1280xi32>
    %lt3A_85 = arith.cmpi slt, %lt3A_83, %lt3A_84 : vector<128x1280xi32>
    %and3A_86 = arith.andi %eq3A_82, %lt3A_85 : vector<128x1280xi1>
    %or3A_87 = arith.ori %gt3A_79, %and3A_86 : vector<128x1280xi1>
    %convert_element_type3A_88 = arith.extui %or3A_87 : vector<128x1280xi1> to vector<128x1280xi32>
    %reduce_sum3A_89 = arith.constant dense<0> : vector<128xi32>
    %reduce_sum3A_90 = vector.multi_reduction <add>, %convert_element_type3A_88, %reduce_sum3A_89 [1] : vector<128x1280xi32> to vector<128xi32>
    %broadcast_in_dim3A_91 = vector.shape_cast %reduce_sum3A_90 : vector<128xi32> to vector<128x1xi32>
    %eq3A_92 = vector.broadcast %broadcast_in_dim3A_91 : vector<128x1xi32> to vector<128x128xi32>
    %eq3A_93 = vector.broadcast %iota3A : vector<1x128xi32> to vector<128x128xi32>
    %eq3A_94 = arith.cmpi eq, %eq3A_92, %eq3A_93 : vector<128x128xi32>
    %jit3A_95 = arith.constant 0.000000e+00 : f32
    %broadcast_in_dim3A_96 = vector.shape_cast %slice3A_75 : vector<128x1xf32> to vector<128x1xf32>
    %broadcast_in_dim3A_97 = vector.broadcast %broadcast_in_dim3A_96 : vector<128x1xf32> to vector<128x128xf32>
    %broadcast_in_dim3A_98 = vector.broadcast %jit3A_95 : f32 to vector<128x128xf32>
    %select_n3A_99 = arith.select %eq3A_94, %broadcast_in_dim3A_97, %broadcast_in_dim3A_98 : vector<128x128xi1>, vector<128x128xf32>
    %reduce_sum3A_100 = arith.constant dense<0.000000e+00> : vector<128xf32>
    %reduce_sum3A_101 = vector.multi_reduction <add>, %select_n3A_99, %reduce_sum3A_100 [0] : vector<128x128xf32> to vector<128xf32>
    %broadcast_in_dim3A_102 = vector.shape_cast %reduce_sum3A_101 : vector<128xf32> to vector<1x128xf32>
    %add3A_103 = arith.addf %add3A_65, %broadcast_in_dim3A_102 : vector<1x128xf32>
    %jit3A_104 = arith.constant 0 : i32
    %broadcast_in_dim3A_105 = vector.shape_cast %slice3A_76 : vector<128x1xi32> to vector<128x1xi32>
    %broadcast_in_dim3A_106 = vector.broadcast %broadcast_in_dim3A_105 : vector<128x1xi32> to vector<128x128xi32>
    %broadcast_in_dim3A_107 = vector.broadcast %jit3A_104 : i32 to vector<128x128xi32>
    %select_n3A_108 = arith.select %eq3A_94, %broadcast_in_dim3A_106, %broadcast_in_dim3A_107 : vector<128x128xi1>, vector<128x128xi32>
    %reduce_sum3A_109 = arith.constant dense<0> : vector<128xi32>
    %reduce_sum3A_110 = vector.multi_reduction <add>, %select_n3A_108, %reduce_sum3A_109 [0] : vector<128x128xi32> to vector<128xi32>
    %broadcast_in_dim3A_111 = vector.shape_cast %reduce_sum3A_110 : vector<128xi32> to vector<1x128xi32>
    %add3A_112 = arith.addi %add3A_74, %broadcast_in_dim3A_111 : vector<1x128xi32>
    %slice3A_113 = vector.extract_strided_slice %transpose3A {offsets = [0, 3], sizes = [128, 1], strides = [1, 1]} : vector<128x10xf32> to vector<128x1xf32>
    %slice3A_114 = vector.extract_strided_slice %transpose3A_6 {offsets = [0, 3], sizes = [128, 1], strides = [1, 1]} : vector<128x10xi32> to vector<128x1xi32>
    %gt3A_115 = vector.broadcast %reshape3A : vector<1x1280xf32> to vector<128x1280xf32>
    %gt3A_116 = vector.broadcast %slice3A_113 : vector<128x1xf32> to vector<128x1280xf32>
    %gt3A_117 = arith.cmpf ogt, %gt3A_115, %gt3A_116 : vector<128x1280xf32>
    %eq3A_118 = vector.broadcast %reshape3A : vector<1x1280xf32> to vector<128x1280xf32>
    %eq3A_119 = vector.broadcast %slice3A_113 : vector<128x1xf32> to vector<128x1280xf32>
    %eq3A_120 = arith.cmpf oeq, %eq3A_118, %eq3A_119 : vector<128x1280xf32>
    %lt3A_121 = vector.broadcast %reshape3A_5 : vector<1x1280xi32> to vector<128x1280xi32>
    %lt3A_122 = vector.broadcast %slice3A_114 : vector<128x1xi32> to vector<128x1280xi32>
    %lt3A_123 = arith.cmpi slt, %lt3A_121, %lt3A_122 : vector<128x1280xi32>
    %and3A_124 = arith.andi %eq3A_120, %lt3A_123 : vector<128x1280xi1>
    %or3A_125 = arith.ori %gt3A_117, %and3A_124 : vector<128x1280xi1>
    %convert_element_type3A_126 = arith.extui %or3A_125 : vector<128x1280xi1> to vector<128x1280xi32>
    %reduce_sum3A_127 = arith.constant dense<0> : vector<128xi32>
    %reduce_sum3A_128 = vector.multi_reduction <add>, %convert_element_type3A_126, %reduce_sum3A_127 [1] : vector<128x1280xi32> to vector<128xi32>
    %broadcast_in_dim3A_129 = vector.shape_cast %reduce_sum3A_128 : vector<128xi32> to vector<128x1xi32>
    %eq3A_130 = vector.broadcast %broadcast_in_dim3A_129 : vector<128x1xi32> to vector<128x128xi32>
    %eq3A_131 = vector.broadcast %iota3A : vector<1x128xi32> to vector<128x128xi32>
    %eq3A_132 = arith.cmpi eq, %eq3A_130, %eq3A_131 : vector<128x128xi32>
    %jit3A_133 = arith.constant 0.000000e+00 : f32
    %broadcast_in_dim3A_134 = vector.shape_cast %slice3A_113 : vector<128x1xf32> to vector<128x1xf32>
    %broadcast_in_dim3A_135 = vector.broadcast %broadcast_in_dim3A_134 : vector<128x1xf32> to vector<128x128xf32>
    %broadcast_in_dim3A_136 = vector.broadcast %jit3A_133 : f32 to vector<128x128xf32>
    %select_n3A_137 = arith.select %eq3A_132, %broadcast_in_dim3A_135, %broadcast_in_dim3A_136 : vector<128x128xi1>, vector<128x128xf32>
    %reduce_sum3A_138 = arith.constant dense<0.000000e+00> : vector<128xf32>
    %reduce_sum3A_139 = vector.multi_reduction <add>, %select_n3A_137, %reduce_sum3A_138 [0] : vector<128x128xf32> to vector<128xf32>
    %broadcast_in_dim3A_140 = vector.shape_cast %reduce_sum3A_139 : vector<128xf32> to vector<1x128xf32>
    %add3A_141 = arith.addf %add3A_103, %broadcast_in_dim3A_140 : vector<1x128xf32>
    %jit3A_142 = arith.constant 0 : i32
    %broadcast_in_dim3A_143 = vector.shape_cast %slice3A_114 : vector<128x1xi32> to vector<128x1xi32>
    %broadcast_in_dim3A_144 = vector.broadcast %broadcast_in_dim3A_143 : vector<128x1xi32> to vector<128x128xi32>
    %broadcast_in_dim3A_145 = vector.broadcast %jit3A_142 : i32 to vector<128x128xi32>
    %select_n3A_146 = arith.select %eq3A_132, %broadcast_in_dim3A_144, %broadcast_in_dim3A_145 : vector<128x128xi1>, vector<128x128xi32>
    %reduce_sum3A_147 = arith.constant dense<0> : vector<128xi32>
    %reduce_sum3A_148 = vector.multi_reduction <add>, %select_n3A_146, %reduce_sum3A_147 [0] : vector<128x128xi32> to vector<128xi32>
    %broadcast_in_dim3A_149 = vector.shape_cast %reduce_sum3A_148 : vector<128xi32> to vector<1x128xi32>
    %add3A_150 = arith.addi %add3A_112, %broadcast_in_dim3A_149 : vector<1x128xi32>
    %slice3A_151 = vector.extract_strided_slice %transpose3A {offsets = [0, 4], sizes = [128, 1], strides = [1, 1]} : vector<128x10xf32> to vector<128x1xf32>
    %slice3A_152 = vector.extract_strided_slice %transpose3A_6 {offsets = [0, 4], sizes = [128, 1], strides = [1, 1]} : vector<128x10xi32> to vector<128x1xi32>
    %gt3A_153 = vector.broadcast %reshape3A : vector<1x1280xf32> to vector<128x1280xf32>
    %gt3A_154 = vector.broadcast %slice3A_151 : vector<128x1xf32> to vector<128x1280xf32>
    %gt3A_155 = arith.cmpf ogt, %gt3A_153, %gt3A_154 : vector<128x1280xf32>
    %eq3A_156 = vector.broadcast %reshape3A : vector<1x1280xf32> to vector<128x1280xf32>
    %eq3A_157 = vector.broadcast %slice3A_151 : vector<128x1xf32> to vector<128x1280xf32>
    %eq3A_158 = arith.cmpf oeq, %eq3A_156, %eq3A_157 : vector<128x1280xf32>
    %lt3A_159 = vector.broadcast %reshape3A_5 : vector<1x1280xi32> to vector<128x1280xi32>
    %lt3A_160 = vector.broadcast %slice3A_152 : vector<128x1xi32> to vector<128x1280xi32>
    %lt3A_161 = arith.cmpi slt, %lt3A_159, %lt3A_160 : vector<128x1280xi32>
    %and3A_162 = arith.andi %eq3A_158, %lt3A_161 : vector<128x1280xi1>
    %or3A_163 = arith.ori %gt3A_155, %and3A_162 : vector<128x1280xi1>
    %convert_element_type3A_164 = arith.extui %or3A_163 : vector<128x1280xi1> to vector<128x1280xi32>
    %reduce_sum3A_165 = arith.constant dense<0> : vector<128xi32>
    %reduce_sum3A_166 = vector.multi_reduction <add>, %convert_element_type3A_164, %reduce_sum3A_165 [1] : vector<128x1280xi32> to vector<128xi32>
    %broadcast_in_dim3A_167 = vector.shape_cast %reduce_sum3A_166 : vector<128xi32> to vector<128x1xi32>
    %eq3A_168 = vector.broadcast %broadcast_in_dim3A_167 : vector<128x1xi32> to vector<128x128xi32>
    %eq3A_169 = vector.broadcast %iota3A : vector<1x128xi32> to vector<128x128xi32>
    %eq3A_170 = arith.cmpi eq, %eq3A_168, %eq3A_169 : vector<128x128xi32>
    %jit3A_171 = arith.constant 0.000000e+00 : f32
    %broadcast_in_dim3A_172 = vector.shape_cast %slice3A_151 : vector<128x1xf32> to vector<128x1xf32>
    %broadcast_in_dim3A_173 = vector.broadcast %broadcast_in_dim3A_172 : vector<128x1xf32> to vector<128x128xf32>
    %broadcast_in_dim3A_174 = vector.broadcast %jit3A_171 : f32 to vector<128x128xf32>
    %select_n3A_175 = arith.select %eq3A_170, %broadcast_in_dim3A_173, %broadcast_in_dim3A_174 : vector<128x128xi1>, vector<128x128xf32>
    %reduce_sum3A_176 = arith.constant dense<0.000000e+00> : vector<128xf32>
    %reduce_sum3A_177 = vector.multi_reduction <add>, %select_n3A_175, %reduce_sum3A_176 [0] : vector<128x128xf32> to vector<128xf32>
    %broadcast_in_dim3A_178 = vector.shape_cast %reduce_sum3A_177 : vector<128xf32> to vector<1x128xf32>
    %add3A_179 = arith.addf %add3A_141, %broadcast_in_dim3A_178 : vector<1x128xf32>
    %jit3A_180 = arith.constant 0 : i32
    %broadcast_in_dim3A_181 = vector.shape_cast %slice3A_152 : vector<128x1xi32> to vector<128x1xi32>
    %broadcast_in_dim3A_182 = vector.broadcast %broadcast_in_dim3A_181 : vector<128x1xi32> to vector<128x128xi32>
    %broadcast_in_dim3A_183 = vector.broadcast %jit3A_180 : i32 to vector<128x128xi32>
    %select_n3A_184 = arith.select %eq3A_170, %broadcast_in_dim3A_182, %broadcast_in_dim3A_183 : vector<128x128xi1>, vector<128x128xi32>
    %reduce_sum3A_185 = arith.constant dense<0> : vector<128xi32>
    %reduce_sum3A_186 = vector.multi_reduction <add>, %select_n3A_184, %reduce_sum3A_185 [0] : vector<128x128xi32> to vector<128xi32>
    %broadcast_in_dim3A_187 = vector.shape_cast %reduce_sum3A_186 : vector<128xi32> to vector<1x128xi32>
    %add3A_188 = arith.addi %add3A_150, %broadcast_in_dim3A_187 : vector<1x128xi32>
    %slice3A_189 = vector.extract_strided_slice %transpose3A {offsets = [0, 5], sizes = [128, 1], strides = [1, 1]} : vector<128x10xf32> to vector<128x1xf32>
    %slice3A_190 = vector.extract_strided_slice %transpose3A_6 {offsets = [0, 5], sizes = [128, 1], strides = [1, 1]} : vector<128x10xi32> to vector<128x1xi32>
    %gt3A_191 = vector.broadcast %reshape3A : vector<1x1280xf32> to vector<128x1280xf32>
    %gt3A_192 = vector.broadcast %slice3A_189 : vector<128x1xf32> to vector<128x1280xf32>
    %gt3A_193 = arith.cmpf ogt, %gt3A_191, %gt3A_192 : vector<128x1280xf32>
    %eq3A_194 = vector.broadcast %reshape3A : vector<1x1280xf32> to vector<128x1280xf32>
    %eq3A_195 = vector.broadcast %slice3A_189 : vector<128x1xf32> to vector<128x1280xf32>
    %eq3A_196 = arith.cmpf oeq, %eq3A_194, %eq3A_195 : vector<128x1280xf32>
    %lt3A_197 = vector.broadcast %reshape3A_5 : vector<1x1280xi32> to vector<128x1280xi32>
    %lt3A_198 = vector.broadcast %slice3A_190 : vector<128x1xi32> to vector<128x1280xi32>
    %lt3A_199 = arith.cmpi slt, %lt3A_197, %lt3A_198 : vector<128x1280xi32>
    %and3A_200 = arith.andi %eq3A_196, %lt3A_199 : vector<128x1280xi1>
    %or3A_201 = arith.ori %gt3A_193, %and3A_200 : vector<128x1280xi1>
    %convert_element_type3A_202 = arith.extui %or3A_201 : vector<128x1280xi1> to vector<128x1280xi32>
    %reduce_sum3A_203 = arith.constant dense<0> : vector<128xi32>
    %reduce_sum3A_204 = vector.multi_reduction <add>, %convert_element_type3A_202, %reduce_sum3A_203 [1] : vector<128x1280xi32> to vector<128xi32>
    %broadcast_in_dim3A_205 = vector.shape_cast %reduce_sum3A_204 : vector<128xi32> to vector<128x1xi32>
    %eq3A_206 = vector.broadcast %broadcast_in_dim3A_205 : vector<128x1xi32> to vector<128x128xi32>
    %eq3A_207 = vector.broadcast %iota3A : vector<1x128xi32> to vector<128x128xi32>
    %eq3A_208 = arith.cmpi eq, %eq3A_206, %eq3A_207 : vector<128x128xi32>
    %jit3A_209 = arith.constant 0.000000e+00 : f32
    %broadcast_in_dim3A_210 = vector.shape_cast %slice3A_189 : vector<128x1xf32> to vector<128x1xf32>
    %broadcast_in_dim3A_211 = vector.broadcast %broadcast_in_dim3A_210 : vector<128x1xf32> to vector<128x128xf32>
    %broadcast_in_dim3A_212 = vector.broadcast %jit3A_209 : f32 to vector<128x128xf32>
    %select_n3A_213 = arith.select %eq3A_208, %broadcast_in_dim3A_211, %broadcast_in_dim3A_212 : vector<128x128xi1>, vector<128x128xf32>
    %reduce_sum3A_214 = arith.constant dense<0.000000e+00> : vector<128xf32>
    %reduce_sum3A_215 = vector.multi_reduction <add>, %select_n3A_213, %reduce_sum3A_214 [0] : vector<128x128xf32> to vector<128xf32>
    %broadcast_in_dim3A_216 = vector.shape_cast %reduce_sum3A_215 : vector<128xf32> to vector<1x128xf32>
    %add3A_217 = arith.addf %add3A_179, %broadcast_in_dim3A_216 : vector<1x128xf32>
    %jit3A_218 = arith.constant 0 : i32
    %broadcast_in_dim3A_219 = vector.shape_cast %slice3A_190 : vector<128x1xi32> to vector<128x1xi32>
    %broadcast_in_dim3A_220 = vector.broadcast %broadcast_in_dim3A_219 : vector<128x1xi32> to vector<128x128xi32>
    %broadcast_in_dim3A_221 = vector.broadcast %jit3A_218 : i32 to vector<128x128xi32>
    %select_n3A_222 = arith.select %eq3A_208, %broadcast_in_dim3A_220, %broadcast_in_dim3A_221 : vector<128x128xi1>, vector<128x128xi32>
    %reduce_sum3A_223 = arith.constant dense<0> : vector<128xi32>
    %reduce_sum3A_224 = vector.multi_reduction <add>, %select_n3A_222, %reduce_sum3A_223 [0] : vector<128x128xi32> to vector<128xi32>
    %broadcast_in_dim3A_225 = vector.shape_cast %reduce_sum3A_224 : vector<128xi32> to vector<1x128xi32>
    %add3A_226 = arith.addi %add3A_188, %broadcast_in_dim3A_225 : vector<1x128xi32>
    %slice3A_227 = vector.extract_strided_slice %transpose3A {offsets = [0, 6], sizes = [128, 1], strides = [1, 1]} : vector<128x10xf32> to vector<128x1xf32>
    %slice3A_228 = vector.extract_strided_slice %transpose3A_6 {offsets = [0, 6], sizes = [128, 1], strides = [1, 1]} : vector<128x10xi32> to vector<128x1xi32>
    %gt3A_229 = vector.broadcast %reshape3A : vector<1x1280xf32> to vector<128x1280xf32>
    %gt3A_230 = vector.broadcast %slice3A_227 : vector<128x1xf32> to vector<128x1280xf32>
    %gt3A_231 = arith.cmpf ogt, %gt3A_229, %gt3A_230 : vector<128x1280xf32>
    %eq3A_232 = vector.broadcast %reshape3A : vector<1x1280xf32> to vector<128x1280xf32>
    %eq3A_233 = vector.broadcast %slice3A_227 : vector<128x1xf32> to vector<128x1280xf32>
    %eq3A_234 = arith.cmpf oeq, %eq3A_232, %eq3A_233 : vector<128x1280xf32>
    %lt3A_235 = vector.broadcast %reshape3A_5 : vector<1x1280xi32> to vector<128x1280xi32>
    %lt3A_236 = vector.broadcast %slice3A_228 : vector<128x1xi32> to vector<128x1280xi32>
    %lt3A_237 = arith.cmpi slt, %lt3A_235, %lt3A_236 : vector<128x1280xi32>
    %and3A_238 = arith.andi %eq3A_234, %lt3A_237 : vector<128x1280xi1>
    %or3A_239 = arith.ori %gt3A_231, %and3A_238 : vector<128x1280xi1>
    %convert_element_type3A_240 = arith.extui %or3A_239 : vector<128x1280xi1> to vector<128x1280xi32>
    %reduce_sum3A_241 = arith.constant dense<0> : vector<128xi32>
    %reduce_sum3A_242 = vector.multi_reduction <add>, %convert_element_type3A_240, %reduce_sum3A_241 [1] : vector<128x1280xi32> to vector<128xi32>
    %broadcast_in_dim3A_243 = vector.shape_cast %reduce_sum3A_242 : vector<128xi32> to vector<128x1xi32>
    %eq3A_244 = vector.broadcast %broadcast_in_dim3A_243 : vector<128x1xi32> to vector<128x128xi32>
    %eq3A_245 = vector.broadcast %iota3A : vector<1x128xi32> to vector<128x128xi32>
    %eq3A_246 = arith.cmpi eq, %eq3A_244, %eq3A_245 : vector<128x128xi32>
    %jit3A_247 = arith.constant 0.000000e+00 : f32
    %broadcast_in_dim3A_248 = vector.shape_cast %slice3A_227 : vector<128x1xf32> to vector<128x1xf32>
    %broadcast_in_dim3A_249 = vector.broadcast %broadcast_in_dim3A_248 : vector<128x1xf32> to vector<128x128xf32>
    %broadcast_in_dim3A_250 = vector.broadcast %jit3A_247 : f32 to vector<128x128xf32>
    %select_n3A_251 = arith.select %eq3A_246, %broadcast_in_dim3A_249, %broadcast_in_dim3A_250 : vector<128x128xi1>, vector<128x128xf32>
    %reduce_sum3A_252 = arith.constant dense<0.000000e+00> : vector<128xf32>
    %reduce_sum3A_253 = vector.multi_reduction <add>, %select_n3A_251, %reduce_sum3A_252 [0] : vector<128x128xf32> to vector<128xf32>
    %broadcast_in_dim3A_254 = vector.shape_cast %reduce_sum3A_253 : vector<128xf32> to vector<1x128xf32>
    %add3A_255 = arith.addf %add3A_217, %broadcast_in_dim3A_254 : vector<1x128xf32>
    %jit3A_256 = arith.constant 0 : i32
    %broadcast_in_dim3A_257 = vector.shape_cast %slice3A_228 : vector<128x1xi32> to vector<128x1xi32>
    %broadcast_in_dim3A_258 = vector.broadcast %broadcast_in_dim3A_257 : vector<128x1xi32> to vector<128x128xi32>
    %broadcast_in_dim3A_259 = vector.broadcast %jit3A_256 : i32 to vector<128x128xi32>
    %select_n3A_260 = arith.select %eq3A_246, %broadcast_in_dim3A_258, %broadcast_in_dim3A_259 : vector<128x128xi1>, vector<128x128xi32>
    %reduce_sum3A_261 = arith.constant dense<0> : vector<128xi32>
    %reduce_sum3A_262 = vector.multi_reduction <add>, %select_n3A_260, %reduce_sum3A_261 [0] : vector<128x128xi32> to vector<128xi32>
    %broadcast_in_dim3A_263 = vector.shape_cast %reduce_sum3A_262 : vector<128xi32> to vector<1x128xi32>
    %add3A_264 = arith.addi %add3A_226, %broadcast_in_dim3A_263 : vector<1x128xi32>
    %slice3A_265 = vector.extract_strided_slice %transpose3A {offsets = [0, 7], sizes = [128, 1], strides = [1, 1]} : vector<128x10xf32> to vector<128x1xf32>
    %slice3A_266 = vector.extract_strided_slice %transpose3A_6 {offsets = [0, 7], sizes = [128, 1], strides = [1, 1]} : vector<128x10xi32> to vector<128x1xi32>
    %gt3A_267 = vector.broadcast %reshape3A : vector<1x1280xf32> to vector<128x1280xf32>
    %gt3A_268 = vector.broadcast %slice3A_265 : vector<128x1xf32> to vector<128x1280xf32>
    %gt3A_269 = arith.cmpf ogt, %gt3A_267, %gt3A_268 : vector<128x1280xf32>
    %eq3A_270 = vector.broadcast %reshape3A : vector<1x1280xf32> to vector<128x1280xf32>
    %eq3A_271 = vector.broadcast %slice3A_265 : vector<128x1xf32> to vector<128x1280xf32>
    %eq3A_272 = arith.cmpf oeq, %eq3A_270, %eq3A_271 : vector<128x1280xf32>
    %lt3A_273 = vector.broadcast %reshape3A_5 : vector<1x1280xi32> to vector<128x1280xi32>
    %lt3A_274 = vector.broadcast %slice3A_266 : vector<128x1xi32> to vector<128x1280xi32>
    %lt3A_275 = arith.cmpi slt, %lt3A_273, %lt3A_274 : vector<128x1280xi32>
    %and3A_276 = arith.andi %eq3A_272, %lt3A_275 : vector<128x1280xi1>
    %or3A_277 = arith.ori %gt3A_269, %and3A_276 : vector<128x1280xi1>
    %convert_element_type3A_278 = arith.extui %or3A_277 : vector<128x1280xi1> to vector<128x1280xi32>
    %reduce_sum3A_279 = arith.constant dense<0> : vector<128xi32>
    %reduce_sum3A_280 = vector.multi_reduction <add>, %convert_element_type3A_278, %reduce_sum3A_279 [1] : vector<128x1280xi32> to vector<128xi32>
    %broadcast_in_dim3A_281 = vector.shape_cast %reduce_sum3A_280 : vector<128xi32> to vector<128x1xi32>
    %eq3A_282 = vector.broadcast %broadcast_in_dim3A_281 : vector<128x1xi32> to vector<128x128xi32>
    %eq3A_283 = vector.broadcast %iota3A : vector<1x128xi32> to vector<128x128xi32>
    %eq3A_284 = arith.cmpi eq, %eq3A_282, %eq3A_283 : vector<128x128xi32>
    %jit3A_285 = arith.constant 0.000000e+00 : f32
    %broadcast_in_dim3A_286 = vector.shape_cast %slice3A_265 : vector<128x1xf32> to vector<128x1xf32>
    %broadcast_in_dim3A_287 = vector.broadcast %broadcast_in_dim3A_286 : vector<128x1xf32> to vector<128x128xf32>
    %broadcast_in_dim3A_288 = vector.broadcast %jit3A_285 : f32 to vector<128x128xf32>
    %select_n3A_289 = arith.select %eq3A_284, %broadcast_in_dim3A_287, %broadcast_in_dim3A_288 : vector<128x128xi1>, vector<128x128xf32>
    %reduce_sum3A_290 = arith.constant dense<0.000000e+00> : vector<128xf32>
    %reduce_sum3A_291 = vector.multi_reduction <add>, %select_n3A_289, %reduce_sum3A_290 [0] : vector<128x128xf32> to vector<128xf32>
    %broadcast_in_dim3A_292 = vector.shape_cast %reduce_sum3A_291 : vector<128xf32> to vector<1x128xf32>
    %add3A_293 = arith.addf %add3A_255, %broadcast_in_dim3A_292 : vector<1x128xf32>
    %jit3A_294 = arith.constant 0 : i32
    %broadcast_in_dim3A_295 = vector.shape_cast %slice3A_266 : vector<128x1xi32> to vector<128x1xi32>
    %broadcast_in_dim3A_296 = vector.broadcast %broadcast_in_dim3A_295 : vector<128x1xi32> to vector<128x128xi32>
    %broadcast_in_dim3A_297 = vector.broadcast %jit3A_294 : i32 to vector<128x128xi32>
    %select_n3A_298 = arith.select %eq3A_284, %broadcast_in_dim3A_296, %broadcast_in_dim3A_297 : vector<128x128xi1>, vector<128x128xi32>
    %reduce_sum3A_299 = arith.constant dense<0> : vector<128xi32>
    %reduce_sum3A_300 = vector.multi_reduction <add>, %select_n3A_298, %reduce_sum3A_299 [0] : vector<128x128xi32> to vector<128xi32>
    %broadcast_in_dim3A_301 = vector.shape_cast %reduce_sum3A_300 : vector<128xi32> to vector<1x128xi32>
    %add3A_302 = arith.addi %add3A_264, %broadcast_in_dim3A_301 : vector<1x128xi32>
    %slice3A_303 = vector.extract_strided_slice %transpose3A {offsets = [0, 8], sizes = [128, 1], strides = [1, 1]} : vector<128x10xf32> to vector<128x1xf32>
    %slice3A_304 = vector.extract_strided_slice %transpose3A_6 {offsets = [0, 8], sizes = [128, 1], strides = [1, 1]} : vector<128x10xi32> to vector<128x1xi32>
    %gt3A_305 = vector.broadcast %reshape3A : vector<1x1280xf32> to vector<128x1280xf32>
    %gt3A_306 = vector.broadcast %slice3A_303 : vector<128x1xf32> to vector<128x1280xf32>
    %gt3A_307 = arith.cmpf ogt, %gt3A_305, %gt3A_306 : vector<128x1280xf32>
    %eq3A_308 = vector.broadcast %reshape3A : vector<1x1280xf32> to vector<128x1280xf32>
    %eq3A_309 = vector.broadcast %slice3A_303 : vector<128x1xf32> to vector<128x1280xf32>
    %eq3A_310 = arith.cmpf oeq, %eq3A_308, %eq3A_309 : vector<128x1280xf32>
    %lt3A_311 = vector.broadcast %reshape3A_5 : vector<1x1280xi32> to vector<128x1280xi32>
    %lt3A_312 = vector.broadcast %slice3A_304 : vector<128x1xi32> to vector<128x1280xi32>
    %lt3A_313 = arith.cmpi slt, %lt3A_311, %lt3A_312 : vector<128x1280xi32>
    %and3A_314 = arith.andi %eq3A_310, %lt3A_313 : vector<128x1280xi1>
    %or3A_315 = arith.ori %gt3A_307, %and3A_314 : vector<128x1280xi1>
    %convert_element_type3A_316 = arith.extui %or3A_315 : vector<128x1280xi1> to vector<128x1280xi32>
    %reduce_sum3A_317 = arith.constant dense<0> : vector<128xi32>
    %reduce_sum3A_318 = vector.multi_reduction <add>, %convert_element_type3A_316, %reduce_sum3A_317 [1] : vector<128x1280xi32> to vector<128xi32>
    %broadcast_in_dim3A_319 = vector.shape_cast %reduce_sum3A_318 : vector<128xi32> to vector<128x1xi32>
    %eq3A_320 = vector.broadcast %broadcast_in_dim3A_319 : vector<128x1xi32> to vector<128x128xi32>
    %eq3A_321 = vector.broadcast %iota3A : vector<1x128xi32> to vector<128x128xi32>
    %eq3A_322 = arith.cmpi eq, %eq3A_320, %eq3A_321 : vector<128x128xi32>
    %jit3A_323 = arith.constant 0.000000e+00 : f32
    %broadcast_in_dim3A_324 = vector.shape_cast %slice3A_303 : vector<128x1xf32> to vector<128x1xf32>
    %broadcast_in_dim3A_325 = vector.broadcast %broadcast_in_dim3A_324 : vector<128x1xf32> to vector<128x128xf32>
    %broadcast_in_dim3A_326 = vector.broadcast %jit3A_323 : f32 to vector<128x128xf32>
    %select_n3A_327 = arith.select %eq3A_322, %broadcast_in_dim3A_325, %broadcast_in_dim3A_326 : vector<128x128xi1>, vector<128x128xf32>
    %reduce_sum3A_328 = arith.constant dense<0.000000e+00> : vector<128xf32>
    %reduce_sum3A_329 = vector.multi_reduction <add>, %select_n3A_327, %reduce_sum3A_328 [0] : vector<128x128xf32> to vector<128xf32>
    %broadcast_in_dim3A_330 = vector.shape_cast %reduce_sum3A_329 : vector<128xf32> to vector<1x128xf32>
    %add3A_331 = arith.addf %add3A_293, %broadcast_in_dim3A_330 : vector<1x128xf32>
    %jit3A_332 = arith.constant 0 : i32
    %broadcast_in_dim3A_333 = vector.shape_cast %slice3A_304 : vector<128x1xi32> to vector<128x1xi32>
    %broadcast_in_dim3A_334 = vector.broadcast %broadcast_in_dim3A_333 : vector<128x1xi32> to vector<128x128xi32>
    %broadcast_in_dim3A_335 = vector.broadcast %jit3A_332 : i32 to vector<128x128xi32>
    %select_n3A_336 = arith.select %eq3A_322, %broadcast_in_dim3A_334, %broadcast_in_dim3A_335 : vector<128x128xi1>, vector<128x128xi32>
    %reduce_sum3A_337 = arith.constant dense<0> : vector<128xi32>
    %reduce_sum3A_338 = vector.multi_reduction <add>, %select_n3A_336, %reduce_sum3A_337 [0] : vector<128x128xi32> to vector<128xi32>
    %broadcast_in_dim3A_339 = vector.shape_cast %reduce_sum3A_338 : vector<128xi32> to vector<1x128xi32>
    %add3A_340 = arith.addi %add3A_302, %broadcast_in_dim3A_339 : vector<1x128xi32>
    %slice3A_341 = vector.extract_strided_slice %transpose3A {offsets = [0, 9], sizes = [128, 1], strides = [1, 1]} : vector<128x10xf32> to vector<128x1xf32>
    %slice3A_342 = vector.extract_strided_slice %transpose3A_6 {offsets = [0, 9], sizes = [128, 1], strides = [1, 1]} : vector<128x10xi32> to vector<128x1xi32>
    %gt3A_343 = vector.broadcast %reshape3A : vector<1x1280xf32> to vector<128x1280xf32>
    %gt3A_344 = vector.broadcast %slice3A_341 : vector<128x1xf32> to vector<128x1280xf32>
    %gt3A_345 = arith.cmpf ogt, %gt3A_343, %gt3A_344 : vector<128x1280xf32>
    %eq3A_346 = vector.broadcast %reshape3A : vector<1x1280xf32> to vector<128x1280xf32>
    %eq3A_347 = vector.broadcast %slice3A_341 : vector<128x1xf32> to vector<128x1280xf32>
    %eq3A_348 = arith.cmpf oeq, %eq3A_346, %eq3A_347 : vector<128x1280xf32>
    %lt3A_349 = vector.broadcast %reshape3A_5 : vector<1x1280xi32> to vector<128x1280xi32>
    %lt3A_350 = vector.broadcast %slice3A_342 : vector<128x1xi32> to vector<128x1280xi32>
    %lt3A_351 = arith.cmpi slt, %lt3A_349, %lt3A_350 : vector<128x1280xi32>
    %and3A_352 = arith.andi %eq3A_348, %lt3A_351 : vector<128x1280xi1>
    %or3A_353 = arith.ori %gt3A_345, %and3A_352 : vector<128x1280xi1>
    %convert_element_type3A_354 = arith.extui %or3A_353 : vector<128x1280xi1> to vector<128x1280xi32>
    %reduce_sum3A_355 = arith.constant dense<0> : vector<128xi32>
    %reduce_sum3A_356 = vector.multi_reduction <add>, %convert_element_type3A_354, %reduce_sum3A_355 [1] : vector<128x1280xi32> to vector<128xi32>
    %broadcast_in_dim3A_357 = vector.shape_cast %reduce_sum3A_356 : vector<128xi32> to vector<128x1xi32>
    %eq3A_358 = vector.broadcast %broadcast_in_dim3A_357 : vector<128x1xi32> to vector<128x128xi32>
    %eq3A_359 = vector.broadcast %iota3A : vector<1x128xi32> to vector<128x128xi32>
    %eq3A_360 = arith.cmpi eq, %eq3A_358, %eq3A_359 : vector<128x128xi32>
    %jit3A_361 = arith.constant 0.000000e+00 : f32
    %broadcast_in_dim3A_362 = vector.shape_cast %slice3A_341 : vector<128x1xf32> to vector<128x1xf32>
    %broadcast_in_dim3A_363 = vector.broadcast %broadcast_in_dim3A_362 : vector<128x1xf32> to vector<128x128xf32>
    %broadcast_in_dim3A_364 = vector.broadcast %jit3A_361 : f32 to vector<128x128xf32>
    %select_n3A_365 = arith.select %eq3A_360, %broadcast_in_dim3A_363, %broadcast_in_dim3A_364 : vector<128x128xi1>, vector<128x128xf32>
    %reduce_sum3A_366 = arith.constant dense<0.000000e+00> : vector<128xf32>
    %reduce_sum3A_367 = vector.multi_reduction <add>, %select_n3A_365, %reduce_sum3A_366 [0] : vector<128x128xf32> to vector<128xf32>
    %broadcast_in_dim3A_368 = vector.shape_cast %reduce_sum3A_367 : vector<128xf32> to vector<1x128xf32>
    %add3A_369 = arith.addf %add3A_331, %broadcast_in_dim3A_368 : vector<1x128xf32>
    %jit3A_370 = arith.constant 0 : i32
    %broadcast_in_dim3A_371 = vector.shape_cast %slice3A_342 : vector<128x1xi32> to vector<128x1xi32>
    %broadcast_in_dim3A_372 = vector.broadcast %broadcast_in_dim3A_371 : vector<128x1xi32> to vector<128x128xi32>
    %broadcast_in_dim3A_373 = vector.broadcast %jit3A_370 : i32 to vector<128x128xi32>
    %select_n3A_374 = arith.select %eq3A_360, %broadcast_in_dim3A_372, %broadcast_in_dim3A_373 : vector<128x128xi1>, vector<128x128xi32>
    %reduce_sum3A_375 = arith.constant dense<0> : vector<128xi32>
    %reduce_sum3A_376 = vector.multi_reduction <add>, %select_n3A_374, %reduce_sum3A_375 [0] : vector<128x128xi32> to vector<128xi32>
    %broadcast_in_dim3A_377 = vector.shape_cast %reduce_sum3A_376 : vector<128xi32> to vector<1x128xi32>
    %add3A_378 = arith.addi %add3A_340, %broadcast_in_dim3A_377 : vector<1x128xi32>
    %swap3A = arith.constant 0 : index
    %swap3A_379 = arith.constant 0 : index
    %swap3A_380 = vector.load %arg2[%swap3A, %swap3A_379] : memref<1x128xf32, #tpu.memory_space<vmem>>, vector<1x128xf32>
    tpu.vector_store %arg2[%swap3A, %swap3A_379], %add3A_369 {strides = array<i32>} : memref<1x128xf32, #tpu.memory_space<vmem>>, vector<1x128xf32>,
    %swap3A_381 = arith.constant 0 : index
    %swap3A_382 = arith.constant 0 : index
    %swap3A_383 = vector.load %arg3[%swap3A_381, %swap3A_382] : memref<1x128xi32, #tpu.memory_space<vmem>>, vector<1x128xi32>
    tpu.vector_store %arg3[%swap3A_381, %swap3A_382], %add3A_378 {strides = array<i32>} : memref<1x128xi32, #tpu.memory_space<vmem>>, vector<1x128xi32>,
    return
  }
}

</mosaic_0001>

<sc_bundles>
// kernel: kernel.10.cloned.1.call-start
scs
__scs_entry_jumppad:
0x0: {  	(pc) =	sbr.rel $0x88, $3  }
0x1: {  	(tag) =	ssettag $0x0;
	lr =	simm.s32 $0x1  }
0x2: {  	[smem:$0x3F99] =	sst lr;
	_ =	strace $0xD0000000  }
0x3: {  	_ = 	snop  }
0x4: {  	_ = 	snop  }
0x5: {  	_ = 	snop  }
0x6: {  	_ = 	snop  }
0x7: {  	_ = 	snop  }
__scs_overlays_trampoline_lowered:
0x8: {  	[smem:$0x3FA8] =	sst s0  }
0x9: {  	[smem:$0x3FA9] =	sst s1  }
0xa: {  	[smem:$0x3FAA] =	sst s2  }
0xb: {  	[smem:$0x3FAB] =	sst s3  }
0xc: {  	[smem:$0x3FAC] =	sst s4  }
0xd: {  	[smem:$0x3FAD] =	sst s5  }
0xe: {  	[smem:$0x3FAE] =	sst s6  }
0xf: {  	[smem:$0x3FAF] =	sst s7  }
0x10: {  	[smem:$0x3FB0] =	sst s8  }
0x11: {  	[smem:$0x3FB1] =	sst s9;
	s0 =	simm.s32 @!p0 $0x0  }
0x12: {  	s1 =	sld [smem:$0x3F97];
	s0 =	simm.s32 @p0 $0x1  }
0x13: {  	[smem:$0x3FB2] =	sst s0;
	s0 =	simm.s32 @!p1 $0x0  }
0x14: {  	s2 =	sld [smem:$0x3F96];
	s0 =	simm.s32 @p1 $0x1  }
0x15: {  	[smem:$0x3FB3] =	sst s0;
	s0 =	simm.s32 @!p2 $0x0  }
0x16: {  	s3 =	sld [smem:$0x3FDB];
	s0 =	simm.s32 @p2 $0x1  }
0x17: {  	s4 =	simm.s32 $0x1BF5;
	[smem:$0x3FB5] =	sst s0  }
0x18: {  	s0 =	sld [smem:$0x3F98];
	_ =	swait.ge [sflag:s4], $0x0  }
0x19: {  	s7 =	sld [smem:$0x3F99]  }
0x1a: {  	s8 =	sadd.s32 $0xFFFFE003, lr  }
0x1b: {  	s9 =	sadd.s32 $0xFFFFFEF7, lr;
	s5 =	simm.s32 $0xFFFFFFFF;
	p2 =	slt.u32 s8, $0xFFFFF086  }
0x1c: {  	p1 =	slt.u32 s9, $0xF7A;
	s5 =	simm.s32 @!p2 $0x0  }
0x1d: {  	s5 =	simm.s32 @p1 $0x1;
	p0 =	seq.s32 s7, s2  }
0x1e: {  	s7 =	smul.u32 @!p0 $0xF7A, s2;
	p2 =	seq.s32 @!p0 s5, $0x0  }
0x1f: {  	s9 =	smul.u32 $0xF7A, s1;
	s8 =	simm.s32 @!p0 $0x1BF5;
	p2 =	por !p2, p0  }
0x20: {  	[sflag:s8] =	ssyncset.s32 @!p0 $0xFFFFF086;
	s6 =	sadd.s32 @!p0 s3, s7;
	s7 =	simm.s32 @!p0 $0x108  }
0x21: {  	s3 =	sadd.s32 s3, s9;
	s6 =	sadd.s32 @!p0 $0x88, s6;
	s7 =	simm.s32 @p2 $0x1082  }
0x22: {  	[simem:s7], [sflag:s8] =	dma.local @!p0 [hbm:s6], $0xF7A  }
0x23: {  	s9 =	sor.u32 $0xD0000000, s2;
	s6 =	simm.s32 $0x108;
	_ =	swait.ge @!p0 [sflag:s8], $0x0  }
0x24: {  	s3 =	sadd.s32 $0x88, s3;
	s6 =	simm.s32 @!p1 $0x1082;
	[sflag:s4] =	ssyncset.s32 $0xFFFFF086  }
0x25: {  	[simem:s6], [sflag:s4] =	dma.local [hbm:s3], $0xF7A  }
0x26: {  	[smem:$0x3F99] =	sst s1;
	(tag) =	ssettag s2;
	_ =	strace s9  }
0x27: {  	s1 =	sld [smem:$0x3FA9]  }
0x28: {  	s2 =	sld [smem:$0x3FAA]  }
0x29: {  	s4 =	sld [smem:$0x3FAC]  }
0x2a: {  	p0 =	seq.s32 s5, $0x0;
	s5 =	sld [smem:$0x3FAD]  }
0x2b: {  	s6 =	sld [smem:$0x3FAE]  }
0x2c: {  	s7 =	sld [smem:$0x3FAF]  }
0x2d: {  	s3 =	simm.s32 $0x108;
	s8 =	sld [smem:$0x3FB0]  }
0x2e: {  	s3 =	simm.s32 @!p0 $0x1082;
	s9 =	sld [smem:$0x3FB1]  }
0x2f: {  	lr =	sadd.s32 s0, s3;
	s0 =	sld [smem:$0x3FA8]  }
0x30: {  	s3 =	sld [smem:$0x3FAB]  }
0x31: {  	[smem:$0x3FB4] =	sst s10  }
0x32: {  	s10 =	sld [smem:$0x3FB2];
	_ =	sdelay $0x3  }
0x33: {  	p0 =	seq.s32 s10, $0x1;
	s10 =	sld [smem:$0x3FB4];
	_ =	sdelay $0x3  }
0x34: {  	[smem:$0x3FB4] =	sst s10  }
0x35: {  	s10 =	sld [smem:$0x3FB3];
	_ =	sdelay $0x3  }
0x36: {  	p1 =	seq.s32 s10, $0x1;
	s10 =	sld [smem:$0x3FB4];
	_ =	sdelay $0x3  }
0x37: {  	[smem:$0x3FB4] =	sst s10  }
0x38: {  	s10 =	sld [smem:$0x3FB5]  }
0x39: {  	_ = 	snop;
	(pc) =	sbr.ind lr, $3  }
0x3a: {  	_ = 	snop  }
0x3b: {  	_ = 	snop  }
0x3c: {  	p2 =	seq.s32 s10, $0x1;
	s10 =	sld [smem:$0x3FB4]  }
0x3d: {  	_ =	shalt  }
0x3e: {  	_ =	shalt  }
0x3f: {  	_ =	shalt  }
0x40: {  	_ =	shalt  }
0x41: {  	_ =	shalt  }
0x42: {  	_ =	shalt  }
0x43: {  	_ =	shalt  }
0x44: {  	_ =	shalt  }
0x45: {  	_ =	shalt  }
0x46: {  	_ =	shalt  }
0x47: {  	_ =	shalt  }
0x48: {  	_ =	shalt  }
0x49: {  	_ =	shalt  }
0x4a: {  	_ =	shalt  }
0x4b: {  	_ =	shalt  }
0x4c: {  	_ =	shalt  }
0x4d: {  	_ =	shalt  }
0x4e: {  	_ =	shalt  }
0x4f: {  	_ =	shalt  }
0x50: {  	_ =	shalt  }
0x51: {  	_ =	shalt  }
0x52: {  	_ =	shalt  }
0x53: {  	_ =	shalt  }
0x54: {  	_ =	shalt  }
0x55: {  	_ =	shalt  }
0x56: {  	_ =	shalt  }
0x57: {  	_ =	shalt  }
0x58: {  	_ =	shalt  }
0x59: {  	_ =	shalt  }
0x5a: {  	_ =	shalt  }
0x5b: {  	_ =	shalt  }
0x5c: {  	_ =	shalt  }
0x5d: {  	_ =	shalt  }
0x5e: {  	_ =	shalt  }
0x5f: {  	_ =	shalt  }
0x60: {  	_ =	shalt  }
0x61: {  	_ =	shalt  }
0x62: {  	_ =	shalt  }
0x63: {  	_ =	shalt  }
0x64: {  	_ =	shalt  }
0x65: {  	_ =	shalt  }
0x66: {  	_ =	shalt  }
0x67: {  	_ =	shalt  }
0x68: {  	_ =	shalt  }
0x69: {  	_ =	shalt  }
0x6a: {  	_ =	shalt  }
0x6b: {  	_ =	shalt  }
0x6c: {  	_ =	shalt  }
0x6d: {  	_ =	shalt  }
0x6e: {  	_ =	shalt  }
0x6f: {  	_ =	shalt  }
0x70: {  	_ =	shalt  }
0x71: {  	_ =	shalt  }
0x72: {  	_ =	shalt  }
0x73: {  	_ =	shalt  }
0x74: {  	_ =	shalt  }
0x75: {  	_ =	shalt  }
0x76: {  	_ =	shalt  }
0x77: {  	_ =	shalt  }
0x78: {  	_ =	shalt  }
0x79: {  	_ =	shalt  }
0x7a: {  	_ =	shalt  }
0x7b: {  	_ =	shalt  }
0x7c: {  	_ =	shalt  }
0x7d: {  	_ =	shalt  }
0x7e: {  	_ =	shalt  }
0x7f: {  	_ =	shalt  }
0x80: {  	_ =	shalt  }
0x81: {  	_ =	shalt  }
0x82: {  	_ =	shalt  }
0x83: {  	_ =	shalt  }
0x84: {  	_ =	shalt  }
0x85: {  	_ =	shalt  }
0x86: {  	_ =	shalt  }
0x87: {  	_ =	shalt  }
.Lfunc_end0:
.L_simem_size_0:
called_computation.1_lowered:
.L_overlay_start_0:
0x88: {  	s2 =	sld [smem:$0x3FD9]  }
0x89: {  	s3 =	sld [smem:$0x3FFE];
	_ =	sdelay $0x1  }
0x8a: {  	s1 =	srdreg.scid  }
0x8b: {  	s0 =	sand.u32 $0x1, s1  }
0x8c: {  	s16 =	sshll.u32 s0, $0xA;
	s2 =	sadd.s32 s3, s2  }
0x8d: {  	s2 =	sadd.s32 s2, s16  }
0x8e: {  	[smem:$0x3FC0] =	sst s2  }
0x8f: {  	_ = 	snop  }
0x90: {  	(tm) =	ssettm $0x1  }
0x91: {  	s17 =	sld [smem:$0x3FFB];
	_ =	sdelay $0x3  }
0x92: {  	_ =	strace s17  }
0x93: {  	s2 =	sld [smem:$0x3FFC];
	_ =	sdelay $0x3  }
0x94: {  	_ =	strace s2  }
0x95: {  	s2 =	sld [smem:$0x3FFD];
	_ =	sdelay $0x3  }
0x96: {  	_ =	strace s2  }
0x97: {  	_ =	strace $0x8FFFFFFF  }
0x98: {  	s18 =	sld [smem:$0x3FDB];
	_ =	sdelay $0x1  }
0x99: {  	s19 =	simm.s32 $_scs_section_size  }
0x9a: {  	s4 =	simm.s32 $_size__tile_overlayer_lowered;
	s5 =	simm.s32 $_tile_overlayer_lowered  }
0x9b: {  	s22 =	simm.s32 $0x1BFF;
	s21 =	sshll.u32 s5, $0x1;
	s2 =	sadd.s32 s19, s18  }
0x9c: {  	s6 =	simm.s32 $0x0;
	s20 =	sshll.u32 s4, $0x1;
	s4 =	sadd.s32 s21, s2  }
0x9d: {  	[timem:s6], [sflag:s22] =	dma.local [hbm:s4], s20  }
0x9e: {  	_ =	swait.ge [sflag:s22], s20  }
0x9f: {  	s3 =	ssub.s32 $0x0, s20;
	[sflag:s22] =	ssyncset.done $0x0  }
0xa0: {  	[sflag:s22] =	ssyncadd.s32 s3;
	_ =	sdelay $0x1  }
0xa1: {  	s23 =	simm.s32 $0x1B8B  }
0xa2: {  	_ =	swait.ge [sflag:s23], $0x1  }
0xa3: {  	[sflag:s23] =	ssyncset.done $0x0  }
0xa4: {  	s25 =	simm.s32 $0x1B8E;
	s24 =	sld [smem:$0x3FFE];
	[sflag:s23] =	ssyncadd.s32 $0xFFFFFFFF  }
0xa5: {  	s26 =	simm.s32 $execute0_lowered;
	[smem:$0x3FD2] =	sst s25  }
0xa6: {  	s4 =	sshll.u32 s26, $0x1;
	_ =	strace $0x80000049;
	[dreg:$0x1] =	wrdreg $0xFFFFFFFF  }
0xa7: {  	s28 =	simm.s32 $_size_execute0_lowered;
	s2 =	sadd.s32 s2, s4;
	[dreg:$0x0] =	wrdreg $0x0  }
0xa8: {  	s4 =	sshll.u32 s28, $0x1;
	[dreg:$0x2] =	wrdreg s2  }
0xa9: {  	[dreg:$0x3] =	wrdreg s4  }
0xaa: {  	[dreg:$0x4] =	wrdreg $0xC0  }
0xab: {  	_ =	task [dreg:s6], $0x5FFFF  }
0xac: {  	[dreg:$0x1] =	wrdreg $0xFFFFFFFF  }
0xad: {  	[dreg:$0x0] =	wrdreg $0x60  }
0xae: {  	[dreg:$0x2] =	wrdreg s24  }
0xaf: {  	[dreg:$0x3] =	wrdreg $0x9  }
0xb0: {  	_ =	task.clear_ibuf [dreg:s6], $0x4FFFF;
	_ =	strace $0x90000049  }
0xb1: {  	s29 =	simm.s32 $0x9;
	_ =	strace $0x8000004B  }
0xb2: {  	_ =	swait.ge [sflag:s29], $0x1  }
0xb3: {  	[sflag:s29] =	ssyncadd.s32 $0xFFFFFFFF  }
0xb4: {  	_ =	strace $0x9000004B  }
0xb5: {  	_ =	sfence  }
0xb6: {  	s30 =	sld [smem:$0x0];
	_ =	sdelay $0x2  }
0xb7: {  	s31 =	sshll.u32 s1, $0xD;
	s1 =	sshrl.u32 s1, $0x2  }
0xb8: {  	s3 =	sand.u32 $0x4000, s31;
	s1 =	sadd.s32 s1, s30  }
0xb9: {  	s0 =	sor.u32 s3, s0;
	s1 =	sshll.u32 s1, $0x11  }
0xba: {  	s0 =	sor.u32 s1, s0  }
0xbb: {  	s0 =	sadd.s32 $0x8F2B, s0  }
0xbc: {  	[sflag:s0] =	ssyncadd.remote.s32 $0x1  }
0xbd: {  	_ =	sfence.sel $0xFFFF  }
0xbe: {  	[dreg:$0x0] =	wrdreg $0xFFFFFFFF;
	(pc) =	sbr.abs _section_cstart, $3  }
0xbf: {  	[dreg:$0x1] =	wrdreg $0xFFFFFFFF  }
0xc0: {  	_ =	task.clear_ibuf [dreg:s6], $0x2FFFF;
	_ =	strace $0x9FFFFFFF  }
0xc1: {  	(tm) =	ssettm $0x7FFFFFFF  }
tec
execute0_lowered:
.L_overlay_start_1:
0x0: {  	(tag) =	ssettag $0x1  }
0x1: {  	s0 =	rddreg [dreg:$0x0]  }
0x2: {  	s1 =	srdreg.scid;
	s8 =	stileid.u32;
	s2 =	simm.s32 $0x0  }
0x3: {  	s21 =	simm.s32 $0x3;
	s28 =	simm.s32 $0xC780;
	s29 =	simm.s32 $0xC800  }
0x4: {  	s30 =	simm.s32 $0x0;
	s1 =	sand.u32 $0x1, s1;
	s3 =	sshll.u32 s8, $0x1  }
0x5: {  	[smem:$0x7FF] =	sst s2;
	s7 =	sadd.s32 $0x1C00, s0;
	s5 =	sadd.s32 $0x4FE00, s0  }
0x6: {  	s9 =	sadd.s32 $0x50800, s0;
	_ =	strace $0x8000004A;
	[dreg:$0x3] =	wrdreg s5  }
0x7: {  	s25 =	smul.u32 $0x27100, s8;
	s4 =	sor.u32 s1, s3;
	[dreg:$0x2] =	wrdreg s7  }
0x8: {  	s10 =	sadd.s32 $0x50A00, s0;
	[dreg:$0x4] =	wrdreg s9;
	s3 =	smul.u32 $0x13880, s4  }
0x9: {  	s22 =	ssub.s32 $0x2, s1;
	s1 =	smul.u32 $0x13880, s1;
	[dreg:$0x5] =	wrdreg s10  }
0xa: {  	s6 =	sshrl.u32 s22, $0x1;
	s24 =	sshll.u32 s4, $0x2;
	s3 =	sshrl.u32 s3, $0x3  }
0xb: {  	p0 =	sne.s32 s4, $0x0;
	s23 =	ssub.s32 s22, s6;
	s7 =	sadd.s32 s7, s3  }
0xc: {  	s22 =	simm.s32 $0x1;
	s14 =	smax.u32 s23, $0x1;
	s3 =	sadd.s32 $0x7D0, s7  }
0xd: {  	s23 =	simm.s32 $0xC980;
	s26 =	sadd.s32 $0xFA0, s7;
	[dreg:$0x6] =	wrdreg s3  }
.Ltmp0:
0xe: {  	s31 =	sadd.s32 $0x1770, s7;
	[dreg:$0x7] =	wrdreg s26;
	(pc) =	sbr.rel .LBB2_1-.Ltmp0, $4  }
0xf: {  	v0 =	vlaneseq.u32;
	s11 =	sadd.s32 $0x1F40, s7;
	s3 =	sadd.s32 $0x20, s24;
	[dreg:$0x8] =	wrdreg s31  }
0x10: {  	v1 =	vmul.u32 $0xFFFFFFFF, v0;
	s12 =	sadd.s32 s9, s3;
	s13 =	sadd.s32 s10, s3;
	s3 =	sadd.s32 s1, s25  }
0x11: {  	v3 =	vimm.f32 $-1.000000000e+00;
	v4 =	vimm.s32 $0x3FFFFFFF;
	s24 =	simm.s32 $0xC880;
	s25 =	simm.s32 $0x2;
	s16 =	sadd.s32 $0x3E80, s3  }
0x12: {  	vm0 =	vmmov $0x3ff;
	v5 =	vimm.s32 $0x0;
	v2 =	vadd.s32 $0xF, v1;
	s17 =	sadd.s32 $0x7D00, s3;
	s18 =	sadd.s32 $0xBB80, s3;
	s19 =	sadd.s32 $0xFA00, s3  }
.LBB2_39:
0x13: {  	[hbm4b:s12+s2] =	stream.linear.scatter [tilespmem:s28], [sflag:$0x3], $0x20, $0x38;
	[tilespmem:$0xCA80] =	vst v63  }
0x14: {  	s30 =	sadd.s32 $0x1, s30;
	_ =	swait.ge [sflag:s21], $0x20  }
0x15: {  	p1 =	sne.s32 s30, s14;
	[sflag:s21] =	ssyncset.done $0x0  }
.Ltmp1:
0x16: {  	[sflag:s21] =	ssyncadd.s32 $0xFFFFFFE0;
	(pc) =	sbr.rel @!p1 .LBB2_40-.Ltmp1, $4  }
0x17: {  	[hbm4b:s13+s2] =	stream.linear.scatter [tilespmem:s29], [sflag:$0x3], $0x20, $0x38;
	[tilespmem:$0xCA80] =	vst v63  }
0x18: {  	_ =	swait.ge [sflag:s21], $0x20  }
0x19: {  	[sflag:s21] =	ssyncset.done $0x0  }
0x1a: {  	[sflag:s21] =	ssyncadd.s32 $0xFFFFFFE0  }
.LBB2_1:
0x1b: {  	s0 =	rddreg [dreg:$0x3];
	s1 =	simm.s32 $0x7D00  }
0x1c: {  	[tilespmem:s1], [sflag:$0x3] =	stream.linear.gather [hbm4b:s0+s2], $0x4800, $0x38;
	[tilespmem:$0xCA80] =	vst v63  }
0x1d: {  	_ =	swait.ge [sflag:s21], $0x4800  }
0x1e: {  	[sflag:s21] =	ssyncset.done $0x0  }
0x1f: {  	s1 =	sand.u32 $0x3E0, s2;
	[sflag:s21] =	ssyncadd.s32 $0xFFFFB800  }
0x20: {  	v6 =	vld [tilespmem:s1+$0xA100]  }
0x21: {  	v7 =	vld [tilespmem:s1+$0x9C80]  }
0x22: {  	v8 =	vld [tilespmem:s1+$0x9800]  }
0x23: {  	v9 =	vld [tilespmem:s1+$0x9380]  }
0x24: {  	v10 =	vld [tilespmem:s1+$0x8F00]  }
0x25: {  	v11 =	vld [tilespmem:s1+$0x8A80]  }
0x26: {  	v12 =	vld [tilespmem:s1+$0x8600]  }
0x27: {  	s31 =	simm.s32 $0x0;
	v13 =	vld [tilespmem:s1+$0x8180]  }
0x28: {  	v14 =	vld [tilespmem:s31+$0x7D10]  }
0x29: {  	v15 =	vld [tilespmem:s31+$0x7F50]  }
0x2a: {  	v16 =	vld [tilespmem:s31+$0x8190]  }
0x2b: {  	v17 =	vld [tilespmem:s31+$0x83D0]  }
0x2c: {  	v18 =	vld [tilespmem:s31+$0x8610]  }
0x2d: {  	v19 =	vld [tilespmem:s31+$0x8850]  }
0x2e: {  	v20 =	vld [tilespmem:s31+$0x8A90]  }
0x2f: {  	v21 =	vld [tilespmem:s31+$0x8CD0]  }
0x30: {  	v22 =	vld [tilespmem:s31+$0x8F10]  }
0x31: {  	v23 =	vld [tilespmem:s31+$0x9150]  }
0x32: {  	v24 =	vld [tilespmem:s31+$0x9390]  }
0x33: {  	v25 =	vld [tilespmem:s31+$0x95D0]  }
0x34: {  	v26 =	vld [tilespmem:s31+$0x9810]  }
0x35: {  	v27 =	vld [tilespmem:s31+$0x9A50]  }
0x36: {  	v28 =	vld [tilespmem:s31+$0x9C90]  }
0x37: {  	v29 =	vld [tilespmem:s31+$0x9ED0]  }
0x38: {  	v30 =	vld [tilespmem:s31+$0xA110]  }
0x39: {  	v31 =	vld [tilespmem:s31+$0xA350]  }
0x3a: {  	v32 =	vld [tilespmem:s31+$0xA590]  }
0x3b: {  	v33 =	vld [tilespmem:s31+$0xA7D0]  }
0x3c: {  	v34 =	vld [tilespmem:s31+$0xAA10]  }
0x3d: {  	v35 =	vld [tilespmem:s31+$0xAC50]  }
0x3e: {  	v36 =	vld [tilespmem:s31+$0xAE90]  }
0x3f: {  	v37 =	vld [tilespmem:s31+$0xB310];
	v14 =	vadd.s32 v14, v15  }
0x40: {  	v38 =	vld [tilespmem:s31+$0xB790];
	v14 =	vadd.s32 v16, v14  }
0x41: {  	v56 =	vld [tilespmem:s31+$0x83C0];
	v14 =	vadd.s32 v17, v14  }
0x42: {  	v57 =	vld [tilespmem:s31+$0x8840];
	v14 =	vadd.s32 v18, v14  }
0x43: {  	v58 =	vld [tilespmem:s31+$0x8CC0];
	v14 =	vadd.s32 v19, v14  }
0x44: {  	v59 =	vld [tilespmem:s31+$0x9140];
	v14 =	vadd.s32 v20, v14  }
0x45: {  	v60 =	vld [tilespmem:s31+$0x95C0];
	v14 =	vadd.s32 v21, v14  }
0x46: {  	v61 =	vld [tilespmem:s31+$0x9A40];
	v14 =	vadd.s32 v22, v14  }
0x47: {  	v62 =	vld [tilespmem:s31+$0x9EC0];
	v14 =	vadd.s32 v23, v14  }
0x48: {  	v16 =	vld [tilespmem:s31+$0x7D00];
	v14 =	vadd.s32 v24, v14  }
0x49: {  	v18 =	vld [tilespmem:s31+$0x7F40];
	v14 =	vadd.s32 v25, v14  }
0x4a: {  	v63 =	vld [tilespmem:s31+$0xA340];
	v14 =	vadd.s32 v26, v14  }
0x4b: {  	v15 =	vld [tilespmem:s31+$0xB0D0];
	v14 =	vadd.s32 v27, v14  }
0x4c: {  	v17 =	vld [tilespmem:s31+$0xB550];
	v14 =	vadd.s32 v28, v14  }
0x4d: {  	v19 =	vld [tilespmem:s31+$0xB9D0];
	v14 =	vadd.s32 v29, v14  }
0x4e: {  	v20 =	vld [tilespmem:s31+$0xBC10];
	v16 =	vadd.s32 v16, v18;
	v14 =	vadd.s32 v30, v14  }
0x4f: {  	v21 =	vld [tilespmem:s31+$0xBE50];
	v13 =	vadd.s32 v13, v16;
	v14 =	vadd.s32 v31, v14  }
0x50: {  	v22 =	vld [tilespmem:s31+$0xC090];
	v13 =	vadd.s32 v56, v13;
	v14 =	vadd.s32 v32, v14  }
0x51: {  	v23 =	vld [tilespmem:s31+$0xC2D0];
	v12 =	vadd.s32 v12, v13;
	v14 =	vadd.s32 v33, v14  }
0x52: {  	v18 =	vld [tilespmem:s31+$0xA7C0];
	v12 =	vadd.s32 v57, v12;
	v13 =	vadd.s32 v34, v14  }
0x53: {  	v16 =	vld [tilespmem:s31+$0xB540];
	v11 =	vadd.s32 v11, v12;
	v13 =	vadd.s32 v35, v13  }
0x54: {  	v12 =	vld [tilespmem:s31+$0xAC40];
	v14 =	vadd.s32 v58, v11;
	v13 =	vadd.s32 v36, v13  }
0x55: {  	v11 =	vld [tilespmem:s31+$0xB0C0];
	v10 =	vadd.s32 v10, v14;
	v13 =	vadd.s32 v15, v13  }
0x56: {  	v14 =	vld [tilespmem:s31+$0xBE40];
	v10 =	vadd.s32 v59, v10;
	v13 =	vadd.s32 v37, v13  }
0x57: {  	v15 =	vld [tilespmem:s31+$0xB9C0];
	v9 =	vadd.s32 v9, v10;
	v13 =	vadd.s32 v17, v13  }
0x58: {  	v9 =	vadd.s32 v60, v9;
	v17 =	vld [tilespmem:s1+$0xC080];
	v10 =	vadd.s32 v38, v13  }
0x59: {  	v8 =	vadd.s32 v8, v9;
	v13 =	vld [tilespmem:s31+$0xC2C0];
	v10 =	vadd.s32 v19, v10  }
0x5a: {  	v9 =	vadd.s32 v20, v10;
	v10 =	vadd.s32 v61, v8;
	v8 =	vld [tilespmem:s1+$0xA580]  }
0x5b: {  	v19 =	vld [tilespmem:s1+$0xBC00];
	v9 =	vadd.s32 v21, v9;
	v7 =	vadd.s32 v7, v10  }
0x5c: {  	v10 =	vadd.s32 v22, v9;
	v7 =	vadd.s32 v62, v7;
	v9 =	vld [tilespmem:s1+$0xAA00]  }
0x5d: {  	s6 =	simm.s32 $0x0;
	s15 =	simm.s32 $0xC730;
	s8 =	simm.s32 $0xFFFFFFFF;
	v20 =	vld [tilespmem:s1+$0xB780];
	v10 =	vadd.s32 v23, v10;
	v6 =	vadd.s32 v6, v7  }
0x5e: {  	s5 =	simm.s32 $0x23F;
	s20 =	simm.s32 $0x20;
	s26 =	simm.s32 $0x0;
	[tilespmem:s31+$0xC510] =	vst v10;
	v6 =	vadd.s32 v63, v6;
	v10 =	vld [tilespmem:s1+$0xAE80]  }
.LBB2_2:
0x5f: {  	v7 =	vadd.s32 v8, v6;
	v21 =	vld [tilespmem:s1+$0xB300];
	s1 =	sand.u32 $0x3E0, s20  }
0x60: {  	v6 =	vld [tilespmem:s1+$0xA100];
	v8 =	vadd.s32 v18, v7  }
0x61: {  	v7 =	vld [tilespmem:s1+$0x9C80];
	v9 =	vadd.s32 v9, v8  }
0x62: {  	v8 =	vld [tilespmem:s1+$0x9800];
	v12 =	vadd.s32 v12, v9  }
0x63: {  	v9 =	vld [tilespmem:s1+$0x9380];
	v12 =	vadd.s32 v10, v12  }
0x64: {  	v10 =	vld [tilespmem:s1+$0x8F00];
	v12 =	vadd.s32 v11, v12  }
0x65: {  	v11 =	vld [tilespmem:s1+$0x8A80];
	v18 =	vadd.s32 v21, v12  }
0x66: {  	s26 =	sadd.s32 $0x80, s26;
	v12 =	vld [tilespmem:s1+$0x8600];
	v16 =	vadd.s32 v16, v18  }
0x67: {  	s4 =	sshra.s32 s26, $0x2;
	v18 =	vld [tilespmem:s1+$0x8180];
	v16 =	vadd.s32 v20, v16  }
0x68: {  	s6 =	sadd.s32 $0x2, s6;
	v20 =	vld [tilespmem:s4+$0x7D10];
	v15 =	vadd.s32 v15, v16  }
0x69: {  	p1 =	slt.u32 s6, $0x22;
	v16 =	vld [tilespmem:s4+$0x7F50];
	v15 =	vadd.s32 v19, v15  }
0x6a: {  	v19 =	vld [tilespmem:s4+$0x8190];
	v14 =	vadd.s32 v14, v15  }
0x6b: {  	v15 =	vld [tilespmem:s4+$0x83D0];
	v14 =	vadd.s32 v17, v14  }
0x6c: {  	v17 =	vld [tilespmem:s4+$0x8610];
	v13 =	vadd.s32 v13, v14  }
0x6d: {  	v14 =	vld [tilespmem:s4+$0x8850];
	[tilespmem:s31+$0xC500] =	vst v13;
	s31 =	smov.u32 s4  }
0x6e: {  	v13 =	vadd.s32 v20, v16;
	v16 =	vld [tilespmem:s31+$0x8A90]  }
0x6f: {  	v13 =	vadd.s32 v19, v13;
	v19 =	vld [tilespmem:s31+$0x8CD0]  }
0x70: {  	v13 =	vadd.s32 v15, v13;
	v15 =	vld [tilespmem:s31+$0x8F10]  }
0x71: {  	v13 =	vadd.s32 v17, v13;
	v17 =	vld [tilespmem:s31+$0x9150]  }
0x72: {  	v13 =	vadd.s32 v14, v13;
	v14 =	vld [tilespmem:s31+$0x9390]  }
0x73: {  	v13 =	vadd.s32 v16, v13;
	v16 =	vld [tilespmem:s31+$0x95D0]  }
0x74: {  	v13 =	vadd.s32 v19, v13;
	v19 =	vld [tilespmem:s31+$0x9810]  }
0x75: {  	v13 =	vadd.s32 v15, v13;
	v15 =	vld [tilespmem:s31+$0x9A50]  }
0x76: {  	v13 =	vadd.s32 v17, v13;
	v17 =	vld [tilespmem:s31+$0x9C90]  }
0x77: {  	v13 =	vadd.s32 v14, v13;
	v14 =	vld [tilespmem:s31+$0x9ED0]  }
0x78: {  	v13 =	vadd.s32 v16, v13;
	v16 =	vld [tilespmem:s31+$0xA110]  }
0x79: {  	v13 =	vadd.s32 v19, v13;
	v19 =	vld [tilespmem:s31+$0xA350]  }
0x7a: {  	v13 =	vadd.s32 v15, v13;
	v15 =	vld [tilespmem:s31+$0xA590]  }
0x7b: {  	v13 =	vadd.s32 v17, v13;
	v17 =	vld [tilespmem:s31+$0xA7D0]  }
0x7c: {  	v13 =	vadd.s32 v14, v13;
	v14 =	vld [tilespmem:s31+$0xAA10]  }
0x7d: {  	v13 =	vadd.s32 v16, v13;
	v16 =	vld [tilespmem:s31+$0xAC50]  }
0x7e: {  	v13 =	vadd.s32 v19, v13;
	v19 =	vld [tilespmem:s31+$0xAE90]  }
0x7f: {  	v13 =	vadd.s32 v15, v13;
	v15 =	vld [tilespmem:s31+$0xB0D0]  }
0x80: {  	v13 =	vadd.s32 v17, v13;
	v17 =	vld [tilespmem:s31+$0xB310]  }
0x81: {  	v13 =	vadd.s32 v14, v13;
	v14 =	vld [tilespmem:s31+$0xB550]  }
0x82: {  	v13 =	vadd.s32 v16, v13;
	v16 =	vld [tilespmem:s31+$0xB790]  }
0x83: {  	v13 =	vadd.s32 v19, v13;
	v19 =	vld [tilespmem:s31+$0xB9D0]  }
0x84: {  	v13 =	vadd.s32 v15, v13;
	v15 =	vld [tilespmem:s31+$0xBC10]  }
0x85: {  	v13 =	vadd.s32 v17, v13;
	v17 =	vld [tilespmem:s31+$0xBE50]  }
0x86: {  	v13 =	vadd.s32 v14, v13;
	v14 =	vld [tilespmem:s31+$0xC090]  }
0x87: {  	v13 =	vadd.s32 v16, v13;
	v16 =	vld [tilespmem:s31+$0xC2D0]  }
0x88: {  	v20 =	vld [tilespmem:s31+$0x7D00];
	v13 =	vadd.s32 v19, v13  }
0x89: {  	v19 =	vld [tilespmem:s31+$0x7F40];
	v13 =	vadd.s32 v15, v13  }
0x8a: {  	v15 =	vld [tilespmem:s31+$0x83C0];
	v13 =	vadd.s32 v17, v13  }
0x8b: {  	v17 =	vld [tilespmem:s31+$0x8840];
	v13 =	vadd.s32 v14, v13  }
0x8c: {  	v14 =	vld [tilespmem:s31+$0x8CC0];
	v13 =	vadd.s32 v16, v13  }
0x8d: {  	s4 =	simm.s32 $0x0;
	v21 =	vld [tilespmem:s31+$0x9140];
	[tilespmem:s31+$0xC510] =	vst v13  }
0x8e: {  	v13 =	vadd.s32 v20, v19;
	v19 =	vld [tilespmem:s31+$0x95C0]  }
0x8f: {  	v13 =	vadd.s32 v18, v13;
	v20 =	vld [tilespmem:s31+$0x9A40]  }
0x90: {  	v13 =	vadd.s32 v15, v13;
	v22 =	vld [tilespmem:s31+$0x9EC0]  }
0x91: {  	v12 =	vadd.s32 v12, v13;
	v23 =	vld [tilespmem:s31+$0xA340]  }
0x92: {  	v12 =	vadd.s32 v17, v12;
	v18 =	vld [tilespmem:s31+$0xA7C0]  }
0x93: {  	v11 =	vadd.s32 v11, v12;
	v12 =	vld [tilespmem:s31+$0xAC40]  }
0x94: {  	v13 =	vadd.s32 v14, v11;
	v11 =	vld [tilespmem:s31+$0xB0C0]  }
0x95: {  	v10 =	vadd.s32 v10, v13;
	v16 =	vld [tilespmem:s31+$0xB540]  }
0x96: {  	v10 =	vadd.s32 v21, v10;
	v15 =	vld [tilespmem:s31+$0xB9C0]  }
0x97: {  	v9 =	vadd.s32 v9, v10;
	v14 =	vld [tilespmem:s31+$0xBE40]  }
0x98: {  	v9 =	vadd.s32 v19, v9;
	v13 =	vld [tilespmem:s31+$0xC2C0]  }
0x99: {  	v8 =	vadd.s32 v8, v9;
	v17 =	vld [tilespmem:s1+$0xC080]  }
.Ltmp2:
0x9a: {  	v9 =	vadd.s32 v20, v8;
	v8 =	vld [tilespmem:s1+$0xA580];
	(pc) =	sbr.rel @p1 .LBB2_2-.Ltmp2, $4  }
0x9b: {  	v7 =	vadd.s32 v7, v9;
	v19 =	vld [tilespmem:s1+$0xBC00]  }
0x9c: {  	v7 =	vadd.s32 v22, v7;
	v9 =	vld [tilespmem:s1+$0xAA00]  }
0x9d: {  	v6 =	vadd.s32 v6, v7;
	v20 =	vld [tilespmem:s1+$0xB780]  }
0x9e: {  	s20 =	sadd.s32 $0x20, s20;
	v6 =	vadd.s32 v23, v6;
	v10 =	vld [tilespmem:s1+$0xAE80]  }
0x9f: {  	v6 =	vadd.s32 v8, v6  }
0xa0: {  	v7 =	vld [tilespmem:s1+$0xB300];
	v6 =	vadd.s32 v18, v6  }
0xa1: {  	v6 =	vadd.s32 v9, v6  }
0xa2: {  	v6 =	vadd.s32 v12, v6  }
0xa3: {  	v6 =	vadd.s32 v10, v6  }
0xa4: {  	v6 =	vadd.s32 v11, v6  }
0xa5: {  	v6 =	vadd.s32 v7, v6  }
0xa6: {  	v6 =	vadd.s32 v16, v6  }
0xa7: {  	v6 =	vadd.s32 v20, v6  }
0xa8: {  	v6 =	vadd.s32 v15, v6  }
0xa9: {  	v6 =	vadd.s32 v19, v6  }
0xaa: {  	v6 =	vadd.s32 v14, v6  }
0xab: {  	v6 =	vadd.s32 v17, v6  }
0xac: {  	v6 =	vadd.s32 v13, v6  }
0xad: {  	[tilespmem:s31+$0xC500] =	vst v6  }
0xae: {  	v6 =	vld [tilespmem:s15+$0x0];
	_ =	sdelay $0x3  }
0xaf: {  	s20 =	simm.s32 $0xC720  }
0xb0: {  	v7 =	vld [tilespmem:s20+$0x0];
	(xrf0) =	vadd.scan.msk.s32 $0xffff, v6;
	_ =	sdelay $0x4  }
0xb1: {  	(xrf0) =	vadd.scan.msk.s32 $0xffff, v7  }
0xb2: {  	v8, _, _ =	vpop (xrf0)  }
0xb3: {  	s26 =	simm.s32 $0xC710;
	v6 =	vperm.xlane v6, v2;
	(v2sf) =	vpush v8, $0xF  }
0xb4: {  	v9 =	vld [tilespmem:s26+$0x0];
	_ =	sdelay $0x1  }
0xb5: {  	(xrf0) =	vadd.scan.msk.s32 $0xffff, v6  }
0xb6: {  	v6, _, _ =	vpop (xrf0)  }
0xb7: {  	s0 =	simm.s32 $0xC700;
	(v2sf) =	vpush v6, $0xF;
	v6 =	vperm.xlane v7, v2  }
0xb8: {  	(xrf0) =	vadd.scan.msk.s32 $0xffff, v9;
	v8 =	vld [tilespmem:s0+$0x0];
	_ =	sdelay $0x2  }
0xb9: {  	(xrf0) =	vadd.scan.msk.s32 $0xffff, v6;
	v6, _, _ =	vpop (xrf0)  }
0xba: {  	v10 =	vadd.s32 s5, v1;
	v6 =	vadd.s32 s4, v6  }
0xbb: {  	(xrf0) =	vadd.scan.msk.s32 $0xffff, v8;
	vm1 =	vgt.s32 v6, $0x63;
	v6 =	vxor.u32 $0x80000000, v10  }
0xbc: {  	v7, _, _ =	vpop (xrf0);
	v6 =	vnsel vm1, $0x7FFFFFFF, v6  }
0xbd: {  	(v2sf) =	vpush v7, $0xF;
	(xrf0) =	vmax.scan.msk.u32 $0xffff, v6;
	v6 =	vperm.xlane v9, v2;
	_ =	sdelay $0x1  }
0xbe: {  	s4 =	simm.s32 $0xC6F0;
	s5 =	spop (v2sf)  }
0xbf: {  	s6 =	simm.s32 $0x22F;
	v7 =	vld [tilespmem:s4+$0x0];
	v9, _, _ =	vpop (xrf0);
	(xrf0) =	vadd.scan.msk.s32 $0xffff, v6;
	s1 =	sadd.s32 $0x0, s5  }
0xc0: {  	v10 =	vadd.s32 s6, v1;
	v6, _, _ =	vpop (xrf0);
	v9 =	vadd.s32 s1, v9  }
0xc1: {  	(v2sf) =	vpush v6, $0xF;
	v6 =	vxor.u32 $0x80000000, v10;
	vm1 =	vgt.s32 v9, $0x63  }
0xc2: {  	v6 =	vnsel vm1, $0x7FFFFFFF, v6;
	_ =	sdelay $0x1  }
0xc3: {  	s9 =	simm.s32 $0xC6E0;
	v8 =	vperm.xlane v8, v2;
	(xrf0) =	vadd.scan.msk.s32 $0xffff, v7;
	s10 =	spop (v2sf);
	v9, _, _ =	vpop (xrf0)  }
0xc4: {  	s15 =	simm.s32 $0x21F;
	v10 =	vld [tilespmem:s9+$0x0];
	s1 =	sadd.s32 s1, s10;
	(xrf0) =	vmax.scan.msk.u32 $0xffff, v6;
	v6, _, _ =	vpop (xrf0)  }
0xc5: {  	(xrf0) =	vadd.scan.msk.s32 $0xffff, v8;
	v8 =	vadd.s32 s15, v1;
	v6 =	vadd.s32 s1, v6  }
0xc6: {  	vm1 =	vgt.s32 v6, $0x63;
	v6 =	vxor.u32 $0x80000000, v8  }
0xc7: {  	v7 =	vperm.xlane v7, v2;
	v6 =	vnsel vm1, $0x7FFFFFFF, v6  }
0xc8: {  	(v2sf) =	vpush v9, $0xF  }
0xc9: {  	(xrf0) =	vadd.scan.msk.s32 $0xffff, v10;
	v8, _, _ =	vpop (xrf0)  }
0xca: {  	s20 =	simm.s32 $0xC6D0;
	s26 =	spop (v2sf);
	(xrf0) =	vmax.scan.msk.u32 $0xffff, v6;
	v6, _, _ =	vpop (xrf0)  }
0xcb: {  	s0 =	simm.s32 $0x20F;
	v9 =	vld [tilespmem:s20+$0x0];
	s1 =	sadd.s32 s1, s26;
	(xrf0) =	vadd.scan.msk.s32 $0xffff, v7;
	v7, _, _ =	vpop (xrf0)  }
0xcc: {  	v11 =	vadd.s32 s0, v1;
	v7 =	vadd.s32 s1, v7  }
0xcd: {  	vm1 =	vgt.s32 v7, $0x63;
	v7 =	vxor.u32 $0x80000000, v11  }
0xce: {  	v7 =	vnsel vm1, $0x7FFFFFFF, v7  }
0xcf: {  	(v2sf) =	vpush v8, $0xF  }
0xd0: {  	(xrf0) =	vadd.scan.msk.s32 $0xffff, v9;
	(v2sf) =	vpush v6, $0xF;
	v11, _, _ =	vpop (xrf0)  }
0xd1: {  	s6 =	spop (v2sf);
	(v2sf) =	vpush v11, $0xF;
	(xrf0) =	vmax.scan.msk.u32 $0xffff, v7;
	v7, _, _ =	vpop (xrf0)  }
0xd2: {  	v10 =	vperm.xlane v10, v2;
	(v2sf) =	vpush v7, $0xF;
	_ =	sdelay $0x2  }
0xd3: {  	v8, _, _ =	vpop (xrf0)  }
0xd4: {  	(xrf0) =	vadd.scan.msk.s32 $0xffff, v10;
	v10, _, _ =	vpop (xrf0)  }
0xd5: {  	s5 =	simm.s32 $0xC6C0;
	s10 =	spop (v2sf);
	(v2sf) =	vpush v10, $0xF  }
0xd6: {  	v63 =	vld [tilespmem:s5+$0x0];
	_ =	sdelay $0x1  }
0xd7: {  	s9 =	simm.s32 $0x1FF;
	s15 =	sadd.s32 s1, s6  }
0xd8: {  	v6 =	vadd.s32 s15, v8;
	v8 =	vadd.s32 s9, v1  }
0xd9: {  	s31 =	simm.s32 $0x1AF;
	s4 =	simm.s32 $0x1DF;
	vm1 =	vgt.s32 v6, $0x63;
	v6 =	vxor.u32 $0x80000000, v8  }
0xda: {  	s5 =	simm.s32 $0x1CF;
	s26 =	simm.s32 $0xC6B0;
	(xrf0) =	vadd.scan.msk.s32 $0xffff, v63;
	s6 =	sxor.u32 $0x80000000, s10;
	v11 =	vnsel vm1, $0x7FFFFFFF, v6  }
0xdb: {  	s20 =	simm.s32 $0x1EF;
	s1 =	simm.s32 $0x1BF;
	v7 =	vld [tilespmem:s26+$0x0];
	v8 =	vperm.xlane v9, v2;
	p1 =	slt.s32 s6, $0xFFFFFFFF;
	v6 =	vperm.xlane v63, v2;
	v9, _, _ =	vpop (xrf0);
	(xrf0) =	vmax.scan.msk.u32 $0xffff, v11  }
.LBB2_4:
0xdc: {  	s0 =	smov.u32 s8  }
0xdd: {  	s8 =	smov.u32 s6;
	s10 =	sadd.s32 $0xFFFFFFF0, s31;
	p2 =	sne.s32 s31, $0xF  }
0xde: {  	s9 =	spop (v2sf);
	(v2sf) =	vpush v9, $0xF;
	s8 =	smov.u32 @p1 s0;
	s0 =	smov.u32 s31  }
.Ltmp3:
0xdf: {  	(xrf0) =	vadd.scan.msk.s32 $0xffff, v8;
	v9, _, _ =	vpop (xrf0);
	s15 =	sadd.s32 s15, s9;
	v8 =	vmov v6;
	(pc) =	sbr.rel @p2 .LBB2_4-.Ltmp3, $4  }
0xe0: {  	s26 =	sadd.s32 $0xFFFFFFF0, s26;
	v11 =	vadd.s32 s20, v1;
	s20 =	smov.u32 s4;
	s4 =	smov.u32 s5;
	v6 =	vperm.xlane v7, v2;
	(xrf0) =	vadd.scan.msk.s32 $0xffff, v7;
	v10, _, _ =	vpop (xrf0);
	v9 =	vadd.s32 s15, v9  }
0xe1: {  	s5 =	smov.u32 s1;
	v11 =	vxor.u32 $0x80000000, v11;
	s1 =	smov.u32 s0;
	v7 =	vld [tilespmem:s26+$0x0];
	(v2sf) =	vpush v10, $0xF;
	vm1 =	vgt.s32 v9, $0x63;
	s6 =	spop (v2sf)  }
0xe2: {  	v10 =	vnsel vm1, $0x7FFFFFFF, v11;
	s6 =	sxor.u32 $0x80000000, s6  }
0xe3: {  	s31 =	smov.u32 s10;
	(xrf0) =	vmax.scan.msk.u32 $0xffff, v10;
	v9, _, _ =	vpop (xrf0);
	p1 =	sgt.s32 s8, s6  }
0xe4: {  	_ = 	snop  }
0xe5: {  	v10, _, _ =	vpop (xrf0)  }
0xe6: {  	(v2sf) =	vpush v9, $0xF;
	(xrf0) =	vadd.scan.msk.s32 $0xffff, v8;
	v51, _, _ =	vpop (xrf0)  }
0xe7: {  	(v2sf) =	vpush v51, $0xF;
	_ =	sdelay $0x1  }
0xe8: {  	s0 =	spop (v2sf)  }
0xe9: {  	s0 =	sadd.s32 s15, s0;
	s9 =	spop (v2sf)  }
0xea: {  	v53 =	vadd.s32 s20, v1;
	v52 =	vadd.s32 s0, v10;
	s10 =	spop (v2sf);
	v54, _, _ =	vpop (xrf0)  }
0xeb: {  	v55 =	vxor.u32 $0x80000000, v53;
	vm1 =	vgt.s32 v52, $0x63;
	s0 =	sadd.s32 s0, s10;
	v56, _, _ =	vpop (xrf0)  }
0xec: {  	v11 =	vadd.s32 s4, v1;
	(xrf0) =	vadd.scan.msk.s32 $0xffff, v7;
	v8 =	vnsel vm1, $0x7FFFFFFF, v55;
	v9 =	vadd.s32 s0, v56  }
0xed: {  	v57 =	vxor.u32 $0x80000000, v11;
	(xrf0) =	vmax.scan.msk.u32 $0xffff, v8;
	vm1 =	vgt.s32 v9, $0x63  }
0xee: {  	v7 =	vperm.xlane v7, v2;
	(xrf0) =	vadd.scan.msk.s32 $0xffff, v6;
	v6 =	vnsel vm1, $0x7FFFFFFF, v57  }
0xef: {  	(xrf0) =	vmax.scan.msk.u32 $0xffff, v6  }
0xf0: {  	(xrf0) =	vadd.scan.msk.s32 $0xffff, v7;
	_ =	sdelay $0x1  }
0xf1: {  	s15 =	spop (v2sf);
	v6, _, _ =	vpop (xrf0)  }
0xf2: {  	s20 =	spop (v2sf);
	v7, _, _ =	vpop (xrf0)  }
0xf3: {  	s0 =	sadd.s32 s0, s20;
	v58, _, _ =	vpop (xrf0);
	s26 =	spop (v2sf)  }
0xf4: {  	v59 =	vadd.s32 s5, v1;
	v8 =	vadd.s32 s0, v58;
	v60, _, _ =	vpop (xrf0);
	s31 =	spop (v2sf)  }
0xf5: {  	v61 =	vxor.u32 $0x80000000, v59;
	vm1 =	vgt.s32 v8, $0x63;
	v62, _, _ =	vpop (xrf0);
	s0 =	sadd.s32 s0, s31  }
0xf6: {  	v12 =	vadd.s32 s1, v1;
	v8 =	vnsel vm1, $0x7FFFFFFF, v61;
	v9 =	vadd.s32 s0, v62  }
0xf7: {  	v63 =	vxor.u32 $0x80000000, v12;
	(xrf0) =	vmax.scan.msk.u32 $0xffff, v8;
	vm1 =	vgt.s32 v9, $0x63  }
0xf8: {  	(v2sf) =	vpush v54, $0xF;
	v8 =	vnsel vm1, $0x7FFFFFFF, v63  }
0xf9: {  	(v2sf) =	vpush v6, $0xF;
	(xrf0) =	vmax.scan.msk.u32 $0xffff, v8  }
0xfa: {  	(v2sf) =	vpush v7, $0xF;
	_ =	sdelay $0x1  }
0xfb: {  	(v2sf) =	vpush v60, $0xF  }
0xfc: {  	v6, _, _ =	vpop (xrf0)  }
0xfd: {  	(v2sf) =	vpush v6, $0xF  }
0xfe: {  	v6, _, _ =	vpop (xrf0)  }
0xff: {  	(v2sf) =	vpush v6, $0xF;
	_ =	sdelay $0x1  }
0x100: {  	s6 =	smov.u32 @p1 s8;
	s0 =	sxor.u32 $0x80000000, s9  }
0x101: {  	p1 =	sgt.s32 s6, s0  }
0x102: {  	s1 =	sxor.u32 $0x80000000, s15;
	s0 =	smov.u32 @p1 s6  }
0x103: {  	p1 =	sgt.s32 s0, s1  }
0x104: {  	s1 =	smov.u32 @p1 s0;
	s0 =	sxor.u32 $0x80000000, s26  }
0x105: {  	s10 =	spop (v2sf);
	p1 =	sgt.s32 s1, s0  }
0x106: {  	s0 =	smov.u32 @p1 s1;
	s1 =	sxor.u32 $0x80000000, s10;
	s15 =	spop (v2sf)  }
0x107: {  	p1 =	sgt.s32 s0, s1;
	s4 =	spop (v2sf)  }
0x108: {  	s1 =	smov.u32 @p1 s0;
	s0 =	sxor.u32 $0x80000000, s4  }
0x109: {  	p1 =	sgt.s32 s1, s0;
	s20 =	spop (v2sf)  }
0x10a: {  	s0 =	smov.u32 @p1 s1;
	s1 =	sxor.u32 $0x80000000, s20  }
0x10b: {  	p1 =	sgt.s32 s0, s1;
	s26 =	spop (v2sf)  }
.Ltmp4:
0x10c: {  	s1 =	smov.u32 @p1 s0;
	s0 =	sxor.u32 $0x80000000, s26;
	(pc) =	sbr.rel @p0 .LBB2_9-.Ltmp4, $4  }
0x10d: {  	[tilespmem:$0xC780] =	vst v3;
	p1 =	sgt.s32 s1, s0;
	s31 =	spop (v2sf)  }
0x10e: {  	[tilespmem:$0xC800] =	vst v4;
	s0 =	smov.u32 @p1 s1;
	s4 =	sxor.u32 $0x80000000, s31  }
0x10f: {  	[tilespmem:$0xC790] =	vst v3;
	p1 =	sgt.s32 s0, s4  }
0x110: {  	[tilespmem:$0xC810] =	vst v4;
	s9 =	simm.s32 $0x3E80;
	s4 =	smov.u32 @p1 s0  }
0x111: {  	s1 =	simm.s32 $0x0  }
0x112: {  	v6 =	vmov s1  }
0x113: {  	s0 =	simm.s32 $0xC880;
	s5 =	rddreg [dreg:$0x2];
	v6 =	vshrl.u32 v6, $0x7  }
0x114: {  	[tilespmem:s0], [sflag:$0x1] =	stream.linear.gather [hbm4b:s5+s1], $0x100, $0x38;
	v7 =	vor.u32 s1, v0;
	v6 =	vmul.u32 $0x75, v6;
	[tilespmem:$0xCA80] =	vst v63  }
0x115: {  	_ =	swait.ge [sflag:s22], $0x100;
	v7 =	vand.u32 $0x7F, v7  }
0x116: {  	[sflag:s22] =	ssyncset.done $0x0;
	vm1 =	vlt.u32 v7, $0x75;
	v6 =	vadd.s32 v7, v6  }
0x117: {  	s1 =	simm.s32 $0x10;
	[sflag:s22] =	ssyncadd.s32 $0xFFFFFF00;
	vm2 =	vmmov vm1;
	v7 =	vnsel vm1, $0x0, v6  }
.LBB2_7:
0x118: {  	v8 =	vmov s1;
	v9 =	vld [tilespmem:s0+$0x0];
	s5 =	smov.u32 s1;
	p1 =	sne.s32 s1, $0xF0  }
.Ltmp5:
0x119: {  	s1 =	sadd.s32 $0x10, s1;
	v8 =	vshrl.u32 v8, $0x7;
	(pc) =	sbr.rel @p1 .LBB2_7-.Ltmp5, $4  }
0x11a: {  	v10 =	vor.u32 s5, v0;
	v8 =	vmul.u32 $0x75, v8  }
0x11b: {  	v10 =	vand.u32 $0x7F, v10  }
0x11c: {  	[tilespmem:v7+s23+$0x0] =	vst.idx.msk vm1, v6;
	vm1 =	vlt.u32 v10, $0x75;
	v6 =	vadd.s32 v10, v8  }
0x11d: {  	s0 =	sadd.s32 $0x10, s0;
	[tilespmem:v7+s24+$0x0] =	vst.idx.msk vm2, v9;
	v7 =	vnsel vm1, $0x0, v6;
	vm2 =	vmmov vm1  }
0x11e: {  	_ = 	snop  }
0x11f: {  	v8 =	vld [tilespmem:s0+$0x0];
	_ =	sdelay $0x3  }
0x120: {  	[tilespmem:v7+s23+$0x0] =	vst.idx.msk vm1, v6  }
0x121: {  	[tilespmem:v7+s24+$0x0] =	vst.idx.msk vm2, v8  }
0x122: {  	v6 =	vld [tilespmem:$0xC960]  }
0x123: {  	v7 =	vld [tilespmem:$0xCA60];
	_ =	sdelay $0x2  }
0x124: {  	[tilespmem:$0xC970] =	vst v3  }
0x125: {  	[tilespmem:$0xCA70] =	vst v4;
	v6 =	vnsel vm0, $0xBF800000, v6  }
0x126: {  	[tilespmem:$0xC960] =	vst v6;
	v6 =	vnsel vm0, $0x3FFFFFFF, v7  }
0x127: {  	s26 =	rddreg [dreg:$0x4];
	[tilespmem:$0xCA60] =	vst v6  }
0x128: {  	[hbm4b:s26+s2] =	stream.linear.scatter [tilespmem:s24], [sflag:$0x3], $0x100, $0x38;
	[tilespmem:$0xCA80] =	vst v63  }
0x129: {  	_ =	swait.ge [sflag:s21], $0x100  }
0x12a: {  	[sflag:s21] =	ssyncset.done $0x0  }
0x12b: {  	s31 =	rddreg [dreg:$0x5];
	[sflag:s21] =	ssyncadd.s32 $0xFFFFFF00  }
0x12c: {  	[hbm4b:s31+s2] =	stream.linear.scatter [tilespmem:s23], [sflag:$0x3], $0x100, $0x38;
	[tilespmem:$0xCA80] =	vst v63  }
0x12d: {  	_ =	swait.ge [sflag:s21], $0x100  }
0x12e: {  	[sflag:s21] =	ssyncset.done $0x0  }
0x12f: {  	[sflag:s21] =	ssyncadd.s32 $0xFFFFFF00  }
.LBB2_9:
0x130: {  	s0 =	simm.s32 $0x0;
	s1 =	simm.s32 $0x3E80  }
0x131: {  	[tilespmem:s1], [sflag:$0x2] =	stream.linear.gather [hbm4b:s7+s0], $0x3E80, $0x38;
	[tilespmem:$0xCA80] =	vst v63  }
.Ltmp6:
0x132: {  	s5 =	rddreg [dreg:$0x6];
	(pc) =	sbr.rel .LBB2_10-.Ltmp6, $4  }
0x133: {  	[tilespmem:s0], [sflag:$0x1] =	stream.linear.gather [hbm4b:s5+s0], $0x3E80, $0x38;
	[tilespmem:$0xCA80] =	vst v63  }
0x134: {  	s4 =	sshll.u32 s4, $0x10;
	_ =	swait.ge [sflag:s25], $0x3E80  }
0x135: {  	s31 =	sadd.s32 $0x3D4C0000, s4;
	[sflag:s25] =	ssyncset.done $0x0  }
0x136: {  	s15 =	smov.u32 s3;
	v6 =	vmov s31;
	s5 =	simm.s32 $0x0;
	[sflag:s25] =	ssyncadd.s32 $0xFFFFC180  }
.LBB2_14:
0x137: {  	s5 =	sadd.s32 $0x1, s5  }
0x138: {  	p1 =	sne.s32 s5, $0x19  }
.Ltmp7:
0x139: {  	_ = 	snop;
	(pc) =	sbr.rel @!p1 .LBB2_15-.Ltmp7, $2  }
0x13a: {  	_ =	sdelay $0x2  }
0x13b: {  	s1 =	sadd.s32 $0x280, s1;
	s15 =	sadd.s32 $0x280, s15  }
.LBB2_10:
0x13c: {  	s4 =	smul.u32 $0xA00, s5;
	_ =	sdelay $0x1  }
0x13d: {  	s4 =	sshra.s32 s4, $0x2  }
0x13e: {  	v7 =	vld [tilespmem:s4+$0x3E80]  }
0x13f: {  	v8 =	vld [tilespmem:s4+$0x3E90]  }
0x140: {  	v9 =	vld [tilespmem:s4+$0x3EA0]  }
0x141: {  	v10 =	vld [tilespmem:s4+$0x3EB0]  }
0x142: {  	v11 =	vld [tilespmem:s4+$0x3EC0]  }
0x143: {  	v12 =	vld [tilespmem:s4+$0x3ED0]  }
0x144: {  	v13 =	vld [tilespmem:s4+$0x3EE0]  }
0x145: {  	v14 =	vld [tilespmem:s4+$0x3EF0]  }
0x146: {  	v15 =	vld [tilespmem:s4+$0x3F00]  }
0x147: {  	v16 =	vld [tilespmem:s4+$0x3F10]  }
0x148: {  	v17 =	vld [tilespmem:s4+$0x3F20]  }
0x149: {  	v18 =	vld [tilespmem:s4+$0x3F30]  }
0x14a: {  	v19 =	vld [tilespmem:s4+$0x3F40]  }
0x14b: {  	v20 =	vld [tilespmem:s4+$0x3F50]  }
0x14c: {  	v21 =	vld [tilespmem:s4+$0x3F60]  }
0x14d: {  	v22 =	vld [tilespmem:s4+$0x3F70]  }
0x14e: {  	v23 =	vld [tilespmem:s4+$0x3F80]  }
0x14f: {  	v24 =	vld [tilespmem:s4+$0x3F90]  }
0x150: {  	v25 =	vld [tilespmem:s4+$0x3FA0]  }
0x151: {  	v26 =	vld [tilespmem:s4+$0x3FB0]  }
0x152: {  	v27 =	vld [tilespmem:s4+$0x3FC0]  }
0x153: {  	v28 =	vld [tilespmem:s4+$0x3FD0]  }
0x154: {  	v29 =	vld [tilespmem:s4+$0x3FE0]  }
0x155: {  	v30 =	vld [tilespmem:s4+$0x3FF0]  }
0x156: {  	v31 =	vld [tilespmem:s4+$0x4000]  }
0x157: {  	v32 =	vld [tilespmem:s4+$0x4010]  }
0x158: {  	v33 =	vld [tilespmem:s4+$0x4020]  }
0x159: {  	v34 =	vld [tilespmem:s4+$0x4030]  }
0x15a: {  	v35 =	vld [tilespmem:s4+$0x4040]  }
0x15b: {  	v36 =	vld [tilespmem:s4+$0x4050]  }
0x15c: {  	v37 =	vld [tilespmem:s4+$0x4060]  }
0x15d: {  	v38 =	vld [tilespmem:s4+$0x4070]  }
0x15e: {  	v39 =	vld [tilespmem:s4+$0x4080]  }
0x15f: {  	v40 =	vld [tilespmem:s4+$0x4090]  }
0x160: {  	v41 =	vld [tilespmem:s4+$0x40A0]  }
0x161: {  	v42 =	vld [tilespmem:s4+$0x40B0]  }
0x162: {  	v43 =	vld [tilespmem:s4+$0x40C0]  }
0x163: {  	v44 =	vld [tilespmem:s4+$0x40D0]  }
0x164: {  	v45 =	vld [tilespmem:s4+$0x40E0];
	v7 =	vmax.f32 v7, v8;
	v8 =	vmax.f32 v9, v10;
	v55 =	vmax.f32 v11, v12  }
0x165: {  	v56 =	vld [tilespmem:s4+$0x40F0];
	v57 =	vmax.f32 v13, v14;
	v58 =	vmax.f32 v15, v16;
	v59 =	vmax.f32 v17, v18  }
0x166: {  	v60 =	vmax.f32 v19, v20;
	v61 =	vmax.f32 v21, v22;
	v62 =	vmax.f32 v23, v24  }
0x167: {  	v63 =	vmax.f32 v25, v26;
	v28 =	vmax.f32 v27, v28;
	v46 =	vmax.f32 v29, v30  }
0x168: {  	v47 =	vmax.f32 v31, v32;
	v48 =	vmax.f32 v33, v34;
	v49 =	vmax.f32 v35, v36  }
0x169: {  	v50 =	vmax.f32 v37, v38;
	v51 =	vmax.f32 v39, v40;
	v52 =	vmax.f32 v41, v42  }
0x16a: {  	v53 =	vmax.f32 v43, v44;
	v10 =	vmax.f32 v45, v56;
	v7 =	vmax.f32 v7, v8  }
0x16b: {  	v8 =	vmax.f32 v55, v57;
	v54 =	vmax.f32 v58, v59;
	v55 =	vmax.f32 v60, v61  }
0x16c: {  	v56 =	vmax.f32 v62, v63;
	v57 =	vmax.f32 v28, v46;
	v58 =	vmax.f32 v47, v48  }
0x16d: {  	v59 =	vmax.f32 v49, v50;
	v60 =	vmax.f32 v51, v52;
	v7 =	vmax.f32 v7, v8  }
0x16e: {  	v8 =	vmax.f32 v54, v55;
	v61 =	vmax.f32 v56, v57;
	v62 =	vmax.f32 v58, v59  }
0x16f: {  	v10 =	vmax.f32 v53, v10;
	v7 =	vmax.f32 v7, v8;
	v8 =	vmax.f32 v61, v62  }
0x170: {  	v63 =	vmax.f32 v60, v10;
	v7 =	vmax.f32 v7, v8  }
0x171: {  	v7 =	vmax.f32 v7, v63  }
0x172: {  	(xrf0) =	vmax.scan.msk.f32 $0xffff, v7;
	_ =	sdelay $0x5  }
0x173: {  	v7, _, _ =	vpop (xrf0)  }
0x174: {  	(v2sf) =	vpush v7, $0xF;
	_ =	sdelay $0xe  }
0x175: {  	s26 =	spop (v2sf)  }
0x176: {  	p1 =	sge.f32 s26, s31  }
.Ltmp8:
0x177: {  	_ = 	snop;
	(pc) =	sbr.rel @!p1 .LBB2_14-.Ltmp8, $1  }
0x178: {  	_ =	sdelay $0x3  }
0x179: {  	s4 =	sadd.s32 $0x0, s1  }
0x17a: {  	v8 =	vld [tilespmem:s4+$0x0];
	_ =	sdelay $0x3  }
0x17b: {  	v10 =	vor.u32 s15, v0  }
0x17c: {  	vm2 =	vgt.s32 v10, $0xFF;
	vm1 =	vge.f32 v8, v6  }
0x17d: {  	vm1 =	vmand vm2, vm1  }
0x17e: {  	s10 =	sadd.s32 $0x10, s1;
	v7 =	vsel vm1, $0x1, v5  }
0x17f: {  	(xrf0) =	vadd.scan.msk.s32 $0xffff, v7;
	v7 =	vld [tilespmem:s10+$0x0];
	_ =	sdelay $0x2  }
0x180: {  	s20 =	sadd.s32 $0x10, s15  }
0x181: {  	v11 =	vor.u32 s20, v0  }
0x182: {  	vm3 =	vgt.s32 v11, $0xFF;
	vm2 =	vge.f32 v7, v6  }
0x183: {  	v9 =	vmov s15;
	v15, _, _ =	vpop (xrf0);
	vm2 =	vmand vm3, vm2  }
0x184: {  	s6 =	sadd.s32 $0x20, s1;
	v12 =	vshrl.u32 v9, $0x7;
	(v2sf) =	vpush v15, $0xF;
	v13 =	vsel vm2, $0x1, v5  }
0x185: {  	v9 =	vld [tilespmem:s6+$0x0];
	v12 =	vmul.u32 $0x75, v12;
	(xrf0) =	vadd.scan.msk.s32 $0xffff, v13  }
0x186: {  	v10 =	vand.u32 $0x7F, v10  }
0x187: {  	v10 =	vadd.s32 v10, v12;
	v12 =	vmov s20  }
0x188: {  	s4 =	sadd.s32 $0x10, s20;
	v12 =	vshrl.u32 v12, $0x7  }
0x189: {  	v11 =	vand.u32 $0x7F, v11;
	v12 =	vmul.u32 $0x75, v12;
	v13 =	vor.u32 s4, v0  }
0x18a: {  	v14 =	vmov s4;
	vm3 =	vge.f32 v9, v6;
	vm4 =	vgt.s32 v13, $0xFF  }
0x18b: {  	s26 =	sadd.s32 $0x30, s1;
	v12 =	vadd.s32 v11, v12;
	v11 =	vshrl.u32 v14, $0x7;
	vm3 =	vmand vm4, vm3;
	v16, _, _ =	vpop (xrf0)  }
0x18c: {  	v17 =	vmul.u32 $0x75, v11;
	v11 =	vld [tilespmem:s26+$0x0];
	v14 =	vsel vm3, $0x1, v5;
	(v2sf) =	vpush v16, $0xF  }
0x18d: {  	vm1 =	vmmov vm1;
	vm2 =	vmmov vm2;
	(xrf0) =	vadd.scan.msk.s32 $0xffff, v14  }
0x18e: {  	vm1 =	vmmov vm1;
	vm2 =	vmmov vm2;
	s4 =	sadd.s32 $0x10, s4;
	v14 =	vmov s0  }
0x18f: {  	v13 =	vand.u32 $0x7F, v13;
	v18 =	vmov s4;
	v14 =	vadd.s32 $0xFFFFFFFF, v14  }
0x190: {  	v13 =	vadd.s32 v13, v17;
	vm4 =	vmmov vm1;
	v17 =	vbroadcast v14, $0x0  }
0x191: {  	vm1 =	vmmov vm3;
	vm3 =	vge.f32 v11, v6;
	v14 =	vor.u32 s4, v0  }
0x192: {  	vm5 =	vgt.s32 v14, $0xFF;
	v17 =	vadd.s32 v15, v17;
	v15 =	vshrl.u32 v18, $0x7  }
0x193: {  	s6 =	simm.s32 $0x140;
	s26 =	simm.s32 $0x40;
	vm3 =	vmand vm5, vm3;
	v15 =	vmul.u32 $0x75, v15;
	vm6 =	vlt.s32 v17, $0x20;
	v18, _, _ =	vpop (xrf0);
	s20 =	spop (v2sf)  }
.LBB2_12:
0x194: {  	p1 =	sne.s32 s6, $0x9C0;
	s8 =	sadd.s32 s26, s1;
	v23 =	vsel vm3, $0x1, v5;
	(v2sf) =	vpush v18, $0xF;
	vm5 =	vmand vm4, vm6;
	s0 =	sadd.s32 s0, s20;
	v20 =	vmovc v7;
	v7 =	vmovc v9  }
0x195: {  	v14 =	vand.u32 $0x7F, v14;
	v9 =	vmovc v11;
	(xrf0) =	vadd.scan.msk.s32 $0xffff, v23;
	v22 =	vmov s0;
	v21 =	vnsel vm5, $0x0, v17;
	v11 =	vld [tilespmem:s8+$0x0]  }
0x196: {  	v19 =	vmovc v10;
	v10 =	vmovc v12;
	v12 =	vmov v13;
	v13 =	vadd.s32 v14, v15;
	v17 =	vadd.s32 $0xFFFFFFFF, v22  }
.Ltmp9:
0x197: {  	vm4 =	vmmov vm2;
	vm2 =	vmmov vm1;
	v15 =	vbroadcast v17, $0x0;
	(pc) =	sbr.rel @p1 .LBB2_12-.Ltmp9, $4  }
0x198: {  	s4 =	sadd.s32 $0x10, s4;
	vm1 =	vmmov vm3  }
0x199: {  	v14 =	vor.u32 s4, v0;
	v22 =	vmov s4;
	v17 =	vadd.s32 v16, v15;
	v16 =	vmovc v18  }
0x19a: {  	vm6 =	vgt.s32 v14, $0xFF;
	v15 =	vshrl.u32 v22, $0x7;
	vm3 =	vge.f32 v11, v6;
	[tilespmem:v21+s28+$0x0] =	vst.idx.msk vm5, v8;
	v8 =	vmovc v20  }
0x19b: {  	s26 =	sshra.s32 s6, $0x2;
	s6 =	sadd.s32 $0x40, s6;
	v15 =	vmul.u32 $0x75, v15;
	vm3 =	vmand vm6, vm3;
	v18, _, _ =	vpop (xrf0);
	vm6 =	vlt.s32 v17, $0x20;
	s20 =	spop (v2sf);
	[tilespmem:v21+s29+$0x0] =	vst.idx.msk vm5, v19  }
0x19c: {  	v19 =	vsel vm3, $0x1, v5  }
0x19d: {  	(xrf0) =	vadd.scan.msk.s32 $0xffff, v19;
	_ =	sdelay $0x3  }
0x19e: {  	(v2sf) =	vpush v18, $0xF  }
0x19f: {  	s6 =	sadd.s32 s26, s1  }
0x1a0: {  	v55 =	vld [tilespmem:s6+$0x0];
	v20, _, _ =	vpop (xrf0)  }
0x1a1: {  	(v2sf) =	vpush v20, $0xF;
	_ =	sdelay $0x1  }
0x1a2: {  	s4 =	sadd.s32 $0x10, s4  }
0x1a3: {  	v21 =	vor.u32 s4, v0  }
0x1a4: {  	vm7 =	vgt.s32 v21, $0xFF;
	vm5 =	vge.f32 v55, v6  }
0x1a5: {  	vm5 =	vmand vm7, vm5  }
0x1a6: {  	v22 =	vsel vm5, $0x1, v5  }
0x1a7: {  	(xrf0) =	vadd.scan.msk.s32 $0xffff, v22;
	_ =	sdelay $0x1  }
0x1a8: {  	s0 =	sadd.s32 s0, s20;
	s8 =	spop (v2sf)  }
0x1a9: {  	vm4 =	vmand vm4, vm6;
	vm2 =	vmmov vm2;
	s6 =	sadd.s32 s0, s8  }
0x1aa: {  	vm1 =	vmmov vm1;
	v56 =	vmov s0;
	v23 =	vmov s6  }
0x1ab: {  	vm3 =	vmmov vm3;
	v22 =	vadd.s32 $0xFFFFFFFF, v56;
	v23 =	vadd.s32 $0xFFFFFFFF, v23;
	s10 =	spop (v2sf)  }
0x1ac: {  	v17 =	vnsel vm4, $0x0, v17;
	v22 =	vbroadcast v22, $0x0;
	v23 =	vbroadcast v23, $0x0;
	v58, _, _ =	vpop (xrf0);
	s0 =	sadd.s32 s6, s10  }
0x1ad: {  	vm1 =	vmmov vm1;
	(v2sf) =	vpush v58, $0xF;
	v59 =	vmov s0  }
0x1ae: {  	v16 =	vadd.s32 v16, v22;
	v57 =	vadd.s32 v18, v23;
	v23 =	vadd.s32 $0xFFFFFFFF, v59;
	s20 =	spop (v2sf)  }
0x1af: {  	vm3 =	vmmov vm3;
	vm11 =	vlt.s32 v16, $0x20;
	v23 =	vbroadcast v23, $0x0;
	s0 =	sadd.s32 s0, s20  }
0x1b0: {  	vm2 =	vmand vm2, vm11;
	vm12 =	vlt.s32 v57, $0x20;
	v60 =	vmov s0  }
0x1b1: {  	v16 =	vnsel vm2, $0x0, v16;
	v20 =	vadd.s32 v20, v23;
	v23 =	vadd.s32 $0xFFFFFFFF, v60  }
0x1b2: {  	vm3 =	vmmov vm3;
	vm1 =	vmand vm1, vm12;
	v23 =	vbroadcast v23, $0x0  }
0x1b3: {  	vm5 =	vmmov vm5;
	v18 =	vnsel vm1, $0x0, v57;
	vm13 =	vlt.s32 v20, $0x20  }
0x1b4: {  	[tilespmem:v17+s28+$0x0] =	vst.idx.msk vm4, v8;
	vm5 =	vmmov vm5;
	vm3 =	vmand vm3, vm13;
	v8 =	vadd.s32 v58, v23  }
0x1b5: {  	[tilespmem:v17+s29+$0x0] =	vst.idx.msk vm4, v10;
	vm14 =	vmmov vm5;
	v61 =	vnsel vm3, $0x0, v20;
	vm15 =	vlt.s32 v8, $0x20  }
0x1b6: {  	[tilespmem:v16+s28+$0x0] =	vst.idx.msk vm2, v7;
	vm4 =	vmand vm14, vm15  }
0x1b7: {  	[tilespmem:v16+s29+$0x0] =	vst.idx.msk vm2, v12;
	v7 =	vnsel vm4, $0x0, v8  }
0x1b8: {  	[tilespmem:v18+s28+$0x0] =	vst.idx.msk vm1, v9;
	v8 =	vmov s4  }
.Ltmp10:
0x1b9: {  	v62 =	vand.u32 $0x7F, v14;
	[tilespmem:v18+s29+$0x0] =	vst.idx.msk vm1, v13;
	v8 =	vshrl.u32 v8, $0x7;
	(pc) =	sbr.rel .LBB2_14-.Ltmp10, $4  }
0x1ba: {  	v9 =	vadd.s32 v62, v15;
	[tilespmem:v61+s28+$0x0] =	vst.idx.msk vm3, v11;
	v8 =	vmul.u32 $0x75, v8  }
0x1bb: {  	v63 =	vand.u32 $0x7F, v21;
	[tilespmem:v61+s29+$0x0] =	vst.idx.msk vm3, v9  }
0x1bc: {  	s26 =	spop (v2sf);
	v8 =	vadd.s32 v63, v8;
	[tilespmem:v7+s28+$0x0] =	vst.idx.msk vm4, v55  }
0x1bd: {  	s0 =	sadd.s32 s0, s26;
	[tilespmem:v7+s29+$0x0] =	vst.idx.msk vm4, v8  }
.LBB2_15:
.Ltmp11:
0x1be: {  	s1 =	simm.s32 $0x0;
	s4 =	rddreg [dreg:$0x7];
	(pc) =	sbr.rel .LBB2_16-.Ltmp11, $4  }
0x1bf: {  	[tilespmem:s9], [sflag:$0x2] =	stream.linear.gather [hbm4b:s4+s1], $0x3E80, $0x38;
	[tilespmem:$0xCA80] =	vst v63  }
0x1c0: {  	_ =	swait.ge [sflag:s22], $0x3E80  }
0x1c1: {  	[sflag:s22] =	ssyncset.done $0x0  }
0x1c2: {  	s15 =	smov.u32 s16;
	s5 =	simm.s32 $0x0;
	[sflag:s22] =	ssyncadd.s32 $0xFFFFC180  }
.LBB2_20:
0x1c3: {  	s5 =	sadd.s32 $0x1, s5  }
0x1c4: {  	p1 =	sne.s32 s5, $0x19  }
.Ltmp12:
0x1c5: {  	_ = 	snop;
	(pc) =	sbr.rel @!p1 .LBB2_21-.Ltmp12, $2  }
0x1c6: {  	_ =	sdelay $0x2  }
0x1c7: {  	s1 =	sadd.s32 $0x280, s1;
	s15 =	sadd.s32 $0x280, s15  }
.LBB2_16:
0x1c8: {  	s4 =	smul.u32 $0xA00, s5;
	_ =	sdelay $0x1  }
0x1c9: {  	s4 =	sshra.s32 s4, $0x2  }
0x1ca: {  	v7 =	vld [tilespmem:s4+$0x0]  }
0x1cb: {  	v8 =	vld [tilespmem:s4+$0x10]  }
0x1cc: {  	v9 =	vld [tilespmem:s4+$0x20]  }
0x1cd: {  	v10 =	vld [tilespmem:s4+$0x30]  }
0x1ce: {  	v11 =	vld [tilespmem:s4+$0x40]  }
0x1cf: {  	v12 =	vld [tilespmem:s4+$0x50]  }
0x1d0: {  	v13 =	vld [tilespmem:s4+$0x60]  }
0x1d1: {  	v14 =	vld [tilespmem:s4+$0x70]  }
0x1d2: {  	v15 =	vld [tilespmem:s4+$0x80]  }
0x1d3: {  	v16 =	vld [tilespmem:s4+$0x90]  }
0x1d4: {  	v17 =	vld [tilespmem:s4+$0xA0]  }
0x1d5: {  	v18 =	vld [tilespmem:s4+$0xB0]  }
0x1d6: {  	v19 =	vld [tilespmem:s4+$0xC0]  }
0x1d7: {  	v20 =	vld [tilespmem:s4+$0xD0]  }
0x1d8: {  	v21 =	vld [tilespmem:s4+$0xE0]  }
0x1d9: {  	v22 =	vld [tilespmem:s4+$0xF0]  }
0x1da: {  	v23 =	vld [tilespmem:s4+$0x100]  }
0x1db: {  	v24 =	vld [tilespmem:s4+$0x110]  }
0x1dc: {  	v25 =	vld [tilespmem:s4+$0x120]  }
0x1dd: {  	v26 =	vld [tilespmem:s4+$0x130]  }
0x1de: {  	v27 =	vld [tilespmem:s4+$0x140]  }
0x1df: {  	v28 =	vld [tilespmem:s4+$0x150]  }
0x1e0: {  	v29 =	vld [tilespmem:s4+$0x160]  }
0x1e1: {  	v30 =	vld [tilespmem:s4+$0x170]  }
0x1e2: {  	v31 =	vld [tilespmem:s4+$0x180]  }
0x1e3: {  	v32 =	vld [tilespmem:s4+$0x190]  }
0x1e4: {  	v33 =	vld [tilespmem:s4+$0x1A0]  }
0x1e5: {  	v34 =	vld [tilespmem:s4+$0x1B0]  }
0x1e6: {  	v35 =	vld [tilespmem:s4+$0x1C0]  }
0x1e7: {  	v36 =	vld [tilespmem:s4+$0x1D0]  }
0x1e8: {  	v37 =	vld [tilespmem:s4+$0x1E0]  }
0x1e9: {  	v38 =	vld [tilespmem:s4+$0x1F0]  }
0x1ea: {  	v39 =	vld [tilespmem:s4+$0x200]  }
0x1eb: {  	v40 =	vld [tilespmem:s4+$0x210]  }
0x1ec: {  	v41 =	vld [tilespmem:s4+$0x220]  }
0x1ed: {  	v42 =	vld [tilespmem:s4+$0x230]  }
0x1ee: {  	v43 =	vld [tilespmem:s4+$0x240]  }
0x1ef: {  	v44 =	vld [tilespmem:s4+$0x250]  }
0x1f0: {  	v45 =	vld [tilespmem:s4+$0x260];
	v7 =	vmax.f32 v7, v8;
	v8 =	vmax.f32 v9, v10;
	v55 =	vmax.f32 v11, v12  }
0x1f1: {  	v56 =	vld [tilespmem:s4+$0x270];
	v57 =	vmax.f32 v13, v14;
	v58 =	vmax.f32 v15, v16;
	v59 =	vmax.f32 v17, v18  }
0x1f2: {  	v60 =	vmax.f32 v19, v20;
	v61 =	vmax.f32 v21, v22;
	v62 =	vmax.f32 v23, v24  }
0x1f3: {  	v63 =	vmax.f32 v25, v26;
	v28 =	vmax.f32 v27, v28;
	v46 =	vmax.f32 v29, v30  }
0x1f4: {  	v47 =	vmax.f32 v31, v32;
	v48 =	vmax.f32 v33, v34;
	v49 =	vmax.f32 v35, v36  }
0x1f5: {  	v50 =	vmax.f32 v37, v38;
	v51 =	vmax.f32 v39, v40;
	v52 =	vmax.f32 v41, v42  }
0x1f6: {  	v53 =	vmax.f32 v43, v44;
	v10 =	vmax.f32 v45, v56;
	v7 =	vmax.f32 v7, v8  }
0x1f7: {  	v8 =	vmax.f32 v55, v57;
	v54 =	vmax.f32 v58, v59;
	v55 =	vmax.f32 v60, v61  }
0x1f8: {  	v56 =	vmax.f32 v62, v63;
	v57 =	vmax.f32 v28, v46;
	v58 =	vmax.f32 v47, v48  }
0x1f9: {  	v59 =	vmax.f32 v49, v50;
	v60 =	vmax.f32 v51, v52;
	v7 =	vmax.f32 v7, v8  }
0x1fa: {  	v8 =	vmax.f32 v54, v55;
	v61 =	vmax.f32 v56, v57;
	v62 =	vmax.f32 v58, v59  }
0x1fb: {  	v10 =	vmax.f32 v53, v10;
	v7 =	vmax.f32 v7, v8;
	v8 =	vmax.f32 v61, v62  }
0x1fc: {  	v63 =	vmax.f32 v60, v10;
	v7 =	vmax.f32 v7, v8  }
0x1fd: {  	v7 =	vmax.f32 v7, v63  }
0x1fe: {  	(xrf0) =	vmax.scan.msk.f32 $0xffff, v7;
	_ =	sdelay $0x5  }
0x1ff: {  	v7, _, _ =	vpop (xrf0)  }
0x200: {  	(v2sf) =	vpush v7, $0xF;
	_ =	sdelay $0xe  }
0x201: {  	s26 =	spop (v2sf)  }
0x202: {  	p1 =	sge.f32 s26, s31  }
.Ltmp13:
0x203: {  	_ = 	snop;
	(pc) =	sbr.rel @!p1 .LBB2_20-.Ltmp13, $1  }
0x204: {  	_ =	sdelay $0x3  }
0x205: {  	s4 =	sadd.s32 $0x0, s1  }
0x206: {  	v8 =	vld [tilespmem:s4+$0x0];
	_ =	sdelay $0x3  }
0x207: {  	v10 =	vor.u32 s15, v0  }
0x208: {  	vm2 =	vgt.s32 v10, $0xFF;
	vm1 =	vge.f32 v8, v6  }
0x209: {  	vm1 =	vmand vm2, vm1  }
0x20a: {  	s10 =	sadd.s32 $0x10, s1;
	v7 =	vsel vm1, $0x1, v5  }
0x20b: {  	(xrf0) =	vadd.scan.msk.s32 $0xffff, v7;
	v7 =	vld [tilespmem:s10+$0x0];
	_ =	sdelay $0x2  }
0x20c: {  	s20 =	sadd.s32 $0x10, s15  }
0x20d: {  	v11 =	vor.u32 s20, v0  }
0x20e: {  	vm3 =	vgt.s32 v11, $0xFF;
	vm2 =	vge.f32 v7, v6  }
0x20f: {  	v9 =	vmov s15;
	v15, _, _ =	vpop (xrf0);
	vm2 =	vmand vm3, vm2  }
0x210: {  	s6 =	sadd.s32 $0x20, s1;
	v12 =	vshrl.u32 v9, $0x7;
	(v2sf) =	vpush v15, $0xF;
	v13 =	vsel vm2, $0x1, v5  }
0x211: {  	v9 =	vld [tilespmem:s6+$0x0];
	v12 =	vmul.u32 $0x75, v12;
	(xrf0) =	vadd.scan.msk.s32 $0xffff, v13  }
0x212: {  	v10 =	vand.u32 $0x7F, v10  }
0x213: {  	v10 =	vadd.s32 v10, v12;
	v12 =	vmov s20  }
0x214: {  	s4 =	sadd.s32 $0x10, s20;
	v12 =	vshrl.u32 v12, $0x7  }
0x215: {  	v11 =	vand.u32 $0x7F, v11;
	v12 =	vmul.u32 $0x75, v12;
	v13 =	vor.u32 s4, v0  }
0x216: {  	v14 =	vmov s4;
	vm3 =	vge.f32 v9, v6;
	vm4 =	vgt.s32 v13, $0xFF  }
0x217: {  	s26 =	sadd.s32 $0x30, s1;
	v12 =	vadd.s32 v11, v12;
	v11 =	vshrl.u32 v14, $0x7;
	vm3 =	vmand vm4, vm3;
	v16, _, _ =	vpop (xrf0)  }
0x218: {  	v17 =	vmul.u32 $0x75, v11;
	v11 =	vld [tilespmem:s26+$0x0];
	v14 =	vsel vm3, $0x1, v5;
	(v2sf) =	vpush v16, $0xF  }
0x219: {  	vm1 =	vmmov vm1;
	vm2 =	vmmov vm2;
	(xrf0) =	vadd.scan.msk.s32 $0xffff, v14  }
0x21a: {  	vm1 =	vmmov vm1;
	vm2 =	vmmov vm2;
	s4 =	sadd.s32 $0x10, s4;
	v14 =	vmov s0  }
0x21b: {  	v13 =	vand.u32 $0x7F, v13;
	v18 =	vmov s4;
	v14 =	vadd.s32 $0xFFFFFFFF, v14  }
0x21c: {  	v13 =	vadd.s32 v13, v17;
	vm4 =	vmmov vm1;
	v17 =	vbroadcast v14, $0x0  }
0x21d: {  	vm1 =	vmmov vm3;
	vm3 =	vge.f32 v11, v6;
	v14 =	vor.u32 s4, v0  }
0x21e: {  	vm5 =	vgt.s32 v14, $0xFF;
	v17 =	vadd.s32 v15, v17;
	v15 =	vshrl.u32 v18, $0x7  }
0x21f: {  	s6 =	simm.s32 $0x140;
	s26 =	simm.s32 $0x40;
	vm3 =	vmand vm5, vm3;
	v15 =	vmul.u32 $0x75, v15;
	vm6 =	vlt.s32 v17, $0x20;
	v18, _, _ =	vpop (xrf0);
	s20 =	spop (v2sf)  }
.LBB2_18:
0x220: {  	p1 =	sne.s32 s6, $0x9C0;
	s8 =	sadd.s32 s26, s1;
	v23 =	vsel vm3, $0x1, v5;
	(v2sf) =	vpush v18, $0xF;
	vm5 =	vmand vm4, vm6;
	s0 =	sadd.s32 s0, s20;
	v20 =	vmovc v7;
	v7 =	vmovc v9  }
0x221: {  	v14 =	vand.u32 $0x7F, v14;
	v9 =	vmovc v11;
	(xrf0) =	vadd.scan.msk.s32 $0xffff, v23;
	v22 =	vmov s0;
	v21 =	vnsel vm5, $0x0, v17;
	v11 =	vld [tilespmem:s8+$0x0]  }
0x222: {  	v19 =	vmovc v10;
	v10 =	vmovc v12;
	v12 =	vmov v13;
	v13 =	vadd.s32 v14, v15;
	v17 =	vadd.s32 $0xFFFFFFFF, v22  }
.Ltmp14:
0x223: {  	vm4 =	vmmov vm2;
	vm2 =	vmmov vm1;
	v15 =	vbroadcast v17, $0x0;
	(pc) =	sbr.rel @p1 .LBB2_18-.Ltmp14, $4  }
0x224: {  	s4 =	sadd.s32 $0x10, s4;
	vm1 =	vmmov vm3  }
0x225: {  	v14 =	vor.u32 s4, v0;
	v22 =	vmov s4;
	v17 =	vadd.s32 v16, v15;
	v16 =	vmovc v18  }
0x226: {  	vm6 =	vgt.s32 v14, $0xFF;
	v15 =	vshrl.u32 v22, $0x7;
	vm3 =	vge.f32 v11, v6;
	[tilespmem:v21+s28+$0x0] =	vst.idx.msk vm5, v8;
	v8 =	vmovc v20  }
0x227: {  	s26 =	sshra.s32 s6, $0x2;
	s6 =	sadd.s32 $0x40, s6;
	v15 =	vmul.u32 $0x75, v15;
	vm3 =	vmand vm6, vm3;
	v18, _, _ =	vpop (xrf0);
	vm6 =	vlt.s32 v17, $0x20;
	s20 =	spop (v2sf);
	[tilespmem:v21+s29+$0x0] =	vst.idx.msk vm5, v19  }
0x228: {  	v19 =	vsel vm3, $0x1, v5  }
0x229: {  	(xrf0) =	vadd.scan.msk.s32 $0xffff, v19;
	_ =	sdelay $0x3  }
0x22a: {  	(v2sf) =	vpush v18, $0xF  }
0x22b: {  	s6 =	sadd.s32 s26, s1  }
0x22c: {  	v55 =	vld [tilespmem:s6+$0x0];
	v20, _, _ =	vpop (xrf0)  }
0x22d: {  	(v2sf) =	vpush v20, $0xF;
	_ =	sdelay $0x1  }
0x22e: {  	s4 =	sadd.s32 $0x10, s4  }
0x22f: {  	v21 =	vor.u32 s4, v0  }
0x230: {  	vm7 =	vgt.s32 v21, $0xFF;
	vm5 =	vge.f32 v55, v6  }
0x231: {  	vm5 =	vmand vm7, vm5  }
0x232: {  	v22 =	vsel vm5, $0x1, v5  }
0x233: {  	(xrf0) =	vadd.scan.msk.s32 $0xffff, v22;
	_ =	sdelay $0x1  }
0x234: {  	s0 =	sadd.s32 s0, s20;
	s8 =	spop (v2sf)  }
0x235: {  	vm4 =	vmand vm4, vm6;
	vm2 =	vmmov vm2;
	s6 =	sadd.s32 s0, s8  }
0x236: {  	vm1 =	vmmov vm1;
	v56 =	vmov s0;
	v23 =	vmov s6  }
0x237: {  	vm3 =	vmmov vm3;
	v22 =	vadd.s32 $0xFFFFFFFF, v56;
	v23 =	vadd.s32 $0xFFFFFFFF, v23;
	s10 =	spop (v2sf)  }
0x238: {  	v17 =	vnsel vm4, $0x0, v17;
	v22 =	vbroadcast v22, $0x0;
	v23 =	vbroadcast v23, $0x0;
	v58, _, _ =	vpop (xrf0);
	s0 =	sadd.s32 s6, s10  }
0x239: {  	vm1 =	vmmov vm1;
	(v2sf) =	vpush v58, $0xF;
	v59 =	vmov s0  }
0x23a: {  	v16 =	vadd.s32 v16, v22;
	v57 =	vadd.s32 v18, v23;
	v23 =	vadd.s32 $0xFFFFFFFF, v59;
	s20 =	spop (v2sf)  }
0x23b: {  	vm3 =	vmmov vm3;
	vm11 =	vlt.s32 v16, $0x20;
	v23 =	vbroadcast v23, $0x0;
	s0 =	sadd.s32 s0, s20  }
0x23c: {  	vm2 =	vmand vm2, vm11;
	vm12 =	vlt.s32 v57, $0x20;
	v60 =	vmov s0  }
0x23d: {  	v16 =	vnsel vm2, $0x0, v16;
	v20 =	vadd.s32 v20, v23;
	v23 =	vadd.s32 $0xFFFFFFFF, v60  }
0x23e: {  	vm3 =	vmmov vm3;
	vm1 =	vmand vm1, vm12;
	v23 =	vbroadcast v23, $0x0  }
0x23f: {  	vm5 =	vmmov vm5;
	v18 =	vnsel vm1, $0x0, v57;
	vm13 =	vlt.s32 v20, $0x20  }
0x240: {  	[tilespmem:v17+s28+$0x0] =	vst.idx.msk vm4, v8;
	vm5 =	vmmov vm5;
	vm3 =	vmand vm3, vm13;
	v8 =	vadd.s32 v58, v23  }
0x241: {  	[tilespmem:v17+s29+$0x0] =	vst.idx.msk vm4, v10;
	vm14 =	vmmov vm5;
	v61 =	vnsel vm3, $0x0, v20;
	vm15 =	vlt.s32 v8, $0x20  }
0x242: {  	[tilespmem:v16+s28+$0x0] =	vst.idx.msk vm2, v7;
	vm4 =	vmand vm14, vm15  }
0x243: {  	[tilespmem:v16+s29+$0x0] =	vst.idx.msk vm2, v12;
	v7 =	vnsel vm4, $0x0, v8  }
0x244: {  	[tilespmem:v18+s28+$0x0] =	vst.idx.msk vm1, v9;
	v8 =	vmov s4  }
.Ltmp15:
0x245: {  	v62 =	vand.u32 $0x7F, v14;
	[tilespmem:v18+s29+$0x0] =	vst.idx.msk vm1, v13;
	v8 =	vshrl.u32 v8, $0x7;
	(pc) =	sbr.rel .LBB2_20-.Ltmp15, $4  }
0x246: {  	v9 =	vadd.s32 v62, v15;
	[tilespmem:v61+s28+$0x0] =	vst.idx.msk vm3, v11;
	v8 =	vmul.u32 $0x75, v8  }
0x247: {  	v63 =	vand.u32 $0x7F, v21;
	[tilespmem:v61+s29+$0x0] =	vst.idx.msk vm3, v9  }
0x248: {  	s26 =	spop (v2sf);
	v8 =	vadd.s32 v63, v8;
	[tilespmem:v7+s28+$0x0] =	vst.idx.msk vm4, v55  }
0x249: {  	s0 =	sadd.s32 s0, s26;
	[tilespmem:v7+s29+$0x0] =	vst.idx.msk vm4, v8  }
.LBB2_21:
.Ltmp16:
0x24a: {  	s1 =	simm.s32 $0x0;
	s4 =	rddreg [dreg:$0x8];
	(pc) =	sbr.rel .LBB2_22-.Ltmp16, $4  }
0x24b: {  	[tilespmem:s1], [sflag:$0x1] =	stream.linear.gather [hbm4b:s4+s1], $0x3E80, $0x38;
	[tilespmem:$0xCA80] =	vst v63  }
0x24c: {  	_ =	swait.ge [sflag:s25], $0x3E80  }
0x24d: {  	[sflag:s25] =	ssyncset.done $0x0  }
0x24e: {  	s15 =	simm.s32 $0x3E80;
	s5 =	smov.u32 s17;
	[sflag:s25] =	ssyncadd.s32 $0xFFFFC180  }
.LBB2_26:
0x24f: {  	s1 =	sadd.s32 $0x1, s1  }
0x250: {  	p1 =	sne.s32 s1, $0x19  }
.Ltmp17:
0x251: {  	_ = 	snop;
	(pc) =	sbr.rel @!p1 .LBB2_27-.Ltmp17, $2  }
0x252: {  	_ =	sdelay $0x2  }
0x253: {  	s15 =	sadd.s32 $0x280, s15;
	s5 =	sadd.s32 $0x280, s5  }
.LBB2_22:
0x254: {  	s4 =	smul.u32 $0xA00, s1;
	_ =	sdelay $0x1  }
0x255: {  	s4 =	sshra.s32 s4, $0x2  }
0x256: {  	v7 =	vld [tilespmem:s4+$0x3E80]  }
0x257: {  	v8 =	vld [tilespmem:s4+$0x3E90]  }
0x258: {  	v9 =	vld [tilespmem:s4+$0x3EA0]  }
0x259: {  	v10 =	vld [tilespmem:s4+$0x3EB0]  }
0x25a: {  	v11 =	vld [tilespmem:s4+$0x3EC0]  }
0x25b: {  	v12 =	vld [tilespmem:s4+$0x3ED0]  }
0x25c: {  	v13 =	vld [tilespmem:s4+$0x3EE0]  }
0x25d: {  	v14 =	vld [tilespmem:s4+$0x3EF0]  }
0x25e: {  	v15 =	vld [tilespmem:s4+$0x3F00]  }
0x25f: {  	v16 =	vld [tilespmem:s4+$0x3F10]  }
0x260: {  	v17 =	vld [tilespmem:s4+$0x3F20]  }
0x261: {  	v18 =	vld [tilespmem:s4+$0x3F30]  }
0x262: {  	v19 =	vld [tilespmem:s4+$0x3F40]  }
0x263: {  	v20 =	vld [tilespmem:s4+$0x3F50]  }
0x264: {  	v21 =	vld [tilespmem:s4+$0x3F60]  }
0x265: {  	v22 =	vld [tilespmem:s4+$0x3F70]  }
0x266: {  	v23 =	vld [tilespmem:s4+$0x3F80]  }
0x267: {  	v24 =	vld [tilespmem:s4+$0x3F90]  }
0x268: {  	v25 =	vld [tilespmem:s4+$0x3FA0]  }
0x269: {  	v26 =	vld [tilespmem:s4+$0x3FB0]  }
0x26a: {  	v27 =	vld [tilespmem:s4+$0x3FC0]  }
0x26b: {  	v28 =	vld [tilespmem:s4+$0x3FD0]  }
0x26c: {  	v29 =	vld [tilespmem:s4+$0x3FE0]  }
0x26d: {  	v30 =	vld [tilespmem:s4+$0x3FF0]  }
0x26e: {  	v31 =	vld [tilespmem:s4+$0x4000]  }
0x26f: {  	v32 =	vld [tilespmem:s4+$0x4010]  }
0x270: {  	v33 =	vld [tilespmem:s4+$0x4020]  }
0x271: {  	v34 =	vld [tilespmem:s4+$0x4030]  }
0x272: {  	v35 =	vld [tilespmem:s4+$0x4040]  }
0x273: {  	v36 =	vld [tilespmem:s4+$0x4050]  }
0x274: {  	v37 =	vld [tilespmem:s4+$0x4060]  }
0x275: {  	v38 =	vld [tilespmem:s4+$0x4070]  }
0x276: {  	v39 =	vld [tilespmem:s4+$0x4080]  }
0x277: {  	v40 =	vld [tilespmem:s4+$0x4090]  }
0x278: {  	v41 =	vld [tilespmem:s4+$0x40A0]  }
0x279: {  	v42 =	vld [tilespmem:s4+$0x40B0]  }
0x27a: {  	v43 =	vld [tilespmem:s4+$0x40C0]  }
0x27b: {  	v44 =	vld [tilespmem:s4+$0x40D0]  }
0x27c: {  	v45 =	vld [tilespmem:s4+$0x40E0];
	v7 =	vmax.f32 v7, v8;
	v8 =	vmax.f32 v9, v10;
	v55 =	vmax.f32 v11, v12  }
0x27d: {  	v56 =	vld [tilespmem:s4+$0x40F0];
	v57 =	vmax.f32 v13, v14;
	v58 =	vmax.f32 v15, v16;
	v59 =	vmax.f32 v17, v18  }
0x27e: {  	v60 =	vmax.f32 v19, v20;
	v61 =	vmax.f32 v21, v22;
	v62 =	vmax.f32 v23, v24  }
0x27f: {  	v63 =	vmax.f32 v25, v26;
	v28 =	vmax.f32 v27, v28;
	v46 =	vmax.f32 v29, v30  }
0x280: {  	v47 =	vmax.f32 v31, v32;
	v48 =	vmax.f32 v33, v34;
	v49 =	vmax.f32 v35, v36  }
0x281: {  	v50 =	vmax.f32 v37, v38;
	v51 =	vmax.f32 v39, v40;
	v52 =	vmax.f32 v41, v42  }
0x282: {  	v53 =	vmax.f32 v43, v44;
	v10 =	vmax.f32 v45, v56;
	v7 =	vmax.f32 v7, v8  }
0x283: {  	v8 =	vmax.f32 v55, v57;
	v54 =	vmax.f32 v58, v59;
	v55 =	vmax.f32 v60, v61  }
0x284: {  	v56 =	vmax.f32 v62, v63;
	v57 =	vmax.f32 v28, v46;
	v58 =	vmax.f32 v47, v48  }
0x285: {  	v59 =	vmax.f32 v49, v50;
	v60 =	vmax.f32 v51, v52;
	v7 =	vmax.f32 v7, v8  }
0x286: {  	v8 =	vmax.f32 v54, v55;
	v61 =	vmax.f32 v56, v57;
	v62 =	vmax.f32 v58, v59  }
0x287: {  	v10 =	vmax.f32 v53, v10;
	v7 =	vmax.f32 v7, v8;
	v8 =	vmax.f32 v61, v62  }
0x288: {  	v63 =	vmax.f32 v60, v10;
	v7 =	vmax.f32 v7, v8  }
0x289: {  	v7 =	vmax.f32 v7, v63  }
0x28a: {  	(xrf0) =	vmax.scan.msk.f32 $0xffff, v7;
	_ =	sdelay $0x5  }
0x28b: {  	v7, _, _ =	vpop (xrf0)  }
0x28c: {  	(v2sf) =	vpush v7, $0xF;
	_ =	sdelay $0xe  }
0x28d: {  	s26 =	spop (v2sf)  }
0x28e: {  	p1 =	sge.f32 s26, s31  }
.Ltmp18:
0x28f: {  	_ = 	snop;
	(pc) =	sbr.rel @!p1 .LBB2_26-.Ltmp18, $1  }
0x290: {  	_ =	sdelay $0x3  }
0x291: {  	s4 =	sadd.s32 $0x0, s15  }
0x292: {  	v8 =	vld [tilespmem:s4+$0x0];
	_ =	sdelay $0x3  }
0x293: {  	v10 =	vor.u32 s5, v0  }
0x294: {  	vm2 =	vgt.s32 v10, $0xFF;
	vm1 =	vge.f32 v8, v6  }
0x295: {  	vm1 =	vmand vm2, vm1  }
0x296: {  	s10 =	sadd.s32 $0x10, s15;
	v7 =	vsel vm1, $0x1, v5  }
0x297: {  	(xrf0) =	vadd.scan.msk.s32 $0xffff, v7;
	v7 =	vld [tilespmem:s10+$0x0];
	_ =	sdelay $0x2  }
0x298: {  	s20 =	sadd.s32 $0x10, s5  }
0x299: {  	v11 =	vor.u32 s20, v0  }
0x29a: {  	vm3 =	vgt.s32 v11, $0xFF;
	vm2 =	vge.f32 v7, v6  }
0x29b: {  	v9 =	vmov s5;
	v15, _, _ =	vpop (xrf0);
	vm2 =	vmand vm3, vm2  }
0x29c: {  	s6 =	sadd.s32 $0x20, s15;
	v12 =	vshrl.u32 v9, $0x7;
	(v2sf) =	vpush v15, $0xF;
	v13 =	vsel vm2, $0x1, v5  }
0x29d: {  	v9 =	vld [tilespmem:s6+$0x0];
	v12 =	vmul.u32 $0x75, v12;
	(xrf0) =	vadd.scan.msk.s32 $0xffff, v13  }
0x29e: {  	v10 =	vand.u32 $0x7F, v10  }
0x29f: {  	v10 =	vadd.s32 v10, v12;
	v12 =	vmov s20  }
0x2a0: {  	s4 =	sadd.s32 $0x10, s20;
	v12 =	vshrl.u32 v12, $0x7  }
0x2a1: {  	v11 =	vand.u32 $0x7F, v11;
	v12 =	vmul.u32 $0x75, v12;
	v13 =	vor.u32 s4, v0  }
0x2a2: {  	v14 =	vmov s4;
	vm3 =	vge.f32 v9, v6;
	vm4 =	vgt.s32 v13, $0xFF  }
0x2a3: {  	s26 =	sadd.s32 $0x30, s15;
	v12 =	vadd.s32 v11, v12;
	v11 =	vshrl.u32 v14, $0x7;
	vm3 =	vmand vm4, vm3;
	v16, _, _ =	vpop (xrf0)  }
0x2a4: {  	v17 =	vmul.u32 $0x75, v11;
	v11 =	vld [tilespmem:s26+$0x0];
	v14 =	vsel vm3, $0x1, v5;
	(v2sf) =	vpush v16, $0xF  }
0x2a5: {  	vm1 =	vmmov vm1;
	vm2 =	vmmov vm2;
	(xrf0) =	vadd.scan.msk.s32 $0xffff, v14  }
0x2a6: {  	vm1 =	vmmov vm1;
	vm2 =	vmmov vm2;
	s4 =	sadd.s32 $0x10, s4;
	v14 =	vmov s0  }
0x2a7: {  	v13 =	vand.u32 $0x7F, v13;
	v18 =	vmov s4;
	v14 =	vadd.s32 $0xFFFFFFFF, v14  }
0x2a8: {  	v13 =	vadd.s32 v13, v17;
	vm4 =	vmmov vm1;
	v17 =	vbroadcast v14, $0x0  }
0x2a9: {  	vm1 =	vmmov vm3;
	vm3 =	vge.f32 v11, v6;
	v14 =	vor.u32 s4, v0  }
0x2aa: {  	vm5 =	vgt.s32 v14, $0xFF;
	v17 =	vadd.s32 v15, v17;
	v15 =	vshrl.u32 v18, $0x7  }
0x2ab: {  	s6 =	simm.s32 $0x140;
	s26 =	simm.s32 $0x40;
	vm3 =	vmand vm5, vm3;
	v15 =	vmul.u32 $0x75, v15;
	vm6 =	vlt.s32 v17, $0x20;
	v18, _, _ =	vpop (xrf0);
	s20 =	spop (v2sf)  }
.LBB2_24:
0x2ac: {  	p1 =	sne.s32 s6, $0x9C0;
	s8 =	sadd.s32 s26, s15;
	v23 =	vsel vm3, $0x1, v5;
	(v2sf) =	vpush v18, $0xF;
	vm5 =	vmand vm4, vm6;
	s0 =	sadd.s32 s0, s20;
	v20 =	vmovc v7;
	v7 =	vmovc v9  }
0x2ad: {  	v14 =	vand.u32 $0x7F, v14;
	v9 =	vmovc v11;
	(xrf0) =	vadd.scan.msk.s32 $0xffff, v23;
	v22 =	vmov s0;
	v21 =	vnsel vm5, $0x0, v17;
	v11 =	vld [tilespmem:s8+$0x0]  }
0x2ae: {  	v19 =	vmovc v10;
	v10 =	vmovc v12;
	v12 =	vmov v13;
	v13 =	vadd.s32 v14, v15;
	v17 =	vadd.s32 $0xFFFFFFFF, v22  }
.Ltmp19:
0x2af: {  	vm4 =	vmmov vm2;
	vm2 =	vmmov vm1;
	v15 =	vbroadcast v17, $0x0;
	(pc) =	sbr.rel @p1 .LBB2_24-.Ltmp19, $4  }
0x2b0: {  	s4 =	sadd.s32 $0x10, s4;
	vm1 =	vmmov vm3  }
0x2b1: {  	v14 =	vor.u32 s4, v0;
	v22 =	vmov s4;
	v17 =	vadd.s32 v16, v15;
	v16 =	vmovc v18  }
0x2b2: {  	vm6 =	vgt.s32 v14, $0xFF;
	v15 =	vshrl.u32 v22, $0x7;
	vm3 =	vge.f32 v11, v6;
	[tilespmem:v21+s28+$0x0] =	vst.idx.msk vm5, v8;
	v8 =	vmovc v20  }
0x2b3: {  	s26 =	sshra.s32 s6, $0x2;
	s6 =	sadd.s32 $0x40, s6;
	v15 =	vmul.u32 $0x75, v15;
	vm3 =	vmand vm6, vm3;
	v18, _, _ =	vpop (xrf0);
	vm6 =	vlt.s32 v17, $0x20;
	s20 =	spop (v2sf);
	[tilespmem:v21+s29+$0x0] =	vst.idx.msk vm5, v19  }
0x2b4: {  	v19 =	vsel vm3, $0x1, v5  }
0x2b5: {  	(xrf0) =	vadd.scan.msk.s32 $0xffff, v19;
	_ =	sdelay $0x3  }
0x2b6: {  	(v2sf) =	vpush v18, $0xF  }
0x2b7: {  	s6 =	sadd.s32 s26, s15  }
0x2b8: {  	v55 =	vld [tilespmem:s6+$0x0];
	v20, _, _ =	vpop (xrf0)  }
0x2b9: {  	(v2sf) =	vpush v20, $0xF;
	_ =	sdelay $0x1  }
0x2ba: {  	s4 =	sadd.s32 $0x10, s4  }
0x2bb: {  	v21 =	vor.u32 s4, v0  }
0x2bc: {  	vm7 =	vgt.s32 v21, $0xFF;
	vm5 =	vge.f32 v55, v6  }
0x2bd: {  	vm5 =	vmand vm7, vm5  }
0x2be: {  	v22 =	vsel vm5, $0x1, v5  }
0x2bf: {  	(xrf0) =	vadd.scan.msk.s32 $0xffff, v22;
	_ =	sdelay $0x1  }
0x2c0: {  	s0 =	sadd.s32 s0, s20;
	s8 =	spop (v2sf)  }
0x2c1: {  	vm4 =	vmand vm4, vm6;
	vm2 =	vmmov vm2;
	s6 =	sadd.s32 s0, s8  }
0x2c2: {  	vm1 =	vmmov vm1;
	v56 =	vmov s0;
	v23 =	vmov s6  }
0x2c3: {  	vm3 =	vmmov vm3;
	v22 =	vadd.s32 $0xFFFFFFFF, v56;
	v23 =	vadd.s32 $0xFFFFFFFF, v23;
	s10 =	spop (v2sf)  }
0x2c4: {  	v17 =	vnsel vm4, $0x0, v17;
	v22 =	vbroadcast v22, $0x0;
	v23 =	vbroadcast v23, $0x0;
	v58, _, _ =	vpop (xrf0);
	s0 =	sadd.s32 s6, s10  }
0x2c5: {  	vm1 =	vmmov vm1;
	(v2sf) =	vpush v58, $0xF;
	v59 =	vmov s0  }
0x2c6: {  	v16 =	vadd.s32 v16, v22;
	v57 =	vadd.s32 v18, v23;
	v23 =	vadd.s32 $0xFFFFFFFF, v59;
	s20 =	spop (v2sf)  }
0x2c7: {  	vm3 =	vmmov vm3;
	vm11 =	vlt.s32 v16, $0x20;
	v23 =	vbroadcast v23, $0x0;
	s0 =	sadd.s32 s0, s20  }
0x2c8: {  	vm2 =	vmand vm2, vm11;
	vm12 =	vlt.s32 v57, $0x20;
	v60 =	vmov s0  }
0x2c9: {  	v16 =	vnsel vm2, $0x0, v16;
	v20 =	vadd.s32 v20, v23;
	v23 =	vadd.s32 $0xFFFFFFFF, v60  }
0x2ca: {  	vm3 =	vmmov vm3;
	vm1 =	vmand vm1, vm12;
	v23 =	vbroadcast v23, $0x0  }
0x2cb: {  	vm5 =	vmmov vm5;
	v18 =	vnsel vm1, $0x0, v57;
	vm13 =	vlt.s32 v20, $0x20  }
0x2cc: {  	[tilespmem:v17+s28+$0x0] =	vst.idx.msk vm4, v8;
	vm5 =	vmmov vm5;
	vm3 =	vmand vm3, vm13;
	v8 =	vadd.s32 v58, v23  }
0x2cd: {  	[tilespmem:v17+s29+$0x0] =	vst.idx.msk vm4, v10;
	vm14 =	vmmov vm5;
	v61 =	vnsel vm3, $0x0, v20;
	vm15 =	vlt.s32 v8, $0x20  }
0x2ce: {  	[tilespmem:v16+s28+$0x0] =	vst.idx.msk vm2, v7;
	vm4 =	vmand vm14, vm15  }
0x2cf: {  	[tilespmem:v16+s29+$0x0] =	vst.idx.msk vm2, v12;
	v7 =	vnsel vm4, $0x0, v8  }
0x2d0: {  	[tilespmem:v18+s28+$0x0] =	vst.idx.msk vm1, v9;
	v8 =	vmov s4  }
.Ltmp20:
0x2d1: {  	v62 =	vand.u32 $0x7F, v14;
	[tilespmem:v18+s29+$0x0] =	vst.idx.msk vm1, v13;
	v8 =	vshrl.u32 v8, $0x7;
	(pc) =	sbr.rel .LBB2_26-.Ltmp20, $4  }
0x2d2: {  	v9 =	vadd.s32 v62, v15;
	[tilespmem:v61+s28+$0x0] =	vst.idx.msk vm3, v11;
	v8 =	vmul.u32 $0x75, v8  }
0x2d3: {  	v63 =	vand.u32 $0x7F, v21;
	[tilespmem:v61+s29+$0x0] =	vst.idx.msk vm3, v9  }
0x2d4: {  	s26 =	spop (v2sf);
	v8 =	vadd.s32 v63, v8;
	[tilespmem:v7+s28+$0x0] =	vst.idx.msk vm4, v55  }
0x2d5: {  	s0 =	sadd.s32 s0, s26;
	[tilespmem:v7+s29+$0x0] =	vst.idx.msk vm4, v8  }
.LBB2_27:
.Ltmp21:
0x2d6: {  	s1 =	simm.s32 $0x0;
	(pc) =	sbr.rel .LBB2_28-.Ltmp21, $4  }
0x2d7: {  	[tilespmem:s9], [sflag:$0x2] =	stream.linear.gather [hbm4b:s11+s1], $0x3E80, $0x38;
	[tilespmem:$0xCA80] =	vst v63  }
0x2d8: {  	_ =	swait.ge [sflag:s22], $0x3E80  }
0x2d9: {  	[sflag:s22] =	ssyncset.done $0x0  }
0x2da: {  	s15 =	smov.u32 s18;
	s5 =	simm.s32 $0x0;
	[sflag:s22] =	ssyncadd.s32 $0xFFFFC180  }
.LBB2_32:
0x2db: {  	s5 =	sadd.s32 $0x1, s5  }
0x2dc: {  	p1 =	sne.s32 s5, $0x19  }
.Ltmp22:
0x2dd: {  	_ = 	snop;
	(pc) =	sbr.rel @!p1 .LBB2_33-.Ltmp22, $2  }
0x2de: {  	_ =	sdelay $0x2  }
0x2df: {  	s1 =	sadd.s32 $0x280, s1;
	s15 =	sadd.s32 $0x280, s15  }
.LBB2_28:
0x2e0: {  	s4 =	smul.u32 $0xA00, s5;
	_ =	sdelay $0x1  }
0x2e1: {  	s4 =	sshra.s32 s4, $0x2  }
0x2e2: {  	v7 =	vld [tilespmem:s4+$0x0]  }
0x2e3: {  	v8 =	vld [tilespmem:s4+$0x10]  }
0x2e4: {  	v9 =	vld [tilespmem:s4+$0x20]  }
0x2e5: {  	v10 =	vld [tilespmem:s4+$0x30]  }
0x2e6: {  	v11 =	vld [tilespmem:s4+$0x40]  }
0x2e7: {  	v12 =	vld [tilespmem:s4+$0x50]  }
0x2e8: {  	v13 =	vld [tilespmem:s4+$0x60]  }
0x2e9: {  	v14 =	vld [tilespmem:s4+$0x70]  }
0x2ea: {  	v15 =	vld [tilespmem:s4+$0x80]  }
0x2eb: {  	v16 =	vld [tilespmem:s4+$0x90]  }
0x2ec: {  	v17 =	vld [tilespmem:s4+$0xA0]  }
0x2ed: {  	v18 =	vld [tilespmem:s4+$0xB0]  }
0x2ee: {  	v19 =	vld [tilespmem:s4+$0xC0]  }
0x2ef: {  	v20 =	vld [tilespmem:s4+$0xD0]  }
0x2f0: {  	v21 =	vld [tilespmem:s4+$0xE0]  }
0x2f1: {  	v22 =	vld [tilespmem:s4+$0xF0]  }
0x2f2: {  	v23 =	vld [tilespmem:s4+$0x100]  }
0x2f3: {  	v24 =	vld [tilespmem:s4+$0x110]  }
0x2f4: {  	v25 =	vld [tilespmem:s4+$0x120]  }
0x2f5: {  	v26 =	vld [tilespmem:s4+$0x130]  }
0x2f6: {  	v27 =	vld [tilespmem:s4+$0x140]  }
0x2f7: {  	v28 =	vld [tilespmem:s4+$0x150]  }
0x2f8: {  	v29 =	vld [tilespmem:s4+$0x160]  }
0x2f9: {  	v30 =	vld [tilespmem:s4+$0x170]  }
0x2fa: {  	v31 =	vld [tilespmem:s4+$0x180]  }
0x2fb: {  	v32 =	vld [tilespmem:s4+$0x190]  }
0x2fc: {  	v33 =	vld [tilespmem:s4+$0x1A0]  }
0x2fd: {  	v34 =	vld [tilespmem:s4+$0x1B0]  }
0x2fe: {  	v35 =	vld [tilespmem:s4+$0x1C0]  }
0x2ff: {  	v36 =	vld [tilespmem:s4+$0x1D0]  }
0x300: {  	v37 =	vld [tilespmem:s4+$0x1E0]  }
0x301: {  	v38 =	vld [tilespmem:s4+$0x1F0]  }
0x302: {  	v39 =	vld [tilespmem:s4+$0x200]  }
0x303: {  	v40 =	vld [tilespmem:s4+$0x210]  }
0x304: {  	v41 =	vld [tilespmem:s4+$0x220]  }
0x305: {  	v42 =	vld [tilespmem:s4+$0x230]  }
0x306: {  	v43 =	vld [tilespmem:s4+$0x240]  }
0x307: {  	v44 =	vld [tilespmem:s4+$0x250]  }
0x308: {  	v45 =	vld [tilespmem:s4+$0x260];
	v7 =	vmax.f32 v7, v8;
	v8 =	vmax.f32 v9, v10;
	v55 =	vmax.f32 v11, v12  }
0x309: {  	v56 =	vld [tilespmem:s4+$0x270];
	v57 =	vmax.f32 v13, v14;
	v58 =	vmax.f32 v15, v16;
	v59 =	vmax.f32 v17, v18  }
0x30a: {  	v60 =	vmax.f32 v19, v20;
	v61 =	vmax.f32 v21, v22;
	v62 =	vmax.f32 v23, v24  }
0x30b: {  	v63 =	vmax.f32 v25, v26;
	v28 =	vmax.f32 v27, v28;
	v46 =	vmax.f32 v29, v30  }
0x30c: {  	v47 =	vmax.f32 v31, v32;
	v48 =	vmax.f32 v33, v34;
	v49 =	vmax.f32 v35, v36  }
0x30d: {  	v50 =	vmax.f32 v37, v38;
	v51 =	vmax.f32 v39, v40;
	v52 =	vmax.f32 v41, v42  }
0x30e: {  	v53 =	vmax.f32 v43, v44;
	v10 =	vmax.f32 v45, v56;
	v7 =	vmax.f32 v7, v8  }
0x30f: {  	v8 =	vmax.f32 v55, v57;
	v54 =	vmax.f32 v58, v59;
	v55 =	vmax.f32 v60, v61  }
0x310: {  	v56 =	vmax.f32 v62, v63;
	v57 =	vmax.f32 v28, v46;
	v58 =	vmax.f32 v47, v48  }
0x311: {  	v59 =	vmax.f32 v49, v50;
	v60 =	vmax.f32 v51, v52;
	v7 =	vmax.f32 v7, v8  }
0x312: {  	v8 =	vmax.f32 v54, v55;
	v61 =	vmax.f32 v56, v57;
	v62 =	vmax.f32 v58, v59  }
0x313: {  	v10 =	vmax.f32 v53, v10;
	v7 =	vmax.f32 v7, v8;
	v8 =	vmax.f32 v61, v62  }
0x314: {  	v63 =	vmax.f32 v60, v10;
	v7 =	vmax.f32 v7, v8  }
0x315: {  	v7 =	vmax.f32 v7, v63  }
0x316: {  	(xrf0) =	vmax.scan.msk.f32 $0xffff, v7;
	_ =	sdelay $0x5  }
0x317: {  	v7, _, _ =	vpop (xrf0)  }
0x318: {  	(v2sf) =	vpush v7, $0xF;
	_ =	sdelay $0xe  }
0x319: {  	s26 =	spop (v2sf)  }
0x31a: {  	p1 =	sge.f32 s26, s31  }
.Ltmp23:
0x31b: {  	_ = 	snop;
	(pc) =	sbr.rel @!p1 .LBB2_32-.Ltmp23, $1  }
0x31c: {  	_ =	sdelay $0x3  }
0x31d: {  	s4 =	sadd.s32 $0x0, s1  }
0x31e: {  	v8 =	vld [tilespmem:s4+$0x0];
	_ =	sdelay $0x3  }
0x31f: {  	v10 =	vor.u32 s15, v0  }
0x320: {  	vm2 =	vgt.s32 v10, $0xFF;
	vm1 =	vge.f32 v8, v6  }
0x321: {  	vm1 =	vmand vm2, vm1  }
0x322: {  	s10 =	sadd.s32 $0x10, s1;
	v7 =	vsel vm1, $0x1, v5  }
0x323: {  	(xrf0) =	vadd.scan.msk.s32 $0xffff, v7;
	v7 =	vld [tilespmem:s10+$0x0];
	_ =	sdelay $0x2  }
0x324: {  	s20 =	sadd.s32 $0x10, s15  }
0x325: {  	v11 =	vor.u32 s20, v0  }
0x326: {  	vm3 =	vgt.s32 v11, $0xFF;
	vm2 =	vge.f32 v7, v6  }
0x327: {  	v9 =	vmov s15;
	v15, _, _ =	vpop (xrf0);
	vm2 =	vmand vm3, vm2  }
0x328: {  	s6 =	sadd.s32 $0x20, s1;
	v12 =	vshrl.u32 v9, $0x7;
	(v2sf) =	vpush v15, $0xF;
	v13 =	vsel vm2, $0x1, v5  }
0x329: {  	v9 =	vld [tilespmem:s6+$0x0];
	v12 =	vmul.u32 $0x75, v12;
	(xrf0) =	vadd.scan.msk.s32 $0xffff, v13  }
0x32a: {  	v10 =	vand.u32 $0x7F, v10  }
0x32b: {  	v10 =	vadd.s32 v10, v12;
	v12 =	vmov s20  }
0x32c: {  	s4 =	sadd.s32 $0x10, s20;
	v12 =	vshrl.u32 v12, $0x7  }
0x32d: {  	v11 =	vand.u32 $0x7F, v11;
	v12 =	vmul.u32 $0x75, v12;
	v13 =	vor.u32 s4, v0  }
0x32e: {  	v14 =	vmov s4;
	vm3 =	vge.f32 v9, v6;
	vm4 =	vgt.s32 v13, $0xFF  }
0x32f: {  	s26 =	sadd.s32 $0x30, s1;
	v12 =	vadd.s32 v11, v12;
	v11 =	vshrl.u32 v14, $0x7;
	vm3 =	vmand vm4, vm3;
	v16, _, _ =	vpop (xrf0)  }
0x330: {  	v17 =	vmul.u32 $0x75, v11;
	v11 =	vld [tilespmem:s26+$0x0];
	v14 =	vsel vm3, $0x1, v5;
	(v2sf) =	vpush v16, $0xF  }
0x331: {  	vm1 =	vmmov vm1;
	vm2 =	vmmov vm2;
	(xrf0) =	vadd.scan.msk.s32 $0xffff, v14  }
0x332: {  	vm1 =	vmmov vm1;
	vm2 =	vmmov vm2;
	s4 =	sadd.s32 $0x10, s4;
	v14 =	vmov s0  }
0x333: {  	v13 =	vand.u32 $0x7F, v13;
	v18 =	vmov s4;
	v14 =	vadd.s32 $0xFFFFFFFF, v14  }
0x334: {  	v13 =	vadd.s32 v13, v17;
	vm4 =	vmmov vm1;
	v17 =	vbroadcast v14, $0x0  }
0x335: {  	vm1 =	vmmov vm3;
	vm3 =	vge.f32 v11, v6;
	v14 =	vor.u32 s4, v0  }
0x336: {  	vm5 =	vgt.s32 v14, $0xFF;
	v17 =	vadd.s32 v15, v17;
	v15 =	vshrl.u32 v18, $0x7  }
0x337: {  	s6 =	simm.s32 $0x140;
	s26 =	simm.s32 $0x40;
	vm3 =	vmand vm5, vm3;
	v15 =	vmul.u32 $0x75, v15;
	vm6 =	vlt.s32 v17, $0x20;
	v18, _, _ =	vpop (xrf0);
	s20 =	spop (v2sf)  }
.LBB2_30:
0x338: {  	p1 =	sne.s32 s6, $0x9C0;
	s8 =	sadd.s32 s26, s1;
	v23 =	vsel vm3, $0x1, v5;
	(v2sf) =	vpush v18, $0xF;
	vm5 =	vmand vm4, vm6;
	s0 =	sadd.s32 s0, s20;
	v20 =	vmovc v7;
	v7 =	vmovc v9  }
0x339: {  	v14 =	vand.u32 $0x7F, v14;
	v9 =	vmovc v11;
	(xrf0) =	vadd.scan.msk.s32 $0xffff, v23;
	v22 =	vmov s0;
	v21 =	vnsel vm5, $0x0, v17;
	v11 =	vld [tilespmem:s8+$0x0]  }
0x33a: {  	v19 =	vmovc v10;
	v10 =	vmovc v12;
	v12 =	vmov v13;
	v13 =	vadd.s32 v14, v15;
	v17 =	vadd.s32 $0xFFFFFFFF, v22  }
.Ltmp24:
0x33b: {  	vm4 =	vmmov vm2;
	vm2 =	vmmov vm1;
	v15 =	vbroadcast v17, $0x0;
	(pc) =	sbr.rel @p1 .LBB2_30-.Ltmp24, $4  }
0x33c: {  	s4 =	sadd.s32 $0x10, s4;
	vm1 =	vmmov vm3  }
0x33d: {  	v14 =	vor.u32 s4, v0;
	v22 =	vmov s4;
	v17 =	vadd.s32 v16, v15;
	v16 =	vmovc v18  }
0x33e: {  	vm6 =	vgt.s32 v14, $0xFF;
	v15 =	vshrl.u32 v22, $0x7;
	vm3 =	vge.f32 v11, v6;
	[tilespmem:v21+s28+$0x0] =	vst.idx.msk vm5, v8;
	v8 =	vmovc v20  }
0x33f: {  	s26 =	sshra.s32 s6, $0x2;
	s6 =	sadd.s32 $0x40, s6;
	v15 =	vmul.u32 $0x75, v15;
	vm3 =	vmand vm6, vm3;
	v18, _, _ =	vpop (xrf0);
	vm6 =	vlt.s32 v17, $0x20;
	s20 =	spop (v2sf);
	[tilespmem:v21+s29+$0x0] =	vst.idx.msk vm5, v19  }
0x340: {  	v19 =	vsel vm3, $0x1, v5  }
0x341: {  	(xrf0) =	vadd.scan.msk.s32 $0xffff, v19;
	_ =	sdelay $0x3  }
0x342: {  	(v2sf) =	vpush v18, $0xF  }
0x343: {  	s6 =	sadd.s32 s26, s1  }
0x344: {  	v55 =	vld [tilespmem:s6+$0x0];
	v20, _, _ =	vpop (xrf0)  }
0x345: {  	(v2sf) =	vpush v20, $0xF;
	_ =	sdelay $0x1  }
0x346: {  	s4 =	sadd.s32 $0x10, s4  }
0x347: {  	v21 =	vor.u32 s4, v0  }
0x348: {  	vm7 =	vgt.s32 v21, $0xFF;
	vm5 =	vge.f32 v55, v6  }
0x349: {  	vm5 =	vmand vm7, vm5  }
0x34a: {  	v22 =	vsel vm5, $0x1, v5  }
0x34b: {  	(xrf0) =	vadd.scan.msk.s32 $0xffff, v22;
	_ =	sdelay $0x1  }
0x34c: {  	s0 =	sadd.s32 s0, s20;
	s9 =	spop (v2sf)  }
0x34d: {  	vm4 =	vmand vm4, vm6;
	vm2 =	vmmov vm2;
	s6 =	sadd.s32 s0, s9  }
0x34e: {  	vm1 =	vmmov vm1;
	v56 =	vmov s0;
	v23 =	vmov s6  }
0x34f: {  	vm3 =	vmmov vm3;
	v22 =	vadd.s32 $0xFFFFFFFF, v56;
	v23 =	vadd.s32 $0xFFFFFFFF, v23;
	s10 =	spop (v2sf)  }
0x350: {  	v17 =	vnsel vm4, $0x0, v17;
	v22 =	vbroadcast v22, $0x0;
	v23 =	vbroadcast v23, $0x0;
	v58, _, _ =	vpop (xrf0);
	s0 =	sadd.s32 s6, s10  }
0x351: {  	vm1 =	vmmov vm1;
	(v2sf) =	vpush v58, $0xF;
	v59 =	vmov s0  }
0x352: {  	v16 =	vadd.s32 v16, v22;
	v57 =	vadd.s32 v18, v23;
	v23 =	vadd.s32 $0xFFFFFFFF, v59;
	s20 =	spop (v2sf)  }
0x353: {  	vm3 =	vmmov vm3;
	vm11 =	vlt.s32 v16, $0x20;
	v23 =	vbroadcast v23, $0x0;
	s0 =	sadd.s32 s0, s20  }
0x354: {  	vm2 =	vmand vm2, vm11;
	vm12 =	vlt.s32 v57, $0x20;
	v60 =	vmov s0  }
0x355: {  	v16 =	vnsel vm2, $0x0, v16;
	v20 =	vadd.s32 v20, v23;
	v23 =	vadd.s32 $0xFFFFFFFF, v60  }
0x356: {  	vm3 =	vmmov vm3;
	vm1 =	vmand vm1, vm12;
	v23 =	vbroadcast v23, $0x0  }
0x357: {  	vm5 =	vmmov vm5;
	v18 =	vnsel vm1, $0x0, v57;
	vm13 =	vlt.s32 v20, $0x20  }
0x358: {  	[tilespmem:v17+s28+$0x0] =	vst.idx.msk vm4, v8;
	vm5 =	vmmov vm5;
	vm3 =	vmand vm3, vm13;
	v8 =	vadd.s32 v58, v23  }
0x359: {  	[tilespmem:v17+s29+$0x0] =	vst.idx.msk vm4, v10;
	vm14 =	vmmov vm5;
	v61 =	vnsel vm3, $0x0, v20;
	vm15 =	vlt.s32 v8, $0x20  }
0x35a: {  	[tilespmem:v16+s28+$0x0] =	vst.idx.msk vm2, v7;
	vm4 =	vmand vm14, vm15  }
0x35b: {  	[tilespmem:v16+s29+$0x0] =	vst.idx.msk vm2, v12;
	v7 =	vnsel vm4, $0x0, v8  }
0x35c: {  	[tilespmem:v18+s28+$0x0] =	vst.idx.msk vm1, v9;
	v8 =	vmov s4  }
.Ltmp25:
0x35d: {  	v62 =	vand.u32 $0x7F, v14;
	[tilespmem:v18+s29+$0x0] =	vst.idx.msk vm1, v13;
	v8 =	vshrl.u32 v8, $0x7;
	(pc) =	sbr.rel .LBB2_32-.Ltmp25, $4  }
0x35e: {  	v9 =	vadd.s32 v62, v15;
	[tilespmem:v61+s28+$0x0] =	vst.idx.msk vm3, v11;
	v8 =	vmul.u32 $0x75, v8  }
0x35f: {  	v63 =	vand.u32 $0x7F, v21;
	[tilespmem:v61+s29+$0x0] =	vst.idx.msk vm3, v9  }
0x360: {  	s26 =	spop (v2sf);
	v8 =	vadd.s32 v63, v8;
	[tilespmem:v7+s28+$0x0] =	vst.idx.msk vm4, v55  }
0x361: {  	s0 =	sadd.s32 s0, s26;
	[tilespmem:v7+s29+$0x0] =	vst.idx.msk vm4, v8  }
.LBB2_33:
.Ltmp26:
0x362: {  	(pc) =	sbr.rel .LBB2_34-.Ltmp26, $4  }
0x363: {  	_ = 	snop  }
0x364: {  	_ =	swait.ge [sflag:s25], $0x3E80  }
0x365: {  	s1 =	simm.s32 $0x0;
	[sflag:s25] =	ssyncset.done $0x0  }
0x366: {  	s15 =	simm.s32 $0x3E80;
	s5 =	smov.u32 s19;
	[sflag:s25] =	ssyncadd.s32 $0xFFFFC180  }
.LBB2_38:
0x367: {  	s1 =	sadd.s32 $0x1, s1  }
0x368: {  	p1 =	sne.s32 s1, $0x19  }
.Ltmp27:
0x369: {  	_ = 	snop;
	(pc) =	sbr.rel @!p1 .LBB2_39-.Ltmp27, $2  }
0x36a: {  	_ =	sdelay $0x2  }
0x36b: {  	s15 =	sadd.s32 $0x280, s15;
	s5 =	sadd.s32 $0x280, s5  }
.LBB2_34:
0x36c: {  	s4 =	smul.u32 $0xA00, s1;
	_ =	sdelay $0x1  }
0x36d: {  	s4 =	sshra.s32 s4, $0x2  }
0x36e: {  	v7 =	vld [tilespmem:s4+$0x3E80]  }
0x36f: {  	v8 =	vld [tilespmem:s4+$0x3E90]  }
0x370: {  	v9 =	vld [tilespmem:s4+$0x3EA0]  }
0x371: {  	v10 =	vld [tilespmem:s4+$0x3EB0]  }
0x372: {  	v11 =	vld [tilespmem:s4+$0x3EC0]  }
0x373: {  	v12 =	vld [tilespmem:s4+$0x3ED0]  }
0x374: {  	v13 =	vld [tilespmem:s4+$0x3EE0]  }
0x375: {  	v14 =	vld [tilespmem:s4+$0x3EF0]  }
0x376: {  	v15 =	vld [tilespmem:s4+$0x3F00]  }
0x377: {  	v16 =	vld [tilespmem:s4+$0x3F10]  }
0x378: {  	v17 =	vld [tilespmem:s4+$0x3F20]  }
0x379: {  	v18 =	vld [tilespmem:s4+$0x3F30]  }
0x37a: {  	v19 =	vld [tilespmem:s4+$0x3F40]  }
0x37b: {  	v20 =	vld [tilespmem:s4+$0x3F50]  }
0x37c: {  	v21 =	vld [tilespmem:s4+$0x3F60]  }
0x37d: {  	v22 =	vld [tilespmem:s4+$0x3F70]  }
0x37e: {  	v23 =	vld [tilespmem:s4+$0x3F80]  }
0x37f: {  	v24 =	vld [tilespmem:s4+$0x3F90]  }
0x380: {  	v25 =	vld [tilespmem:s4+$0x3FA0]  }
0x381: {  	v26 =	vld [tilespmem:s4+$0x3FB0]  }
0x382: {  	v27 =	vld [tilespmem:s4+$0x3FC0]  }
0x383: {  	v28 =	vld [tilespmem:s4+$0x3FD0]  }
0x384: {  	v29 =	vld [tilespmem:s4+$0x3FE0]  }
0x385: {  	v30 =	vld [tilespmem:s4+$0x3FF0]  }
0x386: {  	v31 =	vld [tilespmem:s4+$0x4000]  }
0x387: {  	v32 =	vld [tilespmem:s4+$0x4010]  }
0x388: {  	v33 =	vld [tilespmem:s4+$0x4020]  }
0x389: {  	v34 =	vld [tilespmem:s4+$0x4030]  }
0x38a: {  	v35 =	vld [tilespmem:s4+$0x4040]  }
0x38b: {  	v36 =	vld [tilespmem:s4+$0x4050]  }
0x38c: {  	v37 =	vld [tilespmem:s4+$0x4060]  }
0x38d: {  	v38 =	vld [tilespmem:s4+$0x4070]  }
0x38e: {  	v39 =	vld [tilespmem:s4+$0x4080]  }
0x38f: {  	v40 =	vld [tilespmem:s4+$0x4090]  }
0x390: {  	v41 =	vld [tilespmem:s4+$0x40A0]  }
0x391: {  	v42 =	vld [tilespmem:s4+$0x40B0]  }
0x392: {  	v43 =	vld [tilespmem:s4+$0x40C0]  }
0x393: {  	v44 =	vld [tilespmem:s4+$0x40D0]  }
0x394: {  	v45 =	vld [tilespmem:s4+$0x40E0];
	v7 =	vmax.f32 v7, v8;
	v8 =	vmax.f32 v9, v10;
	v55 =	vmax.f32 v11, v12  }
0x395: {  	v56 =	vld [tilespmem:s4+$0x40F0];
	v57 =	vmax.f32 v13, v14;
	v58 =	vmax.f32 v15, v16;
	v59 =	vmax.f32 v17, v18  }
0x396: {  	v60 =	vmax.f32 v19, v20;
	v61 =	vmax.f32 v21, v22;
	v62 =	vmax.f32 v23, v24  }
0x397: {  	v63 =	vmax.f32 v25, v26;
	v28 =	vmax.f32 v27, v28;
	v46 =	vmax.f32 v29, v30  }
0x398: {  	v47 =	vmax.f32 v31, v32;
	v48 =	vmax.f32 v33, v34;
	v49 =	vmax.f32 v35, v36  }
0x399: {  	v50 =	vmax.f32 v37, v38;
	v51 =	vmax.f32 v39, v40;
	v52 =	vmax.f32 v41, v42  }
0x39a: {  	v53 =	vmax.f32 v43, v44;
	v10 =	vmax.f32 v45, v56;
	v7 =	vmax.f32 v7, v8  }
0x39b: {  	v8 =	vmax.f32 v55, v57;
	v54 =	vmax.f32 v58, v59;
	v55 =	vmax.f32 v60, v61  }
0x39c: {  	v56 =	vmax.f32 v62, v63;
	v57 =	vmax.f32 v28, v46;
	v58 =	vmax.f32 v47, v48  }
0x39d: {  	v59 =	vmax.f32 v49, v50;
	v60 =	vmax.f32 v51, v52;
	v7 =	vmax.f32 v7, v8  }
0x39e: {  	v8 =	vmax.f32 v54, v55;
	v61 =	vmax.f32 v56, v57;
	v62 =	vmax.f32 v58, v59  }
0x39f: {  	v10 =	vmax.f32 v53, v10;
	v7 =	vmax.f32 v7, v8;
	v8 =	vmax.f32 v61, v62  }
0x3a0: {  	v63 =	vmax.f32 v60, v10;
	v7 =	vmax.f32 v7, v8  }
0x3a1: {  	v7 =	vmax.f32 v7, v63  }
0x3a2: {  	(xrf0) =	vmax.scan.msk.f32 $0xffff, v7;
	_ =	sdelay $0x5  }
0x3a3: {  	v7, _, _ =	vpop (xrf0)  }
0x3a4: {  	(v2sf) =	vpush v7, $0xF;
	_ =	sdelay $0xe  }
0x3a5: {  	s26 =	spop (v2sf)  }
0x3a6: {  	p1 =	sge.f32 s26, s31  }
.Ltmp28:
0x3a7: {  	_ = 	snop;
	(pc) =	sbr.rel @!p1 .LBB2_38-.Ltmp28, $1  }
0x3a8: {  	_ =	sdelay $0x3  }
0x3a9: {  	s4 =	sadd.s32 $0x0, s15  }
0x3aa: {  	v8 =	vld [tilespmem:s4+$0x0];
	_ =	sdelay $0x3  }
0x3ab: {  	v10 =	vor.u32 s5, v0  }
0x3ac: {  	vm2 =	vgt.s32 v10, $0xFF;
	vm1 =	vge.f32 v8, v6  }
0x3ad: {  	vm1 =	vmand vm2, vm1  }
0x3ae: {  	s10 =	sadd.s32 $0x10, s15;
	v7 =	vsel vm1, $0x1, v5  }
0x3af: {  	(xrf0) =	vadd.scan.msk.s32 $0xffff, v7;
	v7 =	vld [tilespmem:s10+$0x0];
	_ =	sdelay $0x2  }
0x3b0: {  	s20 =	sadd.s32 $0x10, s5  }
0x3b1: {  	v11 =	vor.u32 s20, v0  }
0x3b2: {  	vm3 =	vgt.s32 v11, $0xFF;
	vm2 =	vge.f32 v7, v6  }
0x3b3: {  	v9 =	vmov s5;
	v15, _, _ =	vpop (xrf0);
	vm2 =	vmand vm3, vm2  }
0x3b4: {  	s6 =	sadd.s32 $0x20, s15;
	v12 =	vshrl.u32 v9, $0x7;
	(v2sf) =	vpush v15, $0xF;
	v13 =	vsel vm2, $0x1, v5  }
0x3b5: {  	v9 =	vld [tilespmem:s6+$0x0];
	v12 =	vmul.u32 $0x75, v12;
	(xrf0) =	vadd.scan.msk.s32 $0xffff, v13  }
0x3b6: {  	v10 =	vand.u32 $0x7F, v10  }
0x3b7: {  	v10 =	vadd.s32 v10, v12;
	v12 =	vmov s20  }
0x3b8: {  	s4 =	sadd.s32 $0x10, s20;
	v12 =	vshrl.u32 v12, $0x7  }
0x3b9: {  	v11 =	vand.u32 $0x7F, v11;
	v12 =	vmul.u32 $0x75, v12;
	v13 =	vor.u32 s4, v0  }
0x3ba: {  	v14 =	vmov s4;
	vm3 =	vge.f32 v9, v6;
	vm4 =	vgt.s32 v13, $0xFF  }
0x3bb: {  	s26 =	sadd.s32 $0x30, s15;
	v12 =	vadd.s32 v11, v12;
	v11 =	vshrl.u32 v14, $0x7;
	vm3 =	vmand vm4, vm3;
	v16, _, _ =	vpop (xrf0)  }
0x3bc: {  	v17 =	vmul.u32 $0x75, v11;
	v11 =	vld [tilespmem:s26+$0x0];
	v14 =	vsel vm3, $0x1, v5;
	(v2sf) =	vpush v16, $0xF  }
0x3bd: {  	vm1 =	vmmov vm1;
	vm2 =	vmmov vm2;
	(xrf0) =	vadd.scan.msk.s32 $0xffff, v14  }
0x3be: {  	vm1 =	vmmov vm1;
	vm2 =	vmmov vm2;
	s4 =	sadd.s32 $0x10, s4;
	v14 =	vmov s0  }
0x3bf: {  	v13 =	vand.u32 $0x7F, v13;
	v18 =	vmov s4;
	v14 =	vadd.s32 $0xFFFFFFFF, v14  }
0x3c0: {  	v13 =	vadd.s32 v13, v17;
	vm4 =	vmmov vm1;
	v17 =	vbroadcast v14, $0x0  }
0x3c1: {  	vm1 =	vmmov vm3;
	vm3 =	vge.f32 v11, v6;
	v14 =	vor.u32 s4, v0  }
0x3c2: {  	vm5 =	vgt.s32 v14, $0xFF;
	v17 =	vadd.s32 v15, v17;
	v15 =	vshrl.u32 v18, $0x7  }
0x3c3: {  	s6 =	simm.s32 $0x140;
	s26 =	simm.s32 $0x40;
	vm3 =	vmand vm5, vm3;
	v15 =	vmul.u32 $0x75, v15;
	vm6 =	vlt.s32 v17, $0x20;
	v18, _, _ =	vpop (xrf0);
	s20 =	spop (v2sf)  }
.LBB2_36:
0x3c4: {  	p1 =	sne.s32 s6, $0x9C0;
	s8 =	sadd.s32 s26, s15;
	v23 =	vsel vm3, $0x1, v5;
	(v2sf) =	vpush v18, $0xF;
	vm5 =	vmand vm4, vm6;
	s0 =	sadd.s32 s0, s20;
	v20 =	vmovc v7;
	v7 =	vmovc v9  }
0x3c5: {  	v14 =	vand.u32 $0x7F, v14;
	v9 =	vmovc v11;
	(xrf0) =	vadd.scan.msk.s32 $0xffff, v23;
	v22 =	vmov s0;
	v21 =	vnsel vm5, $0x0, v17;
	v11 =	vld [tilespmem:s8+$0x0]  }
0x3c6: {  	v19 =	vmovc v10;
	v10 =	vmovc v12;
	v12 =	vmov v13;
	v13 =	vadd.s32 v14, v15;
	v17 =	vadd.s32 $0xFFFFFFFF, v22  }
.Ltmp29:
0x3c7: {  	vm4 =	vmmov vm2;
	vm2 =	vmmov vm1;
	v15 =	vbroadcast v17, $0x0;
	(pc) =	sbr.rel @p1 .LBB2_36-.Ltmp29, $4  }
0x3c8: {  	s4 =	sadd.s32 $0x10, s4;
	vm1 =	vmmov vm3  }
0x3c9: {  	v14 =	vor.u32 s4, v0;
	v22 =	vmov s4;
	v17 =	vadd.s32 v16, v15;
	v16 =	vmovc v18  }
0x3ca: {  	vm6 =	vgt.s32 v14, $0xFF;
	v15 =	vshrl.u32 v22, $0x7;
	vm3 =	vge.f32 v11, v6;
	[tilespmem:v21+s28+$0x0] =	vst.idx.msk vm5, v8;
	v8 =	vmovc v20  }
0x3cb: {  	s26 =	sshra.s32 s6, $0x2;
	s6 =	sadd.s32 $0x40, s6;
	v15 =	vmul.u32 $0x75, v15;
	vm3 =	vmand vm6, vm3;
	v18, _, _ =	vpop (xrf0);
	vm6 =	vlt.s32 v17, $0x20;
	s20 =	spop (v2sf);
	[tilespmem:v21+s29+$0x0] =	vst.idx.msk vm5, v19  }
0x3cc: {  	v19 =	vsel vm3, $0x1, v5  }
0x3cd: {  	(xrf0) =	vadd.scan.msk.s32 $0xffff, v19;
	_ =	sdelay $0x3  }
0x3ce: {  	(v2sf) =	vpush v18, $0xF  }
0x3cf: {  	s6 =	sadd.s32 s26, s15  }
0x3d0: {  	v55 =	vld [tilespmem:s6+$0x0];
	v20, _, _ =	vpop (xrf0)  }
0x3d1: {  	(v2sf) =	vpush v20, $0xF;
	_ =	sdelay $0x1  }
0x3d2: {  	s4 =	sadd.s32 $0x10, s4  }
0x3d3: {  	v21 =	vor.u32 s4, v0  }
0x3d4: {  	vm7 =	vgt.s32 v21, $0xFF;
	vm5 =	vge.f32 v55, v6  }
0x3d5: {  	vm5 =	vmand vm7, vm5  }
0x3d6: {  	v22 =	vsel vm5, $0x1, v5  }
0x3d7: {  	(xrf0) =	vadd.scan.msk.s32 $0xffff, v22;
	_ =	sdelay $0x1  }
0x3d8: {  	s0 =	sadd.s32 s0, s20;
	s9 =	spop (v2sf)  }
0x3d9: {  	vm4 =	vmand vm4, vm6;
	vm2 =	vmmov vm2;
	s6 =	sadd.s32 s0, s9  }
0x3da: {  	vm1 =	vmmov vm1;
	v56 =	vmov s0;
	v23 =	vmov s6  }
0x3db: {  	vm3 =	vmmov vm3;
	v22 =	vadd.s32 $0xFFFFFFFF, v56;
	v23 =	vadd.s32 $0xFFFFFFFF, v23;
	s10 =	spop (v2sf)  }
0x3dc: {  	v17 =	vnsel vm4, $0x0, v17;
	v22 =	vbroadcast v22, $0x0;
	v23 =	vbroadcast v23, $0x0;
	v58, _, _ =	vpop (xrf0);
	s0 =	sadd.s32 s6, s10  }
0x3dd: {  	vm1 =	vmmov vm1;
	(v2sf) =	vpush v58, $0xF;
	v59 =	vmov s0  }
0x3de: {  	v16 =	vadd.s32 v16, v22;
	v57 =	vadd.s32 v18, v23;
	v23 =	vadd.s32 $0xFFFFFFFF, v59;
	s20 =	spop (v2sf)  }
0x3df: {  	vm3 =	vmmov vm3;
	vm11 =	vlt.s32 v16, $0x20;
	v23 =	vbroadcast v23, $0x0;
	s0 =	sadd.s32 s0, s20  }
0x3e0: {  	vm2 =	vmand vm2, vm11;
	vm12 =	vlt.s32 v57, $0x20;
	v60 =	vmov s0  }
0x3e1: {  	v16 =	vnsel vm2, $0x0, v16;
	v20 =	vadd.s32 v20, v23;
	v23 =	vadd.s32 $0xFFFFFFFF, v60  }
0x3e2: {  	vm3 =	vmmov vm3;
	vm1 =	vmand vm1, vm12;
	v23 =	vbroadcast v23, $0x0  }
0x3e3: {  	vm5 =	vmmov vm5;
	v18 =	vnsel vm1, $0x0, v57;
	vm13 =	vlt.s32 v20, $0x20  }
0x3e4: {  	[tilespmem:v17+s28+$0x0] =	vst.idx.msk vm4, v8;
	vm5 =	vmmov vm5;
	vm3 =	vmand vm3, vm13;
	v8 =	vadd.s32 v58, v23  }
0x3e5: {  	[tilespmem:v17+s29+$0x0] =	vst.idx.msk vm4, v10;
	vm14 =	vmmov vm5;
	v61 =	vnsel vm3, $0x0, v20;
	vm15 =	vlt.s32 v8, $0x20  }
0x3e6: {  	[tilespmem:v16+s28+$0x0] =	vst.idx.msk vm2, v7;
	vm4 =	vmand vm14, vm15  }
0x3e7: {  	[tilespmem:v16+s29+$0x0] =	vst.idx.msk vm2, v12;
	v7 =	vnsel vm4, $0x0, v8  }
0x3e8: {  	[tilespmem:v18+s28+$0x0] =	vst.idx.msk vm1, v9;
	v8 =	vmov s4  }
.Ltmp30:
0x3e9: {  	v62 =	vand.u32 $0x7F, v14;
	[tilespmem:v18+s29+$0x0] =	vst.idx.msk vm1, v13;
	v8 =	vshrl.u32 v8, $0x7;
	(pc) =	sbr.rel .LBB2_38-.Ltmp30, $4  }
0x3ea: {  	v9 =	vadd.s32 v62, v15;
	[tilespmem:v61+s28+$0x0] =	vst.idx.msk vm3, v11;
	v8 =	vmul.u32 $0x75, v8  }
0x3eb: {  	v63 =	vand.u32 $0x7F, v21;
	[tilespmem:v61+s29+$0x0] =	vst.idx.msk vm3, v9  }
0x3ec: {  	s26 =	spop (v2sf);
	v8 =	vadd.s32 v63, v8;
	[tilespmem:v7+s28+$0x0] =	vst.idx.msk vm4, v55  }
0x3ed: {  	s0 =	sadd.s32 s0, s26;
	[tilespmem:v7+s29+$0x0] =	vst.idx.msk vm4, v8  }
.LBB2_40:
0x3ee: {  	_ =	sfence.sel $0x180000  }
0x3ef: {  	[bflag:$0x0] =	sbarrier.arrive $0xFFFF  }
0x3f0: {  	_ =	strace $0x9000004A  }
0x3f1: {  	s0 =	stileid.u32;
	[bflag:$0x2] =	sbarrier.arrive $0xFFFF  }
0x3f2: {  	p0 =	sne.s32 s0, $0x0;
	s0 =	rddreg [dreg:$0x1]  }
0x3f3: {  	s0 =	sadd.s32 @!p0 $0x100000, s0  }
0x3f4: {  	[sflag:s0] =	ssyncadd.tile.s32 @!p0 $0x1;
	_ =	shalt  }
.Lfunc_end2:
_tile_overlayer_lowered:
.L_overlay_start_2:
0x3f5: {  	(tag) =	ssettag $0x2  }
0x3f6: {  	s0 =	rddreg [dreg:$0x0];
	s2 =	stileid.u32  }
0x3f7: {  	s1 =	rddreg [dreg:$0x1];
	p0 =	sne.s32 s2, $0x0  }
0x3f8: {  	s3 =	rddreg [dreg:$0x2];
	[bflag:$0x3] =	sbarrier.arrive $0xFFFF;
	s2 =	simm.s32 @!p0 $0x1C03  }
0x3f9: {  	[timem:s3], [sflag:s2] =	dma.local @!p0 [hbm:s0], s1  }
0x3fa: {  	s0 =	simm.s32 @!p0 $0x3  }
0x3fb: {  	_ =	swait.ge @!p0 [sflag:s0], s1  }
0x3fc: {  	s1 =	ssub.s32 @!p0 $0x0, s1;
	[sflag:s0] =	ssyncset.done @!p0 $0x0  }
0x3fd: {  	[sflag:s0] =	ssyncadd.s32 @!p0 s1  }
0x3fe: {  	[bflag:$0x3] =	sbarrier.arrive $0xFFFF  }
0x3ff: {  	_ =	shalt  }

// kernel: kernel.13.cloned.1.call-start
scs
__scs_entry_jumppad:
0x0: {  	(pc) =	sbr.rel $0x88, $3  }
0x1: {  	(tag) =	ssettag $0x0;
	lr =	simm.s32 $0x1  }
0x2: {  	[smem:$0x3F99] =	sst lr;
	_ =	strace $0xD0000000  }
0x3: {  	_ = 	snop  }
0x4: {  	_ = 	snop  }
0x5: {  	_ = 	snop  }
0x6: {  	_ = 	snop  }
0x7: {  	_ = 	snop  }
__scs_overlays_trampoline_lowered:
0x8: {  	[smem:$0x3FA8] =	sst s0  }
0x9: {  	[smem:$0x3FA9] =	sst s1  }
0xa: {  	[smem:$0x3FAA] =	sst s2  }
0xb: {  	[smem:$0x3FAB] =	sst s3  }
0xc: {  	[smem:$0x3FAC] =	sst s4  }
0xd: {  	[smem:$0x3FAD] =	sst s5  }
0xe: {  	[smem:$0x3FAE] =	sst s6  }
0xf: {  	[smem:$0x3FAF] =	sst s7  }
0x10: {  	[smem:$0x3FB0] =	sst s8  }
0x11: {  	[smem:$0x3FB1] =	sst s9;
	s0 =	simm.s32 @!p0 $0x0  }
0x12: {  	s1 =	sld [smem:$0x3F97];
	s0 =	simm.s32 @p0 $0x1  }
0x13: {  	[smem:$0x3FB2] =	sst s0;
	s0 =	simm.s32 @!p1 $0x0  }
0x14: {  	s2 =	sld [smem:$0x3F96];
	s0 =	simm.s32 @p1 $0x1  }
0x15: {  	[smem:$0x3FB3] =	sst s0;
	s0 =	simm.s32 @!p2 $0x0  }
0x16: {  	s3 =	sld [smem:$0x3FDB];
	s0 =	simm.s32 @p2 $0x1  }
0x17: {  	s4 =	simm.s32 $0x1BF5;
	[smem:$0x3FB5] =	sst s0  }
0x18: {  	s0 =	sld [smem:$0x3F98];
	_ =	swait.ge [sflag:s4], $0x0  }
0x19: {  	s7 =	sld [smem:$0x3F99]  }
0x1a: {  	s8 =	sadd.s32 $0xFFFFE003, lr  }
0x1b: {  	s9 =	sadd.s32 $0xFFFFFEF7, lr;
	s5 =	simm.s32 $0xFFFFFFFF;
	p2 =	slt.u32 s8, $0xFFFFF086  }
0x1c: {  	p1 =	slt.u32 s9, $0xF7A;
	s5 =	simm.s32 @!p2 $0x0  }
0x1d: {  	s5 =	simm.s32 @p1 $0x1;
	p0 =	seq.s32 s7, s2  }
0x1e: {  	s7 =	smul.u32 @!p0 $0xF7A, s2;
	p2 =	seq.s32 @!p0 s5, $0x0  }
0x1f: {  	s9 =	smul.u32 $0xF7A, s1;
	s8 =	simm.s32 @!p0 $0x1BF5;
	p2 =	por !p2, p0  }
0x20: {  	[sflag:s8] =	ssyncset.s32 @!p0 $0xFFFFF086;
	s6 =	sadd.s32 @!p0 s3, s7;
	s7 =	simm.s32 @!p0 $0x108  }
0x21: {  	s3 =	sadd.s32 s3, s9;
	s6 =	sadd.s32 @!p0 $0x88, s6;
	s7 =	simm.s32 @p2 $0x1082  }
0x22: {  	[simem:s7], [sflag:s8] =	dma.local @!p0 [hbm:s6], $0xF7A  }
0x23: {  	s9 =	sor.u32 $0xD0000000, s2;
	s6 =	simm.s32 $0x108;
	_ =	swait.ge @!p0 [sflag:s8], $0x0  }
0x24: {  	s3 =	sadd.s32 $0x88, s3;
	s6 =	simm.s32 @!p1 $0x1082;
	[sflag:s4] =	ssyncset.s32 $0xFFFFF086  }
0x25: {  	[simem:s6], [sflag:s4] =	dma.local [hbm:s3], $0xF7A  }
0x26: {  	[smem:$0x3F99] =	sst s1;
	(tag) =	ssettag s2;
	_ =	strace s9  }
0x27: {  	s1 =	sld [smem:$0x3FA9]  }
0x28: {  	s2 =	sld [smem:$0x3FAA]  }
0x29: {  	s4 =	sld [smem:$0x3FAC]  }
0x2a: {  	p0 =	seq.s32 s5, $0x0;
	s5 =	sld [smem:$0x3FAD]  }
0x2b: {  	s6 =	sld [smem:$0x3FAE]  }
0x2c: {  	s7 =	sld [smem:$0x3FAF]  }
0x2d: {  	s3 =	simm.s32 $0x108;
	s8 =	sld [smem:$0x3FB0]  }
0x2e: {  	s3 =	simm.s32 @!p0 $0x1082;
	s9 =	sld [smem:$0x3FB1]  }
0x2f: {  	lr =	sadd.s32 s0, s3;
	s0 =	sld [smem:$0x3FA8]  }
0x30: {  	s3 =	sld [smem:$0x3FAB]  }
0x31: {  	[smem:$0x3FB4] =	sst s10  }
0x32: {  	s10 =	sld [smem:$0x3FB2];
	_ =	sdelay $0x3  }
0x33: {  	p0 =	seq.s32 s10, $0x1;
	s10 =	sld [smem:$0x3FB4];
	_ =	sdelay $0x3  }
0x34: {  	[smem:$0x3FB4] =	sst s10  }
0x35: {  	s10 =	sld [smem:$0x3FB3];
	_ =	sdelay $0x3  }
0x36: {  	p1 =	seq.s32 s10, $0x1;
	s10 =	sld [smem:$0x3FB4];
	_ =	sdelay $0x3  }
0x37: {  	[smem:$0x3FB4] =	sst s10  }
0x38: {  	s10 =	sld [smem:$0x3FB5]  }
0x39: {  	_ = 	snop;
	(pc) =	sbr.ind lr, $3  }
0x3a: {  	_ = 	snop  }
0x3b: {  	_ = 	snop  }
0x3c: {  	p2 =	seq.s32 s10, $0x1;
	s10 =	sld [smem:$0x3FB4]  }
0x3d: {  	_ =	shalt  }
0x3e: {  	_ =	shalt  }
0x3f: {  	_ =	shalt  }
0x40: {  	_ =	shalt  }
0x41: {  	_ =	shalt  }
0x42: {  	_ =	shalt  }
0x43: {  	_ =	shalt  }
0x44: {  	_ =	shalt  }
0x45: {  	_ =	shalt  }
0x46: {  	_ =	shalt  }
0x47: {  	_ =	shalt  }
0x48: {  	_ =	shalt  }
0x49: {  	_ =	shalt  }
0x4a: {  	_ =	shalt  }
0x4b: {  	_ =	shalt  }
0x4c: {  	_ =	shalt  }
0x4d: {  	_ =	shalt  }
0x4e: {  	_ =	shalt  }
0x4f: {  	_ =	shalt  }
0x50: {  	_ =	shalt  }
0x51: {  	_ =	shalt  }
0x52: {  	_ =	shalt  }
0x53: {  	_ =	shalt  }
0x54: {  	_ =	shalt  }
0x55: {  	_ =	shalt  }
0x56: {  	_ =	shalt  }
0x57: {  	_ =	shalt  }
0x58: {  	_ =	shalt  }
0x59: {  	_ =	shalt  }
0x5a: {  	_ =	shalt  }
0x5b: {  	_ =	shalt  }
0x5c: {  	_ =	shalt  }
0x5d: {  	_ =	shalt  }
0x5e: {  	_ =	shalt  }
0x5f: {  	_ =	shalt  }
0x60: {  	_ =	shalt  }
0x61: {  	_ =	shalt  }
0x62: {  	_ =	shalt  }
0x63: {  	_ =	shalt  }
0x64: {  	_ =	shalt  }
0x65: {  	_ =	shalt  }
0x66: {  	_ =	shalt  }
0x67: {  	_ =	shalt  }
0x68: {  	_ =	shalt  }
0x69: {  	_ =	shalt  }
0x6a: {  	_ =	shalt  }
0x6b: {  	_ =	shalt  }
0x6c: {  	_ =	shalt  }
0x6d: {  	_ =	shalt  }
0x6e: {  	_ =	shalt  }
0x6f: {  	_ =	shalt  }
0x70: {  	_ =	shalt  }
0x71: {  	_ =	shalt  }
0x72: {  	_ =	shalt  }
0x73: {  	_ =	shalt  }
0x74: {  	_ =	shalt  }
0x75: {  	_ =	shalt  }
0x76: {  	_ =	shalt  }
0x77: {  	_ =	shalt  }
0x78: {  	_ =	shalt  }
0x79: {  	_ =	shalt  }
0x7a: {  	_ =	shalt  }
0x7b: {  	_ =	shalt  }
0x7c: {  	_ =	shalt  }
0x7d: {  	_ =	shalt  }
0x7e: {  	_ =	shalt  }
0x7f: {  	_ =	shalt  }
0x80: {  	_ =	shalt  }
0x81: {  	_ =	shalt  }
0x82: {  	_ =	shalt  }
0x83: {  	_ =	shalt  }
0x84: {  	_ =	shalt  }
0x85: {  	_ =	shalt  }
0x86: {  	_ =	shalt  }
0x87: {  	_ =	shalt  }
.Lfunc_end0:
.L_simem_size_0:
called_computation.2_lowered:
.L_overlay_start_0:
0x88: {  	s2 =	sld [smem:$0x3FD9]  }
0x89: {  	s3 =	sld [smem:$0x3FFE];
	_ =	sdelay $0x1  }
0x8a: {  	s1 =	srdreg.scid  }
0x8b: {  	s0 =	sand.u32 $0x1, s1  }
0x8c: {  	s14 =	sshll.u32 s0, $0xA;
	s2 =	sadd.s32 s3, s2  }
0x8d: {  	s2 =	sadd.s32 s2, s14  }
0x8e: {  	[smem:$0x3FC0] =	sst s2  }
0x8f: {  	_ = 	snop  }
0x90: {  	s2 =	sld [smem:$0x3FD0];
	_ =	sdelay $0x2  }
0x91: {  	s15 =	simm.s32 $0xA;
	s4 =	simm.s32 $0x10  }
0x92: {  	[smem:s4], [sflag:s15] =	dma.local [hbm:s2], $0x1  }
0x93: {  	_ =	swait.eq [sflag:s15], $0x1  }
0x94: {  	[sflag:s15] =	ssyncset.done $0x0  }
0x95: {  	[sflag:s15] =	ssyncadd.s32 $0xFFFFFFFF  }
0x96: {  	s16 =	sld [smem:$0x13];
	(tm) =	ssettm $0x1  }
0x97: {  	s17 =	sld [smem:$0x3FFB];
	_ =	sdelay $0x3  }
0x98: {  	_ =	strace s17  }
0x99: {  	s3 =	sld [smem:$0x3FFC];
	_ =	sdelay $0x3  }
0x9a: {  	_ =	strace s3  }
0x9b: {  	s3 =	sld [smem:$0x3FFD];
	_ =	sdelay $0x3  }
0x9c: {  	_ =	strace s3  }
0x9d: {  	_ =	strace $0x8FFFFFFF  }
0x9e: {  	s18 =	sld [smem:$0x3FDB];
	_ =	sdelay $0x1  }
0x9f: {  	s19 =	simm.s32 $_scs_section_size  }
0xa0: {  	s5 =	simm.s32 $_size__tile_overlayer_lowered;
	s6 =	simm.s32 $_tile_overlayer_lowered  }
0xa1: {  	s22 =	simm.s32 $0x1BFF;
	s21 =	sshll.u32 s6, $0x1;
	s3 =	sadd.s32 s19, s18  }
0xa2: {  	s7 =	simm.s32 $0x0;
	s20 =	sshll.u32 s5, $0x1;
	s5 =	sadd.s32 s21, s3  }
0xa3: {  	[timem:s7], [sflag:s22] =	dma.local [hbm:s5], s20  }
0xa4: {  	_ =	swait.ge [sflag:s22], s20  }
0xa5: {  	s4 =	ssub.s32 $0x0, s20;
	[sflag:s22] =	ssyncset.done $0x0  }
0xa6: {  	[sflag:s22] =	ssyncadd.s32 s4;
	_ =	sdelay $0x1  }
0xa7: {  	s23 =	simm.s32 $0x1B8B  }
0xa8: {  	_ =	swait.ge [sflag:s23], $0x1  }
0xa9: {  	[sflag:s23] =	ssyncset.done $0x0  }
0xaa: {  	s25 =	simm.s32 $0x1B8E;
	s24 =	sld [smem:$0x3FFE];
	[sflag:s23] =	ssyncadd.s32 $0xFFFFFFFF  }
0xab: {  	s26 =	simm.s32 $execute0_lowered;
	[smem:$0x3FD2] =	sst s25  }
0xac: {  	s5 =	sshll.u32 s26, $0x1;
	_ =	strace $0x8000004C;
	[dreg:$0x1] =	wrdreg $0xFFFFFFFF  }
0xad: {  	s28 =	simm.s32 $_size_execute0_lowered;
	s3 =	sadd.s32 s3, s5;
	[dreg:$0x0] =	wrdreg $0x0  }
0xae: {  	s5 =	sshll.u32 s28, $0x1;
	[dreg:$0x2] =	wrdreg s3  }
0xaf: {  	[dreg:$0x3] =	wrdreg s5  }
0xb0: {  	[dreg:$0x4] =	wrdreg $0xC0  }
0xb1: {  	_ =	task [dreg:s7], $0x5FFFF  }
0xb2: {  	[dreg:$0x1] =	wrdreg $0xFFFFFFFF  }
0xb3: {  	[dreg:$0x0] =	wrdreg $0x60  }
0xb4: {  	[dreg:$0x2] =	wrdreg s24  }
0xb5: {  	[dreg:$0x3] =	wrdreg s16  }
0xb6: {  	[dreg:$0x4] =	wrdreg $0x9  }
0xb7: {  	_ =	task.clear_ibuf [dreg:s7], $0x5FFFF;
	_ =	strace $0x9000004C  }
0xb8: {  	s29 =	simm.s32 $0x9;
	_ =	strace $0x8000004E  }
0xb9: {  	_ =	swait.ge [sflag:s29], $0x1  }
0xba: {  	[sflag:s29] =	ssyncadd.s32 $0xFFFFFFFF  }
0xbb: {  	_ =	strace $0x9000004E  }
0xbc: {  	_ =	sfence  }
0xbd: {  	s30 =	sld [smem:$0x0];
	_ =	sdelay $0x2  }
0xbe: {  	s31 =	sshll.u32 s1, $0xD;
	s1 =	sshrl.u32 s1, $0x2  }
0xbf: {  	s3 =	sand.u32 $0x4000, s31;
	s1 =	sadd.s32 s1, s30  }
0xc0: {  	s0 =	sor.u32 s3, s0;
	s1 =	sshll.u32 s1, $0x11  }
0xc1: {  	s0 =	sor.u32 s1, s0  }
0xc2: {  	s0 =	sadd.s32 $0x8F2B, s0  }
0xc3: {  	[sflag:s0] =	ssyncadd.remote.s32 $0x1  }
0xc4: {  	_ =	sfence.sel $0xFFFF  }
0xc5: {  	[dreg:$0x0] =	wrdreg $0xFFFFFFFF;
	(pc) =	sbr.abs _section_cstart, $3  }
0xc6: {  	[dreg:$0x1] =	wrdreg $0xFFFFFFFF  }
0xc7: {  	_ =	task.clear_ibuf [dreg:s7], $0x2FFFF;
	_ =	strace $0x9FFFFFFF  }
0xc8: {  	(tm) =	ssettm $0x7FFFFFFF  }
0xc9: {  	_ =	shalt  }
tec
execute0_lowered:
.L_overlay_start_1:
0x0: {  	(tag) =	ssettag $0x1  }
0x1: {  	s0 =	srdreg.scid  }
0x2: {  	s6 =	sand.u32 $0x1, s0;
	s0 =	stileid.u32  }
0x3: {  	s3 =	sshll.u32 s0, $0x1;
	s4 =	ssub.s32 $0x0, s6  }
0x4: {  	p0 =	sne.s32 s3, s4  }
.Ltmp0:
0x5: {  	_ = 	snop;
	(pc) =	sbr.rel @p0 .LBB2_4-.Ltmp0, $4  }
0x6: {  	_ = 	snop  }
0x7: {  	s8 =	rddreg [dreg:$0x0]  }
0x8: {  	s2 =	rddreg [dreg:$0x1]  }
0x9: {  	s1 =	rddreg [dreg:$0x2];
	_ =	strace $0x8000004D  }
0xa: {  	s4 =	simm.s32 $0x0;
	s3 =	simm.s32 $0x2;
	s9 =	ssub.s32 $0x2, s6  }
0xb: {  	[tilespmem:s4], [sflag:$0x2] =	stream.linear.gather [hbm4b:s2+s4], $0x80, $0x38;
	[tilespmem:$0x4080] =	vst v63  }
0xc: {  	s5 =	sadd.s32 $0x50C00, s8;
	s10 =	sshrl.u32 s9, $0x1;
	_ =	swait.ge [sflag:s3], $0x80  }
0xd: {  	s6 =	simm.s32 $0x80;
	s9 =	ssub.s32 s9, s10;
	[sflag:s3] =	ssyncset.done $0x0  }
0xe: {  	s7 =	simm.s32 $0x1;
	s9 =	smax.u32 s9, $0x1;
	[sflag:s3] =	ssyncadd.s32 $0xFFFFFF80  }
0xf: {  	[tilespmem:s6], [sflag:$0x1] =	stream.indirect.gather [hbm4b:s5+s6], $0x80, s4, s6, $0xb8;
	[tilespmem:$0x4080] =	vst v63  }
0x10: {  	p0 =	sne.s32 s9, $0x1;
	_ =	swait.ge [sflag:s7], $0x4000  }
.Ltmp1:
0x11: {  	[sflag:s7] =	ssyncset.done $0x0;
	(pc) =	sbr.rel @!p0 .LBB2_3-.Ltmp1, $4  }
0x12: {  	s8 =	sadd.s32 $0x1C00, s8;
	[sflag:s7] =	ssyncadd.s32 $0xFFFFC000  }
0x13: {  	[hbm4b:s8+s4] =	stream.linear.scatter [tilespmem:s6], [sflag:$0x2], $0x4000, $0x38;
	[tilespmem:$0x4080] =	vst v63  }
0x14: {  	_ =	swait.ge [sflag:s3], $0x4000  }
0x15: {  	s9 =	sadd.s32 $0xFFFFFFFF, s9;
	[sflag:s3] =	ssyncset.done $0x0  }
.LBB2_2:
0x16: {  	p0 =	sne.s32 s9, $0x1;
	s9 =	sadd.s32 $0xFFFFFFFF, s9;
	[sflag:s3] =	ssyncadd.s32 $0xFFFFC000  }
0x17: {  	[tilespmem:s4], [sflag:$0x2] =	stream.linear.gather [hbm4b:s2+s4], $0x80, $0x38;
	[tilespmem:$0x4080] =	vst v63  }
0x18: {  	_ =	swait.ge [sflag:s3], $0x80  }
0x19: {  	[sflag:s3] =	ssyncset.done $0x0  }
0x1a: {  	[sflag:s3] =	ssyncadd.s32 $0xFFFFFF80  }
0x1b: {  	[tilespmem:s6], [sflag:$0x1] =	stream.indirect.gather [hbm4b:s5+s6], $0x80, s4, s6, $0xb8;
	[tilespmem:$0x4080] =	vst v63  }
0x1c: {  	_ =	swait.ge [sflag:s7], $0x4000  }
.Ltmp2:
0x1d: {  	[sflag:s7] =	ssyncset.done $0x0;
	(pc) =	sbr.rel @p0 .LBB2_2-.Ltmp2, $4  }
0x1e: {  	[sflag:s7] =	ssyncadd.s32 $0xFFFFC000  }
0x1f: {  	[hbm4b:s8+s4] =	stream.linear.scatter [tilespmem:s6], [sflag:$0x2], $0x4000, $0x38;
	[tilespmem:$0x4080] =	vst v63  }
0x20: {  	_ =	swait.ge [sflag:s3], $0x4000  }
0x21: {  	[sflag:s3] =	ssyncset.done $0x0  }
.LBB2_3:
0x22: {  	[sflag:s3] =	ssyncadd.s32 $0xFFFFC000  }
.LBB2_4:
0x23: {  	_ =	sfence.sel $0x180000  }
0x24: {  	[bflag:$0x0] =	sbarrier.arrive $0xFFFF  }
0x25: {  	p0 =	sne.s32 s0, $0x0;
	_ =	strace $0x9000004D  }
0x26: {  	s0 =	sadd.s32 @!p0 $0x100000, s1;
	[bflag:$0x2] =	sbarrier.arrive $0xFFFF  }
0x27: {  	[sflag:s0] =	ssyncadd.tile.s32 @!p0 $0x1;
	_ =	shalt  }
.Lfunc_end2:
_tile_overlayer_lowered:
.L_overlay_start_2:
0x28: {  	(tag) =	ssettag $0x2  }
0x29: {  	s0 =	rddreg [dreg:$0x0];
	s2 =	stileid.u32  }
0x2a: {  	s1 =	rddreg [dreg:$0x1];
	p0 =	sne.s32 s2, $0x0  }
0x2b: {  	s3 =	rddreg [dreg:$0x2];
	[bflag:$0x3] =	sbarrier.arrive $0xFFFF;
	s2 =	simm.s32 @!p0 $0x1C02  }
0x2c: {  	[timem:s3], [sflag:s2] =	dma.local @!p0 [hbm:s0], s1  }
0x2d: {  	s0 =	simm.s32 @!p0 $0x2  }
0x2e: {  	_ =	swait.ge @!p0 [sflag:s0], s1  }
0x2f: {  	s1 =	ssub.s32 @!p0 $0x0, s1;
	[sflag:s0] =	ssyncset.done @!p0 $0x0  }
0x30: {  	[sflag:s0] =	ssyncadd.s32 @!p0 s1  }
0x31: {  	[bflag:$0x3] =	sbarrier.arrive $0xFFFF  }
0x32: {  	_ =	shalt  }

// kernel: kernel.7.cloned.1.call-start
scs
__scs_entry_jumppad:
0x0: {  	(pc) =	sbr.rel $0x88, $3  }
0x1: {  	(tag) =	ssettag $0x0;
	lr =	simm.s32 $0x1  }
0x2: {  	[smem:$0x3F99] =	sst lr;
	_ =	strace $0xD0000000  }
0x3: {  	_ = 	snop  }
0x4: {  	_ = 	snop  }
0x5: {  	_ = 	snop  }
0x6: {  	_ = 	snop  }
0x7: {  	_ = 	snop  }
__scs_overlays_trampoline_lowered:
0x8: {  	[smem:$0x3FA8] =	sst s0  }
0x9: {  	[smem:$0x3FA9] =	sst s1  }
0xa: {  	[smem:$0x3FAA] =	sst s2  }
0xb: {  	[smem:$0x3FAB] =	sst s3  }
0xc: {  	[smem:$0x3FAC] =	sst s4  }
0xd: {  	[smem:$0x3FAD] =	sst s5  }
0xe: {  	[smem:$0x3FAE] =	sst s6  }
0xf: {  	[smem:$0x3FAF] =	sst s7  }
0x10: {  	[smem:$0x3FB0] =	sst s8  }
0x11: {  	[smem:$0x3FB1] =	sst s9;
	s0 =	simm.s32 @!p0 $0x0  }
0x12: {  	s1 =	sld [smem:$0x3F97];
	s0 =	simm.s32 @p0 $0x1  }
0x13: {  	[smem:$0x3FB2] =	sst s0;
	s0 =	simm.s32 @!p1 $0x0  }
0x14: {  	s2 =	sld [smem:$0x3F96];
	s0 =	simm.s32 @p1 $0x1  }
0x15: {  	[smem:$0x3FB3] =	sst s0;
	s0 =	simm.s32 @!p2 $0x0  }
0x16: {  	s3 =	sld [smem:$0x3FDB];
	s0 =	simm.s32 @p2 $0x1  }
0x17: {  	s4 =	simm.s32 $0x1BF5;
	[smem:$0x3FB5] =	sst s0  }
0x18: {  	s0 =	sld [smem:$0x3F98];
	_ =	swait.ge [sflag:s4], $0x0  }
0x19: {  	s7 =	sld [smem:$0x3F99]  }
0x1a: {  	s8 =	sadd.s32 $0xFFFFE003, lr  }
0x1b: {  	s9 =	sadd.s32 $0xFFFFFEF7, lr;
	s5 =	simm.s32 $0xFFFFFFFF;
	p2 =	slt.u32 s8, $0xFFFFF086  }
0x1c: {  	p1 =	slt.u32 s9, $0xF7A;
	s5 =	simm.s32 @!p2 $0x0  }
0x1d: {  	s5 =	simm.s32 @p1 $0x1;
	p0 =	seq.s32 s7, s2  }
0x1e: {  	s7 =	smul.u32 @!p0 $0xF7A, s2;
	p2 =	seq.s32 @!p0 s5, $0x0  }
0x1f: {  	s9 =	smul.u32 $0xF7A, s1;
	s8 =	simm.s32 @!p0 $0x1BF5;
	p2 =	por !p2, p0  }
0x20: {  	[sflag:s8] =	ssyncset.s32 @!p0 $0xFFFFF086;
	s6 =	sadd.s32 @!p0 s3, s7;
	s7 =	simm.s32 @!p0 $0x108  }
0x21: {  	s3 =	sadd.s32 s3, s9;
	s6 =	sadd.s32 @!p0 $0x88, s6;
	s7 =	simm.s32 @p2 $0x1082  }
0x22: {  	[simem:s7], [sflag:s8] =	dma.local @!p0 [hbm:s6], $0xF7A  }
0x23: {  	s9 =	sor.u32 $0xD0000000, s2;
	s6 =	simm.s32 $0x108;
	_ =	swait.ge @!p0 [sflag:s8], $0x0  }
0x24: {  	s3 =	sadd.s32 $0x88, s3;
	s6 =	simm.s32 @!p1 $0x1082;
	[sflag:s4] =	ssyncset.s32 $0xFFFFF086  }
0x25: {  	[simem:s6], [sflag:s4] =	dma.local [hbm:s3], $0xF7A  }
0x26: {  	[smem:$0x3F99] =	sst s1;
	(tag) =	ssettag s2;
	_ =	strace s9  }
0x27: {  	s1 =	sld [smem:$0x3FA9]  }
0x28: {  	s2 =	sld [smem:$0x3FAA]  }
0x29: {  	s4 =	sld [smem:$0x3FAC]  }
0x2a: {  	p0 =	seq.s32 s5, $0x0;
	s5 =	sld [smem:$0x3FAD]  }
0x2b: {  	s6 =	sld [smem:$0x3FAE]  }
0x2c: {  	s7 =	sld [smem:$0x3FAF]  }
0x2d: {  	s3 =	simm.s32 $0x108;
	s8 =	sld [smem:$0x3FB0]  }
0x2e: {  	s3 =	simm.s32 @!p0 $0x1082;
	s9 =	sld [smem:$0x3FB1]  }
0x2f: {  	lr =	sadd.s32 s0, s3;
	s0 =	sld [smem:$0x3FA8]  }
0x30: {  	s3 =	sld [smem:$0x3FAB]  }
0x31: {  	[smem:$0x3FB4] =	sst s10  }
0x32: {  	s10 =	sld [smem:$0x3FB2];
	_ =	sdelay $0x3  }
0x33: {  	p0 =	seq.s32 s10, $0x1;
	s10 =	sld [smem:$0x3FB4];
	_ =	sdelay $0x3  }
0x34: {  	[smem:$0x3FB4] =	sst s10  }
0x35: {  	s10 =	sld [smem:$0x3FB3];
	_ =	sdelay $0x3  }
0x36: {  	p1 =	seq.s32 s10, $0x1;
	s10 =	sld [smem:$0x3FB4];
	_ =	sdelay $0x3  }
0x37: {  	[smem:$0x3FB4] =	sst s10  }
0x38: {  	s10 =	sld [smem:$0x3FB5]  }
0x39: {  	_ = 	snop;
	(pc) =	sbr.ind lr, $3  }
0x3a: {  	_ = 	snop  }
0x3b: {  	_ = 	snop  }
0x3c: {  	p2 =	seq.s32 s10, $0x1;
	s10 =	sld [smem:$0x3FB4]  }
0x3d: {  	_ =	shalt  }
0x3e: {  	_ =	shalt  }
0x3f: {  	_ =	shalt  }
0x40: {  	_ =	shalt  }
0x41: {  	_ =	shalt  }
0x42: {  	_ =	shalt  }
0x43: {  	_ =	shalt  }
0x44: {  	_ =	shalt  }
0x45: {  	_ =	shalt  }
0x46: {  	_ =	shalt  }
0x47: {  	_ =	shalt  }
0x48: {  	_ =	shalt  }
0x49: {  	_ =	shalt  }
0x4a: {  	_ =	shalt  }
0x4b: {  	_ =	shalt  }
0x4c: {  	_ =	shalt  }
0x4d: {  	_ =	shalt  }
0x4e: {  	_ =	shalt  }
0x4f: {  	_ =	shalt  }
0x50: {  	_ =	shalt  }
0x51: {  	_ =	shalt  }
0x52: {  	_ =	shalt  }
0x53: {  	_ =	shalt  }
0x54: {  	_ =	shalt  }
0x55: {  	_ =	shalt  }
0x56: {  	_ =	shalt  }
0x57: {  	_ =	shalt  }
0x58: {  	_ =	shalt  }
0x59: {  	_ =	shalt  }
0x5a: {  	_ =	shalt  }
0x5b: {  	_ =	shalt  }
0x5c: {  	_ =	shalt  }
0x5d: {  	_ =	shalt  }
0x5e: {  	_ =	shalt  }
0x5f: {  	_ =	shalt  }
0x60: {  	_ =	shalt  }
0x61: {  	_ =	shalt  }
0x62: {  	_ =	shalt  }
0x63: {  	_ =	shalt  }
0x64: {  	_ =	shalt  }
0x65: {  	_ =	shalt  }
0x66: {  	_ =	shalt  }
0x67: {  	_ =	shalt  }
0x68: {  	_ =	shalt  }
0x69: {  	_ =	shalt  }
0x6a: {  	_ =	shalt  }
0x6b: {  	_ =	shalt  }
0x6c: {  	_ =	shalt  }
0x6d: {  	_ =	shalt  }
0x6e: {  	_ =	shalt  }
0x6f: {  	_ =	shalt  }
0x70: {  	_ =	shalt  }
0x71: {  	_ =	shalt  }
0x72: {  	_ =	shalt  }
0x73: {  	_ =	shalt  }
0x74: {  	_ =	shalt  }
0x75: {  	_ =	shalt  }
0x76: {  	_ =	shalt  }
0x77: {  	_ =	shalt  }
0x78: {  	_ =	shalt  }
0x79: {  	_ =	shalt  }
0x7a: {  	_ =	shalt  }
0x7b: {  	_ =	shalt  }
0x7c: {  	_ =	shalt  }
0x7d: {  	_ =	shalt  }
0x7e: {  	_ =	shalt  }
0x7f: {  	_ =	shalt  }
0x80: {  	_ =	shalt  }
0x81: {  	_ =	shalt  }
0x82: {  	_ =	shalt  }
0x83: {  	_ =	shalt  }
0x84: {  	_ =	shalt  }
0x85: {  	_ =	shalt  }
0x86: {  	_ =	shalt  }
0x87: {  	_ =	shalt  }
.Lfunc_end0:
.L_simem_size_0:
called_computation_lowered:
.L_overlay_start_0:
0x88: {  	s2 =	sld [smem:$0x3FD9]  }
0x89: {  	s3 =	sld [smem:$0x3FFE];
	_ =	sdelay $0x1  }
0x8a: {  	s1 =	srdreg.scid  }
0x8b: {  	s0 =	sand.u32 $0x1, s1  }
0x8c: {  	s16 =	sshll.u32 s0, $0xA;
	s2 =	sadd.s32 s3, s2  }
0x8d: {  	s2 =	sadd.s32 s2, s16  }
0x8e: {  	[smem:$0x3FC0] =	sst s2  }
0x8f: {  	_ = 	snop  }
0x90: {  	(tm) =	ssettm $0x1  }
0x91: {  	s17 =	sld [smem:$0x3FFB];
	_ =	sdelay $0x3  }
0x92: {  	_ =	strace s17  }
0x93: {  	s2 =	sld [smem:$0x3FFC];
	_ =	sdelay $0x3  }
0x94: {  	_ =	strace s2  }
0x95: {  	s2 =	sld [smem:$0x3FFD];
	_ =	sdelay $0x3  }
0x96: {  	_ =	strace s2  }
0x97: {  	_ =	strace $0x8FFFFFFF  }
0x98: {  	s18 =	sld [smem:$0x3FDB];
	_ =	sdelay $0x1  }
0x99: {  	s19 =	simm.s32 $_scs_section_size  }
0x9a: {  	s4 =	simm.s32 $_size__tile_overlayer_lowered;
	s5 =	simm.s32 $_tile_overlayer_lowered  }
0x9b: {  	s22 =	simm.s32 $0x1BFF;
	s21 =	sshll.u32 s5, $0x1;
	s2 =	sadd.s32 s19, s18  }
0x9c: {  	s6 =	simm.s32 $0x0;
	s20 =	sshll.u32 s4, $0x1;
	s4 =	sadd.s32 s21, s2  }
0x9d: {  	[timem:s6], [sflag:s22] =	dma.local [hbm:s4], s20  }
0x9e: {  	_ =	swait.ge [sflag:s22], s20  }
0x9f: {  	s3 =	ssub.s32 $0x0, s20;
	[sflag:s22] =	ssyncset.done $0x0  }
0xa0: {  	[sflag:s22] =	ssyncadd.s32 s3;
	_ =	sdelay $0x1  }
0xa1: {  	s23 =	simm.s32 $0x1B8B  }
0xa2: {  	_ =	swait.ge [sflag:s23], $0x1  }
0xa3: {  	[sflag:s23] =	ssyncset.done $0x0  }
0xa4: {  	s25 =	simm.s32 $0x1B8E;
	s24 =	sld [smem:$0x3FFE];
	[sflag:s23] =	ssyncadd.s32 $0xFFFFFFFF  }
0xa5: {  	s26 =	simm.s32 $execute0_lowered;
	[smem:$0x3FD2] =	sst s25  }
0xa6: {  	s4 =	sshll.u32 s26, $0x1;
	_ =	strace $0x80000046;
	[dreg:$0x1] =	wrdreg $0xFFFFFFFF  }
0xa7: {  	s28 =	simm.s32 $_size_execute0_lowered;
	s2 =	sadd.s32 s2, s4;
	[dreg:$0x0] =	wrdreg $0x0  }
0xa8: {  	s4 =	sshll.u32 s28, $0x1;
	[dreg:$0x2] =	wrdreg s2  }
0xa9: {  	[dreg:$0x3] =	wrdreg s4  }
0xaa: {  	[dreg:$0x4] =	wrdreg $0xC0  }
0xab: {  	_ =	task [dreg:s6], $0x5FFFF  }
0xac: {  	[dreg:$0x1] =	wrdreg $0xFFFFFFFF  }
0xad: {  	[dreg:$0x0] =	wrdreg $0x60  }
0xae: {  	[dreg:$0x2] =	wrdreg s24  }
0xaf: {  	[dreg:$0x3] =	wrdreg $0x9  }
0xb0: {  	_ =	task.clear_ibuf [dreg:s6], $0x4FFFF;
	_ =	strace $0x90000046  }
0xb1: {  	s29 =	simm.s32 $0x9;
	_ =	strace $0x80000048  }
0xb2: {  	_ =	swait.ge [sflag:s29], $0x1  }
0xb3: {  	[sflag:s29] =	ssyncadd.s32 $0xFFFFFFFF  }
0xb4: {  	_ =	strace $0x90000048  }
0xb5: {  	_ =	sfence  }
0xb6: {  	s30 =	sld [smem:$0x0];
	_ =	sdelay $0x2  }
0xb7: {  	s31 =	sshll.u32 s1, $0xD;
	s1 =	sshrl.u32 s1, $0x2  }
0xb8: {  	s3 =	sand.u32 $0x4000, s31;
	s1 =	sadd.s32 s1, s30  }
0xb9: {  	s0 =	sor.u32 s3, s0;
	s1 =	sshll.u32 s1, $0x11  }
0xba: {  	s0 =	sor.u32 s1, s0  }
0xbb: {  	s0 =	sadd.s32 $0x8F2B, s0  }
0xbc: {  	[sflag:s0] =	ssyncadd.remote.s32 $0x1  }
0xbd: {  	_ =	sfence.sel $0xFFFF  }
0xbe: {  	[dreg:$0x0] =	wrdreg $0xFFFFFFFF;
	(pc) =	sbr.abs _section_cstart, $3  }
0xbf: {  	[dreg:$0x1] =	wrdreg $0xFFFFFFFF  }
0xc0: {  	_ =	task.clear_ibuf [dreg:s6], $0x2FFFF;
	_ =	strace $0x9FFFFFFF  }
0xc1: {  	(tm) =	ssettm $0x7FFFFFFF  }
tec
execute0_lowered:
.L_overlay_start_1:
0x0: {  	(tag) =	ssettag $0x1  }
0x1: {  	v0 =	vlaneseq.u32  }
0x2: {  	v1 =	vimm.s32 $0x0;
	v3 =	vimm.s32 $0xFEDCBA9;
	v5 =	vimm.s32 $0x10FEDCBA  }
0x3: {  	v9 =	vimm.s32 $0x210FEDCB;
	v10 =	vimm.s32 $0xA9876543;
	v13 =	vimm.s32 $0x3210FEDC  }
0x4: {  	v14 =	vimm.s32 $0xBA987654;
	v16 =	vimm.s32 $0x43210FED;
	v17 =	vimm.s32 $0xCBA98765  }
0x5: {  	v18 =	vimm.s32 $0x543210FE;
	v19 =	vimm.s32 $0xDCBA9876;
	v21 =	vimm.s32 $0xFEDCBA98  }
0x6: {  	v22 =	vimm.s32 $0x76543210;
	v25 =	vimm.s32 $0x6543210F;
	v26 =	vimm.s32 $0xEDCBA987  }
0x7: {  	v2 =	vor.u32 $0xFFFC2B40, v0;
	v4 =	vunpack.c.l.s4.s8 v3;
	v3 =	vimm.s32 $0x87654321  }
0x8: {  	v7 =	vunpack.c.l.s4.s8 v5;
	v5 =	vimm.s32 $0x98765432;
	v9 =	vunpack.c.l.s4.s8 v9  }
0x9: {  	v10 =	vunpack.c.l.s4.s8 v10;
	v13 =	vunpack.c.l.s4.s8 v13;
	v14 =	vunpack.c.l.s4.s8 v14  }
0xa: {  	v16 =	vunpack.c.l.s4.s8 v16;
	v17 =	vunpack.c.l.s4.s8 v17;
	v18 =	vunpack.c.l.s4.s8 v18  }
0xb: {  	v19 =	vunpack.c.l.s4.s8 v19;
	v21 =	vunpack.c.l.s4.s8 v21;
	v22 =	vunpack.c.l.s4.s8 v22  }
0xc: {  	v25 =	vunpack.c.l.s4.s8 v25;
	v26 =	vunpack.c.l.s4.s8 v26;
	v6 =	vunpack.c.l.s4.s8 v3  }
0xd: {  	s1 =	srdreg.scid;
	s0 =	stileid.u32;
	v3 =	vimm.s32 $0x1;
	v8 =	vunpack.c.l.s4.s8 v5;
	v4 =	vunpack.c.0.s8.s32 v4  }
0xe: {  	s4 =	rddreg [dreg:$0x0];
	s2 =	simm.s32 $0x0;
	s11 =	simm.s32 $0x1;
	v9 =	vunpack.c.0.s8.s32 v9;
	v10 =	vunpack.c.0.s8.s32 v10;
	v13 =	vunpack.c.0.s8.s32 v13  }
0xf: {  	s12 =	simm.s32 $0x7D00;
	s3 =	sand.u32 $0x1, s1;
	s30 =	sshll.u32 s0, $0x1;
	v14 =	vunpack.c.0.s8.s32 v14;
	v16 =	vunpack.c.0.s8.s32 v16;
	v17 =	vunpack.c.0.s8.s32 v17  }
0x10: {  	s13 =	simm.s32 $0x2;
	s14 =	simm.s32 $0xA100;
	s5 =	sor.u32 s3, s30;
	v18 =	vunpack.c.0.s8.s32 v18;
	v19 =	vunpack.c.0.s8.s32 v19;
	v5 =	vunpack.c.0.s8.s32 v6  }
0x11: {  	s15 =	simm.s32 $0x3;
	s16 =	simm.s32 $0x0;
	s6 =	smul.u32 $0x13880, s5;
	v27 =	vunpack.c.0.s8.s32 v21;
	v28 =	vunpack.c.0.s8.s32 v22;
	v6 =	vunpack.c.0.s8.s32 v7;
	[tilespmem:$0x1FFC0] =	vst v4  }
0x12: {  	s1 =	rddreg [dreg:$0x1];
	s7 =	ssub.s32 $0x2, s3;
	s5 =	smul.u32 $0x48, s5;
	v7 =	vunpack.c.0.s8.s32 v8;
	v15 =	vcombine.low v10, v9;
	v20 =	vcombine.low v14, v13;
	[tilespmem:$0x1FFD0] =	vst v5  }
0x13: {  	[smem:$0x7FF] =	sst s2;
	s31 =	sshrl.u32 s7, $0x1;
	v8 =	vmul.u32 $0x10, v0;
	s6 =	sshrl.u32 s6, $0x3;
	v23 =	vcombine.low v17, v16;
	v24 =	vcombine.low v19, v18;
	[tilespmem:$0x1FFE0] =	vst v6  }
0x14: {  	s10 =	ssub.s32 s7, s31;
	s9 =	sadd.s32 s5, s4;
	v27 =	vand.u32 $0xF, v27;
	v11 =	vcombine.low v5, v4;
	[tilespmem:$0x1FFF0] =	vst v7;
	v12 =	vcombine.low v7, v6;
	s8 =	sadd.s32 s6, s4  }
0x15: {  	v15 =	vand.u32 $0xF, v15;
	_ =	strace $0x80000047;
	v20 =	vand.u32 $0xF, v20;
	s3 =	sadd.s32 $0x1C00, s8;
	s4 =	sadd.s32 $0x23D0, s8;
	v21 =	vand.u32 $0xF, v23  }
0x16: {  	s5 =	sadd.s32 $0x2BA0, s8;
	s6 =	sadd.s32 $0x3370, s8;
	s7 =	sadd.s32 $0x3B40, s8;
	v22 =	vand.u32 $0xF, v24;
	v23 =	vunpack.c.0.s8.s32 v25;
	v24 =	vunpack.c.0.s8.s32 v26  }
0x17: {  	s8 =	sadd.s32 $0x4FE00, s9;
	s9 =	smax.u32 s10, $0x1;
	s10 =	simm.s32 $0x3E80;
	v25 =	vcombine.low v27, v28;
	v11 =	vand.u32 $0xF, v11;
	v12 =	vand.u32 $0xF, v12  }
.LBB2_1:
0x18: {  	s17 =	simm.s32 $0x7D20  }
0x19: {  	[tilespmem:s17+$0xFFFFFFE0] =	vst v1  }
0x1a: {  	[tilespmem:s17+$0x10] =	vst v1  }
0x1b: {  	s18 =	simm.s32 $0x0;
	[tilespmem:s17+$0x0] =	vst v1  }
.LBB2_2:
0x1c: {  	s18 =	sadd.s32 $0x4, s18  }
0x1d: {  	[tilespmem:s17+$0xFFFFFFF0] =	vst v1;
	s17 =	sadd.s32 $0x40, s17;
	p0 =	slt.u32 s18, $0x23C  }
.Ltmp0:
0x1e: {  	[tilespmem:s17+$0xFFFFFFE0] =	vst v1;
	(pc) =	sbr.rel @p0 .LBB2_2-.Ltmp0, $3  }
0x1f: {  	_ =	sdelay $0x1  }
0x20: {  	[tilespmem:s17+$0x10] =	vst v1  }
0x21: {  	[tilespmem:s17+$0x0] =	vst v1  }
0x22: {  	[tilespmem:s17+$0xFFFFFFF0] =	vst v1  }
0x23: {  	[tilespmem:s2], [sflag:$0x1] =	stream.linear.gather [hbm4b:s3+s2], $0x3E80, $0x38;
	[tilespmem:$0xA380] =	vst v63  }
0x24: {  	_ = 	snop  }
0x25: {  	[tilespmem:s10], [sflag:$0x2] =	stream.linear.gather [hbm4b:s4+s2], $0x3E80, $0x38;
	[tilespmem:$0xA380] =	vst v63  }
0x26: {  	_ =	swait.ge [sflag:s11], $0x3E80  }
0x27: {  	[sflag:s11] =	ssyncset.done $0x0  }
0x28: {  	s18 =	simm.s32 $0x40;
	[sflag:s11] =	ssyncadd.s32 $0xFFFFC180  }
0x29: {  	v26 =	vld [tilespmem:s18+$0xFFFFFFF0];
	_ =	sdelay $0x2  }
0x2a: {  	v29 =	vld [tilespmem:s18+$0xFFFFFFD0];
	_ =	sdelay $0x1  }
0x2b: {  	v31 =	vld [tilespmem:s18+$0x30];
	v27 =	vshrl.u32 v26, $0x10  }
0x2c: {  	v27 =	vmax.u32 v27, $0x3D4C  }
0x2d: {  	v34 =	vld [tilespmem:s18+$0x20];
	vm0 =	vgt.f32 v26, $5.000000070e-02;
	v27 =	vshll.u32 v27, $0x4  }
0x2e: {  	v30 =	vld [tilespmem:s18+$0x10];
	v26 =	vshrl.u32 v29, $0x10;
	v32 =	vadd.s32 v2, v27  }
0x2f: {  	v26 =	vmax.u32 v26, $0x3D4C;
	v27 =	vld [tilespmem:s18+$0xFFFFFFC0]  }
0x30: {  	v33 =	vshrl.u32 v31, $0x10;
	v26 =	vshll.u32 v26, $0x4  }
0x31: {  	v33 =	vmax.u32 v33, $0x3D4C;
	v28 =	vadd.s32 v2, v26;
	v26 =	vld [tilespmem:s18+$0xFFFFFFE0]  }
0x32: {  	vm2 =	vgt.f32 v29, $5.000000070e-02;
	vm1 =	vgt.f32 v31, $5.000000070e-02;
	v29 =	vshll.u32 v33, $0x4  }
0x33: {  	v63 =	vshrl.u32 v30, $0x10;
	v31 =	vadd.s32 v2, v29;
	[tilespmem:v32+s12+$0x0] =	vst.idx.add.s32.msk vm0, v3;
	vm0 =	vgt.f32 v34, $5.000000070e-02  }
0x34: {  	s17 =	simm.s32 $0x0;
	v29 =	vld [tilespmem:s18+$0x0];
	s18 =	simm.s32 $0xC0;
	v33 =	vshrl.u32 v27, $0x10;
	v32 =	vmax.u32 v63, $0x3D4C;
	v34 =	vshrl.u32 v34, $0x10  }
.LBB2_4:
0x35: {  	v35 =	vld [tilespmem:s18+$0xFFFFFFF0];
	s17 =	sadd.s32 $0x8, s17;
	v33 =	vmax.u32 v33, $0x3D4C;
	vm3 =	vgt.f32 v27, $5.000000070e-02;
	v27 =	vmax.u32 v34, $0x3D4C  }
0x36: {  	v36 =	vshrl.u32 v26, $0x10;
	vm4 =	vgt.f32 v30, $5.000000070e-02;
	v34 =	vld [tilespmem:s18+$0x30];
	p0 =	slt.u32 s17, $0x3E0;
	v27 =	vshll.u32 v27, $0x4  }
0x37: {  	v32 =	vshll.u32 v32, $0x4;
	v30 =	vshll.u32 v33, $0x4;
	v37 =	vld [tilespmem:s18+$0xFFFFFFD0];
	v33 =	vadd.s32 v2, v27  }
0x38: {  	v38 =	vadd.s32 v2, v30;
	v27 =	vmax.u32 v36, $0x3D4C;
	[tilespmem:v28+s12+$0x0] =	vst.idx.add.s32.msk vm2, v3;
	v28 =	vadd.s32 v2, v32  }
0x39: {  	v30 =	vshll.u32 v27, $0x4;
	vm2 =	vgt.f32 v26, $5.000000070e-02;
	v26 =	vshrl.u32 v29, $0x10;
	[tilespmem:v31+s12+$0x0] =	vst.idx.add.s32.msk vm1, v3  }
0x3a: {  	v32 =	vadd.s32 v2, v30;
	v27 =	vld [tilespmem:s18+$0xFFFFFFC0];
	v31 =	vshrl.u32 v35, $0x10;
	v26 =	vmax.u32 v26, $0x3D4C  }
0x3b: {  	vm5 =	vgt.f32 v29, $5.000000070e-02;
	v30 =	vmax.u32 v31, $0x3D4C;
	v36 =	vld [tilespmem:s18+$0x20];
	v31 =	vshll.u32 v26, $0x4  }
0x3c: {  	vm6 =	vgt.f32 v35, $5.000000070e-02;
	v26 =	vld [tilespmem:s18+$0xFFFFFFE0];
	v29 =	vshll.u32 v30, $0x4;
	v31 =	vadd.s32 v2, v31  }
0x3d: {  	v30 =	vshrl.u32 v37, $0x10;
	v29 =	vadd.s32 v2, v29;
	[tilespmem:v28+s12+$0x0] =	vst.idx.add.s32.msk vm4, v3  }
0x3e: {  	v28 =	vmax.u32 v30, $0x3D4C;
	v30 =	vld [tilespmem:s18+$0x10]  }
0x3f: {  	v35 =	vshrl.u32 v34, $0x10;
	v28 =	vshll.u32 v28, $0x4;
	[tilespmem:v33+s12+$0x0] =	vst.idx.add.s32.msk vm0, v3  }
.Ltmp1:
0x40: {  	v28 =	vadd.s32 v2, v28;
	[tilespmem:v38+s12+$0x0] =	vst.idx.add.s32.msk vm3, v3;
	(pc) =	sbr.rel @p0 .LBB2_4-.Ltmp1, $4  }
0x41: {  	v33 =	vmax.u32 v35, $0x3D4C;
	[tilespmem:v32+s12+$0x0] =	vst.idx.add.s32.msk vm2, v3  }
0x42: {  	vm1 =	vgt.f32 v34, $5.000000070e-02;
	vm2 =	vgt.f32 v37, $5.000000070e-02;
	v32 =	vshll.u32 v33, $0x4;
	[tilespmem:v31+s12+$0x0] =	vst.idx.add.s32.msk vm5, v3  }
0x43: {  	vm0 =	vgt.f32 v36, $5.000000070e-02;
	v31 =	vadd.s32 v2, v32;
	[tilespmem:v29+s12+$0x0] =	vst.idx.add.s32.msk vm6, v3;
	v34 =	vshrl.u32 v30, $0x10  }
0x44: {  	v33 =	vshrl.u32 v27, $0x10;
	v29 =	vld [tilespmem:s18+$0x0];
	v32 =	vmax.u32 v34, $0x3D4C;
	v34 =	vshrl.u32 v36, $0x10;
	s18 =	sadd.s32 $0x80, s18  }
0x45: {  	v33 =	vmax.u32 v33, $0x3D4C  }
0x46: {  	vm3 =	vgt.f32 v27, $5.000000070e-02;
	v27 =	vmax.u32 v34, $0x3D4C;
	v56 =	vshrl.u32 v26, $0x10  }
0x47: {  	vm4 =	vgt.f32 v30, $5.000000070e-02;
	v30 =	vshll.u32 v32, $0x4;
	vm5 =	vgt.f32 v26, $5.000000070e-02  }
0x48: {  	v27 =	vshll.u32 v27, $0x4;
	v57 =	vshll.u32 v33, $0x4;
	v30 =	vadd.s32 v2, v30  }
0x49: {  	v58 =	vmax.u32 v56, $0x3D4C;
	v27 =	vadd.s32 v2, v27;
	v59 =	vshrl.u32 v29, $0x10  }
0x4a: {  	v32 =	vadd.s32 v2, v57;
	v33 =	vshll.u32 v58, $0x4;
	v26 =	vmax.u32 v59, $0x3D4C  }
0x4b: {  	[tilespmem:v28+s12+$0x0] =	vst.idx.add.s32.msk vm2, v3;
	v28 =	vadd.s32 v2, v33;
	vm2 =	vgt.f32 v29, $5.000000070e-02;
	v26 =	vshll.u32 v26, $0x4  }
0x4c: {  	[tilespmem:v31+s12+$0x0] =	vst.idx.add.s32.msk vm1, v3;
	v26 =	vadd.s32 v2, v26  }
0x4d: {  	[tilespmem:v30+s12+$0x0] =	vst.idx.add.s32.msk vm4, v3  }
0x4e: {  	[tilespmem:v27+s12+$0x0] =	vst.idx.add.s32.msk vm0, v3  }
0x4f: {  	[tilespmem:v32+s12+$0x0] =	vst.idx.add.s32.msk vm3, v3  }
0x50: {  	[tilespmem:v28+s12+$0x0] =	vst.idx.add.s32.msk vm5, v3  }
0x51: {  	[tilespmem:v26+s12+$0x0] =	vst.idx.add.s32.msk vm2, v3  }
0x52: {  	[tilespmem:s2], [sflag:$0x1] =	stream.linear.gather [hbm4b:s5+s2], $0x3E80, $0x38;
	[tilespmem:$0xA380] =	vst v63  }
0x53: {  	_ =	swait.ge [sflag:s13], $0x3E80  }
0x54: {  	[sflag:s13] =	ssyncset.done $0x0  }
0x55: {  	s18 =	simm.s32 $0x3EC0;
	[sflag:s13] =	ssyncadd.s32 $0xFFFFC180  }
0x56: {  	v26 =	vld [tilespmem:s18+$0xFFFFFFF0];
	_ =	sdelay $0x1  }
0x57: {  	v29 =	vld [tilespmem:s18+$0xFFFFFFD0];
	_ =	sdelay $0x1  }
0x58: {  	v31 =	vld [tilespmem:s18+$0x30]  }
0x59: {  	v27 =	vshrl.u32 v26, $0x10  }
0x5a: {  	v60 =	vld [tilespmem:s18+$0x20];
	v27 =	vmax.u32 v27, $0x3D4C  }
0x5b: {  	v30 =	vld [tilespmem:s18+$0x10];
	vm0 =	vgt.f32 v26, $5.000000070e-02;
	v26 =	vshrl.u32 v29, $0x10;
	v27 =	vshll.u32 v27, $0x4  }
0x5c: {  	v26 =	vmax.u32 v26, $0x3D4C;
	v61 =	vadd.s32 v2, v27;
	v27 =	vld [tilespmem:s18+$0xFFFFFFC0]  }
0x5d: {  	v62 =	vshrl.u32 v31, $0x10;
	v26 =	vshll.u32 v26, $0x4  }
0x5e: {  	v33 =	vmax.u32 v62, $0x3D4C;
	v28 =	vadd.s32 v2, v26;
	v26 =	vld [tilespmem:s18+$0xFFFFFFE0]  }
0x5f: {  	vm2 =	vgt.f32 v29, $5.000000070e-02;
	vm1 =	vgt.f32 v31, $5.000000070e-02;
	v29 =	vshll.u32 v33, $0x4  }
0x60: {  	v63 =	vshrl.u32 v30, $0x10;
	v34 =	vshrl.u32 v60, $0x10;
	v31 =	vadd.s32 v2, v29;
	v29 =	vld [tilespmem:s18+$0x0]  }
0x61: {  	s17 =	simm.s32 $0x0;
	v32 =	vmax.u32 v63, $0x3D4C;
	s18 =	simm.s32 $0x3F40;
	[tilespmem:v61+s12+$0x0] =	vst.idx.add.s32.msk vm0, v3;
	vm0 =	vgt.f32 v60, $5.000000070e-02;
	v33 =	vshrl.u32 v27, $0x10  }
.LBB2_6:
0x62: {  	v35 =	vld [tilespmem:s18+$0xFFFFFFF0];
	s17 =	sadd.s32 $0x8, s17;
	v33 =	vmax.u32 v33, $0x3D4C;
	vm3 =	vgt.f32 v27, $5.000000070e-02;
	v27 =	vmax.u32 v34, $0x3D4C  }
0x63: {  	v36 =	vshrl.u32 v26, $0x10;
	vm4 =	vgt.f32 v30, $5.000000070e-02;
	v34 =	vld [tilespmem:s18+$0x30];
	p0 =	slt.u32 s17, $0x3E0;
	v27 =	vshll.u32 v27, $0x4  }
0x64: {  	v32 =	vshll.u32 v32, $0x4;
	v30 =	vshll.u32 v33, $0x4;
	v37 =	vld [tilespmem:s18+$0xFFFFFFD0];
	v33 =	vadd.s32 v2, v27  }
0x65: {  	v38 =	vadd.s32 v2, v30;
	v27 =	vmax.u32 v36, $0x3D4C;
	[tilespmem:v28+s12+$0x0] =	vst.idx.add.s32.msk vm2, v3;
	v28 =	vadd.s32 v2, v32  }
0x66: {  	v30 =	vshll.u32 v27, $0x4;
	vm2 =	vgt.f32 v26, $5.000000070e-02;
	v26 =	vshrl.u32 v29, $0x10;
	[tilespmem:v31+s12+$0x0] =	vst.idx.add.s32.msk vm1, v3  }
0x67: {  	v32 =	vadd.s32 v2, v30;
	v27 =	vld [tilespmem:s18+$0xFFFFFFC0];
	v31 =	vshrl.u32 v35, $0x10;
	v26 =	vmax.u32 v26, $0x3D4C  }
0x68: {  	vm5 =	vgt.f32 v29, $5.000000070e-02;
	v30 =	vmax.u32 v31, $0x3D4C;
	v36 =	vld [tilespmem:s18+$0x20];
	v31 =	vshll.u32 v26, $0x4  }
0x69: {  	vm6 =	vgt.f32 v35, $5.000000070e-02;
	v26 =	vld [tilespmem:s18+$0xFFFFFFE0];
	v29 =	vshll.u32 v30, $0x4;
	v31 =	vadd.s32 v2, v31  }
0x6a: {  	v30 =	vshrl.u32 v37, $0x10;
	v29 =	vadd.s32 v2, v29;
	[tilespmem:v28+s12+$0x0] =	vst.idx.add.s32.msk vm4, v3  }
0x6b: {  	v28 =	vmax.u32 v30, $0x3D4C;
	v30 =	vld [tilespmem:s18+$0x10]  }
0x6c: {  	v35 =	vshrl.u32 v34, $0x10;
	v28 =	vshll.u32 v28, $0x4;
	[tilespmem:v33+s12+$0x0] =	vst.idx.add.s32.msk vm0, v3  }
.Ltmp2:
0x6d: {  	v28 =	vadd.s32 v2, v28;
	[tilespmem:v38+s12+$0x0] =	vst.idx.add.s32.msk vm3, v3;
	(pc) =	sbr.rel @p0 .LBB2_6-.Ltmp2, $4  }
0x6e: {  	v33 =	vmax.u32 v35, $0x3D4C;
	[tilespmem:v32+s12+$0x0] =	vst.idx.add.s32.msk vm2, v3  }
0x6f: {  	vm1 =	vgt.f32 v34, $5.000000070e-02;
	vm2 =	vgt.f32 v37, $5.000000070e-02;
	v32 =	vshll.u32 v33, $0x4;
	[tilespmem:v31+s12+$0x0] =	vst.idx.add.s32.msk vm5, v3  }
0x70: {  	vm0 =	vgt.f32 v36, $5.000000070e-02;
	v31 =	vadd.s32 v2, v32;
	[tilespmem:v29+s12+$0x0] =	vst.idx.add.s32.msk vm6, v3;
	v34 =	vshrl.u32 v30, $0x10  }
0x71: {  	v33 =	vshrl.u32 v27, $0x10;
	v29 =	vld [tilespmem:s18+$0x0];
	v32 =	vmax.u32 v34, $0x3D4C;
	v34 =	vshrl.u32 v36, $0x10;
	s18 =	sadd.s32 $0x80, s18  }
0x72: {  	v33 =	vmax.u32 v33, $0x3D4C  }
0x73: {  	vm3 =	vgt.f32 v27, $5.000000070e-02;
	v27 =	vmax.u32 v34, $0x3D4C;
	v56 =	vshrl.u32 v26, $0x10  }
0x74: {  	vm4 =	vgt.f32 v30, $5.000000070e-02;
	v30 =	vshll.u32 v32, $0x4;
	vm5 =	vgt.f32 v26, $5.000000070e-02  }
0x75: {  	v27 =	vshll.u32 v27, $0x4;
	v57 =	vshll.u32 v33, $0x4;
	v30 =	vadd.s32 v2, v30  }
0x76: {  	v58 =	vmax.u32 v56, $0x3D4C;
	v27 =	vadd.s32 v2, v27;
	v59 =	vshrl.u32 v29, $0x10  }
0x77: {  	v32 =	vadd.s32 v2, v57;
	v33 =	vshll.u32 v58, $0x4;
	v26 =	vmax.u32 v59, $0x3D4C  }
0x78: {  	[tilespmem:v28+s12+$0x0] =	vst.idx.add.s32.msk vm2, v3;
	v28 =	vadd.s32 v2, v33;
	vm2 =	vgt.f32 v29, $5.000000070e-02;
	v26 =	vshll.u32 v26, $0x4  }
0x79: {  	[tilespmem:v31+s12+$0x0] =	vst.idx.add.s32.msk vm1, v3;
	v26 =	vadd.s32 v2, v26  }
0x7a: {  	[tilespmem:v30+s12+$0x0] =	vst.idx.add.s32.msk vm4, v3  }
0x7b: {  	[tilespmem:v27+s12+$0x0] =	vst.idx.add.s32.msk vm0, v3  }
0x7c: {  	[tilespmem:v32+s12+$0x0] =	vst.idx.add.s32.msk vm3, v3  }
0x7d: {  	[tilespmem:v28+s12+$0x0] =	vst.idx.add.s32.msk vm5, v3  }
0x7e: {  	[tilespmem:v26+s12+$0x0] =	vst.idx.add.s32.msk vm2, v3  }
0x7f: {  	[tilespmem:s10], [sflag:$0x2] =	stream.linear.gather [hbm4b:s6+s2], $0x3E80, $0x38;
	[tilespmem:$0xA380] =	vst v63  }
0x80: {  	_ =	swait.ge [sflag:s11], $0x3E80  }
0x81: {  	[sflag:s11] =	ssyncset.done $0x0  }
0x82: {  	s18 =	simm.s32 $0x40;
	[sflag:s11] =	ssyncadd.s32 $0xFFFFC180  }
0x83: {  	v26 =	vld [tilespmem:s18+$0xFFFFFFF0];
	_ =	sdelay $0x1  }
0x84: {  	v29 =	vld [tilespmem:s18+$0xFFFFFFD0];
	_ =	sdelay $0x1  }
0x85: {  	v31 =	vld [tilespmem:s18+$0x30]  }
0x86: {  	v27 =	vshrl.u32 v26, $0x10  }
0x87: {  	v60 =	vld [tilespmem:s18+$0x20];
	v27 =	vmax.u32 v27, $0x3D4C  }
0x88: {  	v30 =	vld [tilespmem:s18+$0x10];
	vm0 =	vgt.f32 v26, $5.000000070e-02;
	v26 =	vshrl.u32 v29, $0x10;
	v27 =	vshll.u32 v27, $0x4  }
0x89: {  	v26 =	vmax.u32 v26, $0x3D4C;
	v61 =	vadd.s32 v2, v27;
	v27 =	vld [tilespmem:s18+$0xFFFFFFC0]  }
0x8a: {  	v62 =	vshrl.u32 v31, $0x10;
	v26 =	vshll.u32 v26, $0x4  }
0x8b: {  	v33 =	vmax.u32 v62, $0x3D4C;
	v28 =	vadd.s32 v2, v26;
	v26 =	vld [tilespmem:s18+$0xFFFFFFE0]  }
0x8c: {  	vm2 =	vgt.f32 v29, $5.000000070e-02;
	vm1 =	vgt.f32 v31, $5.000000070e-02;
	v29 =	vshll.u32 v33, $0x4  }
0x8d: {  	v63 =	vshrl.u32 v30, $0x10;
	v34 =	vshrl.u32 v60, $0x10;
	v31 =	vadd.s32 v2, v29;
	v29 =	vld [tilespmem:s18+$0x0]  }
0x8e: {  	s17 =	simm.s32 $0x0;
	v32 =	vmax.u32 v63, $0x3D4C;
	s18 =	simm.s32 $0xC0;
	[tilespmem:v61+s12+$0x0] =	vst.idx.add.s32.msk vm0, v3;
	vm0 =	vgt.f32 v60, $5.000000070e-02;
	v33 =	vshrl.u32 v27, $0x10  }
.LBB2_8:
0x8f: {  	v35 =	vld [tilespmem:s18+$0xFFFFFFF0];
	s17 =	sadd.s32 $0x8, s17;
	v33 =	vmax.u32 v33, $0x3D4C;
	vm3 =	vgt.f32 v27, $5.000000070e-02;
	v27 =	vmax.u32 v34, $0x3D4C  }
0x90: {  	v36 =	vshrl.u32 v26, $0x10;
	vm4 =	vgt.f32 v30, $5.000000070e-02;
	v34 =	vld [tilespmem:s18+$0x30];
	p0 =	slt.u32 s17, $0x3E0;
	v27 =	vshll.u32 v27, $0x4  }
0x91: {  	v32 =	vshll.u32 v32, $0x4;
	v30 =	vshll.u32 v33, $0x4;
	v37 =	vld [tilespmem:s18+$0xFFFFFFD0];
	v33 =	vadd.s32 v2, v27  }
0x92: {  	v38 =	vadd.s32 v2, v30;
	v27 =	vmax.u32 v36, $0x3D4C;
	[tilespmem:v28+s12+$0x0] =	vst.idx.add.s32.msk vm2, v3;
	v28 =	vadd.s32 v2, v32  }
0x93: {  	v30 =	vshll.u32 v27, $0x4;
	vm2 =	vgt.f32 v26, $5.000000070e-02;
	v26 =	vshrl.u32 v29, $0x10;
	[tilespmem:v31+s12+$0x0] =	vst.idx.add.s32.msk vm1, v3  }
0x94: {  	v32 =	vadd.s32 v2, v30;
	v27 =	vld [tilespmem:s18+$0xFFFFFFC0];
	v31 =	vshrl.u32 v35, $0x10;
	v26 =	vmax.u32 v26, $0x3D4C  }
0x95: {  	vm5 =	vgt.f32 v29, $5.000000070e-02;
	v30 =	vmax.u32 v31, $0x3D4C;
	v36 =	vld [tilespmem:s18+$0x20];
	v31 =	vshll.u32 v26, $0x4  }
0x96: {  	vm6 =	vgt.f32 v35, $5.000000070e-02;
	v26 =	vld [tilespmem:s18+$0xFFFFFFE0];
	v29 =	vshll.u32 v30, $0x4;
	v31 =	vadd.s32 v2, v31  }
0x97: {  	v30 =	vshrl.u32 v37, $0x10;
	v29 =	vadd.s32 v2, v29;
	[tilespmem:v28+s12+$0x0] =	vst.idx.add.s32.msk vm4, v3  }
0x98: {  	v28 =	vmax.u32 v30, $0x3D4C;
	v30 =	vld [tilespmem:s18+$0x10]  }
0x99: {  	v35 =	vshrl.u32 v34, $0x10;
	v28 =	vshll.u32 v28, $0x4;
	[tilespmem:v33+s12+$0x0] =	vst.idx.add.s32.msk vm0, v3  }
.Ltmp3:
0x9a: {  	v28 =	vadd.s32 v2, v28;
	[tilespmem:v38+s12+$0x0] =	vst.idx.add.s32.msk vm3, v3;
	(pc) =	sbr.rel @p0 .LBB2_8-.Ltmp3, $4  }
0x9b: {  	v33 =	vmax.u32 v35, $0x3D4C;
	[tilespmem:v32+s12+$0x0] =	vst.idx.add.s32.msk vm2, v3  }
0x9c: {  	vm1 =	vgt.f32 v34, $5.000000070e-02;
	vm2 =	vgt.f32 v37, $5.000000070e-02;
	v32 =	vshll.u32 v33, $0x4;
	[tilespmem:v31+s12+$0x0] =	vst.idx.add.s32.msk vm5, v3  }
0x9d: {  	vm0 =	vgt.f32 v36, $5.000000070e-02;
	v31 =	vadd.s32 v2, v32;
	[tilespmem:v29+s12+$0x0] =	vst.idx.add.s32.msk vm6, v3;
	v34 =	vshrl.u32 v30, $0x10  }
0x9e: {  	v33 =	vshrl.u32 v27, $0x10;
	v29 =	vld [tilespmem:s18+$0x0];
	v32 =	vmax.u32 v34, $0x3D4C;
	v34 =	vshrl.u32 v36, $0x10;
	s18 =	sadd.s32 $0x80, s18  }
0x9f: {  	v33 =	vmax.u32 v33, $0x3D4C  }
0xa0: {  	vm3 =	vgt.f32 v27, $5.000000070e-02;
	v27 =	vmax.u32 v34, $0x3D4C;
	v56 =	vshrl.u32 v26, $0x10  }
0xa1: {  	vm4 =	vgt.f32 v30, $5.000000070e-02;
	v30 =	vshll.u32 v32, $0x4;
	vm5 =	vgt.f32 v26, $5.000000070e-02  }
0xa2: {  	v27 =	vshll.u32 v27, $0x4;
	v57 =	vshll.u32 v33, $0x4;
	v30 =	vadd.s32 v2, v30  }
0xa3: {  	v58 =	vmax.u32 v56, $0x3D4C;
	v27 =	vadd.s32 v2, v27;
	v59 =	vshrl.u32 v29, $0x10  }
0xa4: {  	v32 =	vadd.s32 v2, v57;
	v33 =	vshll.u32 v58, $0x4;
	v26 =	vmax.u32 v59, $0x3D4C  }
0xa5: {  	[tilespmem:v28+s12+$0x0] =	vst.idx.add.s32.msk vm2, v3;
	v28 =	vadd.s32 v2, v33;
	vm2 =	vgt.f32 v29, $5.000000070e-02;
	v26 =	vshll.u32 v26, $0x4  }
0xa6: {  	[tilespmem:v31+s12+$0x0] =	vst.idx.add.s32.msk vm1, v3;
	v26 =	vadd.s32 v2, v26  }
0xa7: {  	[tilespmem:v30+s12+$0x0] =	vst.idx.add.s32.msk vm4, v3  }
0xa8: {  	[tilespmem:v27+s12+$0x0] =	vst.idx.add.s32.msk vm0, v3  }
0xa9: {  	[tilespmem:v32+s12+$0x0] =	vst.idx.add.s32.msk vm3, v3  }
0xaa: {  	[tilespmem:v28+s12+$0x0] =	vst.idx.add.s32.msk vm5, v3  }
0xab: {  	[tilespmem:v26+s12+$0x0] =	vst.idx.add.s32.msk vm2, v3  }
0xac: {  	[tilespmem:s2], [sflag:$0x1] =	stream.linear.gather [hbm4b:s7+s2], $0x3E80, $0x38;
	[tilespmem:$0xA380] =	vst v63  }
0xad: {  	_ =	swait.ge [sflag:s13], $0x3E80  }
0xae: {  	[sflag:s13] =	ssyncset.done $0x0  }
0xaf: {  	s18 =	simm.s32 $0x3EC0;
	[sflag:s13] =	ssyncadd.s32 $0xFFFFC180  }
0xb0: {  	v26 =	vld [tilespmem:s18+$0xFFFFFFF0];
	_ =	sdelay $0x1  }
0xb1: {  	v29 =	vld [tilespmem:s18+$0xFFFFFFD0];
	_ =	sdelay $0x1  }
0xb2: {  	v31 =	vld [tilespmem:s18+$0x30]  }
0xb3: {  	v27 =	vshrl.u32 v26, $0x10  }
0xb4: {  	v60 =	vld [tilespmem:s18+$0x20];
	v27 =	vmax.u32 v27, $0x3D4C  }
0xb5: {  	v30 =	vld [tilespmem:s18+$0x10];
	vm0 =	vgt.f32 v26, $5.000000070e-02;
	v26 =	vshrl.u32 v29, $0x10;
	v27 =	vshll.u32 v27, $0x4  }
0xb6: {  	v26 =	vmax.u32 v26, $0x3D4C;
	v61 =	vadd.s32 v2, v27;
	v27 =	vld [tilespmem:s18+$0xFFFFFFC0]  }
0xb7: {  	v62 =	vshrl.u32 v31, $0x10;
	v26 =	vshll.u32 v26, $0x4  }
0xb8: {  	v33 =	vmax.u32 v62, $0x3D4C;
	v28 =	vadd.s32 v2, v26;
	v26 =	vld [tilespmem:s18+$0xFFFFFFE0]  }
0xb9: {  	vm2 =	vgt.f32 v29, $5.000000070e-02;
	vm1 =	vgt.f32 v31, $5.000000070e-02;
	v29 =	vshll.u32 v33, $0x4  }
0xba: {  	v63 =	vshrl.u32 v30, $0x10;
	v34 =	vshrl.u32 v60, $0x10;
	v31 =	vadd.s32 v2, v29;
	v29 =	vld [tilespmem:s18+$0x0]  }
0xbb: {  	s17 =	simm.s32 $0x0;
	v32 =	vmax.u32 v63, $0x3D4C;
	s18 =	simm.s32 $0x3F40;
	[tilespmem:v61+s12+$0x0] =	vst.idx.add.s32.msk vm0, v3;
	vm0 =	vgt.f32 v60, $5.000000070e-02;
	v33 =	vshrl.u32 v27, $0x10  }
.LBB2_10:
0xbc: {  	v35 =	vld [tilespmem:s18+$0xFFFFFFF0];
	s17 =	sadd.s32 $0x8, s17;
	v33 =	vmax.u32 v33, $0x3D4C;
	vm3 =	vgt.f32 v27, $5.000000070e-02;
	v27 =	vmax.u32 v34, $0x3D4C  }
0xbd: {  	v36 =	vshrl.u32 v26, $0x10;
	vm4 =	vgt.f32 v30, $5.000000070e-02;
	v34 =	vld [tilespmem:s18+$0x30];
	p0 =	slt.u32 s17, $0x3E0;
	v27 =	vshll.u32 v27, $0x4  }
0xbe: {  	v32 =	vshll.u32 v32, $0x4;
	v30 =	vshll.u32 v33, $0x4;
	v37 =	vld [tilespmem:s18+$0xFFFFFFD0];
	v33 =	vadd.s32 v2, v27  }
0xbf: {  	v38 =	vadd.s32 v2, v30;
	v27 =	vmax.u32 v36, $0x3D4C;
	[tilespmem:v28+s12+$0x0] =	vst.idx.add.s32.msk vm2, v3;
	v28 =	vadd.s32 v2, v32  }
0xc0: {  	v30 =	vshll.u32 v27, $0x4;
	vm2 =	vgt.f32 v26, $5.000000070e-02;
	v26 =	vshrl.u32 v29, $0x10;
	[tilespmem:v31+s12+$0x0] =	vst.idx.add.s32.msk vm1, v3  }
0xc1: {  	v32 =	vadd.s32 v2, v30;
	v27 =	vld [tilespmem:s18+$0xFFFFFFC0];
	v31 =	vshrl.u32 v35, $0x10;
	v26 =	vmax.u32 v26, $0x3D4C  }
0xc2: {  	vm5 =	vgt.f32 v29, $5.000000070e-02;
	v30 =	vmax.u32 v31, $0x3D4C;
	v36 =	vld [tilespmem:s18+$0x20];
	v31 =	vshll.u32 v26, $0x4  }
0xc3: {  	vm6 =	vgt.f32 v35, $5.000000070e-02;
	v26 =	vld [tilespmem:s18+$0xFFFFFFE0];
	v29 =	vshll.u32 v30, $0x4;
	v31 =	vadd.s32 v2, v31  }
0xc4: {  	v30 =	vshrl.u32 v37, $0x10;
	v29 =	vadd.s32 v2, v29;
	[tilespmem:v28+s12+$0x0] =	vst.idx.add.s32.msk vm4, v3  }
0xc5: {  	v28 =	vmax.u32 v30, $0x3D4C;
	v30 =	vld [tilespmem:s18+$0x10]  }
0xc6: {  	v35 =	vshrl.u32 v34, $0x10;
	v28 =	vshll.u32 v28, $0x4;
	[tilespmem:v33+s12+$0x0] =	vst.idx.add.s32.msk vm0, v3  }
.Ltmp4:
0xc7: {  	v28 =	vadd.s32 v2, v28;
	[tilespmem:v38+s12+$0x0] =	vst.idx.add.s32.msk vm3, v3;
	(pc) =	sbr.rel @p0 .LBB2_10-.Ltmp4, $4  }
0xc8: {  	v33 =	vmax.u32 v35, $0x3D4C;
	[tilespmem:v32+s12+$0x0] =	vst.idx.add.s32.msk vm2, v3  }
0xc9: {  	vm1 =	vgt.f32 v34, $5.000000070e-02;
	vm2 =	vgt.f32 v37, $5.000000070e-02;
	v32 =	vshll.u32 v33, $0x4;
	[tilespmem:v31+s12+$0x0] =	vst.idx.add.s32.msk vm5, v3  }
0xca: {  	vm0 =	vgt.f32 v36, $5.000000070e-02;
	v31 =	vadd.s32 v2, v32;
	[tilespmem:v29+s12+$0x0] =	vst.idx.add.s32.msk vm6, v3;
	v34 =	vshrl.u32 v30, $0x10  }
0xcb: {  	v33 =	vshrl.u32 v27, $0x10;
	v29 =	vld [tilespmem:s18+$0x0];
	v32 =	vmax.u32 v34, $0x3D4C;
	v34 =	vshrl.u32 v36, $0x10;
	s18 =	sadd.s32 $0x80, s18  }
0xcc: {  	v33 =	vmax.u32 v33, $0x3D4C  }
0xcd: {  	vm3 =	vgt.f32 v27, $5.000000070e-02;
	v27 =	vmax.u32 v34, $0x3D4C;
	v56 =	vshrl.u32 v26, $0x10  }
0xce: {  	vm4 =	vgt.f32 v30, $5.000000070e-02;
	v30 =	vshll.u32 v32, $0x4;
	vm5 =	vgt.f32 v26, $5.000000070e-02  }
0xcf: {  	v27 =	vshll.u32 v27, $0x4;
	v57 =	vshll.u32 v33, $0x4;
	v30 =	vadd.s32 v2, v30  }
0xd0: {  	v58 =	vmax.u32 v56, $0x3D4C;
	v27 =	vadd.s32 v2, v27;
	v59 =	vshrl.u32 v29, $0x10  }
0xd1: {  	v32 =	vadd.s32 v2, v57;
	v33 =	vshll.u32 v58, $0x4;
	v26 =	vmax.u32 v59, $0x3D4C  }
0xd2: {  	[tilespmem:v28+s12+$0x0] =	vst.idx.add.s32.msk vm2, v3;
	v28 =	vadd.s32 v2, v33;
	vm2 =	vgt.f32 v29, $5.000000070e-02;
	v26 =	vshll.u32 v26, $0x4  }
0xd3: {  	[tilespmem:v31+s12+$0x0] =	vst.idx.add.s32.msk vm1, v3;
	v26 =	vadd.s32 v2, v26  }
0xd4: {  	[tilespmem:v30+s12+$0x0] =	vst.idx.add.s32.msk vm4, v3  }
0xd5: {  	[tilespmem:v27+s12+$0x0] =	vst.idx.add.s32.msk vm0, v3  }
0xd6: {  	[tilespmem:v32+s12+$0x0] =	vst.idx.add.s32.msk vm3, v3  }
0xd7: {  	[tilespmem:v28+s12+$0x0] =	vst.idx.add.s32.msk vm5, v3  }
0xd8: {  	[tilespmem:v26+s12+$0x0] =	vst.idx.add.s32.msk vm2, v3  }
0xd9: {  	_ =	swait.ge [sflag:s11], $0x3E80  }
0xda: {  	[sflag:s11] =	ssyncset.done $0x0  }
0xdb: {  	s17 =	simm.s32 $0x40;
	[sflag:s11] =	ssyncadd.s32 $0xFFFFC180  }
0xdc: {  	v26 =	vld [tilespmem:s17+$0xFFFFFFF0];
	_ =	sdelay $0x1  }
0xdd: {  	v29 =	vld [tilespmem:s17+$0xFFFFFFD0];
	_ =	sdelay $0x1  }
0xde: {  	v30 =	vld [tilespmem:s17+$0x30]  }
0xdf: {  	v27 =	vshrl.u32 v26, $0x10  }
0xe0: {  	v60 =	vld [tilespmem:s17+$0x20];
	v27 =	vmax.u32 v27, $0x3D4C  }
0xe1: {  	v31 =	vld [tilespmem:s17+$0x10];
	vm0 =	vgt.f32 v26, $5.000000070e-02;
	v26 =	vshrl.u32 v29, $0x10;
	v27 =	vshll.u32 v27, $0x4  }
0xe2: {  	v28 =	vld [tilespmem:s17+$0xFFFFFFC0];
	v26 =	vmax.u32 v26, $0x3D4C;
	v61 =	vadd.s32 v2, v27  }
0xe3: {  	v62 =	vshrl.u32 v30, $0x10;
	v26 =	vshll.u32 v26, $0x4  }
0xe4: {  	v33 =	vmax.u32 v62, $0x3D4C;
	v27 =	vadd.s32 v2, v26;
	v26 =	vld [tilespmem:s17+$0xFFFFFFE0]  }
0xe5: {  	vm2 =	vgt.f32 v29, $5.000000070e-02;
	vm1 =	vgt.f32 v30, $5.000000070e-02;
	v29 =	vshll.u32 v33, $0x4  }
0xe6: {  	v63 =	vshrl.u32 v31, $0x10;
	v34 =	vshrl.u32 v60, $0x10;
	v30 =	vadd.s32 v2, v29;
	v29 =	vld [tilespmem:s17+$0x0]  }
0xe7: {  	s19 =	simm.s32 $0x0;
	s20 =	simm.s32 $0xC0;
	s18 =	simm.s32 $0x10;
	v32 =	vmax.u32 v63, $0x3D4C;
	v33 =	vshrl.u32 v28, $0x10;
	[tilespmem:v61+s12+$0x0] =	vst.idx.add.s32.msk vm0, v3;
	vm0 =	vgt.f32 v60, $5.000000070e-02  }
.LBB2_12:
0xe8: {  	v35 =	vld [tilespmem:s20+$0xFFFFFFF0];
	s19 =	sadd.s32 $0x8, s19;
	v33 =	vmax.u32 v33, $0x3D4C;
	vm3 =	vgt.f32 v28, $5.000000070e-02;
	v28 =	vmax.u32 v34, $0x3D4C;
	s17 =	simm.s32 $0xA110  }
0xe9: {  	v36 =	vshrl.u32 v26, $0x10;
	vm4 =	vgt.f32 v31, $5.000000070e-02;
	v34 =	vld [tilespmem:s20+$0x30];
	p0 =	slt.u32 s19, $0x3E0;
	v28 =	vshll.u32 v28, $0x4  }
0xea: {  	v32 =	vshll.u32 v32, $0x4;
	v31 =	vshll.u32 v33, $0x4;
	v37 =	vld [tilespmem:s20+$0xFFFFFFD0];
	v33 =	vadd.s32 v2, v28  }
0xeb: {  	v38 =	vadd.s32 v2, v31;
	v31 =	vadd.s32 v2, v32;
	[tilespmem:v27+s12+$0x0] =	vst.idx.add.s32.msk vm2, v3;
	v27 =	vmax.u32 v36, $0x3D4C  }
0xec: {  	vm2 =	vgt.f32 v26, $5.000000070e-02;
	v27 =	vshll.u32 v27, $0x4;
	v26 =	vshrl.u32 v29, $0x10;
	[tilespmem:v30+s12+$0x0] =	vst.idx.add.s32.msk vm1, v3  }
0xed: {  	v28 =	vld [tilespmem:s20+$0xFFFFFFC0];
	v30 =	vshrl.u32 v35, $0x10;
	v32 =	vadd.s32 v2, v27;
	v26 =	vmax.u32 v26, $0x3D4C  }
0xee: {  	vm5 =	vgt.f32 v29, $5.000000070e-02;
	v27 =	vmax.u32 v30, $0x3D4C;
	v36 =	vld [tilespmem:s20+$0x20];
	v30 =	vshll.u32 v26, $0x4  }
0xef: {  	vm6 =	vgt.f32 v35, $5.000000070e-02;
	v26 =	vld [tilespmem:s20+$0xFFFFFFE0];
	v27 =	vshll.u32 v27, $0x4;
	v29 =	vadd.s32 v2, v30  }
0xf0: {  	v30 =	vshrl.u32 v37, $0x10;
	v35 =	vadd.s32 v2, v27;
	[tilespmem:v31+s12+$0x0] =	vst.idx.add.s32.msk vm4, v3  }
0xf1: {  	v27 =	vmax.u32 v30, $0x3D4C;
	v31 =	vld [tilespmem:s20+$0x10]  }
0xf2: {  	v30 =	vshrl.u32 v34, $0x10;
	v27 =	vshll.u32 v27, $0x4;
	[tilespmem:v33+s12+$0x0] =	vst.idx.add.s32.msk vm0, v3  }
.Ltmp5:
0xf3: {  	v27 =	vadd.s32 v2, v27;
	[tilespmem:v38+s12+$0x0] =	vst.idx.add.s32.msk vm3, v3;
	(pc) =	sbr.rel @p0 .LBB2_12-.Ltmp5, $4  }
0xf4: {  	v30 =	vmax.u32 v30, $0x3D4C;
	[tilespmem:v32+s12+$0x0] =	vst.idx.add.s32.msk vm2, v3  }
0xf5: {  	vm1 =	vgt.f32 v34, $5.000000070e-02;
	v30 =	vshll.u32 v30, $0x4;
	vm2 =	vgt.f32 v37, $5.000000070e-02;
	[tilespmem:v29+s12+$0x0] =	vst.idx.add.s32.msk vm5, v3  }
0xf6: {  	vm0 =	vgt.f32 v36, $5.000000070e-02;
	v30 =	vadd.s32 v2, v30;
	[tilespmem:v35+s12+$0x0] =	vst.idx.add.s32.msk vm6, v3;
	v32 =	vshrl.u32 v31, $0x10  }
0xf7: {  	v33 =	vshrl.u32 v28, $0x10;
	v34 =	vshrl.u32 v36, $0x10;
	v29 =	vld [tilespmem:s20+$0x0];
	v32 =	vmax.u32 v32, $0x3D4C;
	s20 =	sadd.s32 $0x80, s20  }
0xf8: {  	v33 =	vmax.u32 v33, $0x3D4C  }
0xf9: {  	vm3 =	vgt.f32 v28, $5.000000070e-02;
	v28 =	vmax.u32 v34, $0x3D4C;
	v53 =	vshrl.u32 v26, $0x10  }
0xfa: {  	vm4 =	vgt.f32 v31, $5.000000070e-02;
	v32 =	vshll.u32 v32, $0x4;
	vm5 =	vgt.f32 v26, $5.000000070e-02  }
0xfb: {  	v28 =	vshll.u32 v28, $0x4;
	v31 =	vshll.u32 v33, $0x4;
	v32 =	vadd.s32 v2, v32  }
0xfc: {  	v54 =	vmax.u32 v53, $0x3D4C;
	v28 =	vadd.s32 v2, v28;
	v55 =	vshrl.u32 v29, $0x10  }
0xfd: {  	v31 =	vadd.s32 v2, v31;
	v33 =	vshll.u32 v54, $0x4;
	v26 =	vmax.u32 v55, $0x3D4C  }
0xfe: {  	[tilespmem:v27+s12+$0x0] =	vst.idx.add.s32.msk vm2, v3;
	v33 =	vadd.s32 v2, v33;
	vm15 =	vgt.f32 v29, $5.000000070e-02;
	v26 =	vshll.u32 v26, $0x4  }
0xff: {  	[tilespmem:v30+s12+$0x0] =	vst.idx.add.s32.msk vm1, v3;
	v26 =	vadd.s32 v2, v26  }
0x100: {  	[tilespmem:v32+s12+$0x0] =	vst.idx.add.s32.msk vm4, v3  }
0x101: {  	[tilespmem:v28+s12+$0x0] =	vst.idx.add.s32.msk vm0, v3  }
0x102: {  	s19 =	simm.s32 $0x0;
	v56 =	vmov s18;
	[tilespmem:v31+s12+$0x0] =	vst.idx.add.s32.msk vm3, v3  }
0x103: {  	v27 =	vmov s19;
	v29 =	vshll.u32 v56, $0x4;
	[tilespmem:v33+s12+$0x0] =	vst.idx.add.s32.msk vm5, v3  }
0x104: {  	v27 =	vshll.u32 v27, $0x4;
	v38 =	vor.u32 v8, v29;
	[tilespmem:v26+s12+$0x0] =	vst.idx.add.s32.msk vm15, v3  }
0x105: {  	v57 =	vor.u32 v8, v27;
	v27 =	vor.u32 v0, v38;
	v4 =	vld [tilespmem:$0x1FFC0]  }
0x106: {  	v5 =	vld [tilespmem:$0x1FFD0];
	_ =	sdelay $0x2  }
0x107: {  	v28 =	vor.u32 v0, v57  }
0x108: {  	v29 =	vor.u32 v11, v57;
	v44 =	vld.idx.msk [tilespmem:v27+s12+$0x0], $0xffff  }
0x109: {  	v30 =	vor.u32 v12, v57;
	v27 =	vcombine.low v4, v5;
	v4 =	vld [tilespmem:$0x1FFE0]  }
0x10a: {  	v31 =	vor.u32 v15, v57;
	v5 =	vld [tilespmem:$0x1FFF0]  }
0x10b: {  	v58 =	vor.u32 v20, v57  }
0x10c: {  	v35 =	vor.u32 v21, v57;
	v26 =	vcombine.low v24, v23;
	v33 =	vld.idx.msk [tilespmem:v28+s12+$0x0], $0xffff  }
0x10d: {  	v37 =	vor.u32 v22, v57;
	v36 =	vld.idx.msk [tilespmem:v29+s12+$0x0], $0xffff  }
0x10e: {  	v41 =	vcombine.low v23, v24;
	v43 =	vor.u32 v25, v57;
	v39 =	vld.idx.msk [tilespmem:v30+s12+$0x0], $0xffff;
	v26 =	vand.u32 $0xF, v26  }
0x10f: {  	v59 =	vcombine.low v18, v19;
	v42 =	vld.idx.msk [tilespmem:v31+s12+$0x0], $0xffff;
	v40 =	vor.u32 v26, v57;
	v28 =	vcombine.low v4, v5  }
0x110: {  	v51 =	vor.u32 v22, v38;
	v29 =	vcombine.low v9, v10;
	v45 =	vld.idx.msk [tilespmem:v58+s12+$0x0], $0xffff;
	v27 =	vand.u32 $0xF, v27  }
0x111: {  	v30 =	vcombine.low v13, v14;
	v35 =	vld.idx.msk [tilespmem:v35+s12+$0x0], $0xffff;
	v46 =	vor.u32 v27, v57;
	v28 =	vand.u32 $0xF, v28  }
0x112: {  	v31 =	vcombine.low v16, v17;
	v37 =	vld.idx.msk [tilespmem:v37+s12+$0x0], $0xffff;
	v29 =	vand.u32 $0xF, v29;
	v47 =	vor.u32 v28, v57  }
0x113: {  	v62 =	vld.idx.msk [tilespmem:v43+s12+$0x0], $0xffff;
	v30 =	vand.u32 $0xF, v30;
	v48 =	vor.u32 v29, v57;
	v33 =	vadd.s32 v33, v36  }
0x114: {  	v31 =	vand.u32 $0xF, v31;
	v61 =	vor.u32 v30, v57;
	v33 =	vadd.s32 v39, v33;
	v60 =	vld.idx.msk [tilespmem:v40+s12+$0x0], $0xffff  }
0x115: {  	v32 =	vand.u32 $0xF, v59;
	v43 =	vld.idx.msk [tilespmem:v51+s12+$0x0], $0xffff;
	v52 =	vor.u32 v31, v57;
	v42 =	vadd.s32 v42, v33  }
0x116: {  	v49 =	vor.u32 v32, v57;
	v33 =	vand.u32 $0xF, v41;
	v53 =	vadd.s32 v45, v42;
	v46 =	vld.idx.msk [tilespmem:v46+s12+$0x0], $0xffff  }
0x117: {  	v34 =	vor.u32 v33, v57;
	v35 =	vadd.s32 v35, v53;
	v54 =	vld.idx.msk [tilespmem:v47+s12+$0x0], $0xffff  }
0x118: {  	v55 =	vor.u32 v11, v38;
	v41 =	vld.idx.msk [tilespmem:v48+s12+$0x0], $0xffff;
	v35 =	vadd.s32 v37, v35  }
0x119: {  	v63 =	vor.u32 v12, v38;
	v56 =	vld.idx.msk [tilespmem:v61+s12+$0x0], $0xffff;
	v35 =	vadd.s32 v60, v35  }
0x11a: {  	v58 =	vld.idx.msk [tilespmem:v52+s12+$0x0], $0xffff;
	v57 =	vor.u32 v15, v38;
	v35 =	vadd.s32 v62, v35  }
0x11b: {  	v59 =	vor.u32 v20, v38;
	v60 =	vld.idx.msk [tilespmem:v49+s12+$0x0], $0xffff;
	v35 =	vadd.s32 v46, v35  }
0x11c: {  	v61 =	vor.u32 v21, v38;
	v50 =	vld.idx.msk [tilespmem:v34+s12+$0x0], $0xffff;
	v62 =	vadd.s32 v54, v35  }
0x11d: {  	v52 =	vld.idx.msk [tilespmem:v55+s12+$0x0], $0xffff;
	v53 =	vor.u32 v26, v38;
	v35 =	vadd.s32 v41, v62  }
0x11e: {  	v34 =	vor.u32 v25, v38;
	v47 =	vld.idx.msk [tilespmem:v63+s12+$0x0], $0xffff;
	v35 =	vadd.s32 v56, v35  }
0x11f: {  	v36 =	vor.u32 v30, v38;
	v45 =	vld.idx.msk [tilespmem:v57+s12+$0x0], $0xffff;
	v41 =	vor.u32 v27, v38;
	v35 =	vadd.s32 v58, v35  }
0x120: {  	v40 =	vor.u32 v29, v38;
	v39 =	vor.u32 v28, v38;
	v46 =	vld.idx.msk [tilespmem:v59+s12+$0x0], $0xffff;
	v63 =	vadd.s32 v60, v35  }
0x121: {  	v37 =	vor.u32 v31, v38;
	v42 =	vld.idx.msk [tilespmem:v61+s12+$0x0], $0xffff;
	v35 =	vor.u32 v32, v38;
	v48 =	vadd.s32 v50, v63  }
0x122: {  	s18 =	simm.s32 $0x0;
	s19 =	simm.s32 $0x30;
	v38 =	vor.u32 v33, v38;
	[tilespmem:s17+$0xFFFFFFF0] =	vst v48;
	v48 =	vadd.s32 v44, v52;
	v44 =	vld.idx.msk [tilespmem:v53+s12+$0x0], $0xffff  }
.LBB2_14:
0x123: {  	s20 =	sadd.s32 $0xFFFFFFF0, s19;
	v49 =	vmov s19;
	v47 =	vadd.s32 v47, v48;
	v48 =	vld.idx.msk [tilespmem:v34+s12+$0x0], $0xffff  }
0x124: {  	s18 =	sadd.s32 $0x2, s18;
	v34 =	vmov s20;
	v49 =	vshll.u32 v49, $0x4;
	v45 =	vadd.s32 v45, v47;
	v47 =	vld.idx.msk [tilespmem:v41+s12+$0x0], $0xffff  }
0x125: {  	p0 =	slt.u32 s18, $0x22;
	v34 =	vshll.u32 v34, $0x4;
	v49 =	vor.u32 v8, v49;
	v41 =	vadd.s32 v46, v45;
	v45 =	vld.idx.msk [tilespmem:v39+s12+$0x0], $0xffff  }
0x126: {  	v39 =	vor.u32 v8, v34;
	v46 =	vor.u32 v0, v49;
	v50 =	vor.u32 v11, v49;
	v51 =	vld.idx.msk [tilespmem:v40+s12+$0x0], $0xffff  }
0x127: {  	v52 =	vor.u32 v12, v49;
	v53 =	vor.u32 v15, v49;
	v40 =	vor.u32 v0, v39;
	v54 =	vld.idx.msk [tilespmem:v36+s12+$0x0], $0xffff  }
0x128: {  	v55 =	vor.u32 v20, v49;
	v56 =	vor.u32 v21, v49;
	v36 =	vor.u32 v11, v39;
	v57 =	vld.idx.msk [tilespmem:v37+s12+$0x0], $0xffff  }
0x129: {  	v58 =	vor.u32 v22, v49;
	v34 =	vor.u32 v25, v49;
	v37 =	vor.u32 v12, v39;
	v59 =	vld.idx.msk [tilespmem:v35+s12+$0x0], $0xffff  }
0x12a: {  	v41 =	vadd.s32 v42, v41;
	v35 =	vor.u32 v15, v39;
	v60 =	vld.idx.msk [tilespmem:v38+s12+$0x0], $0xffff  }
0x12b: {  	v41 =	vadd.s32 v43, v41;
	v38 =	vor.u32 v20, v39;
	v61 =	vld.idx.msk [tilespmem:v46+s12+$0x0], $0xffff  }
0x12c: {  	v42 =	vor.u32 v21, v39;
	v43 =	vadd.s32 v44, v41;
	v40 =	vld.idx.msk [tilespmem:v40+s12+$0x0], $0xffff  }
0x12d: {  	v41 =	vor.u32 v22, v39;
	v36 =	vld.idx.msk [tilespmem:v36+s12+$0x0], $0xffff  }
0x12e: {  	v44 =	vor.u32 v26, v39;
	v37 =	vld.idx.msk [tilespmem:v37+s12+$0x0], $0xffff  }
0x12f: {  	v46 =	vor.u32 v25, v39;
	v35 =	vld.idx.msk [tilespmem:v35+s12+$0x0], $0xffff  }
0x130: {  	v62 =	vor.u32 v27, v39;
	v38 =	vld.idx.msk [tilespmem:v38+s12+$0x0], $0xffff  }
0x131: {  	v63 =	vor.u32 v28, v39;
	v42 =	vld.idx.msk [tilespmem:v42+s12+$0x0], $0xffff  }
0x132: {  	v4 =	vld.idx.msk [tilespmem:v41+s12+$0x0], $0xffff;
	v41 =	vor.u32 v29, v39  }
0x133: {  	v36 =	vadd.s32 v40, v36;
	v40 =	vor.u32 v30, v39;
	v44 =	vld.idx.msk [tilespmem:v44+s12+$0x0], $0xffff  }
0x134: {  	v36 =	vadd.s32 v37, v36;
	v37 =	vor.u32 v31, v39;
	v46 =	vld.idx.msk [tilespmem:v46+s12+$0x0], $0xffff  }
0x135: {  	v5 =	vor.u32 v32, v39;
	v35 =	vadd.s32 v35, v36;
	v62 =	vld.idx.msk [tilespmem:v62+s12+$0x0], $0xffff  }
0x136: {  	v6 =	vor.u32 v26, v49;
	v35 =	vadd.s32 v38, v35;
	v38 =	vor.u32 v33, v39;
	v63 =	vld.idx.msk [tilespmem:v63+s12+$0x0], $0xffff  }
0x137: {  	v39 =	vor.u32 v28, v49;
	v35 =	vadd.s32 v42, v35;
	v42 =	vld.idx.msk [tilespmem:v41+s12+$0x0], $0xffff;
	v41 =	vor.u32 v27, v49  }
0x138: {  	v36 =	vor.u32 v30, v49;
	v4 =	vadd.s32 v4, v35;
	v7 =	vld.idx.msk [tilespmem:v40+s12+$0x0], $0xffff;
	v40 =	vor.u32 v29, v49  }
0x139: {  	v43 =	vadd.s32 v48, v43;
	v4 =	vadd.s32 v44, v4;
	v44 =	vld.idx.msk [tilespmem:v37+s12+$0x0], $0xffff;
	v37 =	vor.u32 v31, v49  }
0x13a: {  	v43 =	vadd.s32 v47, v43;
	v35 =	vor.u32 v32, v49;
	v4 =	vadd.s32 v46, v4;
	v5 =	vld.idx.msk [tilespmem:v5+s12+$0x0], $0xffff  }
0x13b: {  	v43 =	vadd.s32 v45, v43;
	v4 =	vadd.s32 v62, v4;
	v48 =	vld.idx.msk [tilespmem:v38+s12+$0x0], $0xffff;
	v38 =	vor.u32 v33, v49  }
0x13c: {  	v43 =	vadd.s32 v51, v43;
	v4 =	vadd.s32 v63, v4;
	v49 =	vld.idx.msk [tilespmem:v50+s12+$0x0], $0xffff  }
0x13d: {  	v4 =	vadd.s32 v42, v4;
	v42 =	vadd.s32 v54, v43;
	v47 =	vld.idx.msk [tilespmem:v52+s12+$0x0], $0xffff  }
.Ltmp6:
0x13e: {  	v4 =	vadd.s32 v7, v4;
	v7 =	vadd.s32 v57, v42;
	v45 =	vld.idx.msk [tilespmem:v53+s12+$0x0], $0xffff;
	(pc) =	sbr.rel @p0 .LBB2_14-.Ltmp6, $4  }
0x13f: {  	v4 =	vadd.s32 v44, v4;
	v7 =	vadd.s32 v59, v7;
	v46 =	vld.idx.msk [tilespmem:v55+s12+$0x0], $0xffff  }
0x140: {  	v4 =	vadd.s32 v5, v4;
	v5 =	vadd.s32 v60, v7;
	v42 =	vld.idx.msk [tilespmem:v56+s12+$0x0], $0xffff  }
0x141: {  	v4 =	vadd.s32 v48, v4;
	v43 =	vld.idx.msk [tilespmem:v58+s12+$0x0], $0xffff;
	[tilespmem:s17+$0x0] =	vst v5;
	s17 =	sadd.s32 $0x20, s17  }
0x142: {  	s19 =	sadd.s32 $0x20, s19;
	v48 =	vadd.s32 v61, v49;
	[tilespmem:s17+$0xFFFFFFF0] =	vst v4;
	v44 =	vld.idx.msk [tilespmem:v6+s12+$0x0], $0xffff  }
0x143: {  	_ =	sdelay $0x2  }
0x144: {  	v4 =	vadd.s32 v47, v48  }
0x145: {  	v5 =	vld.idx.msk [tilespmem:v34+s12+$0x0], $0xffff;
	v4 =	vadd.s32 v45, v4  }
0x146: {  	v6 =	vld.idx.msk [tilespmem:v41+s12+$0x0], $0xffff;
	v4 =	vadd.s32 v46, v4  }
0x147: {  	v7 =	vld.idx.msk [tilespmem:v39+s12+$0x0], $0xffff;
	v4 =	vadd.s32 v42, v4  }
0x148: {  	v26 =	vld.idx.msk [tilespmem:v40+s12+$0x0], $0xffff;
	v4 =	vadd.s32 v43, v4  }
0x149: {  	v27 =	vld.idx.msk [tilespmem:v36+s12+$0x0], $0xffff;
	v4 =	vadd.s32 v44, v4  }
0x14a: {  	v28 =	vld.idx.msk [tilespmem:v37+s12+$0x0], $0xffff;
	v4 =	vadd.s32 v5, v4  }
0x14b: {  	v5 =	vld.idx.msk [tilespmem:v35+s12+$0x0], $0xffff;
	v4 =	vadd.s32 v6, v4  }
0x14c: {  	v6 =	vld.idx.msk [tilespmem:v38+s12+$0x0], $0xffff;
	v4 =	vadd.s32 v7, v4  }
0x14d: {  	v4 =	vadd.s32 v26, v4  }
0x14e: {  	v4 =	vadd.s32 v27, v4  }
0x14f: {  	v4 =	vadd.s32 v28, v4  }
0x150: {  	s16 =	sadd.s32 $0x1, s16;
	v4 =	vadd.s32 v5, v4  }
0x151: {  	p0 =	sne.s32 s16, s9;
	v4 =	vadd.s32 v6, v4  }
.Ltmp7:
0x152: {  	[tilespmem:s17+$0x0] =	vst v4;
	(pc) =	sbr.rel @p0 .LBB2_1-.Ltmp7, $4  }
0x153: {  	[hbm4b:s8+s2] =	stream.linear.scatter [tilespmem:s14], [sflag:$0x3], $0x240, $0x38;
	[tilespmem:$0xA380] =	vst v63  }
0x154: {  	_ =	swait.ge [sflag:s15], $0x240  }
0x155: {  	[sflag:s15] =	ssyncset.done $0x0  }
0x156: {  	[sflag:s15] =	ssyncadd.s32 $0xFFFFFDC0  }
0x157: {  	_ =	sfence.sel $0x180000  }
0x158: {  	[bflag:$0x0] =	sbarrier.arrive $0xFFFF  }
0x159: {  	p0 =	sne.s32 s0, $0x0;
	_ =	strace $0x90000047  }
0x15a: {  	s0 =	sadd.s32 @!p0 $0x100000, s1;
	[bflag:$0x2] =	sbarrier.arrive $0xFFFF  }
0x15b: {  	[sflag:s0] =	ssyncadd.tile.s32 @!p0 $0x1;
	_ =	shalt  }
.Lfunc_end2:
_tile_overlayer_lowered:
.L_overlay_start_2:
0x15c: {  	(tag) =	ssettag $0x2  }
0x15d: {  	s0 =	rddreg [dreg:$0x0];
	s2 =	stileid.u32  }
0x15e: {  	s1 =	rddreg [dreg:$0x1];
	p0 =	sne.s32 s2, $0x0  }
0x15f: {  	s3 =	rddreg [dreg:$0x2];
	[bflag:$0x3] =	sbarrier.arrive $0xFFFF;
	s2 =	simm.s32 @!p0 $0x1C03  }
0x160: {  	[timem:s3], [sflag:s2] =	dma.local @!p0 [hbm:s0], s1  }
0x161: {  	s0 =	simm.s32 @!p0 $0x3  }
0x162: {  	_ =	swait.ge @!p0 [sflag:s0], s1  }
0x163: {  	s1 =	ssub.s32 @!p0 $0x0, s1;
	[sflag:s0] =	ssyncset.done @!p0 $0x0  }
0x164: {  	[sflag:s0] =	ssyncadd.s32 @!p0 s1  }
0x165: {  	[bflag:$0x3] =	sbarrier.arrive $0xFFFF  }
0x166: {  	_ =	shalt  }

</sc_bundles>
